<compile_context>
chip_gen: v7x
topology: tpu7x:2x2x1
jax: 0.10.2.dev20260603
libtpu: 0.0.44.dev20260713+nightly
codegen_flags: <defaults>
</compile_context>

<pallas_src>
import functools

import jax
import jax.numpy as jnp
from jax import lax
from jax.experimental import pallas as pl
from jax.experimental.pallas import tpu as pltpu
from jax.experimental.pallas import tpu_sc as plsc


def _embed_kernel(F, V, D, B):
    NC, NS = 2, 16
    NW = NC * NS
    B_PER_W = B // NW
    B_CHUNK = 64
    N_CHUNK = B_PER_W // B_CHUNK
    assert B % (NW * B_CHUNK) == 0 and N_CHUNK % 2 == 0

    mesh = plsc.VectorSubcoreMesh(core_axis_name="c", subcore_axis_name="s")

    @functools.partial(
        pl.kernel,
        out_type=jax.ShapeDtypeStruct((B, F * D), jnp.float32),
        mesh=mesh,
        scratch_types=[
            pltpu.VMEM((F, B_PER_W), jnp.int32),
            pltpu.VMEM((F, B_CHUNK, D), jnp.float32),
            pltpu.VMEM((F, B_CHUNK, D), jnp.float32),
            pltpu.SemaphoreType.DMA,
            pltpu.SemaphoreType.DMA,
            pltpu.SemaphoreType.DMA,
            pltpu.SemaphoreType.DMA,
        ],
        compiler_params=pltpu.CompilerParams(use_tc_tiling_on_sc=False),
    )
    def k(idx_hbm, tab_hbm, out_hbm, idx_v, rows0, rows1, sg0, sg1, sw0, sw1):
        wid = lax.axis_index("s") * NC + lax.axis_index("c")
        b0 = wid * B_PER_W
        rows = (rows0, rows1)
        sg = (sg0, sg1)
        sw = (sw0, sw1)

        pltpu.sync_copy(idx_hbm.at[:, pl.ds(b0, B_PER_W)], idx_v)

        def fire_g(c, r):
            for f in range(F):
                pltpu.async_copy(
                    tab_hbm.at[f].at[idx_v.at[f, pl.ds(c * B_CHUNK, B_CHUNK)]],
                    rows[r].at[f],
                    sg[r])

        def wait_g(r):
            pltpu.make_async_copy(
                tab_hbm.at[:, pl.ds(0, B_CHUNK), :], rows[r], sg[r]).wait()

        def fire_w(c, r):
            for f in range(F):
                pltpu.async_copy(
                    rows[r].at[f],
                    out_hbm.at[pl.ds(b0 + c * B_CHUNK, B_CHUNK),
                               pl.ds(f * D, D)],
                    sw[r])

        def wait_w(r):
            pltpu.make_async_copy(
                tab_hbm.at[:, pl.ds(0, B_CHUNK), :], rows[r], sw[r]).wait()

        fire_g(0, 0)

        def body(i, carry):
            c = 2 * i
            wait_g(0)
            fire_w(c, 0)

            @pl.when(i >= 1)
            def _():
                wait_w(1)
            fire_g(c + 1, 1)

            wait_g(1)
            fire_w(c + 1, 1)

            @pl.when(i < N_CHUNK // 2 - 1)
            def _():
                wait_w(0)
                fire_g(c + 2, 0)
            return carry

        lax.fori_loop(0, N_CHUNK // 2, body, 0)
        wait_w(0)
        wait_w(1)

    return k


def kernel(indices, tables):
    F, B = indices.shape
    _, V, D = tables.shape
    return _embed_kernel(F, V, D, B)(indices.astype(jnp.int32), tables)

# --- scband reference (transcript-rebuilt; emitter-appended) ---
"""Pipeline reference for scband-multi-modal-embedder-78400333021742 (READ-ONLY COPY).

The authoritative reference and input builder live on the scoring server;
editing this copy changes nothing except your own understanding.
"""

import jax, jax.numpy as jnp
import numpy as np

NUM_FIELDS = 26
VOCAB = 100000
EMBED_DIM = 32
BATCH = 16384

def setup_inputs(seed: int = 0) -> dict:
    key = jax.random.key(seed)
    k_idx, k_tab = jax.random.split(key)
    # forward input: one index tensor per field, stacked -> [F, B]
    indices = jax.random.randint(k_idx, (NUM_FIELDS, BATCH), 0, VOCAB, dtype=jnp.int64 if jax.config.jax_enable_x64 else jnp.int32)
    # learned params: one embedding table per field (equal dims -> stack) [F, V, D]
    tables = jax.random.normal(k_tab, (NUM_FIELDS, VOCAB, EMBED_DIM), dtype=jnp.float32) * 0.02
    return {"indices": indices, "tables": tables}

def reference(indices, tables):
    # MultiModalEmbedder.forward: res = [embedder(values) for embedder, values in zip(embedders, x)]
    # then torch.cat(res, dim=1). Each embedder is a row-gather into its own table.
    embs = jax.vmap(lambda t, i: jnp.take(t, i, axis=0))(tables, indices)  # [F, B, D]
    # cat along dim=1: [B, F*D], preserving field order
    out = jnp.transpose(embs, (1, 0, 2)).reshape(indices.shape[1], -1)
    return out

if __name__ == "__main__":
    import jax
    _d = setup_inputs()
    print(jax.jit(kernel)(*tuple(_d.values())))

</pallas_src>

<mosaic_0001>
#map = affine_map<(d0, d1) -> (0, 0)>
#map1 = affine_map<(d0, d1) -> (0, 0, 0)>
module attributes {stable_mosaic.version = 14 : i64} {
  func.func @k(%arg0: i32, %arg1: i32, %arg2: memref<26x16384xi32, #tpu.memory_space<hbm>>, %arg3: memref<26x100000x32xf32, #tpu.memory_space<hbm>>, %arg4: memref<16384x832xf32, #tpu.memory_space<hbm>>, %arg5: memref<26x512xi32, #tpu.memory_space<vmem>>, %arg6: memref<26x64x32xf32, #tpu.memory_space<vmem>>, %arg7: memref<26x64x32xf32, #tpu.memory_space<vmem>>, %arg8: memref<!tpu.dma_semaphore, #tpu.memory_space<semaphore_mem>>, %arg9: memref<!tpu.dma_semaphore, #tpu.memory_space<semaphore_mem>>, %arg10: memref<!tpu.dma_semaphore, #tpu.memory_space<semaphore_mem>>, %arg11: memref<!tpu.dma_semaphore, #tpu.memory_space<semaphore_mem>>) attributes {dimension_semantics = [#tpu.dimension_semantics<core_parallel>, #tpu.dimension_semantics<subcore_parallel>], iteration_bounds = array<i64: 2, 16>, scalar_prefetch = 0 : i64, scratch_operands = 7 : i64, tpu.core_type = #tpu.core_type<sc_vector_subcore>, window_params = [{transform_indices = #map}, {transform_indices = #map1}, {transform_indices = #map}]} {
    %mul3A = arith.constant 2 : i32
    %mul3A_0 = arith.muli %arg1, %mul3A : i32
    %add3A = arith.addi %mul3A_0, %arg0 : i32
    %mul3A_1 = arith.constant 512 : i32
    %mul3A_2 = arith.muli %add3A, %mul3A_1 : i32
    "tpu.region"() ({
      %run_scoped3A = tpu.sem_alloc : memref<!tpu.dma_semaphore, #tpu.memory_space<semaphore_mem>>
      %dma_start3A_464 = arith.constant 0 : i32
      %dma_start3A_465 = tpu.memref_slice %arg2[%dma_start3A_464, %mul3A_2] : memref<26x16384xi32, #tpu.memory_space<hbm>> -> memref<26x512xi32, #tpu.memory_space<hbm>>
      %dma_start3A_466 = arith.constant 0 : i32
      %dma_start3A_467 = tpu.memref_slice %arg2[%dma_start3A_466, %mul3A_2] : memref<26x16384xi32, #tpu.memory_space<hbm>> -> memref<26x512xi32, #tpu.memory_space<hbm>>
      tpu.enqueue_dma source(%dma_start3A_467 : memref<26x512xi32, #tpu.memory_space<hbm>>) target(%arg5 : memref<26x512xi32, #tpu.memory_space<vmem>>) target_semaphore(%run_scoped3A : memref<!tpu.dma_semaphore, #tpu.memory_space<semaphore_mem>>)
      %dma_wait3A_468 = arith.constant 0 : i32
      %dma_wait3A_469 = tpu.memref_slice %arg2[%dma_wait3A_468, %mul3A_2] : memref<26x16384xi32, #tpu.memory_space<hbm>> -> memref<26x512xi32, #tpu.memory_space<hbm>>
      %dma_wait3A_470 = arith.constant 0 : i32
      %dma_wait3A_471 = tpu.memref_slice %arg2[%dma_wait3A_470, %mul3A_2] : memref<26x16384xi32, #tpu.memory_space<hbm>> -> memref<26x512xi32, #tpu.memory_space<hbm>>
      tpu.wait_dma2 semaphore(%run_scoped3A : memref<!tpu.dma_semaphore, #tpu.memory_space<semaphore_mem>>) src(%dma_wait3A_471 : memref<26x512xi32, #tpu.memory_space<hbm>>) dst(%arg5 : memref<26x512xi32, #tpu.memory_space<vmem>>)
      tpu.yield
    }) : () -> ()
    %dma_start3A = arith.constant 0 : i32
    %dma_start3A_3 = arith.constant 0 : i32
    %dma_start3A_4 = arith.constant 0 : i32
    %dma_start3A_5 = arith.constant 0 : i32
    %dma_start3A_6 = arith.constant 0 : i32
    %dma_start3A_7 = tpu.memref_slice %arg6[%dma_start3A_4, %dma_start3A_5, %dma_start3A_6] : memref<26x64x32xf32, #tpu.memory_space<vmem>> -> memref<1x64x32xf32, #tpu.memory_space<vmem>>
    %dma_start3A_8 = tpu.memref_squeeze %dma_start3A_7 : memref<1x64x32xf32, #tpu.memory_space<vmem>> -> memref<64x32xf32, #tpu.memory_space<vmem>>
    %dma_start3A_9 = arith.constant 0 : i32
    %dma_start3A_10 = tpu.memref_slice %arg5[%dma_start3A_3, %dma_start3A_9] : memref<26x512xi32, #tpu.memory_space<vmem>> -> memref<1x64xi32, #tpu.memory_space<vmem>>
    %dma_start3A_11 = tpu.memref_squeeze %dma_start3A_10 : memref<1x64xi32, #tpu.memory_space<vmem>> -> memref<64xi32, #tpu.memory_space<vmem>>
    %dma_start3A_12 = arith.constant 0 : i32
    %dma_start3A_13 = arith.constant 0 : i32
    %dma_start3A_14 = tpu.memref_slice %arg3[%dma_start3A, %dma_start3A_12, %dma_start3A_13] : memref<26x100000x32xf32, #tpu.memory_space<hbm>> -> memref<1x100000x32xf32, #tpu.memory_space<hbm>>
    %dma_start3A_15 = tpu.memref_squeeze %dma_start3A_14 : memref<1x100000x32xf32, #tpu.memory_space<hbm>> -> memref<100000x32xf32, #tpu.memory_space<hbm>>
    %dma_start3A_16 = arith.constant 0 : i32
    %dma_start3A_17 = arith.constant 0 : i32
    %dma_start3A_18 = tpu.memref_slice %dma_start3A_15[%dma_start3A_16, %dma_start3A_17] : memref<100000x32xf32, #tpu.memory_space<hbm>> -> memref<100000x32xf32, #tpu.memory_space<hbm>>
    tpu.enqueue_indirect_dma source(%dma_start3A_18 : memref<100000x32xf32, #tpu.memory_space<hbm>>) target(%dma_start3A_8 : memref<64x32xf32, #tpu.memory_space<vmem>>) offsets(%dma_start3A_11 : memref<64xi32, #tpu.memory_space<vmem>>) semaphore(%arg8 : memref<!tpu.dma_semaphore, #tpu.memory_space<semaphore_mem>>)
    %dma_start3A_19 = arith.constant 1 : i32
    %dma_start3A_20 = arith.constant 1 : i32
    %dma_start3A_21 = arith.constant 1 : i32
    %dma_start3A_22 = arith.constant 0 : i32
    %dma_start3A_23 = arith.constant 0 : i32
    %dma_start3A_24 = tpu.memref_slice %arg6[%dma_start3A_21, %dma_start3A_22, %dma_start3A_23] : memref<26x64x32xf32, #tpu.memory_space<vmem>> -> memref<1x64x32xf32, #tpu.memory_space<vmem>>
    %dma_start3A_25 = tpu.memref_squeeze %dma_start3A_24 : memref<1x64x32xf32, #tpu.memory_space<vmem>> -> memref<64x32xf32, #tpu.memory_space<vmem>>
    %dma_start3A_26 = arith.constant 0 : i32
    %dma_start3A_27 = tpu.memref_slice %arg5[%dma_start3A_20, %dma_start3A_26] : memref<26x512xi32, #tpu.memory_space<vmem>> -> memref<1x64xi32, #tpu.memory_space<vmem>>
    %dma_start3A_28 = tpu.memref_squeeze %dma_start3A_27 : memref<1x64xi32, #tpu.memory_space<vmem>> -> memref<64xi32, #tpu.memory_space<vmem>>
    %dma_start3A_29 = arith.constant 0 : i32
    %dma_start3A_30 = arith.constant 0 : i32
    %dma_start3A_31 = tpu.memref_slice %arg3[%dma_start3A_19, %dma_start3A_29, %dma_start3A_30] : memref<26x100000x32xf32, #tpu.memory_space<hbm>> -> memref<1x100000x32xf32, #tpu.memory_space<hbm>>
    %dma_start3A_32 = tpu.memref_squeeze %dma_start3A_31 : memref<1x100000x32xf32, #tpu.memory_space<hbm>> -> memref<100000x32xf32, #tpu.memory_space<hbm>>
    %dma_start3A_33 = arith.constant 0 : i32
    %dma_start3A_34 = arith.constant 0 : i32
    %dma_start3A_35 = tpu.memref_slice %dma_start3A_32[%dma_start3A_33, %dma_start3A_34] : memref<100000x32xf32, #tpu.memory_space<hbm>> -> memref<100000x32xf32, #tpu.memory_space<hbm>>
    tpu.enqueue_indirect_dma source(%dma_start3A_35 : memref<100000x32xf32, #tpu.memory_space<hbm>>) target(%dma_start3A_25 : memref<64x32xf32, #tpu.memory_space<vmem>>) offsets(%dma_start3A_28 : memref<64xi32, #tpu.memory_space<vmem>>) semaphore(%arg8 : memref<!tpu.dma_semaphore, #tpu.memory_space<semaphore_mem>>)
    %dma_start3A_36 = arith.constant 2 : i32
    %dma_start3A_37 = arith.constant 2 : i32
    %dma_start3A_38 = arith.constant 2 : i32
    %dma_start3A_39 = arith.constant 0 : i32
    %dma_start3A_40 = arith.constant 0 : i32
    %dma_start3A_41 = tpu.memref_slice %arg6[%dma_start3A_38, %dma_start3A_39, %dma_start3A_40] : memref<26x64x32xf32, #tpu.memory_space<vmem>> -> memref<1x64x32xf32, #tpu.memory_space<vmem>>
    %dma_start3A_42 = tpu.memref_squeeze %dma_start3A_41 : memref<1x64x32xf32, #tpu.memory_space<vmem>> -> memref<64x32xf32, #tpu.memory_space<vmem>>
    %dma_start3A_43 = arith.constant 0 : i32
    %dma_start3A_44 = tpu.memref_slice %arg5[%dma_start3A_37, %dma_start3A_43] : memref<26x512xi32, #tpu.memory_space<vmem>> -> memref<1x64xi32, #tpu.memory_space<vmem>>
    %dma_start3A_45 = tpu.memref_squeeze %dma_start3A_44 : memref<1x64xi32, #tpu.memory_space<vmem>> -> memref<64xi32, #tpu.memory_space<vmem>>
    %dma_start3A_46 = arith.constant 0 : i32
    %dma_start3A_47 = arith.constant 0 : i32
    %dma_start3A_48 = tpu.memref_slice %arg3[%dma_start3A_36, %dma_start3A_46, %dma_start3A_47] : memref<26x100000x32xf32, #tpu.memory_space<hbm>> -> memref<1x100000x32xf32, #tpu.memory_space<hbm>>
    %dma_start3A_49 = tpu.memref_squeeze %dma_start3A_48 : memref<1x100000x32xf32, #tpu.memory_space<hbm>> -> memref<100000x32xf32, #tpu.memory_space<hbm>>
    %dma_start3A_50 = arith.constant 0 : i32
    %dma_start3A_51 = arith.constant 0 : i32
    %dma_start3A_52 = tpu.memref_slice %dma_start3A_49[%dma_start3A_50, %dma_start3A_51] : memref<100000x32xf32, #tpu.memory_space<hbm>> -> memref<100000x32xf32, #tpu.memory_space<hbm>>
    tpu.enqueue_indirect_dma source(%dma_start3A_52 : memref<100000x32xf32, #tpu.memory_space<hbm>>) target(%dma_start3A_42 : memref<64x32xf32, #tpu.memory_space<vmem>>) offsets(%dma_start3A_45 : memref<64xi32, #tpu.memory_space<vmem>>) semaphore(%arg8 : memref<!tpu.dma_semaphore, #tpu.memory_space<semaphore_mem>>)
    %dma_start3A_53 = arith.constant 3 : i32
    %dma_start3A_54 = arith.constant 3 : i32
    %dma_start3A_55 = arith.constant 3 : i32
    %dma_start3A_56 = arith.constant 0 : i32
    %dma_start3A_57 = arith.constant 0 : i32
    %dma_start3A_58 = tpu.memref_slice %arg6[%dma_start3A_55, %dma_start3A_56, %dma_start3A_57] : memref<26x64x32xf32, #tpu.memory_space<vmem>> -> memref<1x64x32xf32, #tpu.memory_space<vmem>>
    %dma_start3A_59 = tpu.memref_squeeze %dma_start3A_58 : memref<1x64x32xf32, #tpu.memory_space<vmem>> -> memref<64x32xf32, #tpu.memory_space<vmem>>
    %dma_start3A_60 = arith.constant 0 : i32
    %dma_start3A_61 = tpu.memref_slice %arg5[%dma_start3A_54, %dma_start3A_60] : memref<26x512xi32, #tpu.memory_space<vmem>> -> memref<1x64xi32, #tpu.memory_space<vmem>>
    %dma_start3A_62 = tpu.memref_squeeze %dma_start3A_61 : memref<1x64xi32, #tpu.memory_space<vmem>> -> memref<64xi32, #tpu.memory_space<vmem>>
    %dma_start3A_63 = arith.constant 0 : i32
    %dma_start3A_64 = arith.constant 0 : i32
    %dma_start3A_65 = tpu.memref_slice %arg3[%dma_start3A_53, %dma_start3A_63, %dma_start3A_64] : memref<26x100000x32xf32, #tpu.memory_space<hbm>> -> memref<1x100000x32xf32, #tpu.memory_space<hbm>>
    %dma_start3A_66 = tpu.memref_squeeze %dma_start3A_65 : memref<1x100000x32xf32, #tpu.memory_space<hbm>> -> memref<100000x32xf32, #tpu.memory_space<hbm>>
    %dma_start3A_67 = arith.constant 0 : i32
    %dma_start3A_68 = arith.constant 0 : i32
    %dma_start3A_69 = tpu.memref_slice %dma_start3A_66[%dma_start3A_67, %dma_start3A_68] : memref<100000x32xf32, #tpu.memory_space<hbm>> -> memref<100000x32xf32, #tpu.memory_space<hbm>>
    tpu.enqueue_indirect_dma source(%dma_start3A_69 : memref<100000x32xf32, #tpu.memory_space<hbm>>) target(%dma_start3A_59 : memref<64x32xf32, #tpu.memory_space<vmem>>) offsets(%dma_start3A_62 : memref<64xi32, #tpu.memory_space<vmem>>) semaphore(%arg8 : memref<!tpu.dma_semaphore, #tpu.memory_space<semaphore_mem>>)
    %dma_start3A_70 = arith.constant 4 : i32
    %dma_start3A_71 = arith.constant 4 : i32
    %dma_start3A_72 = arith.constant 4 : i32
    %dma_start3A_73 = arith.constant 0 : i32
    %dma_start3A_74 = arith.constant 0 : i32
    %dma_start3A_75 = tpu.memref_slice %arg6[%dma_start3A_72, %dma_start3A_73, %dma_start3A_74] : memref<26x64x32xf32, #tpu.memory_space<vmem>> -> memref<1x64x32xf32, #tpu.memory_space<vmem>>
    %dma_start3A_76 = tpu.memref_squeeze %dma_start3A_75 : memref<1x64x32xf32, #tpu.memory_space<vmem>> -> memref<64x32xf32, #tpu.memory_space<vmem>>
    %dma_start3A_77 = arith.constant 0 : i32
    %dma_start3A_78 = tpu.memref_slice %arg5[%dma_start3A_71, %dma_start3A_77] : memref<26x512xi32, #tpu.memory_space<vmem>> -> memref<1x64xi32, #tpu.memory_space<vmem>>
    %dma_start3A_79 = tpu.memref_squeeze %dma_start3A_78 : memref<1x64xi32, #tpu.memory_space<vmem>> -> memref<64xi32, #tpu.memory_space<vmem>>
    %dma_start3A_80 = arith.constant 0 : i32
    %dma_start3A_81 = arith.constant 0 : i32
    %dma_start3A_82 = tpu.memref_slice %arg3[%dma_start3A_70, %dma_start3A_80, %dma_start3A_81] : memref<26x100000x32xf32, #tpu.memory_space<hbm>> -> memref<1x100000x32xf32, #tpu.memory_space<hbm>>
    %dma_start3A_83 = tpu.memref_squeeze %dma_start3A_82 : memref<1x100000x32xf32, #tpu.memory_space<hbm>> -> memref<100000x32xf32, #tpu.memory_space<hbm>>
    %dma_start3A_84 = arith.constant 0 : i32
    %dma_start3A_85 = arith.constant 0 : i32
    %dma_start3A_86 = tpu.memref_slice %dma_start3A_83[%dma_start3A_84, %dma_start3A_85] : memref<100000x32xf32, #tpu.memory_space<hbm>> -> memref<100000x32xf32, #tpu.memory_space<hbm>>
    tpu.enqueue_indirect_dma source(%dma_start3A_86 : memref<100000x32xf32, #tpu.memory_space<hbm>>) target(%dma_start3A_76 : memref<64x32xf32, #tpu.memory_space<vmem>>) offsets(%dma_start3A_79 : memref<64xi32, #tpu.memory_space<vmem>>) semaphore(%arg8 : memref<!tpu.dma_semaphore, #tpu.memory_space<semaphore_mem>>)
    %dma_start3A_87 = arith.constant 5 : i32
    %dma_start3A_88 = arith.constant 5 : i32
    %dma_start3A_89 = arith.constant 5 : i32
    %dma_start3A_90 = arith.constant 0 : i32
    %dma_start3A_91 = arith.constant 0 : i32
    %dma_start3A_92 = tpu.memref_slice %arg6[%dma_start3A_89, %dma_start3A_90, %dma_start3A_91] : memref<26x64x32xf32, #tpu.memory_space<vmem>> -> memref<1x64x32xf32, #tpu.memory_space<vmem>>
    %dma_start3A_93 = tpu.memref_squeeze %dma_start3A_92 : memref<1x64x32xf32, #tpu.memory_space<vmem>> -> memref<64x32xf32, #tpu.memory_space<vmem>>
    %dma_start3A_94 = arith.constant 0 : i32
    %dma_start3A_95 = tpu.memref_slice %arg5[%dma_start3A_88, %dma_start3A_94] : memref<26x512xi32, #tpu.memory_space<vmem>> -> memref<1x64xi32, #tpu.memory_space<vmem>>
    %dma_start3A_96 = tpu.memref_squeeze %dma_start3A_95 : memref<1x64xi32, #tpu.memory_space<vmem>> -> memref<64xi32, #tpu.memory_space<vmem>>
    %dma_start3A_97 = arith.constant 0 : i32
    %dma_start3A_98 = arith.constant 0 : i32
    %dma_start3A_99 = tpu.memref_slice %arg3[%dma_start3A_87, %dma_start3A_97, %dma_start3A_98] : memref<26x100000x32xf32, #tpu.memory_space<hbm>> -> memref<1x100000x32xf32, #tpu.memory_space<hbm>>
    %dma_start3A_100 = tpu.memref_squeeze %dma_start3A_99 : memref<1x100000x32xf32, #tpu.memory_space<hbm>> -> memref<100000x32xf32, #tpu.memory_space<hbm>>
    %dma_start3A_101 = arith.constant 0 : i32
    %dma_start3A_102 = arith.constant 0 : i32
    %dma_start3A_103 = tpu.memref_slice %dma_start3A_100[%dma_start3A_101, %dma_start3A_102] : memref<100000x32xf32, #tpu.memory_space<hbm>> -> memref<100000x32xf32, #tpu.memory_space<hbm>>
    tpu.enqueue_indirect_dma source(%dma_start3A_103 : memref<100000x32xf32, #tpu.memory_space<hbm>>) target(%dma_start3A_93 : memref<64x32xf32, #tpu.memory_space<vmem>>) offsets(%dma_start3A_96 : memref<64xi32, #tpu.memory_space<vmem>>) semaphore(%arg8 : memref<!tpu.dma_semaphore, #tpu.memory_space<semaphore_mem>>)
    %dma_start3A_104 = arith.constant 6 : i32
    %dma_start3A_105 = arith.constant 6 : i32
    %dma_start3A_106 = arith.constant 6 : i32
    %dma_start3A_107 = arith.constant 0 : i32
    %dma_start3A_108 = arith.constant 0 : i32
    %dma_start3A_109 = tpu.memref_slice %arg6[%dma_start3A_106, %dma_start3A_107, %dma_start3A_108] : memref<26x64x32xf32, #tpu.memory_space<vmem>> -> memref<1x64x32xf32, #tpu.memory_space<vmem>>
    %dma_start3A_110 = tpu.memref_squeeze %dma_start3A_109 : memref<1x64x32xf32, #tpu.memory_space<vmem>> -> memref<64x32xf32, #tpu.memory_space<vmem>>
    %dma_start3A_111 = arith.constant 0 : i32
    %dma_start3A_112 = tpu.memref_slice %arg5[%dma_start3A_105, %dma_start3A_111] : memref<26x512xi32, #tpu.memory_space<vmem>> -> memref<1x64xi32, #tpu.memory_space<vmem>>
    %dma_start3A_113 = tpu.memref_squeeze %dma_start3A_112 : memref<1x64xi32, #tpu.memory_space<vmem>> -> memref<64xi32, #tpu.memory_space<vmem>>
    %dma_start3A_114 = arith.constant 0 : i32
    %dma_start3A_115 = arith.constant 0 : i32
    %dma_start3A_116 = tpu.memref_slice %arg3[%dma_start3A_104, %dma_start3A_114, %dma_start3A_115] : memref<26x100000x32xf32, #tpu.memory_space<hbm>> -> memref<1x100000x32xf32, #tpu.memory_space<hbm>>
    %dma_start3A_117 = tpu.memref_squeeze %dma_start3A_116 : memref<1x100000x32xf32, #tpu.memory_space<hbm>> -> memref<100000x32xf32, #tpu.memory_space<hbm>>
    %dma_start3A_118 = arith.constant 0 : i32
    %dma_start3A_119 = arith.constant 0 : i32
    %dma_start3A_120 = tpu.memref_slice %dma_start3A_117[%dma_start3A_118, %dma_start3A_119] : memref<100000x32xf32, #tpu.memory_space<hbm>> -> memref<100000x32xf32, #tpu.memory_space<hbm>>
    tpu.enqueue_indirect_dma source(%dma_start3A_120 : memref<100000x32xf32, #tpu.memory_space<hbm>>) target(%dma_start3A_110 : memref<64x32xf32, #tpu.memory_space<vmem>>) offsets(%dma_start3A_113 : memref<64xi32, #tpu.memory_space<vmem>>) semaphore(%arg8 : memref<!tpu.dma_semaphore, #tpu.memory_space<semaphore_mem>>)
    %dma_start3A_121 = arith.constant 7 : i32
    %dma_start3A_122 = arith.constant 7 : i32
    %dma_start3A_123 = arith.constant 7 : i32
    %dma_start3A_124 = arith.constant 0 : i32
    %dma_start3A_125 = arith.constant 0 : i32
    %dma_start3A_126 = tpu.memref_slice %arg6[%dma_start3A_123, %dma_start3A_124, %dma_start3A_125] : memref<26x64x32xf32, #tpu.memory_space<vmem>> -> memref<1x64x32xf32, #tpu.memory_space<vmem>>
    %dma_start3A_127 = tpu.memref_squeeze %dma_start3A_126 : memref<1x64x32xf32, #tpu.memory_space<vmem>> -> memref<64x32xf32, #tpu.memory_space<vmem>>
    %dma_start3A_128 = arith.constant 0 : i32
    %dma_start3A_129 = tpu.memref_slice %arg5[%dma_start3A_122, %dma_start3A_128] : memref<26x512xi32, #tpu.memory_space<vmem>> -> memref<1x64xi32, #tpu.memory_space<vmem>>
    %dma_start3A_130 = tpu.memref_squeeze %dma_start3A_129 : memref<1x64xi32, #tpu.memory_space<vmem>> -> memref<64xi32, #tpu.memory_space<vmem>>
    %dma_start3A_131 = arith.constant 0 : i32
    %dma_start3A_132 = arith.constant 0 : i32
    %dma_start3A_133 = tpu.memref_slice %arg3[%dma_start3A_121, %dma_start3A_131, %dma_start3A_132] : memref<26x100000x32xf32, #tpu.memory_space<hbm>> -> memref<1x100000x32xf32, #tpu.memory_space<hbm>>
    %dma_start3A_134 = tpu.memref_squeeze %dma_start3A_133 : memref<1x100000x32xf32, #tpu.memory_space<hbm>> -> memref<100000x32xf32, #tpu.memory_space<hbm>>
    %dma_start3A_135 = arith.constant 0 : i32
    %dma_start3A_136 = arith.constant 0 : i32
    %dma_start3A_137 = tpu.memref_slice %dma_start3A_134[%dma_start3A_135, %dma_start3A_136] : memref<100000x32xf32, #tpu.memory_space<hbm>> -> memref<100000x32xf32, #tpu.memory_space<hbm>>
    tpu.enqueue_indirect_dma source(%dma_start3A_137 : memref<100000x32xf32, #tpu.memory_space<hbm>>) target(%dma_start3A_127 : memref<64x32xf32, #tpu.memory_space<vmem>>) offsets(%dma_start3A_130 : memref<64xi32, #tpu.memory_space<vmem>>) semaphore(%arg8 : memref<!tpu.dma_semaphore, #tpu.memory_space<semaphore_mem>>)
    %dma_start3A_138 = arith.constant 8 : i32
    %dma_start3A_139 = arith.constant 8 : i32
    %dma_start3A_140 = arith.constant 8 : i32
    %dma_start3A_141 = arith.constant 0 : i32
    %dma_start3A_142 = arith.constant 0 : i32
    %dma_start3A_143 = tpu.memref_slice %arg6[%dma_start3A_140, %dma_start3A_141, %dma_start3A_142] : memref<26x64x32xf32, #tpu.memory_space<vmem>> -> memref<1x64x32xf32, #tpu.memory_space<vmem>>
    %dma_start3A_144 = tpu.memref_squeeze %dma_start3A_143 : memref<1x64x32xf32, #tpu.memory_space<vmem>> -> memref<64x32xf32, #tpu.memory_space<vmem>>
    %dma_start3A_145 = arith.constant 0 : i32
    %dma_start3A_146 = tpu.memref_slice %arg5[%dma_start3A_139, %dma_start3A_145] : memref<26x512xi32, #tpu.memory_space<vmem>> -> memref<1x64xi32, #tpu.memory_space<vmem>>
    %dma_start3A_147 = tpu.memref_squeeze %dma_start3A_146 : memref<1x64xi32, #tpu.memory_space<vmem>> -> memref<64xi32, #tpu.memory_space<vmem>>
    %dma_start3A_148 = arith.constant 0 : i32
    %dma_start3A_149 = arith.constant 0 : i32
    %dma_start3A_150 = tpu.memref_slice %arg3[%dma_start3A_138, %dma_start3A_148, %dma_start3A_149] : memref<26x100000x32xf32, #tpu.memory_space<hbm>> -> memref<1x100000x32xf32, #tpu.memory_space<hbm>>
    %dma_start3A_151 = tpu.memref_squeeze %dma_start3A_150 : memref<1x100000x32xf32, #tpu.memory_space<hbm>> -> memref<100000x32xf32, #tpu.memory_space<hbm>>
    %dma_start3A_152 = arith.constant 0 : i32
    %dma_start3A_153 = arith.constant 0 : i32
    %dma_start3A_154 = tpu.memref_slice %dma_start3A_151[%dma_start3A_152, %dma_start3A_153] : memref<100000x32xf32, #tpu.memory_space<hbm>> -> memref<100000x32xf32, #tpu.memory_space<hbm>>
    tpu.enqueue_indirect_dma source(%dma_start3A_154 : memref<100000x32xf32, #tpu.memory_space<hbm>>) target(%dma_start3A_144 : memref<64x32xf32, #tpu.memory_space<vmem>>) offsets(%dma_start3A_147 : memref<64xi32, #tpu.memory_space<vmem>>) semaphore(%arg8 : memref<!tpu.dma_semaphore, #tpu.memory_space<semaphore_mem>>)
    %dma_start3A_155 = arith.constant 9 : i32
    %dma_start3A_156 = arith.constant 9 : i32
    %dma_start3A_157 = arith.constant 9 : i32
    %dma_start3A_158 = arith.constant 0 : i32
    %dma_start3A_159 = arith.constant 0 : i32
    %dma_start3A_160 = tpu.memref_slice %arg6[%dma_start3A_157, %dma_start3A_158, %dma_start3A_159] : memref<26x64x32xf32, #tpu.memory_space<vmem>> -> memref<1x64x32xf32, #tpu.memory_space<vmem>>
    %dma_start3A_161 = tpu.memref_squeeze %dma_start3A_160 : memref<1x64x32xf32, #tpu.memory_space<vmem>> -> memref<64x32xf32, #tpu.memory_space<vmem>>
    %dma_start3A_162 = arith.constant 0 : i32
    %dma_start3A_163 = tpu.memref_slice %arg5[%dma_start3A_156, %dma_start3A_162] : memref<26x512xi32, #tpu.memory_space<vmem>> -> memref<1x64xi32, #tpu.memory_space<vmem>>
    %dma_start3A_164 = tpu.memref_squeeze %dma_start3A_163 : memref<1x64xi32, #tpu.memory_space<vmem>> -> memref<64xi32, #tpu.memory_space<vmem>>
    %dma_start3A_165 = arith.constant 0 : i32
    %dma_start3A_166 = arith.constant 0 : i32
    %dma_start3A_167 = tpu.memref_slice %arg3[%dma_start3A_155, %dma_start3A_165, %dma_start3A_166] : memref<26x100000x32xf32, #tpu.memory_space<hbm>> -> memref<1x100000x32xf32, #tpu.memory_space<hbm>>
    %dma_start3A_168 = tpu.memref_squeeze %dma_start3A_167 : memref<1x100000x32xf32, #tpu.memory_space<hbm>> -> memref<100000x32xf32, #tpu.memory_space<hbm>>
    %dma_start3A_169 = arith.constant 0 : i32
    %dma_start3A_170 = arith.constant 0 : i32
    %dma_start3A_171 = tpu.memref_slice %dma_start3A_168[%dma_start3A_169, %dma_start3A_170] : memref<100000x32xf32, #tpu.memory_space<hbm>> -> memref<100000x32xf32, #tpu.memory_space<hbm>>
    tpu.enqueue_indirect_dma source(%dma_start3A_171 : memref<100000x32xf32, #tpu.memory_space<hbm>>) target(%dma_start3A_161 : memref<64x32xf32, #tpu.memory_space<vmem>>) offsets(%dma_start3A_164 : memref<64xi32, #tpu.memory_space<vmem>>) semaphore(%arg8 : memref<!tpu.dma_semaphore, #tpu.memory_space<semaphore_mem>>)
    %dma_start3A_172 = arith.constant 10 : i32
    %dma_start3A_173 = arith.constant 10 : i32
    %dma_start3A_174 = arith.constant 10 : i32
    %dma_start3A_175 = arith.constant 0 : i32
    %dma_start3A_176 = arith.constant 0 : i32
    %dma_start3A_177 = tpu.memref_slice %arg6[%dma_start3A_174, %dma_start3A_175, %dma_start3A_176] : memref<26x64x32xf32, #tpu.memory_space<vmem>> -> memref<1x64x32xf32, #tpu.memory_space<vmem>>
    %dma_start3A_178 = tpu.memref_squeeze %dma_start3A_177 : memref<1x64x32xf32, #tpu.memory_space<vmem>> -> memref<64x32xf32, #tpu.memory_space<vmem>>
    %dma_start3A_179 = arith.constant 0 : i32
    %dma_start3A_180 = tpu.memref_slice %arg5[%dma_start3A_173, %dma_start3A_179] : memref<26x512xi32, #tpu.memory_space<vmem>> -> memref<1x64xi32, #tpu.memory_space<vmem>>
    %dma_start3A_181 = tpu.memref_squeeze %dma_start3A_180 : memref<1x64xi32, #tpu.memory_space<vmem>> -> memref<64xi32, #tpu.memory_space<vmem>>
    %dma_start3A_182 = arith.constant 0 : i32
    %dma_start3A_183 = arith.constant 0 : i32
    %dma_start3A_184 = tpu.memref_slice %arg3[%dma_start3A_172, %dma_start3A_182, %dma_start3A_183] : memref<26x100000x32xf32, #tpu.memory_space<hbm>> -> memref<1x100000x32xf32, #tpu.memory_space<hbm>>
    %dma_start3A_185 = tpu.memref_squeeze %dma_start3A_184 : memref<1x100000x32xf32, #tpu.memory_space<hbm>> -> memref<100000x32xf32, #tpu.memory_space<hbm>>
    %dma_start3A_186 = arith.constant 0 : i32
    %dma_start3A_187 = arith.constant 0 : i32
    %dma_start3A_188 = tpu.memref_slice %dma_start3A_185[%dma_start3A_186, %dma_start3A_187] : memref<100000x32xf32, #tpu.memory_space<hbm>> -> memref<100000x32xf32, #tpu.memory_space<hbm>>
    tpu.enqueue_indirect_dma source(%dma_start3A_188 : memref<100000x32xf32, #tpu.memory_space<hbm>>) target(%dma_start3A_178 : memref<64x32xf32, #tpu.memory_space<vmem>>) offsets(%dma_start3A_181 : memref<64xi32, #tpu.memory_space<vmem>>) semaphore(%arg8 : memref<!tpu.dma_semaphore, #tpu.memory_space<semaphore_mem>>)
    %dma_start3A_189 = arith.constant 11 : i32
    %dma_start3A_190 = arith.constant 11 : i32
    %dma_start3A_191 = arith.constant 11 : i32
    %dma_start3A_192 = arith.constant 0 : i32
    %dma_start3A_193 = arith.constant 0 : i32
    %dma_start3A_194 = tpu.memref_slice %arg6[%dma_start3A_191, %dma_start3A_192, %dma_start3A_193] : memref<26x64x32xf32, #tpu.memory_space<vmem>> -> memref<1x64x32xf32, #tpu.memory_space<vmem>>
    %dma_start3A_195 = tpu.memref_squeeze %dma_start3A_194 : memref<1x64x32xf32, #tpu.memory_space<vmem>> -> memref<64x32xf32, #tpu.memory_space<vmem>>
    %dma_start3A_196 = arith.constant 0 : i32
    %dma_start3A_197 = tpu.memref_slice %arg5[%dma_start3A_190, %dma_start3A_196] : memref<26x512xi32, #tpu.memory_space<vmem>> -> memref<1x64xi32, #tpu.memory_space<vmem>>
    %dma_start3A_198 = tpu.memref_squeeze %dma_start3A_197 : memref<1x64xi32, #tpu.memory_space<vmem>> -> memref<64xi32, #tpu.memory_space<vmem>>
    %dma_start3A_199 = arith.constant 0 : i32
    %dma_start3A_200 = arith.constant 0 : i32
    %dma_start3A_201 = tpu.memref_slice %arg3[%dma_start3A_189, %dma_start3A_199, %dma_start3A_200] : memref<26x100000x32xf32, #tpu.memory_space<hbm>> -> memref<1x100000x32xf32, #tpu.memory_space<hbm>>
    %dma_start3A_202 = tpu.memref_squeeze %dma_start3A_201 : memref<1x100000x32xf32, #tpu.memory_space<hbm>> -> memref<100000x32xf32, #tpu.memory_space<hbm>>
    %dma_start3A_203 = arith.constant 0 : i32
    %dma_start3A_204 = arith.constant 0 : i32
    %dma_start3A_205 = tpu.memref_slice %dma_start3A_202[%dma_start3A_203, %dma_start3A_204] : memref<100000x32xf32, #tpu.memory_space<hbm>> -> memref<100000x32xf32, #tpu.memory_space<hbm>>
    tpu.enqueue_indirect_dma source(%dma_start3A_205 : memref<100000x32xf32, #tpu.memory_space<hbm>>) target(%dma_start3A_195 : memref<64x32xf32, #tpu.memory_space<vmem>>) offsets(%dma_start3A_198 : memref<64xi32, #tpu.memory_space<vmem>>) semaphore(%arg8 : memref<!tpu.dma_semaphore, #tpu.memory_space<semaphore_mem>>)
    %dma_start3A_206 = arith.constant 12 : i32
    %dma_start3A_207 = arith.constant 12 : i32
    %dma_start3A_208 = arith.constant 12 : i32
    %dma_start3A_209 = arith.constant 0 : i32
    %dma_start3A_210 = arith.constant 0 : i32
    %dma_start3A_211 = tpu.memref_slice %arg6[%dma_start3A_208, %dma_start3A_209, %dma_start3A_210] : memref<26x64x32xf32, #tpu.memory_space<vmem>> -> memref<1x64x32xf32, #tpu.memory_space<vmem>>
    %dma_start3A_212 = tpu.memref_squeeze %dma_start3A_211 : memref<1x64x32xf32, #tpu.memory_space<vmem>> -> memref<64x32xf32, #tpu.memory_space<vmem>>
    %dma_start3A_213 = arith.constant 0 : i32
    %dma_start3A_214 = tpu.memref_slice %arg5[%dma_start3A_207, %dma_start3A_213] : memref<26x512xi32, #tpu.memory_space<vmem>> -> memref<1x64xi32, #tpu.memory_space<vmem>>
    %dma_start3A_215 = tpu.memref_squeeze %dma_start3A_214 : memref<1x64xi32, #tpu.memory_space<vmem>> -> memref<64xi32, #tpu.memory_space<vmem>>
    %dma_start3A_216 = arith.constant 0 : i32
    %dma_start3A_217 = arith.constant 0 : i32
    %dma_start3A_218 = tpu.memref_slice %arg3[%dma_start3A_206, %dma_start3A_216, %dma_start3A_217] : memref<26x100000x32xf32, #tpu.memory_space<hbm>> -> memref<1x100000x32xf32, #tpu.memory_space<hbm>>
    %dma_start3A_219 = tpu.memref_squeeze %dma_start3A_218 : memref<1x100000x32xf32, #tpu.memory_space<hbm>> -> memref<100000x32xf32, #tpu.memory_space<hbm>>
    %dma_start3A_220 = arith.constant 0 : i32
    %dma_start3A_221 = arith.constant 0 : i32
    %dma_start3A_222 = tpu.memref_slice %dma_start3A_219[%dma_start3A_220, %dma_start3A_221] : memref<100000x32xf32, #tpu.memory_space<hbm>> -> memref<100000x32xf32, #tpu.memory_space<hbm>>
    tpu.enqueue_indirect_dma source(%dma_start3A_222 : memref<100000x32xf32, #tpu.memory_space<hbm>>) target(%dma_start3A_212 : memref<64x32xf32, #tpu.memory_space<vmem>>) offsets(%dma_start3A_215 : memref<64xi32, #tpu.memory_space<vmem>>) semaphore(%arg8 : memref<!tpu.dma_semaphore, #tpu.memory_space<semaphore_mem>>)
    %dma_start3A_223 = arith.constant 13 : i32
    %dma_start3A_224 = arith.constant 13 : i32
    %dma_start3A_225 = arith.constant 13 : i32
    %dma_start3A_226 = arith.constant 0 : i32
    %dma_start3A_227 = arith.constant 0 : i32
    %dma_start3A_228 = tpu.memref_slice %arg6[%dma_start3A_225, %dma_start3A_226, %dma_start3A_227] : memref<26x64x32xf32, #tpu.memory_space<vmem>> -> memref<1x64x32xf32, #tpu.memory_space<vmem>>
    %dma_start3A_229 = tpu.memref_squeeze %dma_start3A_228 : memref<1x64x32xf32, #tpu.memory_space<vmem>> -> memref<64x32xf32, #tpu.memory_space<vmem>>
    %dma_start3A_230 = arith.constant 0 : i32
    %dma_start3A_231 = tpu.memref_slice %arg5[%dma_start3A_224, %dma_start3A_230] : memref<26x512xi32, #tpu.memory_space<vmem>> -> memref<1x64xi32, #tpu.memory_space<vmem>>
    %dma_start3A_232 = tpu.memref_squeeze %dma_start3A_231 : memref<1x64xi32, #tpu.memory_space<vmem>> -> memref<64xi32, #tpu.memory_space<vmem>>
    %dma_start3A_233 = arith.constant 0 : i32
    %dma_start3A_234 = arith.constant 0 : i32
    %dma_start3A_235 = tpu.memref_slice %arg3[%dma_start3A_223, %dma_start3A_233, %dma_start3A_234] : memref<26x100000x32xf32, #tpu.memory_space<hbm>> -> memref<1x100000x32xf32, #tpu.memory_space<hbm>>
    %dma_start3A_236 = tpu.memref_squeeze %dma_start3A_235 : memref<1x100000x32xf32, #tpu.memory_space<hbm>> -> memref<100000x32xf32, #tpu.memory_space<hbm>>
    %dma_start3A_237 = arith.constant 0 : i32
    %dma_start3A_238 = arith.constant 0 : i32
    %dma_start3A_239 = tpu.memref_slice %dma_start3A_236[%dma_start3A_237, %dma_start3A_238] : memref<100000x32xf32, #tpu.memory_space<hbm>> -> memref<100000x32xf32, #tpu.memory_space<hbm>>
    tpu.enqueue_indirect_dma source(%dma_start3A_239 : memref<100000x32xf32, #tpu.memory_space<hbm>>) target(%dma_start3A_229 : memref<64x32xf32, #tpu.memory_space<vmem>>) offsets(%dma_start3A_232 : memref<64xi32, #tpu.memory_space<vmem>>) semaphore(%arg8 : memref<!tpu.dma_semaphore, #tpu.memory_space<semaphore_mem>>)
    %dma_start3A_240 = arith.constant 14 : i32
    %dma_start3A_241 = arith.constant 14 : i32
    %dma_start3A_242 = arith.constant 14 : i32
    %dma_start3A_243 = arith.constant 0 : i32
    %dma_start3A_244 = arith.constant 0 : i32
    %dma_start3A_245 = tpu.memref_slice %arg6[%dma_start3A_242, %dma_start3A_243, %dma_start3A_244] : memref<26x64x32xf32, #tpu.memory_space<vmem>> -> memref<1x64x32xf32, #tpu.memory_space<vmem>>
    %dma_start3A_246 = tpu.memref_squeeze %dma_start3A_245 : memref<1x64x32xf32, #tpu.memory_space<vmem>> -> memref<64x32xf32, #tpu.memory_space<vmem>>
    %dma_start3A_247 = arith.constant 0 : i32
    %dma_start3A_248 = tpu.memref_slice %arg5[%dma_start3A_241, %dma_start3A_247] : memref<26x512xi32, #tpu.memory_space<vmem>> -> memref<1x64xi32, #tpu.memory_space<vmem>>
    %dma_start3A_249 = tpu.memref_squeeze %dma_start3A_248 : memref<1x64xi32, #tpu.memory_space<vmem>> -> memref<64xi32, #tpu.memory_space<vmem>>
    %dma_start3A_250 = arith.constant 0 : i32
    %dma_start3A_251 = arith.constant 0 : i32
    %dma_start3A_252 = tpu.memref_slice %arg3[%dma_start3A_240, %dma_start3A_250, %dma_start3A_251] : memref<26x100000x32xf32, #tpu.memory_space<hbm>> -> memref<1x100000x32xf32, #tpu.memory_space<hbm>>
    %dma_start3A_253 = tpu.memref_squeeze %dma_start3A_252 : memref<1x100000x32xf32, #tpu.memory_space<hbm>> -> memref<100000x32xf32, #tpu.memory_space<hbm>>
    %dma_start3A_254 = arith.constant 0 : i32
    %dma_start3A_255 = arith.constant 0 : i32
    %dma_start3A_256 = tpu.memref_slice %dma_start3A_253[%dma_start3A_254, %dma_start3A_255] : memref<100000x32xf32, #tpu.memory_space<hbm>> -> memref<100000x32xf32, #tpu.memory_space<hbm>>
    tpu.enqueue_indirect_dma source(%dma_start3A_256 : memref<100000x32xf32, #tpu.memory_space<hbm>>) target(%dma_start3A_246 : memref<64x32xf32, #tpu.memory_space<vmem>>) offsets(%dma_start3A_249 : memref<64xi32, #tpu.memory_space<vmem>>) semaphore(%arg8 : memref<!tpu.dma_semaphore, #tpu.memory_space<semaphore_mem>>)
    %dma_start3A_257 = arith.constant 15 : i32
    %dma_start3A_258 = arith.constant 15 : i32
    %dma_start3A_259 = arith.constant 15 : i32
    %dma_start3A_260 = arith.constant 0 : i32
    %dma_start3A_261 = arith.constant 0 : i32
    %dma_start3A_262 = tpu.memref_slice %arg6[%dma_start3A_259, %dma_start3A_260, %dma_start3A_261] : memref<26x64x32xf32, #tpu.memory_space<vmem>> -> memref<1x64x32xf32, #tpu.memory_space<vmem>>
    %dma_start3A_263 = tpu.memref_squeeze %dma_start3A_262 : memref<1x64x32xf32, #tpu.memory_space<vmem>> -> memref<64x32xf32, #tpu.memory_space<vmem>>
    %dma_start3A_264 = arith.constant 0 : i32
    %dma_start3A_265 = tpu.memref_slice %arg5[%dma_start3A_258, %dma_start3A_264] : memref<26x512xi32, #tpu.memory_space<vmem>> -> memref<1x64xi32, #tpu.memory_space<vmem>>
    %dma_start3A_266 = tpu.memref_squeeze %dma_start3A_265 : memref<1x64xi32, #tpu.memory_space<vmem>> -> memref<64xi32, #tpu.memory_space<vmem>>
    %dma_start3A_267 = arith.constant 0 : i32
    %dma_start3A_268 = arith.constant 0 : i32
    %dma_start3A_269 = tpu.memref_slice %arg3[%dma_start3A_257, %dma_start3A_267, %dma_start3A_268] : memref<26x100000x32xf32, #tpu.memory_space<hbm>> -> memref<1x100000x32xf32, #tpu.memory_space<hbm>>
    %dma_start3A_270 = tpu.memref_squeeze %dma_start3A_269 : memref<1x100000x32xf32, #tpu.memory_space<hbm>> -> memref<100000x32xf32, #tpu.memory_space<hbm>>
    %dma_start3A_271 = arith.constant 0 : i32
    %dma_start3A_272 = arith.constant 0 : i32
    %dma_start3A_273 = tpu.memref_slice %dma_start3A_270[%dma_start3A_271, %dma_start3A_272] : memref<100000x32xf32, #tpu.memory_space<hbm>> -> memref<100000x32xf32, #tpu.memory_space<hbm>>
    tpu.enqueue_indirect_dma source(%dma_start3A_273 : memref<100000x32xf32, #tpu.memory_space<hbm>>) target(%dma_start3A_263 : memref<64x32xf32, #tpu.memory_space<vmem>>) offsets(%dma_start3A_266 : memref<64xi32, #tpu.memory_space<vmem>>) semaphore(%arg8 : memref<!tpu.dma_semaphore, #tpu.memory_space<semaphore_mem>>)
    %dma_start3A_274 = arith.constant 16 : i32
    %dma_start3A_275 = arith.constant 16 : i32
    %dma_start3A_276 = arith.constant 16 : i32
    %dma_start3A_277 = arith.constant 0 : i32
    %dma_start3A_278 = arith.constant 0 : i32
    %dma_start3A_279 = tpu.memref_slice %arg6[%dma_start3A_276, %dma_start3A_277, %dma_start3A_278] : memref<26x64x32xf32, #tpu.memory_space<vmem>> -> memref<1x64x32xf32, #tpu.memory_space<vmem>>
    %dma_start3A_280 = tpu.memref_squeeze %dma_start3A_279 : memref<1x64x32xf32, #tpu.memory_space<vmem>> -> memref<64x32xf32, #tpu.memory_space<vmem>>
    %dma_start3A_281 = arith.constant 0 : i32
    %dma_start3A_282 = tpu.memref_slice %arg5[%dma_start3A_275, %dma_start3A_281] : memref<26x512xi32, #tpu.memory_space<vmem>> -> memref<1x64xi32, #tpu.memory_space<vmem>>
    %dma_start3A_283 = tpu.memref_squeeze %dma_start3A_282 : memref<1x64xi32, #tpu.memory_space<vmem>> -> memref<64xi32, #tpu.memory_space<vmem>>
    %dma_start3A_284 = arith.constant 0 : i32
    %dma_start3A_285 = arith.constant 0 : i32
    %dma_start3A_286 = tpu.memref_slice %arg3[%dma_start3A_274, %dma_start3A_284, %dma_start3A_285] : memref<26x100000x32xf32, #tpu.memory_space<hbm>> -> memref<1x100000x32xf32, #tpu.memory_space<hbm>>
    %dma_start3A_287 = tpu.memref_squeeze %dma_start3A_286 : memref<1x100000x32xf32, #tpu.memory_space<hbm>> -> memref<100000x32xf32, #tpu.memory_space<hbm>>
    %dma_start3A_288 = arith.constant 0 : i32
    %dma_start3A_289 = arith.constant 0 : i32
    %dma_start3A_290 = tpu.memref_slice %dma_start3A_287[%dma_start3A_288, %dma_start3A_289] : memref<100000x32xf32, #tpu.memory_space<hbm>> -> memref<100000x32xf32, #tpu.memory_space<hbm>>
    tpu.enqueue_indirect_dma source(%dma_start3A_290 : memref<100000x32xf32, #tpu.memory_space<hbm>>) target(%dma_start3A_280 : memref<64x32xf32, #tpu.memory_space<vmem>>) offsets(%dma_start3A_283 : memref<64xi32, #tpu.memory_space<vmem>>) semaphore(%arg8 : memref<!tpu.dma_semaphore, #tpu.memory_space<semaphore_mem>>)
    %dma_start3A_291 = arith.constant 17 : i32
    %dma_start3A_292 = arith.constant 17 : i32
    %dma_start3A_293 = arith.constant 17 : i32
    %dma_start3A_294 = arith.constant 0 : i32
    %dma_start3A_295 = arith.constant 0 : i32
    %dma_start3A_296 = tpu.memref_slice %arg6[%dma_start3A_293, %dma_start3A_294, %dma_start3A_295] : memref<26x64x32xf32, #tpu.memory_space<vmem>> -> memref<1x64x32xf32, #tpu.memory_space<vmem>>
    %dma_start3A_297 = tpu.memref_squeeze %dma_start3A_296 : memref<1x64x32xf32, #tpu.memory_space<vmem>> -> memref<64x32xf32, #tpu.memory_space<vmem>>
    %dma_start3A_298 = arith.constant 0 : i32
    %dma_start3A_299 = tpu.memref_slice %arg5[%dma_start3A_292, %dma_start3A_298] : memref<26x512xi32, #tpu.memory_space<vmem>> -> memref<1x64xi32, #tpu.memory_space<vmem>>
    %dma_start3A_300 = tpu.memref_squeeze %dma_start3A_299 : memref<1x64xi32, #tpu.memory_space<vmem>> -> memref<64xi32, #tpu.memory_space<vmem>>
    %dma_start3A_301 = arith.constant 0 : i32
    %dma_start3A_302 = arith.constant 0 : i32
    %dma_start3A_303 = tpu.memref_slice %arg3[%dma_start3A_291, %dma_start3A_301, %dma_start3A_302] : memref<26x100000x32xf32, #tpu.memory_space<hbm>> -> memref<1x100000x32xf32, #tpu.memory_space<hbm>>
    %dma_start3A_304 = tpu.memref_squeeze %dma_start3A_303 : memref<1x100000x32xf32, #tpu.memory_space<hbm>> -> memref<100000x32xf32, #tpu.memory_space<hbm>>
    %dma_start3A_305 = arith.constant 0 : i32
    %dma_start3A_306 = arith.constant 0 : i32
    %dma_start3A_307 = tpu.memref_slice %dma_start3A_304[%dma_start3A_305, %dma_start3A_306] : memref<100000x32xf32, #tpu.memory_space<hbm>> -> memref<100000x32xf32, #tpu.memory_space<hbm>>
    tpu.enqueue_indirect_dma source(%dma_start3A_307 : memref<100000x32xf32, #tpu.memory_space<hbm>>) target(%dma_start3A_297 : memref<64x32xf32, #tpu.memory_space<vmem>>) offsets(%dma_start3A_300 : memref<64xi32, #tpu.memory_space<vmem>>) semaphore(%arg8 : memref<!tpu.dma_semaphore, #tpu.memory_space<semaphore_mem>>)
    %dma_start3A_308 = arith.constant 18 : i32
    %dma_start3A_309 = arith.constant 18 : i32
    %dma_start3A_310 = arith.constant 18 : i32
    %dma_start3A_311 = arith.constant 0 : i32
    %dma_start3A_312 = arith.constant 0 : i32
    %dma_start3A_313 = tpu.memref_slice %arg6[%dma_start3A_310, %dma_start3A_311, %dma_start3A_312] : memref<26x64x32xf32, #tpu.memory_space<vmem>> -> memref<1x64x32xf32, #tpu.memory_space<vmem>>
    %dma_start3A_314 = tpu.memref_squeeze %dma_start3A_313 : memref<1x64x32xf32, #tpu.memory_space<vmem>> -> memref<64x32xf32, #tpu.memory_space<vmem>>
    %dma_start3A_315 = arith.constant 0 : i32
    %dma_start3A_316 = tpu.memref_slice %arg5[%dma_start3A_309, %dma_start3A_315] : memref<26x512xi32, #tpu.memory_space<vmem>> -> memref<1x64xi32, #tpu.memory_space<vmem>>
    %dma_start3A_317 = tpu.memref_squeeze %dma_start3A_316 : memref<1x64xi32, #tpu.memory_space<vmem>> -> memref<64xi32, #tpu.memory_space<vmem>>
    %dma_start3A_318 = arith.constant 0 : i32
    %dma_start3A_319 = arith.constant 0 : i32
    %dma_start3A_320 = tpu.memref_slice %arg3[%dma_start3A_308, %dma_start3A_318, %dma_start3A_319] : memref<26x100000x32xf32, #tpu.memory_space<hbm>> -> memref<1x100000x32xf32, #tpu.memory_space<hbm>>
    %dma_start3A_321 = tpu.memref_squeeze %dma_start3A_320 : memref<1x100000x32xf32, #tpu.memory_space<hbm>> -> memref<100000x32xf32, #tpu.memory_space<hbm>>
    %dma_start3A_322 = arith.constant 0 : i32
    %dma_start3A_323 = arith.constant 0 : i32
    %dma_start3A_324 = tpu.memref_slice %dma_start3A_321[%dma_start3A_322, %dma_start3A_323] : memref<100000x32xf32, #tpu.memory_space<hbm>> -> memref<100000x32xf32, #tpu.memory_space<hbm>>
    tpu.enqueue_indirect_dma source(%dma_start3A_324 : memref<100000x32xf32, #tpu.memory_space<hbm>>) target(%dma_start3A_314 : memref<64x32xf32, #tpu.memory_space<vmem>>) offsets(%dma_start3A_317 : memref<64xi32, #tpu.memory_space<vmem>>) semaphore(%arg8 : memref<!tpu.dma_semaphore, #tpu.memory_space<semaphore_mem>>)
    %dma_start3A_325 = arith.constant 19 : i32
    %dma_start3A_326 = arith.constant 19 : i32
    %dma_start3A_327 = arith.constant 19 : i32
    %dma_start3A_328 = arith.constant 0 : i32
    %dma_start3A_329 = arith.constant 0 : i32
    %dma_start3A_330 = tpu.memref_slice %arg6[%dma_start3A_327, %dma_start3A_328, %dma_start3A_329] : memref<26x64x32xf32, #tpu.memory_space<vmem>> -> memref<1x64x32xf32, #tpu.memory_space<vmem>>
    %dma_start3A_331 = tpu.memref_squeeze %dma_start3A_330 : memref<1x64x32xf32, #tpu.memory_space<vmem>> -> memref<64x32xf32, #tpu.memory_space<vmem>>
    %dma_start3A_332 = arith.constant 0 : i32
    %dma_start3A_333 = tpu.memref_slice %arg5[%dma_start3A_326, %dma_start3A_332] : memref<26x512xi32, #tpu.memory_space<vmem>> -> memref<1x64xi32, #tpu.memory_space<vmem>>
    %dma_start3A_334 = tpu.memref_squeeze %dma_start3A_333 : memref<1x64xi32, #tpu.memory_space<vmem>> -> memref<64xi32, #tpu.memory_space<vmem>>
    %dma_start3A_335 = arith.constant 0 : i32
    %dma_start3A_336 = arith.constant 0 : i32
    %dma_start3A_337 = tpu.memref_slice %arg3[%dma_start3A_325, %dma_start3A_335, %dma_start3A_336] : memref<26x100000x32xf32, #tpu.memory_space<hbm>> -> memref<1x100000x32xf32, #tpu.memory_space<hbm>>
    %dma_start3A_338 = tpu.memref_squeeze %dma_start3A_337 : memref<1x100000x32xf32, #tpu.memory_space<hbm>> -> memref<100000x32xf32, #tpu.memory_space<hbm>>
    %dma_start3A_339 = arith.constant 0 : i32
    %dma_start3A_340 = arith.constant 0 : i32
    %dma_start3A_341 = tpu.memref_slice %dma_start3A_338[%dma_start3A_339, %dma_start3A_340] : memref<100000x32xf32, #tpu.memory_space<hbm>> -> memref<100000x32xf32, #tpu.memory_space<hbm>>
    tpu.enqueue_indirect_dma source(%dma_start3A_341 : memref<100000x32xf32, #tpu.memory_space<hbm>>) target(%dma_start3A_331 : memref<64x32xf32, #tpu.memory_space<vmem>>) offsets(%dma_start3A_334 : memref<64xi32, #tpu.memory_space<vmem>>) semaphore(%arg8 : memref<!tpu.dma_semaphore, #tpu.memory_space<semaphore_mem>>)
    %dma_start3A_342 = arith.constant 20 : i32
    %dma_start3A_343 = arith.constant 20 : i32
    %dma_start3A_344 = arith.constant 20 : i32
    %dma_start3A_345 = arith.constant 0 : i32
    %dma_start3A_346 = arith.constant 0 : i32
    %dma_start3A_347 = tpu.memref_slice %arg6[%dma_start3A_344, %dma_start3A_345, %dma_start3A_346] : memref<26x64x32xf32, #tpu.memory_space<vmem>> -> memref<1x64x32xf32, #tpu.memory_space<vmem>>
    %dma_start3A_348 = tpu.memref_squeeze %dma_start3A_347 : memref<1x64x32xf32, #tpu.memory_space<vmem>> -> memref<64x32xf32, #tpu.memory_space<vmem>>
    %dma_start3A_349 = arith.constant 0 : i32
    %dma_start3A_350 = tpu.memref_slice %arg5[%dma_start3A_343, %dma_start3A_349] : memref<26x512xi32, #tpu.memory_space<vmem>> -> memref<1x64xi32, #tpu.memory_space<vmem>>
    %dma_start3A_351 = tpu.memref_squeeze %dma_start3A_350 : memref<1x64xi32, #tpu.memory_space<vmem>> -> memref<64xi32, #tpu.memory_space<vmem>>
    %dma_start3A_352 = arith.constant 0 : i32
    %dma_start3A_353 = arith.constant 0 : i32
    %dma_start3A_354 = tpu.memref_slice %arg3[%dma_start3A_342, %dma_start3A_352, %dma_start3A_353] : memref<26x100000x32xf32, #tpu.memory_space<hbm>> -> memref<1x100000x32xf32, #tpu.memory_space<hbm>>
    %dma_start3A_355 = tpu.memref_squeeze %dma_start3A_354 : memref<1x100000x32xf32, #tpu.memory_space<hbm>> -> memref<100000x32xf32, #tpu.memory_space<hbm>>
    %dma_start3A_356 = arith.constant 0 : i32
    %dma_start3A_357 = arith.constant 0 : i32
    %dma_start3A_358 = tpu.memref_slice %dma_start3A_355[%dma_start3A_356, %dma_start3A_357] : memref<100000x32xf32, #tpu.memory_space<hbm>> -> memref<100000x32xf32, #tpu.memory_space<hbm>>
    tpu.enqueue_indirect_dma source(%dma_start3A_358 : memref<100000x32xf32, #tpu.memory_space<hbm>>) target(%dma_start3A_348 : memref<64x32xf32, #tpu.memory_space<vmem>>) offsets(%dma_start3A_351 : memref<64xi32, #tpu.memory_space<vmem>>) semaphore(%arg8 : memref<!tpu.dma_semaphore, #tpu.memory_space<semaphore_mem>>)
    %dma_start3A_359 = arith.constant 21 : i32
    %dma_start3A_360 = arith.constant 21 : i32
    %dma_start3A_361 = arith.constant 21 : i32
    %dma_start3A_362 = arith.constant 0 : i32
    %dma_start3A_363 = arith.constant 0 : i32
    %dma_start3A_364 = tpu.memref_slice %arg6[%dma_start3A_361, %dma_start3A_362, %dma_start3A_363] : memref<26x64x32xf32, #tpu.memory_space<vmem>> -> memref<1x64x32xf32, #tpu.memory_space<vmem>>
    %dma_start3A_365 = tpu.memref_squeeze %dma_start3A_364 : memref<1x64x32xf32, #tpu.memory_space<vmem>> -> memref<64x32xf32, #tpu.memory_space<vmem>>
    %dma_start3A_366 = arith.constant 0 : i32
    %dma_start3A_367 = tpu.memref_slice %arg5[%dma_start3A_360, %dma_start3A_366] : memref<26x512xi32, #tpu.memory_space<vmem>> -> memref<1x64xi32, #tpu.memory_space<vmem>>
    %dma_start3A_368 = tpu.memref_squeeze %dma_start3A_367 : memref<1x64xi32, #tpu.memory_space<vmem>> -> memref<64xi32, #tpu.memory_space<vmem>>
    %dma_start3A_369 = arith.constant 0 : i32
    %dma_start3A_370 = arith.constant 0 : i32
    %dma_start3A_371 = tpu.memref_slice %arg3[%dma_start3A_359, %dma_start3A_369, %dma_start3A_370] : memref<26x100000x32xf32, #tpu.memory_space<hbm>> -> memref<1x100000x32xf32, #tpu.memory_space<hbm>>
    %dma_start3A_372 = tpu.memref_squeeze %dma_start3A_371 : memref<1x100000x32xf32, #tpu.memory_space<hbm>> -> memref<100000x32xf32, #tpu.memory_space<hbm>>
    %dma_start3A_373 = arith.constant 0 : i32
    %dma_start3A_374 = arith.constant 0 : i32
    %dma_start3A_375 = tpu.memref_slice %dma_start3A_372[%dma_start3A_373, %dma_start3A_374] : memref<100000x32xf32, #tpu.memory_space<hbm>> -> memref<100000x32xf32, #tpu.memory_space<hbm>>
    tpu.enqueue_indirect_dma source(%dma_start3A_375 : memref<100000x32xf32, #tpu.memory_space<hbm>>) target(%dma_start3A_365 : memref<64x32xf32, #tpu.memory_space<vmem>>) offsets(%dma_start3A_368 : memref<64xi32, #tpu.memory_space<vmem>>) semaphore(%arg8 : memref<!tpu.dma_semaphore, #tpu.memory_space<semaphore_mem>>)
    %dma_start3A_376 = arith.constant 22 : i32
    %dma_start3A_377 = arith.constant 22 : i32
    %dma_start3A_378 = arith.constant 22 : i32
    %dma_start3A_379 = arith.constant 0 : i32
    %dma_start3A_380 = arith.constant 0 : i32
    %dma_start3A_381 = tpu.memref_slice %arg6[%dma_start3A_378, %dma_start3A_379, %dma_start3A_380] : memref<26x64x32xf32, #tpu.memory_space<vmem>> -> memref<1x64x32xf32, #tpu.memory_space<vmem>>
    %dma_start3A_382 = tpu.memref_squeeze %dma_start3A_381 : memref<1x64x32xf32, #tpu.memory_space<vmem>> -> memref<64x32xf32, #tpu.memory_space<vmem>>
    %dma_start3A_383 = arith.constant 0 : i32
    %dma_start3A_384 = tpu.memref_slice %arg5[%dma_start3A_377, %dma_start3A_383] : memref<26x512xi32, #tpu.memory_space<vmem>> -> memref<1x64xi32, #tpu.memory_space<vmem>>
    %dma_start3A_385 = tpu.memref_squeeze %dma_start3A_384 : memref<1x64xi32, #tpu.memory_space<vmem>> -> memref<64xi32, #tpu.memory_space<vmem>>
    %dma_start3A_386 = arith.constant 0 : i32
    %dma_start3A_387 = arith.constant 0 : i32
    %dma_start3A_388 = tpu.memref_slice %arg3[%dma_start3A_376, %dma_start3A_386, %dma_start3A_387] : memref<26x100000x32xf32, #tpu.memory_space<hbm>> -> memref<1x100000x32xf32, #tpu.memory_space<hbm>>
    %dma_start3A_389 = tpu.memref_squeeze %dma_start3A_388 : memref<1x100000x32xf32, #tpu.memory_space<hbm>> -> memref<100000x32xf32, #tpu.memory_space<hbm>>
    %dma_start3A_390 = arith.constant 0 : i32
    %dma_start3A_391 = arith.constant 0 : i32
    %dma_start3A_392 = tpu.memref_slice %dma_start3A_389[%dma_start3A_390, %dma_start3A_391] : memref<100000x32xf32, #tpu.memory_space<hbm>> -> memref<100000x32xf32, #tpu.memory_space<hbm>>
    tpu.enqueue_indirect_dma source(%dma_start3A_392 : memref<100000x32xf32, #tpu.memory_space<hbm>>) target(%dma_start3A_382 : memref<64x32xf32, #tpu.memory_space<vmem>>) offsets(%dma_start3A_385 : memref<64xi32, #tpu.memory_space<vmem>>) semaphore(%arg8 : memref<!tpu.dma_semaphore, #tpu.memory_space<semaphore_mem>>)
    %dma_start3A_393 = arith.constant 23 : i32
    %dma_start3A_394 = arith.constant 23 : i32
    %dma_start3A_395 = arith.constant 23 : i32
    %dma_start3A_396 = arith.constant 0 : i32
    %dma_start3A_397 = arith.constant 0 : i32
    %dma_start3A_398 = tpu.memref_slice %arg6[%dma_start3A_395, %dma_start3A_396, %dma_start3A_397] : memref<26x64x32xf32, #tpu.memory_space<vmem>> -> memref<1x64x32xf32, #tpu.memory_space<vmem>>
    %dma_start3A_399 = tpu.memref_squeeze %dma_start3A_398 : memref<1x64x32xf32, #tpu.memory_space<vmem>> -> memref<64x32xf32, #tpu.memory_space<vmem>>
    %dma_start3A_400 = arith.constant 0 : i32
    %dma_start3A_401 = tpu.memref_slice %arg5[%dma_start3A_394, %dma_start3A_400] : memref<26x512xi32, #tpu.memory_space<vmem>> -> memref<1x64xi32, #tpu.memory_space<vmem>>
    %dma_start3A_402 = tpu.memref_squeeze %dma_start3A_401 : memref<1x64xi32, #tpu.memory_space<vmem>> -> memref<64xi32, #tpu.memory_space<vmem>>
    %dma_start3A_403 = arith.constant 0 : i32
    %dma_start3A_404 = arith.constant 0 : i32
    %dma_start3A_405 = tpu.memref_slice %arg3[%dma_start3A_393, %dma_start3A_403, %dma_start3A_404] : memref<26x100000x32xf32, #tpu.memory_space<hbm>> -> memref<1x100000x32xf32, #tpu.memory_space<hbm>>
    %dma_start3A_406 = tpu.memref_squeeze %dma_start3A_405 : memref<1x100000x32xf32, #tpu.memory_space<hbm>> -> memref<100000x32xf32, #tpu.memory_space<hbm>>
    %dma_start3A_407 = arith.constant 0 : i32
    %dma_start3A_408 = arith.constant 0 : i32
    %dma_start3A_409 = tpu.memref_slice %dma_start3A_406[%dma_start3A_407, %dma_start3A_408] : memref<100000x32xf32, #tpu.memory_space<hbm>> -> memref<100000x32xf32, #tpu.memory_space<hbm>>
    tpu.enqueue_indirect_dma source(%dma_start3A_409 : memref<100000x32xf32, #tpu.memory_space<hbm>>) target(%dma_start3A_399 : memref<64x32xf32, #tpu.memory_space<vmem>>) offsets(%dma_start3A_402 : memref<64xi32, #tpu.memory_space<vmem>>) semaphore(%arg8 : memref<!tpu.dma_semaphore, #tpu.memory_space<semaphore_mem>>)
    %dma_start3A_410 = arith.constant 24 : i32
    %dma_start3A_411 = arith.constant 24 : i32
    %dma_start3A_412 = arith.constant 24 : i32
    %dma_start3A_413 = arith.constant 0 : i32
    %dma_start3A_414 = arith.constant 0 : i32
    %dma_start3A_415 = tpu.memref_slice %arg6[%dma_start3A_412, %dma_start3A_413, %dma_start3A_414] : memref<26x64x32xf32, #tpu.memory_space<vmem>> -> memref<1x64x32xf32, #tpu.memory_space<vmem>>
    %dma_start3A_416 = tpu.memref_squeeze %dma_start3A_415 : memref<1x64x32xf32, #tpu.memory_space<vmem>> -> memref<64x32xf32, #tpu.memory_space<vmem>>
    %dma_start3A_417 = arith.constant 0 : i32
    %dma_start3A_418 = tpu.memref_slice %arg5[%dma_start3A_411, %dma_start3A_417] : memref<26x512xi32, #tpu.memory_space<vmem>> -> memref<1x64xi32, #tpu.memory_space<vmem>>
    %dma_start3A_419 = tpu.memref_squeeze %dma_start3A_418 : memref<1x64xi32, #tpu.memory_space<vmem>> -> memref<64xi32, #tpu.memory_space<vmem>>
    %dma_start3A_420 = arith.constant 0 : i32
    %dma_start3A_421 = arith.constant 0 : i32
    %dma_start3A_422 = tpu.memref_slice %arg3[%dma_start3A_410, %dma_start3A_420, %dma_start3A_421] : memref<26x100000x32xf32, #tpu.memory_space<hbm>> -> memref<1x100000x32xf32, #tpu.memory_space<hbm>>
    %dma_start3A_423 = tpu.memref_squeeze %dma_start3A_422 : memref<1x100000x32xf32, #tpu.memory_space<hbm>> -> memref<100000x32xf32, #tpu.memory_space<hbm>>
    %dma_start3A_424 = arith.constant 0 : i32
    %dma_start3A_425 = arith.constant 0 : i32
    %dma_start3A_426 = tpu.memref_slice %dma_start3A_423[%dma_start3A_424, %dma_start3A_425] : memref<100000x32xf32, #tpu.memory_space<hbm>> -> memref<100000x32xf32, #tpu.memory_space<hbm>>
    tpu.enqueue_indirect_dma source(%dma_start3A_426 : memref<100000x32xf32, #tpu.memory_space<hbm>>) target(%dma_start3A_416 : memref<64x32xf32, #tpu.memory_space<vmem>>) offsets(%dma_start3A_419 : memref<64xi32, #tpu.memory_space<vmem>>) semaphore(%arg8 : memref<!tpu.dma_semaphore, #tpu.memory_space<semaphore_mem>>)
    %dma_start3A_427 = arith.constant 25 : i32
    %dma_start3A_428 = arith.constant 25 : i32
    %dma_start3A_429 = arith.constant 25 : i32
    %dma_start3A_430 = arith.constant 0 : i32
    %dma_start3A_431 = arith.constant 0 : i32
    %dma_start3A_432 = tpu.memref_slice %arg6[%dma_start3A_429, %dma_start3A_430, %dma_start3A_431] : memref<26x64x32xf32, #tpu.memory_space<vmem>> -> memref<1x64x32xf32, #tpu.memory_space<vmem>>
    %dma_start3A_433 = tpu.memref_squeeze %dma_start3A_432 : memref<1x64x32xf32, #tpu.memory_space<vmem>> -> memref<64x32xf32, #tpu.memory_space<vmem>>
    %dma_start3A_434 = arith.constant 0 : i32
    %dma_start3A_435 = tpu.memref_slice %arg5[%dma_start3A_428, %dma_start3A_434] : memref<26x512xi32, #tpu.memory_space<vmem>> -> memref<1x64xi32, #tpu.memory_space<vmem>>
    %dma_start3A_436 = tpu.memref_squeeze %dma_start3A_435 : memref<1x64xi32, #tpu.memory_space<vmem>> -> memref<64xi32, #tpu.memory_space<vmem>>
    %dma_start3A_437 = arith.constant 0 : i32
    %dma_start3A_438 = arith.constant 0 : i32
    %dma_start3A_439 = tpu.memref_slice %arg3[%dma_start3A_427, %dma_start3A_437, %dma_start3A_438] : memref<26x100000x32xf32, #tpu.memory_space<hbm>> -> memref<1x100000x32xf32, #tpu.memory_space<hbm>>
    %dma_start3A_440 = tpu.memref_squeeze %dma_start3A_439 : memref<1x100000x32xf32, #tpu.memory_space<hbm>> -> memref<100000x32xf32, #tpu.memory_space<hbm>>
    %dma_start3A_441 = arith.constant 0 : i32
    %dma_start3A_442 = arith.constant 0 : i32
    %dma_start3A_443 = tpu.memref_slice %dma_start3A_440[%dma_start3A_441, %dma_start3A_442] : memref<100000x32xf32, #tpu.memory_space<hbm>> -> memref<100000x32xf32, #tpu.memory_space<hbm>>
    tpu.enqueue_indirect_dma source(%dma_start3A_443 : memref<100000x32xf32, #tpu.memory_space<hbm>>) target(%dma_start3A_433 : memref<64x32xf32, #tpu.memory_space<vmem>>) offsets(%dma_start3A_436 : memref<64xi32, #tpu.memory_space<vmem>>) semaphore(%arg8 : memref<!tpu.dma_semaphore, #tpu.memory_space<semaphore_mem>>)
    %scan3A = arith.constant 0 : i32
    %scan3A_444 = arith.constant 0 : i32
    %scan3A_445 = arith.constant 4 : i32
    %scan3A_446 = arith.addi %scan3A_444, %scan3A_445 : i32
    %scan3A_447 = arith.constant 1 : i32
    scf.for %scan3A_464 = %scan3A_444 to %scan3A_446 step %scan3A_447  : i32 {
      %mul3A_465 = arith.constant 2 : i32
      %mul3A_466 = arith.muli %mul3A_465, %scan3A_464 : i32
      %dma_wait3A_467 = arith.constant 0 : i32
      %dma_wait3A_468 = arith.constant 0 : i32
      %dma_wait3A_469 = arith.constant 0 : i32
      %dma_wait3A_470 = tpu.memref_slice %arg3[%dma_wait3A_467, %dma_wait3A_468, %dma_wait3A_469] : memref<26x100000x32xf32, #tpu.memory_space<hbm>> -> memref<26x64x32xf32, #tpu.memory_space<hbm>>
      %dma_wait3A_471 = arith.constant 0 : i32
      %dma_wait3A_472 = arith.constant 0 : i32
      %dma_wait3A_473 = arith.constant 0 : i32
      %dma_wait3A_474 = tpu.memref_slice %arg3[%dma_wait3A_471, %dma_wait3A_472, %dma_wait3A_473] : memref<26x100000x32xf32, #tpu.memory_space<hbm>> -> memref<26x64x32xf32, #tpu.memory_space<hbm>>
      tpu.wait_dma2 semaphore(%arg8 : memref<!tpu.dma_semaphore, #tpu.memory_space<semaphore_mem>>) src(%dma_wait3A_474 : memref<26x64x32xf32, #tpu.memory_space<hbm>>) dst(%arg6 : memref<26x64x32xf32, #tpu.memory_space<vmem>>)
      %mul3A_475 = arith.constant 64 : i32
      %mul3A_476 = arith.muli %mul3A_466, %mul3A_475 : i32
      %add3A_477 = arith.addi %mul3A_2, %mul3A_476 : i32
      %dma_start3A_478 = arith.constant 0 : i32
      %dma_start3A_479 = arith.constant 0 : i32
      %dma_start3A_480 = arith.constant 0 : i32
      %dma_start3A_481 = tpu.memref_slice %arg6[%dma_start3A_478, %dma_start3A_479, %dma_start3A_480] : memref<26x64x32xf32, #tpu.memory_space<vmem>> -> memref<1x64x32xf32, #tpu.memory_space<vmem>>
      %dma_start3A_482 = tpu.memref_squeeze %dma_start3A_481 : memref<1x64x32xf32, #tpu.memory_space<vmem>> -> memref<64x32xf32, #tpu.memory_space<vmem>>
      %dma_start3A_483 = arith.constant 0 : i32
      %dma_start3A_484 = tpu.memref_slice %arg4[%add3A_477, %dma_start3A_483] : memref<16384x832xf32, #tpu.memory_space<hbm>> -> memref<64x32xf32, #tpu.memory_space<hbm>>
      %dma_start3A_485 = arith.constant 0 : i32
      %dma_start3A_486 = tpu.memref_slice %arg4[%add3A_477, %dma_start3A_485] : memref<16384x832xf32, #tpu.memory_space<hbm>> -> memref<64x32xf32, #tpu.memory_space<hbm>>
      %dma_start3A_487 = arith.constant 0 : i32
      %dma_start3A_488 = arith.constant 0 : i32
      %dma_start3A_489 = tpu.memref_slice %arg6[%dma_start3A_478, %dma_start3A_487, %dma_start3A_488] : memref<26x64x32xf32, #tpu.memory_space<vmem>> -> memref<1x64x32xf32, #tpu.memory_space<vmem>>
      %dma_start3A_490 = tpu.memref_squeeze %dma_start3A_489 : memref<1x64x32xf32, #tpu.memory_space<vmem>> -> memref<64x32xf32, #tpu.memory_space<vmem>>
      tpu.enqueue_dma source(%dma_start3A_490 : memref<64x32xf32, #tpu.memory_space<vmem>>) target(%dma_start3A_486 : memref<64x32xf32, #tpu.memory_space<hbm>>) target_semaphore(%arg10 : memref<!tpu.dma_semaphore, #tpu.memory_space<semaphore_mem>>)
      %mul3A_491 = arith.constant 64 : i32
      %mul3A_492 = arith.muli %mul3A_466, %mul3A_491 : i32
      %add3A_493 = arith.addi %mul3A_2, %mul3A_492 : i32
      %dma_start3A_494 = arith.constant 1 : i32
      %dma_start3A_495 = arith.constant 0 : i32
      %dma_start3A_496 = arith.constant 0 : i32
      %dma_start3A_497 = tpu.memref_slice %arg6[%dma_start3A_494, %dma_start3A_495, %dma_start3A_496] : memref<26x64x32xf32, #tpu.memory_space<vmem>> -> memref<1x64x32xf32, #tpu.memory_space<vmem>>
      %dma_start3A_498 = tpu.memref_squeeze %dma_start3A_497 : memref<1x64x32xf32, #tpu.memory_space<vmem>> -> memref<64x32xf32, #tpu.memory_space<vmem>>
      %dma_start3A_499 = arith.constant 32 : i32
      %dma_start3A_500 = tpu.memref_slice %arg4[%add3A_493, %dma_start3A_499] : memref<16384x832xf32, #tpu.memory_space<hbm>> -> memref<64x32xf32, #tpu.memory_space<hbm>>
      %dma_start3A_501 = arith.constant 32 : i32
      %dma_start3A_502 = tpu.memref_slice %arg4[%add3A_493, %dma_start3A_501] : memref<16384x832xf32, #tpu.memory_space<hbm>> -> memref<64x32xf32, #tpu.memory_space<hbm>>
      %dma_start3A_503 = arith.constant 0 : i32
      %dma_start3A_504 = arith.constant 0 : i32
      %dma_start3A_505 = tpu.memref_slice %arg6[%dma_start3A_494, %dma_start3A_503, %dma_start3A_504] : memref<26x64x32xf32, #tpu.memory_space<vmem>> -> memref<1x64x32xf32, #tpu.memory_space<vmem>>
      %dma_start3A_506 = tpu.memref_squeeze %dma_start3A_505 : memref<1x64x32xf32, #tpu.memory_space<vmem>> -> memref<64x32xf32, #tpu.memory_space<vmem>>
      tpu.enqueue_dma source(%dma_start3A_506 : memref<64x32xf32, #tpu.memory_space<vmem>>) target(%dma_start3A_502 : memref<64x32xf32, #tpu.memory_space<hbm>>) target_semaphore(%arg10 : memref<!tpu.dma_semaphore, #tpu.memory_space<semaphore_mem>>)
      %mul3A_507 = arith.constant 64 : i32
      %mul3A_508 = arith.muli %mul3A_466, %mul3A_507 : i32
      %add3A_509 = arith.addi %mul3A_2, %mul3A_508 : i32
      %dma_start3A_510 = arith.constant 2 : i32
      %dma_start3A_511 = arith.constant 0 : i32
      %dma_start3A_512 = arith.constant 0 : i32
      %dma_start3A_513 = tpu.memref_slice %arg6[%dma_start3A_510, %dma_start3A_511, %dma_start3A_512] : memref<26x64x32xf32, #tpu.memory_space<vmem>> -> memref<1x64x32xf32, #tpu.memory_space<vmem>>
      %dma_start3A_514 = tpu.memref_squeeze %dma_start3A_513 : memref<1x64x32xf32, #tpu.memory_space<vmem>> -> memref<64x32xf32, #tpu.memory_space<vmem>>
      %dma_start3A_515 = arith.constant 64 : i32
      %dma_start3A_516 = tpu.memref_slice %arg4[%add3A_509, %dma_start3A_515] : memref<16384x832xf32, #tpu.memory_space<hbm>> -> memref<64x32xf32, #tpu.memory_space<hbm>>
      %dma_start3A_517 = arith.constant 64 : i32
      %dma_start3A_518 = tpu.memref_slice %arg4[%add3A_509, %dma_start3A_517] : memref<16384x832xf32, #tpu.memory_space<hbm>> -> memref<64x32xf32, #tpu.memory_space<hbm>>
      %dma_start3A_519 = arith.constant 0 : i32
      %dma_start3A_520 = arith.constant 0 : i32
      %dma_start3A_521 = tpu.memref_slice %arg6[%dma_start3A_510, %dma_start3A_519, %dma_start3A_520] : memref<26x64x32xf32, #tpu.memory_space<vmem>> -> memref<1x64x32xf32, #tpu.memory_space<vmem>>
      %dma_start3A_522 = tpu.memref_squeeze %dma_start3A_521 : memref<1x64x32xf32, #tpu.memory_space<vmem>> -> memref<64x32xf32, #tpu.memory_space<vmem>>
      tpu.enqueue_dma source(%dma_start3A_522 : memref<64x32xf32, #tpu.memory_space<vmem>>) target(%dma_start3A_518 : memref<64x32xf32, #tpu.memory_space<hbm>>) target_semaphore(%arg10 : memref<!tpu.dma_semaphore, #tpu.memory_space<semaphore_mem>>)
      %mul3A_523 = arith.constant 64 : i32
      %mul3A_524 = arith.muli %mul3A_466, %mul3A_523 : i32
      %add3A_525 = arith.addi %mul3A_2, %mul3A_524 : i32
      %dma_start3A_526 = arith.constant 3 : i32
      %dma_start3A_527 = arith.constant 0 : i32
      %dma_start3A_528 = arith.constant 0 : i32
      %dma_start3A_529 = tpu.memref_slice %arg6[%dma_start3A_526, %dma_start3A_527, %dma_start3A_528] : memref<26x64x32xf32, #tpu.memory_space<vmem>> -> memref<1x64x32xf32, #tpu.memory_space<vmem>>
      %dma_start3A_530 = tpu.memref_squeeze %dma_start3A_529 : memref<1x64x32xf32, #tpu.memory_space<vmem>> -> memref<64x32xf32, #tpu.memory_space<vmem>>
      %dma_start3A_531 = arith.constant 96 : i32
      %dma_start3A_532 = tpu.memref_slice %arg4[%add3A_525, %dma_start3A_531] : memref<16384x832xf32, #tpu.memory_space<hbm>> -> memref<64x32xf32, #tpu.memory_space<hbm>>
      %dma_start3A_533 = arith.constant 96 : i32
      %dma_start3A_534 = tpu.memref_slice %arg4[%add3A_525, %dma_start3A_533] : memref<16384x832xf32, #tpu.memory_space<hbm>> -> memref<64x32xf32, #tpu.memory_space<hbm>>
      %dma_start3A_535 = arith.constant 0 : i32
      %dma_start3A_536 = arith.constant 0 : i32
      %dma_start3A_537 = tpu.memref_slice %arg6[%dma_start3A_526, %dma_start3A_535, %dma_start3A_536] : memref<26x64x32xf32, #tpu.memory_space<vmem>> -> memref<1x64x32xf32, #tpu.memory_space<vmem>>
      %dma_start3A_538 = tpu.memref_squeeze %dma_start3A_537 : memref<1x64x32xf32, #tpu.memory_space<vmem>> -> memref<64x32xf32, #tpu.memory_space<vmem>>
      tpu.enqueue_dma source(%dma_start3A_538 : memref<64x32xf32, #tpu.memory_space<vmem>>) target(%dma_start3A_534 : memref<64x32xf32, #tpu.memory_space<hbm>>) target_semaphore(%arg10 : memref<!tpu.dma_semaphore, #tpu.memory_space<semaphore_mem>>)
      %mul3A_539 = arith.constant 64 : i32
      %mul3A_540 = arith.muli %mul3A_466, %mul3A_539 : i32
      %add3A_541 = arith.addi %mul3A_2, %mul3A_540 : i32
      %dma_start3A_542 = arith.constant 4 : i32
      %dma_start3A_543 = arith.constant 0 : i32
      %dma_start3A_544 = arith.constant 0 : i32
      %dma_start3A_545 = tpu.memref_slice %arg6[%dma_start3A_542, %dma_start3A_543, %dma_start3A_544] : memref<26x64x32xf32, #tpu.memory_space<vmem>> -> memref<1x64x32xf32, #tpu.memory_space<vmem>>
      %dma_start3A_546 = tpu.memref_squeeze %dma_start3A_545 : memref<1x64x32xf32, #tpu.memory_space<vmem>> -> memref<64x32xf32, #tpu.memory_space<vmem>>
      %dma_start3A_547 = arith.constant 128 : i32
      %dma_start3A_548 = tpu.memref_slice %arg4[%add3A_541, %dma_start3A_547] : memref<16384x832xf32, #tpu.memory_space<hbm>> -> memref<64x32xf32, #tpu.memory_space<hbm>>
      %dma_start3A_549 = arith.constant 128 : i32
      %dma_start3A_550 = tpu.memref_slice %arg4[%add3A_541, %dma_start3A_549] : memref<16384x832xf32, #tpu.memory_space<hbm>> -> memref<64x32xf32, #tpu.memory_space<hbm>>
      %dma_start3A_551 = arith.constant 0 : i32
      %dma_start3A_552 = arith.constant 0 : i32
      %dma_start3A_553 = tpu.memref_slice %arg6[%dma_start3A_542, %dma_start3A_551, %dma_start3A_552] : memref<26x64x32xf32, #tpu.memory_space<vmem>> -> memref<1x64x32xf32, #tpu.memory_space<vmem>>
      %dma_start3A_554 = tpu.memref_squeeze %dma_start3A_553 : memref<1x64x32xf32, #tpu.memory_space<vmem>> -> memref<64x32xf32, #tpu.memory_space<vmem>>
      tpu.enqueue_dma source(%dma_start3A_554 : memref<64x32xf32, #tpu.memory_space<vmem>>) target(%dma_start3A_550 : memref<64x32xf32, #tpu.memory_space<hbm>>) target_semaphore(%arg10 : memref<!tpu.dma_semaphore, #tpu.memory_space<semaphore_mem>>)
      %mul3A_555 = arith.constant 64 : i32
      %mul3A_556 = arith.muli %mul3A_466, %mul3A_555 : i32
      %add3A_557 = arith.addi %mul3A_2, %mul3A_556 : i32
      %dma_start3A_558 = arith.constant 5 : i32
      %dma_start3A_559 = arith.constant 0 : i32
      %dma_start3A_560 = arith.constant 0 : i32
      %dma_start3A_561 = tpu.memref_slice %arg6[%dma_start3A_558, %dma_start3A_559, %dma_start3A_560] : memref<26x64x32xf32, #tpu.memory_space<vmem>> -> memref<1x64x32xf32, #tpu.memory_space<vmem>>
      %dma_start3A_562 = tpu.memref_squeeze %dma_start3A_561 : memref<1x64x32xf32, #tpu.memory_space<vmem>> -> memref<64x32xf32, #tpu.memory_space<vmem>>
      %dma_start3A_563 = arith.constant 160 : i32
      %dma_start3A_564 = tpu.memref_slice %arg4[%add3A_557, %dma_start3A_563] : memref<16384x832xf32, #tpu.memory_space<hbm>> -> memref<64x32xf32, #tpu.memory_space<hbm>>
      %dma_start3A_565 = arith.constant 160 : i32
      %dma_start3A_566 = tpu.memref_slice %arg4[%add3A_557, %dma_start3A_565] : memref<16384x832xf32, #tpu.memory_space<hbm>> -> memref<64x32xf32, #tpu.memory_space<hbm>>
      %dma_start3A_567 = arith.constant 0 : i32
      %dma_start3A_568 = arith.constant 0 : i32
      %dma_start3A_569 = tpu.memref_slice %arg6[%dma_start3A_558, %dma_start3A_567, %dma_start3A_568] : memref<26x64x32xf32, #tpu.memory_space<vmem>> -> memref<1x64x32xf32, #tpu.memory_space<vmem>>
      %dma_start3A_570 = tpu.memref_squeeze %dma_start3A_569 : memref<1x64x32xf32, #tpu.memory_space<vmem>> -> memref<64x32xf32, #tpu.memory_space<vmem>>
      tpu.enqueue_dma source(%dma_start3A_570 : memref<64x32xf32, #tpu.memory_space<vmem>>) target(%dma_start3A_566 : memref<64x32xf32, #tpu.memory_space<hbm>>) target_semaphore(%arg10 : memref<!tpu.dma_semaphore, #tpu.memory_space<semaphore_mem>>)
      %mul3A_571 = arith.constant 64 : i32
      %mul3A_572 = arith.muli %mul3A_466, %mul3A_571 : i32
      %add3A_573 = arith.addi %mul3A_2, %mul3A_572 : i32
      %dma_start3A_574 = arith.constant 6 : i32
      %dma_start3A_575 = arith.constant 0 : i32
      %dma_start3A_576 = arith.constant 0 : i32
      %dma_start3A_577 = tpu.memref_slice %arg6[%dma_start3A_574, %dma_start3A_575, %dma_start3A_576] : memref<26x64x32xf32, #tpu.memory_space<vmem>> -> memref<1x64x32xf32, #tpu.memory_space<vmem>>
      %dma_start3A_578 = tpu.memref_squeeze %dma_start3A_577 : memref<1x64x32xf32, #tpu.memory_space<vmem>> -> memref<64x32xf32, #tpu.memory_space<vmem>>
      %dma_start3A_579 = arith.constant 192 : i32
      %dma_start3A_580 = tpu.memref_slice %arg4[%add3A_573, %dma_start3A_579] : memref<16384x832xf32, #tpu.memory_space<hbm>> -> memref<64x32xf32, #tpu.memory_space<hbm>>
      %dma_start3A_581 = arith.constant 192 : i32
      %dma_start3A_582 = tpu.memref_slice %arg4[%add3A_573, %dma_start3A_581] : memref<16384x832xf32, #tpu.memory_space<hbm>> -> memref<64x32xf32, #tpu.memory_space<hbm>>
      %dma_start3A_583 = arith.constant 0 : i32
      %dma_start3A_584 = arith.constant 0 : i32
      %dma_start3A_585 = tpu.memref_slice %arg6[%dma_start3A_574, %dma_start3A_583, %dma_start3A_584] : memref<26x64x32xf32, #tpu.memory_space<vmem>> -> memref<1x64x32xf32, #tpu.memory_space<vmem>>
      %dma_start3A_586 = tpu.memref_squeeze %dma_start3A_585 : memref<1x64x32xf32, #tpu.memory_space<vmem>> -> memref<64x32xf32, #tpu.memory_space<vmem>>
      tpu.enqueue_dma source(%dma_start3A_586 : memref<64x32xf32, #tpu.memory_space<vmem>>) target(%dma_start3A_582 : memref<64x32xf32, #tpu.memory_space<hbm>>) target_semaphore(%arg10 : memref<!tpu.dma_semaphore, #tpu.memory_space<semaphore_mem>>)
      %mul3A_587 = arith.constant 64 : i32
      %mul3A_588 = arith.muli %mul3A_466, %mul3A_587 : i32
      %add3A_589 = arith.addi %mul3A_2, %mul3A_588 : i32
      %dma_start3A_590 = arith.constant 7 : i32
      %dma_start3A_591 = arith.constant 0 : i32
      %dma_start3A_592 = arith.constant 0 : i32
      %dma_start3A_593 = tpu.memref_slice %arg6[%dma_start3A_590, %dma_start3A_591, %dma_start3A_592] : memref<26x64x32xf32, #tpu.memory_space<vmem>> -> memref<1x64x32xf32, #tpu.memory_space<vmem>>
      %dma_start3A_594 = tpu.memref_squeeze %dma_start3A_593 : memref<1x64x32xf32, #tpu.memory_space<vmem>> -> memref<64x32xf32, #tpu.memory_space<vmem>>
      %dma_start3A_595 = arith.constant 224 : i32
      %dma_start3A_596 = tpu.memref_slice %arg4[%add3A_589, %dma_start3A_595] : memref<16384x832xf32, #tpu.memory_space<hbm>> -> memref<64x32xf32, #tpu.memory_space<hbm>>
      %dma_start3A_597 = arith.constant 224 : i32
      %dma_start3A_598 = tpu.memref_slice %arg4[%add3A_589, %dma_start3A_597] : memref<16384x832xf32, #tpu.memory_space<hbm>> -> memref<64x32xf32, #tpu.memory_space<hbm>>
      %dma_start3A_599 = arith.constant 0 : i32
      %dma_start3A_600 = arith.constant 0 : i32
      %dma_start3A_601 = tpu.memref_slice %arg6[%dma_start3A_590, %dma_start3A_599, %dma_start3A_600] : memref<26x64x32xf32, #tpu.memory_space<vmem>> -> memref<1x64x32xf32, #tpu.memory_space<vmem>>
      %dma_start3A_602 = tpu.memref_squeeze %dma_start3A_601 : memref<1x64x32xf32, #tpu.memory_space<vmem>> -> memref<64x32xf32, #tpu.memory_space<vmem>>
      tpu.enqueue_dma source(%dma_start3A_602 : memref<64x32xf32, #tpu.memory_space<vmem>>) target(%dma_start3A_598 : memref<64x32xf32, #tpu.memory_space<hbm>>) target_semaphore(%arg10 : memref<!tpu.dma_semaphore, #tpu.memory_space<semaphore_mem>>)
      %mul3A_603 = arith.constant 64 : i32
      %mul3A_604 = arith.muli %mul3A_466, %mul3A_603 : i32
      %add3A_605 = arith.addi %mul3A_2, %mul3A_604 : i32
      %dma_start3A_606 = arith.constant 8 : i32
      %dma_start3A_607 = arith.constant 0 : i32
      %dma_start3A_608 = arith.constant 0 : i32
      %dma_start3A_609 = tpu.memref_slice %arg6[%dma_start3A_606, %dma_start3A_607, %dma_start3A_608] : memref<26x64x32xf32, #tpu.memory_space<vmem>> -> memref<1x64x32xf32, #tpu.memory_space<vmem>>
      %dma_start3A_610 = tpu.memref_squeeze %dma_start3A_609 : memref<1x64x32xf32, #tpu.memory_space<vmem>> -> memref<64x32xf32, #tpu.memory_space<vmem>>
      %dma_start3A_611 = arith.constant 256 : i32
      %dma_start3A_612 = tpu.memref_slice %arg4[%add3A_605, %dma_start3A_611] : memref<16384x832xf32, #tpu.memory_space<hbm>> -> memref<64x32xf32, #tpu.memory_space<hbm>>
      %dma_start3A_613 = arith.constant 256 : i32
      %dma_start3A_614 = tpu.memref_slice %arg4[%add3A_605, %dma_start3A_613] : memref<16384x832xf32, #tpu.memory_space<hbm>> -> memref<64x32xf32, #tpu.memory_space<hbm>>
      %dma_start3A_615 = arith.constant 0 : i32
      %dma_start3A_616 = arith.constant 0 : i32
      %dma_start3A_617 = tpu.memref_slice %arg6[%dma_start3A_606, %dma_start3A_615, %dma_start3A_616] : memref<26x64x32xf32, #tpu.memory_space<vmem>> -> memref<1x64x32xf32, #tpu.memory_space<vmem>>
      %dma_start3A_618 = tpu.memref_squeeze %dma_start3A_617 : memref<1x64x32xf32, #tpu.memory_space<vmem>> -> memref<64x32xf32, #tpu.memory_space<vmem>>
      tpu.enqueue_dma source(%dma_start3A_618 : memref<64x32xf32, #tpu.memory_space<vmem>>) target(%dma_start3A_614 : memref<64x32xf32, #tpu.memory_space<hbm>>) target_semaphore(%arg10 : memref<!tpu.dma_semaphore, #tpu.memory_space<semaphore_mem>>)
      %mul3A_619 = arith.constant 64 : i32
      %mul3A_620 = arith.muli %mul3A_466, %mul3A_619 : i32
      %add3A_621 = arith.addi %mul3A_2, %mul3A_620 : i32
      %dma_start3A_622 = arith.constant 9 : i32
      %dma_start3A_623 = arith.constant 0 : i32
      %dma_start3A_624 = arith.constant 0 : i32
      %dma_start3A_625 = tpu.memref_slice %arg6[%dma_start3A_622, %dma_start3A_623, %dma_start3A_624] : memref<26x64x32xf32, #tpu.memory_space<vmem>> -> memref<1x64x32xf32, #tpu.memory_space<vmem>>
      %dma_start3A_626 = tpu.memref_squeeze %dma_start3A_625 : memref<1x64x32xf32, #tpu.memory_space<vmem>> -> memref<64x32xf32, #tpu.memory_space<vmem>>
      %dma_start3A_627 = arith.constant 288 : i32
      %dma_start3A_628 = tpu.memref_slice %arg4[%add3A_621, %dma_start3A_627] : memref<16384x832xf32, #tpu.memory_space<hbm>> -> memref<64x32xf32, #tpu.memory_space<hbm>>
      %dma_start3A_629 = arith.constant 288 : i32
      %dma_start3A_630 = tpu.memref_slice %arg4[%add3A_621, %dma_start3A_629] : memref<16384x832xf32, #tpu.memory_space<hbm>> -> memref<64x32xf32, #tpu.memory_space<hbm>>
      %dma_start3A_631 = arith.constant 0 : i32
      %dma_start3A_632 = arith.constant 0 : i32
      %dma_start3A_633 = tpu.memref_slice %arg6[%dma_start3A_622, %dma_start3A_631, %dma_start3A_632] : memref<26x64x32xf32, #tpu.memory_space<vmem>> -> memref<1x64x32xf32, #tpu.memory_space<vmem>>
      %dma_start3A_634 = tpu.memref_squeeze %dma_start3A_633 : memref<1x64x32xf32, #tpu.memory_space<vmem>> -> memref<64x32xf32, #tpu.memory_space<vmem>>
      tpu.enqueue_dma source(%dma_start3A_634 : memref<64x32xf32, #tpu.memory_space<vmem>>) target(%dma_start3A_630 : memref<64x32xf32, #tpu.memory_space<hbm>>) target_semaphore(%arg10 : memref<!tpu.dma_semaphore, #tpu.memory_space<semaphore_mem>>)
      %mul3A_635 = arith.constant 64 : i32
      %mul3A_636 = arith.muli %mul3A_466, %mul3A_635 : i32
      %add3A_637 = arith.addi %mul3A_2, %mul3A_636 : i32
      %dma_start3A_638 = arith.constant 10 : i32
      %dma_start3A_639 = arith.constant 0 : i32
      %dma_start3A_640 = arith.constant 0 : i32
      %dma_start3A_641 = tpu.memref_slice %arg6[%dma_start3A_638, %dma_start3A_639, %dma_start3A_640] : memref<26x64x32xf32, #tpu.memory_space<vmem>> -> memref<1x64x32xf32, #tpu.memory_space<vmem>>
      %dma_start3A_642 = tpu.memref_squeeze %dma_start3A_641 : memref<1x64x32xf32, #tpu.memory_space<vmem>> -> memref<64x32xf32, #tpu.memory_space<vmem>>
      %dma_start3A_643 = arith.constant 320 : i32
      %dma_start3A_644 = tpu.memref_slice %arg4[%add3A_637, %dma_start3A_643] : memref<16384x832xf32, #tpu.memory_space<hbm>> -> memref<64x32xf32, #tpu.memory_space<hbm>>
      %dma_start3A_645 = arith.constant 320 : i32
      %dma_start3A_646 = tpu.memref_slice %arg4[%add3A_637, %dma_start3A_645] : memref<16384x832xf32, #tpu.memory_space<hbm>> -> memref<64x32xf32, #tpu.memory_space<hbm>>
      %dma_start3A_647 = arith.constant 0 : i32
      %dma_start3A_648 = arith.constant 0 : i32
      %dma_start3A_649 = tpu.memref_slice %arg6[%dma_start3A_638, %dma_start3A_647, %dma_start3A_648] : memref<26x64x32xf32, #tpu.memory_space<vmem>> -> memref<1x64x32xf32, #tpu.memory_space<vmem>>
      %dma_start3A_650 = tpu.memref_squeeze %dma_start3A_649 : memref<1x64x32xf32, #tpu.memory_space<vmem>> -> memref<64x32xf32, #tpu.memory_space<vmem>>
      tpu.enqueue_dma source(%dma_start3A_650 : memref<64x32xf32, #tpu.memory_space<vmem>>) target(%dma_start3A_646 : memref<64x32xf32, #tpu.memory_space<hbm>>) target_semaphore(%arg10 : memref<!tpu.dma_semaphore, #tpu.memory_space<semaphore_mem>>)
      %mul3A_651 = arith.constant 64 : i32
      %mul3A_652 = arith.muli %mul3A_466, %mul3A_651 : i32
      %add3A_653 = arith.addi %mul3A_2, %mul3A_652 : i32
      %dma_start3A_654 = arith.constant 11 : i32
      %dma_start3A_655 = arith.constant 0 : i32
      %dma_start3A_656 = arith.constant 0 : i32
      %dma_start3A_657 = tpu.memref_slice %arg6[%dma_start3A_654, %dma_start3A_655, %dma_start3A_656] : memref<26x64x32xf32, #tpu.memory_space<vmem>> -> memref<1x64x32xf32, #tpu.memory_space<vmem>>
      %dma_start3A_658 = tpu.memref_squeeze %dma_start3A_657 : memref<1x64x32xf32, #tpu.memory_space<vmem>> -> memref<64x32xf32, #tpu.memory_space<vmem>>
      %dma_start3A_659 = arith.constant 352 : i32
      %dma_start3A_660 = tpu.memref_slice %arg4[%add3A_653, %dma_start3A_659] : memref<16384x832xf32, #tpu.memory_space<hbm>> -> memref<64x32xf32, #tpu.memory_space<hbm>>
      %dma_start3A_661 = arith.constant 352 : i32
      %dma_start3A_662 = tpu.memref_slice %arg4[%add3A_653, %dma_start3A_661] : memref<16384x832xf32, #tpu.memory_space<hbm>> -> memref<64x32xf32, #tpu.memory_space<hbm>>
      %dma_start3A_663 = arith.constant 0 : i32
      %dma_start3A_664 = arith.constant 0 : i32
      %dma_start3A_665 = tpu.memref_slice %arg6[%dma_start3A_654, %dma_start3A_663, %dma_start3A_664] : memref<26x64x32xf32, #tpu.memory_space<vmem>> -> memref<1x64x32xf32, #tpu.memory_space<vmem>>
      %dma_start3A_666 = tpu.memref_squeeze %dma_start3A_665 : memref<1x64x32xf32, #tpu.memory_space<vmem>> -> memref<64x32xf32, #tpu.memory_space<vmem>>
      tpu.enqueue_dma source(%dma_start3A_666 : memref<64x32xf32, #tpu.memory_space<vmem>>) target(%dma_start3A_662 : memref<64x32xf32, #tpu.memory_space<hbm>>) target_semaphore(%arg10 : memref<!tpu.dma_semaphore, #tpu.memory_space<semaphore_mem>>)
      %mul3A_667 = arith.constant 64 : i32
      %mul3A_668 = arith.muli %mul3A_466, %mul3A_667 : i32
      %add3A_669 = arith.addi %mul3A_2, %mul3A_668 : i32
      %dma_start3A_670 = arith.constant 12 : i32
      %dma_start3A_671 = arith.constant 0 : i32
      %dma_start3A_672 = arith.constant 0 : i32
      %dma_start3A_673 = tpu.memref_slice %arg6[%dma_start3A_670, %dma_start3A_671, %dma_start3A_672] : memref<26x64x32xf32, #tpu.memory_space<vmem>> -> memref<1x64x32xf32, #tpu.memory_space<vmem>>
      %dma_start3A_674 = tpu.memref_squeeze %dma_start3A_673 : memref<1x64x32xf32, #tpu.memory_space<vmem>> -> memref<64x32xf32, #tpu.memory_space<vmem>>
      %dma_start3A_675 = arith.constant 384 : i32
      %dma_start3A_676 = tpu.memref_slice %arg4[%add3A_669, %dma_start3A_675] : memref<16384x832xf32, #tpu.memory_space<hbm>> -> memref<64x32xf32, #tpu.memory_space<hbm>>
      %dma_start3A_677 = arith.constant 384 : i32
      %dma_start3A_678 = tpu.memref_slice %arg4[%add3A_669, %dma_start3A_677] : memref<16384x832xf32, #tpu.memory_space<hbm>> -> memref<64x32xf32, #tpu.memory_space<hbm>>
      %dma_start3A_679 = arith.constant 0 : i32
      %dma_start3A_680 = arith.constant 0 : i32
      %dma_start3A_681 = tpu.memref_slice %arg6[%dma_start3A_670, %dma_start3A_679, %dma_start3A_680] : memref<26x64x32xf32, #tpu.memory_space<vmem>> -> memref<1x64x32xf32, #tpu.memory_space<vmem>>
      %dma_start3A_682 = tpu.memref_squeeze %dma_start3A_681 : memref<1x64x32xf32, #tpu.memory_space<vmem>> -> memref<64x32xf32, #tpu.memory_space<vmem>>
      tpu.enqueue_dma source(%dma_start3A_682 : memref<64x32xf32, #tpu.memory_space<vmem>>) target(%dma_start3A_678 : memref<64x32xf32, #tpu.memory_space<hbm>>) target_semaphore(%arg10 : memref<!tpu.dma_semaphore, #tpu.memory_space<semaphore_mem>>)
      %mul3A_683 = arith.constant 64 : i32
      %mul3A_684 = arith.muli %mul3A_466, %mul3A_683 : i32
      %add3A_685 = arith.addi %mul3A_2, %mul3A_684 : i32
      %dma_start3A_686 = arith.constant 13 : i32
      %dma_start3A_687 = arith.constant 0 : i32
      %dma_start3A_688 = arith.constant 0 : i32
      %dma_start3A_689 = tpu.memref_slice %arg6[%dma_start3A_686, %dma_start3A_687, %dma_start3A_688] : memref<26x64x32xf32, #tpu.memory_space<vmem>> -> memref<1x64x32xf32, #tpu.memory_space<vmem>>
      %dma_start3A_690 = tpu.memref_squeeze %dma_start3A_689 : memref<1x64x32xf32, #tpu.memory_space<vmem>> -> memref<64x32xf32, #tpu.memory_space<vmem>>
      %dma_start3A_691 = arith.constant 416 : i32
      %dma_start3A_692 = tpu.memref_slice %arg4[%add3A_685, %dma_start3A_691] : memref<16384x832xf32, #tpu.memory_space<hbm>> -> memref<64x32xf32, #tpu.memory_space<hbm>>
      %dma_start3A_693 = arith.constant 416 : i32
      %dma_start3A_694 = tpu.memref_slice %arg4[%add3A_685, %dma_start3A_693] : memref<16384x832xf32, #tpu.memory_space<hbm>> -> memref<64x32xf32, #tpu.memory_space<hbm>>
      %dma_start3A_695 = arith.constant 0 : i32
      %dma_start3A_696 = arith.constant 0 : i32
      %dma_start3A_697 = tpu.memref_slice %arg6[%dma_start3A_686, %dma_start3A_695, %dma_start3A_696] : memref<26x64x32xf32, #tpu.memory_space<vmem>> -> memref<1x64x32xf32, #tpu.memory_space<vmem>>
      %dma_start3A_698 = tpu.memref_squeeze %dma_start3A_697 : memref<1x64x32xf32, #tpu.memory_space<vmem>> -> memref<64x32xf32, #tpu.memory_space<vmem>>
      tpu.enqueue_dma source(%dma_start3A_698 : memref<64x32xf32, #tpu.memory_space<vmem>>) target(%dma_start3A_694 : memref<64x32xf32, #tpu.memory_space<hbm>>) target_semaphore(%arg10 : memref<!tpu.dma_semaphore, #tpu.memory_space<semaphore_mem>>)
      %mul3A_699 = arith.constant 64 : i32
      %mul3A_700 = arith.muli %mul3A_466, %mul3A_699 : i32
      %add3A_701 = arith.addi %mul3A_2, %mul3A_700 : i32
      %dma_start3A_702 = arith.constant 14 : i32
      %dma_start3A_703 = arith.constant 0 : i32
      %dma_start3A_704 = arith.constant 0 : i32
      %dma_start3A_705 = tpu.memref_slice %arg6[%dma_start3A_702, %dma_start3A_703, %dma_start3A_704] : memref<26x64x32xf32, #tpu.memory_space<vmem>> -> memref<1x64x32xf32, #tpu.memory_space<vmem>>
      %dma_start3A_706 = tpu.memref_squeeze %dma_start3A_705 : memref<1x64x32xf32, #tpu.memory_space<vmem>> -> memref<64x32xf32, #tpu.memory_space<vmem>>
      %dma_start3A_707 = arith.constant 448 : i32
      %dma_start3A_708 = tpu.memref_slice %arg4[%add3A_701, %dma_start3A_707] : memref<16384x832xf32, #tpu.memory_space<hbm>> -> memref<64x32xf32, #tpu.memory_space<hbm>>
      %dma_start3A_709 = arith.constant 448 : i32
      %dma_start3A_710 = tpu.memref_slice %arg4[%add3A_701, %dma_start3A_709] : memref<16384x832xf32, #tpu.memory_space<hbm>> -> memref<64x32xf32, #tpu.memory_space<hbm>>
      %dma_start3A_711 = arith.constant 0 : i32
      %dma_start3A_712 = arith.constant 0 : i32
      %dma_start3A_713 = tpu.memref_slice %arg6[%dma_start3A_702, %dma_start3A_711, %dma_start3A_712] : memref<26x64x32xf32, #tpu.memory_space<vmem>> -> memref<1x64x32xf32, #tpu.memory_space<vmem>>
      %dma_start3A_714 = tpu.memref_squeeze %dma_start3A_713 : memref<1x64x32xf32, #tpu.memory_space<vmem>> -> memref<64x32xf32, #tpu.memory_space<vmem>>
      tpu.enqueue_dma source(%dma_start3A_714 : memref<64x32xf32, #tpu.memory_space<vmem>>) target(%dma_start3A_710 : memref<64x32xf32, #tpu.memory_space<hbm>>) target_semaphore(%arg10 : memref<!tpu.dma_semaphore, #tpu.memory_space<semaphore_mem>>)
      %mul3A_715 = arith.constant 64 : i32
      %mul3A_716 = arith.muli %mul3A_466, %mul3A_715 : i32
      %add3A_717 = arith.addi %mul3A_2, %mul3A_716 : i32
      %dma_start3A_718 = arith.constant 15 : i32
      %dma_start3A_719 = arith.constant 0 : i32
      %dma_start3A_720 = arith.constant 0 : i32
      %dma_start3A_721 = tpu.memref_slice %arg6[%dma_start3A_718, %dma_start3A_719, %dma_start3A_720] : memref<26x64x32xf32, #tpu.memory_space<vmem>> -> memref<1x64x32xf32, #tpu.memory_space<vmem>>
      %dma_start3A_722 = tpu.memref_squeeze %dma_start3A_721 : memref<1x64x32xf32, #tpu.memory_space<vmem>> -> memref<64x32xf32, #tpu.memory_space<vmem>>
      %dma_start3A_723 = arith.constant 480 : i32
      %dma_start3A_724 = tpu.memref_slice %arg4[%add3A_717, %dma_start3A_723] : memref<16384x832xf32, #tpu.memory_space<hbm>> -> memref<64x32xf32, #tpu.memory_space<hbm>>
      %dma_start3A_725 = arith.constant 480 : i32
      %dma_start3A_726 = tpu.memref_slice %arg4[%add3A_717, %dma_start3A_725] : memref<16384x832xf32, #tpu.memory_space<hbm>> -> memref<64x32xf32, #tpu.memory_space<hbm>>
      %dma_start3A_727 = arith.constant 0 : i32
      %dma_start3A_728 = arith.constant 0 : i32
      %dma_start3A_729 = tpu.memref_slice %arg6[%dma_start3A_718, %dma_start3A_727, %dma_start3A_728] : memref<26x64x32xf32, #tpu.memory_space<vmem>> -> memref<1x64x32xf32, #tpu.memory_space<vmem>>
      %dma_start3A_730 = tpu.memref_squeeze %dma_start3A_729 : memref<1x64x32xf32, #tpu.memory_space<vmem>> -> memref<64x32xf32, #tpu.memory_space<vmem>>
      tpu.enqueue_dma source(%dma_start3A_730 : memref<64x32xf32, #tpu.memory_space<vmem>>) target(%dma_start3A_726 : memref<64x32xf32, #tpu.memory_space<hbm>>) target_semaphore(%arg10 : memref<!tpu.dma_semaphore, #tpu.memory_space<semaphore_mem>>)
      %mul3A_731 = arith.constant 64 : i32
      %mul3A_732 = arith.muli %mul3A_466, %mul3A_731 : i32
      %add3A_733 = arith.addi %mul3A_2, %mul3A_732 : i32
      %dma_start3A_734 = arith.constant 16 : i32
      %dma_start3A_735 = arith.constant 0 : i32
      %dma_start3A_736 = arith.constant 0 : i32
      %dma_start3A_737 = tpu.memref_slice %arg6[%dma_start3A_734, %dma_start3A_735, %dma_start3A_736] : memref<26x64x32xf32, #tpu.memory_space<vmem>> -> memref<1x64x32xf32, #tpu.memory_space<vmem>>
      %dma_start3A_738 = tpu.memref_squeeze %dma_start3A_737 : memref<1x64x32xf32, #tpu.memory_space<vmem>> -> memref<64x32xf32, #tpu.memory_space<vmem>>
      %dma_start3A_739 = arith.constant 512 : i32
      %dma_start3A_740 = tpu.memref_slice %arg4[%add3A_733, %dma_start3A_739] : memref<16384x832xf32, #tpu.memory_space<hbm>> -> memref<64x32xf32, #tpu.memory_space<hbm>>
      %dma_start3A_741 = arith.constant 512 : i32
      %dma_start3A_742 = tpu.memref_slice %arg4[%add3A_733, %dma_start3A_741] : memref<16384x832xf32, #tpu.memory_space<hbm>> -> memref<64x32xf32, #tpu.memory_space<hbm>>
      %dma_start3A_743 = arith.constant 0 : i32
      %dma_start3A_744 = arith.constant 0 : i32
      %dma_start3A_745 = tpu.memref_slice %arg6[%dma_start3A_734, %dma_start3A_743, %dma_start3A_744] : memref<26x64x32xf32, #tpu.memory_space<vmem>> -> memref<1x64x32xf32, #tpu.memory_space<vmem>>
      %dma_start3A_746 = tpu.memref_squeeze %dma_start3A_745 : memref<1x64x32xf32, #tpu.memory_space<vmem>> -> memref<64x32xf32, #tpu.memory_space<vmem>>
      tpu.enqueue_dma source(%dma_start3A_746 : memref<64x32xf32, #tpu.memory_space<vmem>>) target(%dma_start3A_742 : memref<64x32xf32, #tpu.memory_space<hbm>>) target_semaphore(%arg10 : memref<!tpu.dma_semaphore, #tpu.memory_space<semaphore_mem>>)
      %mul3A_747 = arith.constant 64 : i32
      %mul3A_748 = arith.muli %mul3A_466, %mul3A_747 : i32
      %add3A_749 = arith.addi %mul3A_2, %mul3A_748 : i32
      %dma_start3A_750 = arith.constant 17 : i32
      %dma_start3A_751 = arith.constant 0 : i32
      %dma_start3A_752 = arith.constant 0 : i32
      %dma_start3A_753 = tpu.memref_slice %arg6[%dma_start3A_750, %dma_start3A_751, %dma_start3A_752] : memref<26x64x32xf32, #tpu.memory_space<vmem>> -> memref<1x64x32xf32, #tpu.memory_space<vmem>>
      %dma_start3A_754 = tpu.memref_squeeze %dma_start3A_753 : memref<1x64x32xf32, #tpu.memory_space<vmem>> -> memref<64x32xf32, #tpu.memory_space<vmem>>
      %dma_start3A_755 = arith.constant 544 : i32
      %dma_start3A_756 = tpu.memref_slice %arg4[%add3A_749, %dma_start3A_755] : memref<16384x832xf32, #tpu.memory_space<hbm>> -> memref<64x32xf32, #tpu.memory_space<hbm>>
      %dma_start3A_757 = arith.constant 544 : i32
      %dma_start3A_758 = tpu.memref_slice %arg4[%add3A_749, %dma_start3A_757] : memref<16384x832xf32, #tpu.memory_space<hbm>> -> memref<64x32xf32, #tpu.memory_space<hbm>>
      %dma_start3A_759 = arith.constant 0 : i32
      %dma_start3A_760 = arith.constant 0 : i32
      %dma_start3A_761 = tpu.memref_slice %arg6[%dma_start3A_750, %dma_start3A_759, %dma_start3A_760] : memref<26x64x32xf32, #tpu.memory_space<vmem>> -> memref<1x64x32xf32, #tpu.memory_space<vmem>>
      %dma_start3A_762 = tpu.memref_squeeze %dma_start3A_761 : memref<1x64x32xf32, #tpu.memory_space<vmem>> -> memref<64x32xf32, #tpu.memory_space<vmem>>
      tpu.enqueue_dma source(%dma_start3A_762 : memref<64x32xf32, #tpu.memory_space<vmem>>) target(%dma_start3A_758 : memref<64x32xf32, #tpu.memory_space<hbm>>) target_semaphore(%arg10 : memref<!tpu.dma_semaphore, #tpu.memory_space<semaphore_mem>>)
      %mul3A_763 = arith.constant 64 : i32
      %mul3A_764 = arith.muli %mul3A_466, %mul3A_763 : i32
      %add3A_765 = arith.addi %mul3A_2, %mul3A_764 : i32
      %dma_start3A_766 = arith.constant 18 : i32
      %dma_start3A_767 = arith.constant 0 : i32
      %dma_start3A_768 = arith.constant 0 : i32
      %dma_start3A_769 = tpu.memref_slice %arg6[%dma_start3A_766, %dma_start3A_767, %dma_start3A_768] : memref<26x64x32xf32, #tpu.memory_space<vmem>> -> memref<1x64x32xf32, #tpu.memory_space<vmem>>
      %dma_start3A_770 = tpu.memref_squeeze %dma_start3A_769 : memref<1x64x32xf32, #tpu.memory_space<vmem>> -> memref<64x32xf32, #tpu.memory_space<vmem>>
      %dma_start3A_771 = arith.constant 576 : i32
      %dma_start3A_772 = tpu.memref_slice %arg4[%add3A_765, %dma_start3A_771] : memref<16384x832xf32, #tpu.memory_space<hbm>> -> memref<64x32xf32, #tpu.memory_space<hbm>>
      %dma_start3A_773 = arith.constant 576 : i32
      %dma_start3A_774 = tpu.memref_slice %arg4[%add3A_765, %dma_start3A_773] : memref<16384x832xf32, #tpu.memory_space<hbm>> -> memref<64x32xf32, #tpu.memory_space<hbm>>
      %dma_start3A_775 = arith.constant 0 : i32
      %dma_start3A_776 = arith.constant 0 : i32
      %dma_start3A_777 = tpu.memref_slice %arg6[%dma_start3A_766, %dma_start3A_775, %dma_start3A_776] : memref<26x64x32xf32, #tpu.memory_space<vmem>> -> memref<1x64x32xf32, #tpu.memory_space<vmem>>
      %dma_start3A_778 = tpu.memref_squeeze %dma_start3A_777 : memref<1x64x32xf32, #tpu.memory_space<vmem>> -> memref<64x32xf32, #tpu.memory_space<vmem>>
      tpu.enqueue_dma source(%dma_start3A_778 : memref<64x32xf32, #tpu.memory_space<vmem>>) target(%dma_start3A_774 : memref<64x32xf32, #tpu.memory_space<hbm>>) target_semaphore(%arg10 : memref<!tpu.dma_semaphore, #tpu.memory_space<semaphore_mem>>)
      %mul3A_779 = arith.constant 64 : i32
      %mul3A_780 = arith.muli %mul3A_466, %mul3A_779 : i32
      %add3A_781 = arith.addi %mul3A_2, %mul3A_780 : i32
      %dma_start3A_782 = arith.constant 19 : i32
      %dma_start3A_783 = arith.constant 0 : i32
      %dma_start3A_784 = arith.constant 0 : i32
      %dma_start3A_785 = tpu.memref_slice %arg6[%dma_start3A_782, %dma_start3A_783, %dma_start3A_784] : memref<26x64x32xf32, #tpu.memory_space<vmem>> -> memref<1x64x32xf32, #tpu.memory_space<vmem>>
      %dma_start3A_786 = tpu.memref_squeeze %dma_start3A_785 : memref<1x64x32xf32, #tpu.memory_space<vmem>> -> memref<64x32xf32, #tpu.memory_space<vmem>>
      %dma_start3A_787 = arith.constant 608 : i32
      %dma_start3A_788 = tpu.memref_slice %arg4[%add3A_781, %dma_start3A_787] : memref<16384x832xf32, #tpu.memory_space<hbm>> -> memref<64x32xf32, #tpu.memory_space<hbm>>
      %dma_start3A_789 = arith.constant 608 : i32
      %dma_start3A_790 = tpu.memref_slice %arg4[%add3A_781, %dma_start3A_789] : memref<16384x832xf32, #tpu.memory_space<hbm>> -> memref<64x32xf32, #tpu.memory_space<hbm>>
      %dma_start3A_791 = arith.constant 0 : i32
      %dma_start3A_792 = arith.constant 0 : i32
      %dma_start3A_793 = tpu.memref_slice %arg6[%dma_start3A_782, %dma_start3A_791, %dma_start3A_792] : memref<26x64x32xf32, #tpu.memory_space<vmem>> -> memref<1x64x32xf32, #tpu.memory_space<vmem>>
      %dma_start3A_794 = tpu.memref_squeeze %dma_start3A_793 : memref<1x64x32xf32, #tpu.memory_space<vmem>> -> memref<64x32xf32, #tpu.memory_space<vmem>>
      tpu.enqueue_dma source(%dma_start3A_794 : memref<64x32xf32, #tpu.memory_space<vmem>>) target(%dma_start3A_790 : memref<64x32xf32, #tpu.memory_space<hbm>>) target_semaphore(%arg10 : memref<!tpu.dma_semaphore, #tpu.memory_space<semaphore_mem>>)
      %mul3A_795 = arith.constant 64 : i32
      %mul3A_796 = arith.muli %mul3A_466, %mul3A_795 : i32
      %add3A_797 = arith.addi %mul3A_2, %mul3A_796 : i32
      %dma_start3A_798 = arith.constant 20 : i32
      %dma_start3A_799 = arith.constant 0 : i32
      %dma_start3A_800 = arith.constant 0 : i32
      %dma_start3A_801 = tpu.memref_slice %arg6[%dma_start3A_798, %dma_start3A_799, %dma_start3A_800] : memref<26x64x32xf32, #tpu.memory_space<vmem>> -> memref<1x64x32xf32, #tpu.memory_space<vmem>>
      %dma_start3A_802 = tpu.memref_squeeze %dma_start3A_801 : memref<1x64x32xf32, #tpu.memory_space<vmem>> -> memref<64x32xf32, #tpu.memory_space<vmem>>
      %dma_start3A_803 = arith.constant 640 : i32
      %dma_start3A_804 = tpu.memref_slice %arg4[%add3A_797, %dma_start3A_803] : memref<16384x832xf32, #tpu.memory_space<hbm>> -> memref<64x32xf32, #tpu.memory_space<hbm>>
      %dma_start3A_805 = arith.constant 640 : i32
      %dma_start3A_806 = tpu.memref_slice %arg4[%add3A_797, %dma_start3A_805] : memref<16384x832xf32, #tpu.memory_space<hbm>> -> memref<64x32xf32, #tpu.memory_space<hbm>>
      %dma_start3A_807 = arith.constant 0 : i32
      %dma_start3A_808 = arith.constant 0 : i32
      %dma_start3A_809 = tpu.memref_slice %arg6[%dma_start3A_798, %dma_start3A_807, %dma_start3A_808] : memref<26x64x32xf32, #tpu.memory_space<vmem>> -> memref<1x64x32xf32, #tpu.memory_space<vmem>>
      %dma_start3A_810 = tpu.memref_squeeze %dma_start3A_809 : memref<1x64x32xf32, #tpu.memory_space<vmem>> -> memref<64x32xf32, #tpu.memory_space<vmem>>
      tpu.enqueue_dma source(%dma_start3A_810 : memref<64x32xf32, #tpu.memory_space<vmem>>) target(%dma_start3A_806 : memref<64x32xf32, #tpu.memory_space<hbm>>) target_semaphore(%arg10 : memref<!tpu.dma_semaphore, #tpu.memory_space<semaphore_mem>>)
      %mul3A_811 = arith.constant 64 : i32
      %mul3A_812 = arith.muli %mul3A_466, %mul3A_811 : i32
      %add3A_813 = arith.addi %mul3A_2, %mul3A_812 : i32
      %dma_start3A_814 = arith.constant 21 : i32
      %dma_start3A_815 = arith.constant 0 : i32
      %dma_start3A_816 = arith.constant 0 : i32
      %dma_start3A_817 = tpu.memref_slice %arg6[%dma_start3A_814, %dma_start3A_815, %dma_start3A_816] : memref<26x64x32xf32, #tpu.memory_space<vmem>> -> memref<1x64x32xf32, #tpu.memory_space<vmem>>
      %dma_start3A_818 = tpu.memref_squeeze %dma_start3A_817 : memref<1x64x32xf32, #tpu.memory_space<vmem>> -> memref<64x32xf32, #tpu.memory_space<vmem>>
      %dma_start3A_819 = arith.constant 672 : i32
      %dma_start3A_820 = tpu.memref_slice %arg4[%add3A_813, %dma_start3A_819] : memref<16384x832xf32, #tpu.memory_space<hbm>> -> memref<64x32xf32, #tpu.memory_space<hbm>>
      %dma_start3A_821 = arith.constant 672 : i32
      %dma_start3A_822 = tpu.memref_slice %arg4[%add3A_813, %dma_start3A_821] : memref<16384x832xf32, #tpu.memory_space<hbm>> -> memref<64x32xf32, #tpu.memory_space<hbm>>
      %dma_start3A_823 = arith.constant 0 : i32
      %dma_start3A_824 = arith.constant 0 : i32
      %dma_start3A_825 = tpu.memref_slice %arg6[%dma_start3A_814, %dma_start3A_823, %dma_start3A_824] : memref<26x64x32xf32, #tpu.memory_space<vmem>> -> memref<1x64x32xf32, #tpu.memory_space<vmem>>
      %dma_start3A_826 = tpu.memref_squeeze %dma_start3A_825 : memref<1x64x32xf32, #tpu.memory_space<vmem>> -> memref<64x32xf32, #tpu.memory_space<vmem>>
      tpu.enqueue_dma source(%dma_start3A_826 : memref<64x32xf32, #tpu.memory_space<vmem>>) target(%dma_start3A_822 : memref<64x32xf32, #tpu.memory_space<hbm>>) target_semaphore(%arg10 : memref<!tpu.dma_semaphore, #tpu.memory_space<semaphore_mem>>)
      %mul3A_827 = arith.constant 64 : i32
      %mul3A_828 = arith.muli %mul3A_466, %mul3A_827 : i32
      %add3A_829 = arith.addi %mul3A_2, %mul3A_828 : i32
      %dma_start3A_830 = arith.constant 22 : i32
      %dma_start3A_831 = arith.constant 0 : i32
      %dma_start3A_832 = arith.constant 0 : i32
      %dma_start3A_833 = tpu.memref_slice %arg6[%dma_start3A_830, %dma_start3A_831, %dma_start3A_832] : memref<26x64x32xf32, #tpu.memory_space<vmem>> -> memref<1x64x32xf32, #tpu.memory_space<vmem>>
      %dma_start3A_834 = tpu.memref_squeeze %dma_start3A_833 : memref<1x64x32xf32, #tpu.memory_space<vmem>> -> memref<64x32xf32, #tpu.memory_space<vmem>>
      %dma_start3A_835 = arith.constant 704 : i32
      %dma_start3A_836 = tpu.memref_slice %arg4[%add3A_829, %dma_start3A_835] : memref<16384x832xf32, #tpu.memory_space<hbm>> -> memref<64x32xf32, #tpu.memory_space<hbm>>
      %dma_start3A_837 = arith.constant 704 : i32
      %dma_start3A_838 = tpu.memref_slice %arg4[%add3A_829, %dma_start3A_837] : memref<16384x832xf32, #tpu.memory_space<hbm>> -> memref<64x32xf32, #tpu.memory_space<hbm>>
      %dma_start3A_839 = arith.constant 0 : i32
      %dma_start3A_840 = arith.constant 0 : i32
      %dma_start3A_841 = tpu.memref_slice %arg6[%dma_start3A_830, %dma_start3A_839, %dma_start3A_840] : memref<26x64x32xf32, #tpu.memory_space<vmem>> -> memref<1x64x32xf32, #tpu.memory_space<vmem>>
      %dma_start3A_842 = tpu.memref_squeeze %dma_start3A_841 : memref<1x64x32xf32, #tpu.memory_space<vmem>> -> memref<64x32xf32, #tpu.memory_space<vmem>>
      tpu.enqueue_dma source(%dma_start3A_842 : memref<64x32xf32, #tpu.memory_space<vmem>>) target(%dma_start3A_838 : memref<64x32xf32, #tpu.memory_space<hbm>>) target_semaphore(%arg10 : memref<!tpu.dma_semaphore, #tpu.memory_space<semaphore_mem>>)
      %mul3A_843 = arith.constant 64 : i32
      %mul3A_844 = arith.muli %mul3A_466, %mul3A_843 : i32
      %add3A_845 = arith.addi %mul3A_2, %mul3A_844 : i32
      %dma_start3A_846 = arith.constant 23 : i32
      %dma_start3A_847 = arith.constant 0 : i32
      %dma_start3A_848 = arith.constant 0 : i32
      %dma_start3A_849 = tpu.memref_slice %arg6[%dma_start3A_846, %dma_start3A_847, %dma_start3A_848] : memref<26x64x32xf32, #tpu.memory_space<vmem>> -> memref<1x64x32xf32, #tpu.memory_space<vmem>>
      %dma_start3A_850 = tpu.memref_squeeze %dma_start3A_849 : memref<1x64x32xf32, #tpu.memory_space<vmem>> -> memref<64x32xf32, #tpu.memory_space<vmem>>
      %dma_start3A_851 = arith.constant 736 : i32
      %dma_start3A_852 = tpu.memref_slice %arg4[%add3A_845, %dma_start3A_851] : memref<16384x832xf32, #tpu.memory_space<hbm>> -> memref<64x32xf32, #tpu.memory_space<hbm>>
      %dma_start3A_853 = arith.constant 736 : i32
      %dma_start3A_854 = tpu.memref_slice %arg4[%add3A_845, %dma_start3A_853] : memref<16384x832xf32, #tpu.memory_space<hbm>> -> memref<64x32xf32, #tpu.memory_space<hbm>>
      %dma_start3A_855 = arith.constant 0 : i32
      %dma_start3A_856 = arith.constant 0 : i32
      %dma_start3A_857 = tpu.memref_slice %arg6[%dma_start3A_846, %dma_start3A_855, %dma_start3A_856] : memref<26x64x32xf32, #tpu.memory_space<vmem>> -> memref<1x64x32xf32, #tpu.memory_space<vmem>>
      %dma_start3A_858 = tpu.memref_squeeze %dma_start3A_857 : memref<1x64x32xf32, #tpu.memory_space<vmem>> -> memref<64x32xf32, #tpu.memory_space<vmem>>
      tpu.enqueue_dma source(%dma_start3A_858 : memref<64x32xf32, #tpu.memory_space<vmem>>) target(%dma_start3A_854 : memref<64x32xf32, #tpu.memory_space<hbm>>) target_semaphore(%arg10 : memref<!tpu.dma_semaphore, #tpu.memory_space<semaphore_mem>>)
      %mul3A_859 = arith.constant 64 : i32
      %mul3A_860 = arith.muli %mul3A_466, %mul3A_859 : i32
      %add3A_861 = arith.addi %mul3A_2, %mul3A_860 : i32
      %dma_start3A_862 = arith.constant 24 : i32
      %dma_start3A_863 = arith.constant 0 : i32
      %dma_start3A_864 = arith.constant 0 : i32
      %dma_start3A_865 = tpu.memref_slice %arg6[%dma_start3A_862, %dma_start3A_863, %dma_start3A_864] : memref<26x64x32xf32, #tpu.memory_space<vmem>> -> memref<1x64x32xf32, #tpu.memory_space<vmem>>
      %dma_start3A_866 = tpu.memref_squeeze %dma_start3A_865 : memref<1x64x32xf32, #tpu.memory_space<vmem>> -> memref<64x32xf32, #tpu.memory_space<vmem>>
      %dma_start3A_867 = arith.constant 768 : i32
      %dma_start3A_868 = tpu.memref_slice %arg4[%add3A_861, %dma_start3A_867] : memref<16384x832xf32, #tpu.memory_space<hbm>> -> memref<64x32xf32, #tpu.memory_space<hbm>>
      %dma_start3A_869 = arith.constant 768 : i32
      %dma_start3A_870 = tpu.memref_slice %arg4[%add3A_861, %dma_start3A_869] : memref<16384x832xf32, #tpu.memory_space<hbm>> -> memref<64x32xf32, #tpu.memory_space<hbm>>
      %dma_start3A_871 = arith.constant 0 : i32
      %dma_start3A_872 = arith.constant 0 : i32
      %dma_start3A_873 = tpu.memref_slice %arg6[%dma_start3A_862, %dma_start3A_871, %dma_start3A_872] : memref<26x64x32xf32, #tpu.memory_space<vmem>> -> memref<1x64x32xf32, #tpu.memory_space<vmem>>
      %dma_start3A_874 = tpu.memref_squeeze %dma_start3A_873 : memref<1x64x32xf32, #tpu.memory_space<vmem>> -> memref<64x32xf32, #tpu.memory_space<vmem>>
      tpu.enqueue_dma source(%dma_start3A_874 : memref<64x32xf32, #tpu.memory_space<vmem>>) target(%dma_start3A_870 : memref<64x32xf32, #tpu.memory_space<hbm>>) target_semaphore(%arg10 : memref<!tpu.dma_semaphore, #tpu.memory_space<semaphore_mem>>)
      %mul3A_875 = arith.constant 64 : i32
      %mul3A_876 = arith.muli %mul3A_466, %mul3A_875 : i32
      %add3A_877 = arith.addi %mul3A_2, %mul3A_876 : i32
      %dma_start3A_878 = arith.constant 25 : i32
      %dma_start3A_879 = arith.constant 0 : i32
      %dma_start3A_880 = arith.constant 0 : i32
      %dma_start3A_881 = tpu.memref_slice %arg6[%dma_start3A_878, %dma_start3A_879, %dma_start3A_880] : memref<26x64x32xf32, #tpu.memory_space<vmem>> -> memref<1x64x32xf32, #tpu.memory_space<vmem>>
      %dma_start3A_882 = tpu.memref_squeeze %dma_start3A_881 : memref<1x64x32xf32, #tpu.memory_space<vmem>> -> memref<64x32xf32, #tpu.memory_space<vmem>>
      %dma_start3A_883 = arith.constant 800 : i32
      %dma_start3A_884 = tpu.memref_slice %arg4[%add3A_877, %dma_start3A_883] : memref<16384x832xf32, #tpu.memory_space<hbm>> -> memref<64x32xf32, #tpu.memory_space<hbm>>
      %dma_start3A_885 = arith.constant 800 : i32
      %dma_start3A_886 = tpu.memref_slice %arg4[%add3A_877, %dma_start3A_885] : memref<16384x832xf32, #tpu.memory_space<hbm>> -> memref<64x32xf32, #tpu.memory_space<hbm>>
      %dma_start3A_887 = arith.constant 0 : i32
      %dma_start3A_888 = arith.constant 0 : i32
      %dma_start3A_889 = tpu.memref_slice %arg6[%dma_start3A_878, %dma_start3A_887, %dma_start3A_888] : memref<26x64x32xf32, #tpu.memory_space<vmem>> -> memref<1x64x32xf32, #tpu.memory_space<vmem>>
      %dma_start3A_890 = tpu.memref_squeeze %dma_start3A_889 : memref<1x64x32xf32, #tpu.memory_space<vmem>> -> memref<64x32xf32, #tpu.memory_space<vmem>>
      tpu.enqueue_dma source(%dma_start3A_890 : memref<64x32xf32, #tpu.memory_space<vmem>>) target(%dma_start3A_886 : memref<64x32xf32, #tpu.memory_space<hbm>>) target_semaphore(%arg10 : memref<!tpu.dma_semaphore, #tpu.memory_space<semaphore_mem>>)
      %ge3A = arith.constant 1 : i32
      %ge3A_891 = arith.cmpi sge, %scan3A_464, %ge3A : i32
      %convert_element_type3A = arith.extui %ge3A_891 : i1 to i32
      %cond3A = arith.constant 0 : i32
      %cond3A_892 = arith.cmpi ne, %convert_element_type3A, %cond3A : i32
      scf.if %cond3A_892 {
        %dma_wait3A_1793 = arith.constant 0 : i32
        %dma_wait3A_1794 = arith.constant 0 : i32
        %dma_wait3A_1795 = arith.constant 0 : i32
        %dma_wait3A_1796 = tpu.memref_slice %arg3[%dma_wait3A_1793, %dma_wait3A_1794, %dma_wait3A_1795] : memref<26x100000x32xf32, #tpu.memory_space<hbm>> -> memref<26x64x32xf32, #tpu.memory_space<hbm>>
        %dma_wait3A_1797 = arith.constant 0 : i32
        %dma_wait3A_1798 = arith.constant 0 : i32
        %dma_wait3A_1799 = arith.constant 0 : i32
        %dma_wait3A_1800 = tpu.memref_slice %arg3[%dma_wait3A_1797, %dma_wait3A_1798, %dma_wait3A_1799] : memref<26x100000x32xf32, #tpu.memory_space<hbm>> -> memref<26x64x32xf32, #tpu.memory_space<hbm>>
        tpu.wait_dma2 semaphore(%arg11 : memref<!tpu.dma_semaphore, #tpu.memory_space<semaphore_mem>>) src(%dma_wait3A_1800 : memref<26x64x32xf32, #tpu.memory_space<hbm>>) dst(%arg7 : memref<26x64x32xf32, #tpu.memory_space<vmem>>)
      } else {
      }
      %add3A_893 = arith.constant 1 : i32
      %add3A_894 = arith.addi %mul3A_466, %add3A_893 : i32
      %mul3A_895 = arith.constant 64 : i32
      %mul3A_896 = arith.muli %add3A_894, %mul3A_895 : i32
      %dma_start3A_897 = arith.constant 0 : i32
      %dma_start3A_898 = arith.constant 0 : i32
      %dma_start3A_899 = arith.constant 0 : i32
      %dma_start3A_900 = arith.constant 0 : i32
      %dma_start3A_901 = arith.constant 0 : i32
      %dma_start3A_902 = tpu.memref_slice %arg7[%dma_start3A_899, %dma_start3A_900, %dma_start3A_901] : memref<26x64x32xf32, #tpu.memory_space<vmem>> -> memref<1x64x32xf32, #tpu.memory_space<vmem>>
      %dma_start3A_903 = tpu.memref_squeeze %dma_start3A_902 : memref<1x64x32xf32, #tpu.memory_space<vmem>> -> memref<64x32xf32, #tpu.memory_space<vmem>>
      %dma_start3A_904 = tpu.memref_slice %arg5[%dma_start3A_898, %mul3A_896] : memref<26x512xi32, #tpu.memory_space<vmem>> -> memref<1x64xi32, #tpu.memory_space<vmem>>
      %dma_start3A_905 = tpu.memref_squeeze %dma_start3A_904 : memref<1x64xi32, #tpu.memory_space<vmem>> -> memref<64xi32, #tpu.memory_space<vmem>>
      %dma_start3A_906 = arith.constant 0 : i32
      %dma_start3A_907 = arith.constant 0 : i32
      %dma_start3A_908 = tpu.memref_slice %arg3[%dma_start3A_897, %dma_start3A_906, %dma_start3A_907] : memref<26x100000x32xf32, #tpu.memory_space<hbm>> -> memref<1x100000x32xf32, #tpu.memory_space<hbm>>
      %dma_start3A_909 = tpu.memref_squeeze %dma_start3A_908 : memref<1x100000x32xf32, #tpu.memory_space<hbm>> -> memref<100000x32xf32, #tpu.memory_space<hbm>>
      %dma_start3A_910 = arith.constant 0 : i32
      %dma_start3A_911 = arith.constant 0 : i32
      %dma_start3A_912 = tpu.memref_slice %dma_start3A_909[%dma_start3A_910, %dma_start3A_911] : memref<100000x32xf32, #tpu.memory_space<hbm>> -> memref<100000x32xf32, #tpu.memory_space<hbm>>
      tpu.enqueue_indirect_dma source(%dma_start3A_912 : memref<100000x32xf32, #tpu.memory_space<hbm>>) target(%dma_start3A_903 : memref<64x32xf32, #tpu.memory_space<vmem>>) offsets(%dma_start3A_905 : memref<64xi32, #tpu.memory_space<vmem>>) semaphore(%arg9 : memref<!tpu.dma_semaphore, #tpu.memory_space<semaphore_mem>>)
      %mul3A_913 = arith.constant 64 : i32
      %mul3A_914 = arith.muli %add3A_894, %mul3A_913 : i32
      %dma_start3A_915 = arith.constant 1 : i32
      %dma_start3A_916 = arith.constant 1 : i32
      %dma_start3A_917 = arith.constant 1 : i32
      %dma_start3A_918 = arith.constant 0 : i32
      %dma_start3A_919 = arith.constant 0 : i32
      %dma_start3A_920 = tpu.memref_slice %arg7[%dma_start3A_917, %dma_start3A_918, %dma_start3A_919] : memref<26x64x32xf32, #tpu.memory_space<vmem>> -> memref<1x64x32xf32, #tpu.memory_space<vmem>>
      %dma_start3A_921 = tpu.memref_squeeze %dma_start3A_920 : memref<1x64x32xf32, #tpu.memory_space<vmem>> -> memref<64x32xf32, #tpu.memory_space<vmem>>
      %dma_start3A_922 = tpu.memref_slice %arg5[%dma_start3A_916, %mul3A_914] : memref<26x512xi32, #tpu.memory_space<vmem>> -> memref<1x64xi32, #tpu.memory_space<vmem>>
      %dma_start3A_923 = tpu.memref_squeeze %dma_start3A_922 : memref<1x64xi32, #tpu.memory_space<vmem>> -> memref<64xi32, #tpu.memory_space<vmem>>
      %dma_start3A_924 = arith.constant 0 : i32
      %dma_start3A_925 = arith.constant 0 : i32
      %dma_start3A_926 = tpu.memref_slice %arg3[%dma_start3A_915, %dma_start3A_924, %dma_start3A_925] : memref<26x100000x32xf32, #tpu.memory_space<hbm>> -> memref<1x100000x32xf32, #tpu.memory_space<hbm>>
      %dma_start3A_927 = tpu.memref_squeeze %dma_start3A_926 : memref<1x100000x32xf32, #tpu.memory_space<hbm>> -> memref<100000x32xf32, #tpu.memory_space<hbm>>
      %dma_start3A_928 = arith.constant 0 : i32
      %dma_start3A_929 = arith.constant 0 : i32
      %dma_start3A_930 = tpu.memref_slice %dma_start3A_927[%dma_start3A_928, %dma_start3A_929] : memref<100000x32xf32, #tpu.memory_space<hbm>> -> memref<100000x32xf32, #tpu.memory_space<hbm>>
      tpu.enqueue_indirect_dma source(%dma_start3A_930 : memref<100000x32xf32, #tpu.memory_space<hbm>>) target(%dma_start3A_921 : memref<64x32xf32, #tpu.memory_space<vmem>>) offsets(%dma_start3A_923 : memref<64xi32, #tpu.memory_space<vmem>>) semaphore(%arg9 : memref<!tpu.dma_semaphore, #tpu.memory_space<semaphore_mem>>)
      %mul3A_931 = arith.constant 64 : i32
      %mul3A_932 = arith.muli %add3A_894, %mul3A_931 : i32
      %dma_start3A_933 = arith.constant 2 : i32
      %dma_start3A_934 = arith.constant 2 : i32
      %dma_start3A_935 = arith.constant 2 : i32
      %dma_start3A_936 = arith.constant 0 : i32
      %dma_start3A_937 = arith.constant 0 : i32
      %dma_start3A_938 = tpu.memref_slice %arg7[%dma_start3A_935, %dma_start3A_936, %dma_start3A_937] : memref<26x64x32xf32, #tpu.memory_space<vmem>> -> memref<1x64x32xf32, #tpu.memory_space<vmem>>
      %dma_start3A_939 = tpu.memref_squeeze %dma_start3A_938 : memref<1x64x32xf32, #tpu.memory_space<vmem>> -> memref<64x32xf32, #tpu.memory_space<vmem>>
      %dma_start3A_940 = tpu.memref_slice %arg5[%dma_start3A_934, %mul3A_932] : memref<26x512xi32, #tpu.memory_space<vmem>> -> memref<1x64xi32, #tpu.memory_space<vmem>>
      %dma_start3A_941 = tpu.memref_squeeze %dma_start3A_940 : memref<1x64xi32, #tpu.memory_space<vmem>> -> memref<64xi32, #tpu.memory_space<vmem>>
      %dma_start3A_942 = arith.constant 0 : i32
      %dma_start3A_943 = arith.constant 0 : i32
      %dma_start3A_944 = tpu.memref_slice %arg3[%dma_start3A_933, %dma_start3A_942, %dma_start3A_943] : memref<26x100000x32xf32, #tpu.memory_space<hbm>> -> memref<1x100000x32xf32, #tpu.memory_space<hbm>>
      %dma_start3A_945 = tpu.memref_squeeze %dma_start3A_944 : memref<1x100000x32xf32, #tpu.memory_space<hbm>> -> memref<100000x32xf32, #tpu.memory_space<hbm>>
      %dma_start3A_946 = arith.constant 0 : i32
      %dma_start3A_947 = arith.constant 0 : i32
      %dma_start3A_948 = tpu.memref_slice %dma_start3A_945[%dma_start3A_946, %dma_start3A_947] : memref<100000x32xf32, #tpu.memory_space<hbm>> -> memref<100000x32xf32, #tpu.memory_space<hbm>>
      tpu.enqueue_indirect_dma source(%dma_start3A_948 : memref<100000x32xf32, #tpu.memory_space<hbm>>) target(%dma_start3A_939 : memref<64x32xf32, #tpu.memory_space<vmem>>) offsets(%dma_start3A_941 : memref<64xi32, #tpu.memory_space<vmem>>) semaphore(%arg9 : memref<!tpu.dma_semaphore, #tpu.memory_space<semaphore_mem>>)
      %mul3A_949 = arith.constant 64 : i32
      %mul3A_950 = arith.muli %add3A_894, %mul3A_949 : i32
      %dma_start3A_951 = arith.constant 3 : i32
      %dma_start3A_952 = arith.constant 3 : i32
      %dma_start3A_953 = arith.constant 3 : i32
      %dma_start3A_954 = arith.constant 0 : i32
      %dma_start3A_955 = arith.constant 0 : i32
      %dma_start3A_956 = tpu.memref_slice %arg7[%dma_start3A_953, %dma_start3A_954, %dma_start3A_955] : memref<26x64x32xf32, #tpu.memory_space<vmem>> -> memref<1x64x32xf32, #tpu.memory_space<vmem>>
      %dma_start3A_957 = tpu.memref_squeeze %dma_start3A_956 : memref<1x64x32xf32, #tpu.memory_space<vmem>> -> memref<64x32xf32, #tpu.memory_space<vmem>>
      %dma_start3A_958 = tpu.memref_slice %arg5[%dma_start3A_952, %mul3A_950] : memref<26x512xi32, #tpu.memory_space<vmem>> -> memref<1x64xi32, #tpu.memory_space<vmem>>
      %dma_start3A_959 = tpu.memref_squeeze %dma_start3A_958 : memref<1x64xi32, #tpu.memory_space<vmem>> -> memref<64xi32, #tpu.memory_space<vmem>>
      %dma_start3A_960 = arith.constant 0 : i32
      %dma_start3A_961 = arith.constant 0 : i32
      %dma_start3A_962 = tpu.memref_slice %arg3[%dma_start3A_951, %dma_start3A_960, %dma_start3A_961] : memref<26x100000x32xf32, #tpu.memory_space<hbm>> -> memref<1x100000x32xf32, #tpu.memory_space<hbm>>
      %dma_start3A_963 = tpu.memref_squeeze %dma_start3A_962 : memref<1x100000x32xf32, #tpu.memory_space<hbm>> -> memref<100000x32xf32, #tpu.memory_space<hbm>>
      %dma_start3A_964 = arith.constant 0 : i32
      %dma_start3A_965 = arith.constant 0 : i32
      %dma_start3A_966 = tpu.memref_slice %dma_start3A_963[%dma_start3A_964, %dma_start3A_965] : memref<100000x32xf32, #tpu.memory_space<hbm>> -> memref<100000x32xf32, #tpu.memory_space<hbm>>
      tpu.enqueue_indirect_dma source(%dma_start3A_966 : memref<100000x32xf32, #tpu.memory_space<hbm>>) target(%dma_start3A_957 : memref<64x32xf32, #tpu.memory_space<vmem>>) offsets(%dma_start3A_959 : memref<64xi32, #tpu.memory_space<vmem>>) semaphore(%arg9 : memref<!tpu.dma_semaphore, #tpu.memory_space<semaphore_mem>>)
      %mul3A_967 = arith.constant 64 : i32
      %mul3A_968 = arith.muli %add3A_894, %mul3A_967 : i32
      %dma_start3A_969 = arith.constant 4 : i32
      %dma_start3A_970 = arith.constant 4 : i32
      %dma_start3A_971 = arith.constant 4 : i32
      %dma_start3A_972 = arith.constant 0 : i32
      %dma_start3A_973 = arith.constant 0 : i32
      %dma_start3A_974 = tpu.memref_slice %arg7[%dma_start3A_971, %dma_start3A_972, %dma_start3A_973] : memref<26x64x32xf32, #tpu.memory_space<vmem>> -> memref<1x64x32xf32, #tpu.memory_space<vmem>>
      %dma_start3A_975 = tpu.memref_squeeze %dma_start3A_974 : memref<1x64x32xf32, #tpu.memory_space<vmem>> -> memref<64x32xf32, #tpu.memory_space<vmem>>
      %dma_start3A_976 = tpu.memref_slice %arg5[%dma_start3A_970, %mul3A_968] : memref<26x512xi32, #tpu.memory_space<vmem>> -> memref<1x64xi32, #tpu.memory_space<vmem>>
      %dma_start3A_977 = tpu.memref_squeeze %dma_start3A_976 : memref<1x64xi32, #tpu.memory_space<vmem>> -> memref<64xi32, #tpu.memory_space<vmem>>
      %dma_start3A_978 = arith.constant 0 : i32
      %dma_start3A_979 = arith.constant 0 : i32
      %dma_start3A_980 = tpu.memref_slice %arg3[%dma_start3A_969, %dma_start3A_978, %dma_start3A_979] : memref<26x100000x32xf32, #tpu.memory_space<hbm>> -> memref<1x100000x32xf32, #tpu.memory_space<hbm>>
      %dma_start3A_981 = tpu.memref_squeeze %dma_start3A_980 : memref<1x100000x32xf32, #tpu.memory_space<hbm>> -> memref<100000x32xf32, #tpu.memory_space<hbm>>
      %dma_start3A_982 = arith.constant 0 : i32
      %dma_start3A_983 = arith.constant 0 : i32
      %dma_start3A_984 = tpu.memref_slice %dma_start3A_981[%dma_start3A_982, %dma_start3A_983] : memref<100000x32xf32, #tpu.memory_space<hbm>> -> memref<100000x32xf32, #tpu.memory_space<hbm>>
      tpu.enqueue_indirect_dma source(%dma_start3A_984 : memref<100000x32xf32, #tpu.memory_space<hbm>>) target(%dma_start3A_975 : memref<64x32xf32, #tpu.memory_space<vmem>>) offsets(%dma_start3A_977 : memref<64xi32, #tpu.memory_space<vmem>>) semaphore(%arg9 : memref<!tpu.dma_semaphore, #tpu.memory_space<semaphore_mem>>)
      %mul3A_985 = arith.constant 64 : i32
      %mul3A_986 = arith.muli %add3A_894, %mul3A_985 : i32
      %dma_start3A_987 = arith.constant 5 : i32
      %dma_start3A_988 = arith.constant 5 : i32
      %dma_start3A_989 = arith.constant 5 : i32
      %dma_start3A_990 = arith.constant 0 : i32
      %dma_start3A_991 = arith.constant 0 : i32
      %dma_start3A_992 = tpu.memref_slice %arg7[%dma_start3A_989, %dma_start3A_990, %dma_start3A_991] : memref<26x64x32xf32, #tpu.memory_space<vmem>> -> memref<1x64x32xf32, #tpu.memory_space<vmem>>
      %dma_start3A_993 = tpu.memref_squeeze %dma_start3A_992 : memref<1x64x32xf32, #tpu.memory_space<vmem>> -> memref<64x32xf32, #tpu.memory_space<vmem>>
      %dma_start3A_994 = tpu.memref_slice %arg5[%dma_start3A_988, %mul3A_986] : memref<26x512xi32, #tpu.memory_space<vmem>> -> memref<1x64xi32, #tpu.memory_space<vmem>>
      %dma_start3A_995 = tpu.memref_squeeze %dma_start3A_994 : memref<1x64xi32, #tpu.memory_space<vmem>> -> memref<64xi32, #tpu.memory_space<vmem>>
      %dma_start3A_996 = arith.constant 0 : i32
      %dma_start3A_997 = arith.constant 0 : i32
      %dma_start3A_998 = tpu.memref_slice %arg3[%dma_start3A_987, %dma_start3A_996, %dma_start3A_997] : memref<26x100000x32xf32, #tpu.memory_space<hbm>> -> memref<1x100000x32xf32, #tpu.memory_space<hbm>>
      %dma_start3A_999 = tpu.memref_squeeze %dma_start3A_998 : memref<1x100000x32xf32, #tpu.memory_space<hbm>> -> memref<100000x32xf32, #tpu.memory_space<hbm>>
      %dma_start3A_1000 = arith.constant 0 : i32
      %dma_start3A_1001 = arith.constant 0 : i32
      %dma_start3A_1002 = tpu.memref_slice %dma_start3A_999[%dma_start3A_1000, %dma_start3A_1001] : memref<100000x32xf32, #tpu.memory_space<hbm>> -> memref<100000x32xf32, #tpu.memory_space<hbm>>
      tpu.enqueue_indirect_dma source(%dma_start3A_1002 : memref<100000x32xf32, #tpu.memory_space<hbm>>) target(%dma_start3A_993 : memref<64x32xf32, #tpu.memory_space<vmem>>) offsets(%dma_start3A_995 : memref<64xi32, #tpu.memory_space<vmem>>) semaphore(%arg9 : memref<!tpu.dma_semaphore, #tpu.memory_space<semaphore_mem>>)
      %mul3A_1003 = arith.constant 64 : i32
      %mul3A_1004 = arith.muli %add3A_894, %mul3A_1003 : i32
      %dma_start3A_1005 = arith.constant 6 : i32
      %dma_start3A_1006 = arith.constant 6 : i32
      %dma_start3A_1007 = arith.constant 6 : i32
      %dma_start3A_1008 = arith.constant 0 : i32
      %dma_start3A_1009 = arith.constant 0 : i32
      %dma_start3A_1010 = tpu.memref_slice %arg7[%dma_start3A_1007, %dma_start3A_1008, %dma_start3A_1009] : memref<26x64x32xf32, #tpu.memory_space<vmem>> -> memref<1x64x32xf32, #tpu.memory_space<vmem>>
      %dma_start3A_1011 = tpu.memref_squeeze %dma_start3A_1010 : memref<1x64x32xf32, #tpu.memory_space<vmem>> -> memref<64x32xf32, #tpu.memory_space<vmem>>
      %dma_start3A_1012 = tpu.memref_slice %arg5[%dma_start3A_1006, %mul3A_1004] : memref<26x512xi32, #tpu.memory_space<vmem>> -> memref<1x64xi32, #tpu.memory_space<vmem>>
      %dma_start3A_1013 = tpu.memref_squeeze %dma_start3A_1012 : memref<1x64xi32, #tpu.memory_space<vmem>> -> memref<64xi32, #tpu.memory_space<vmem>>
      %dma_start3A_1014 = arith.constant 0 : i32
      %dma_start3A_1015 = arith.constant 0 : i32
      %dma_start3A_1016 = tpu.memref_slice %arg3[%dma_start3A_1005, %dma_start3A_1014, %dma_start3A_1015] : memref<26x100000x32xf32, #tpu.memory_space<hbm>> -> memref<1x100000x32xf32, #tpu.memory_space<hbm>>
      %dma_start3A_1017 = tpu.memref_squeeze %dma_start3A_1016 : memref<1x100000x32xf32, #tpu.memory_space<hbm>> -> memref<100000x32xf32, #tpu.memory_space<hbm>>
      %dma_start3A_1018 = arith.constant 0 : i32
      %dma_start3A_1019 = arith.constant 0 : i32
      %dma_start3A_1020 = tpu.memref_slice %dma_start3A_1017[%dma_start3A_1018, %dma_start3A_1019] : memref<100000x32xf32, #tpu.memory_space<hbm>> -> memref<100000x32xf32, #tpu.memory_space<hbm>>
      tpu.enqueue_indirect_dma source(%dma_start3A_1020 : memref<100000x32xf32, #tpu.memory_space<hbm>>) target(%dma_start3A_1011 : memref<64x32xf32, #tpu.memory_space<vmem>>) offsets(%dma_start3A_1013 : memref<64xi32, #tpu.memory_space<vmem>>) semaphore(%arg9 : memref<!tpu.dma_semaphore, #tpu.memory_space<semaphore_mem>>)
      %mul3A_1021 = arith.constant 64 : i32
      %mul3A_1022 = arith.muli %add3A_894, %mul3A_1021 : i32
      %dma_start3A_1023 = arith.constant 7 : i32
      %dma_start3A_1024 = arith.constant 7 : i32
      %dma_start3A_1025 = arith.constant 7 : i32
      %dma_start3A_1026 = arith.constant 0 : i32
      %dma_start3A_1027 = arith.constant 0 : i32
      %dma_start3A_1028 = tpu.memref_slice %arg7[%dma_start3A_1025, %dma_start3A_1026, %dma_start3A_1027] : memref<26x64x32xf32, #tpu.memory_space<vmem>> -> memref<1x64x32xf32, #tpu.memory_space<vmem>>
      %dma_start3A_1029 = tpu.memref_squeeze %dma_start3A_1028 : memref<1x64x32xf32, #tpu.memory_space<vmem>> -> memref<64x32xf32, #tpu.memory_space<vmem>>
      %dma_start3A_1030 = tpu.memref_slice %arg5[%dma_start3A_1024, %mul3A_1022] : memref<26x512xi32, #tpu.memory_space<vmem>> -> memref<1x64xi32, #tpu.memory_space<vmem>>
      %dma_start3A_1031 = tpu.memref_squeeze %dma_start3A_1030 : memref<1x64xi32, #tpu.memory_space<vmem>> -> memref<64xi32, #tpu.memory_space<vmem>>
      %dma_start3A_1032 = arith.constant 0 : i32
      %dma_start3A_1033 = arith.constant 0 : i32
      %dma_start3A_1034 = tpu.memref_slice %arg3[%dma_start3A_1023, %dma_start3A_1032, %dma_start3A_1033] : memref<26x100000x32xf32, #tpu.memory_space<hbm>> -> memref<1x100000x32xf32, #tpu.memory_space<hbm>>
      %dma_start3A_1035 = tpu.memref_squeeze %dma_start3A_1034 : memref<1x100000x32xf32, #tpu.memory_space<hbm>> -> memref<100000x32xf32, #tpu.memory_space<hbm>>
      %dma_start3A_1036 = arith.constant 0 : i32
      %dma_start3A_1037 = arith.constant 0 : i32
      %dma_start3A_1038 = tpu.memref_slice %dma_start3A_1035[%dma_start3A_1036, %dma_start3A_1037] : memref<100000x32xf32, #tpu.memory_space<hbm>> -> memref<100000x32xf32, #tpu.memory_space<hbm>>
      tpu.enqueue_indirect_dma source(%dma_start3A_1038 : memref<100000x32xf32, #tpu.memory_space<hbm>>) target(%dma_start3A_1029 : memref<64x32xf32, #tpu.memory_space<vmem>>) offsets(%dma_start3A_1031 : memref<64xi32, #tpu.memory_space<vmem>>) semaphore(%arg9 : memref<!tpu.dma_semaphore, #tpu.memory_space<semaphore_mem>>)
      %mul3A_1039 = arith.constant 64 : i32
      %mul3A_1040 = arith.muli %add3A_894, %mul3A_1039 : i32
      %dma_start3A_1041 = arith.constant 8 : i32
      %dma_start3A_1042 = arith.constant 8 : i32
      %dma_start3A_1043 = arith.constant 8 : i32
      %dma_start3A_1044 = arith.constant 0 : i32
      %dma_start3A_1045 = arith.constant 0 : i32
      %dma_start3A_1046 = tpu.memref_slice %arg7[%dma_start3A_1043, %dma_start3A_1044, %dma_start3A_1045] : memref<26x64x32xf32, #tpu.memory_space<vmem>> -> memref<1x64x32xf32, #tpu.memory_space<vmem>>
      %dma_start3A_1047 = tpu.memref_squeeze %dma_start3A_1046 : memref<1x64x32xf32, #tpu.memory_space<vmem>> -> memref<64x32xf32, #tpu.memory_space<vmem>>
      %dma_start3A_1048 = tpu.memref_slice %arg5[%dma_start3A_1042, %mul3A_1040] : memref<26x512xi32, #tpu.memory_space<vmem>> -> memref<1x64xi32, #tpu.memory_space<vmem>>
      %dma_start3A_1049 = tpu.memref_squeeze %dma_start3A_1048 : memref<1x64xi32, #tpu.memory_space<vmem>> -> memref<64xi32, #tpu.memory_space<vmem>>
      %dma_start3A_1050 = arith.constant 0 : i32
      %dma_start3A_1051 = arith.constant 0 : i32
      %dma_start3A_1052 = tpu.memref_slice %arg3[%dma_start3A_1041, %dma_start3A_1050, %dma_start3A_1051] : memref<26x100000x32xf32, #tpu.memory_space<hbm>> -> memref<1x100000x32xf32, #tpu.memory_space<hbm>>
      %dma_start3A_1053 = tpu.memref_squeeze %dma_start3A_1052 : memref<1x100000x32xf32, #tpu.memory_space<hbm>> -> memref<100000x32xf32, #tpu.memory_space<hbm>>
      %dma_start3A_1054 = arith.constant 0 : i32
      %dma_start3A_1055 = arith.constant 0 : i32
      %dma_start3A_1056 = tpu.memref_slice %dma_start3A_1053[%dma_start3A_1054, %dma_start3A_1055] : memref<100000x32xf32, #tpu.memory_space<hbm>> -> memref<100000x32xf32, #tpu.memory_space<hbm>>
      tpu.enqueue_indirect_dma source(%dma_start3A_1056 : memref<100000x32xf32, #tpu.memory_space<hbm>>) target(%dma_start3A_1047 : memref<64x32xf32, #tpu.memory_space<vmem>>) offsets(%dma_start3A_1049 : memref<64xi32, #tpu.memory_space<vmem>>) semaphore(%arg9 : memref<!tpu.dma_semaphore, #tpu.memory_space<semaphore_mem>>)
      %mul3A_1057 = arith.constant 64 : i32
      %mul3A_1058 = arith.muli %add3A_894, %mul3A_1057 : i32
      %dma_start3A_1059 = arith.constant 9 : i32
      %dma_start3A_1060 = arith.constant 9 : i32
      %dma_start3A_1061 = arith.constant 9 : i32
      %dma_start3A_1062 = arith.constant 0 : i32
      %dma_start3A_1063 = arith.constant 0 : i32
      %dma_start3A_1064 = tpu.memref_slice %arg7[%dma_start3A_1061, %dma_start3A_1062, %dma_start3A_1063] : memref<26x64x32xf32, #tpu.memory_space<vmem>> -> memref<1x64x32xf32, #tpu.memory_space<vmem>>
      %dma_start3A_1065 = tpu.memref_squeeze %dma_start3A_1064 : memref<1x64x32xf32, #tpu.memory_space<vmem>> -> memref<64x32xf32, #tpu.memory_space<vmem>>
      %dma_start3A_1066 = tpu.memref_slice %arg5[%dma_start3A_1060, %mul3A_1058] : memref<26x512xi32, #tpu.memory_space<vmem>> -> memref<1x64xi32, #tpu.memory_space<vmem>>
      %dma_start3A_1067 = tpu.memref_squeeze %dma_start3A_1066 : memref<1x64xi32, #tpu.memory_space<vmem>> -> memref<64xi32, #tpu.memory_space<vmem>>
      %dma_start3A_1068 = arith.constant 0 : i32
      %dma_start3A_1069 = arith.constant 0 : i32
      %dma_start3A_1070 = tpu.memref_slice %arg3[%dma_start3A_1059, %dma_start3A_1068, %dma_start3A_1069] : memref<26x100000x32xf32, #tpu.memory_space<hbm>> -> memref<1x100000x32xf32, #tpu.memory_space<hbm>>
      %dma_start3A_1071 = tpu.memref_squeeze %dma_start3A_1070 : memref<1x100000x32xf32, #tpu.memory_space<hbm>> -> memref<100000x32xf32, #tpu.memory_space<hbm>>
      %dma_start3A_1072 = arith.constant 0 : i32
      %dma_start3A_1073 = arith.constant 0 : i32
      %dma_start3A_1074 = tpu.memref_slice %dma_start3A_1071[%dma_start3A_1072, %dma_start3A_1073] : memref<100000x32xf32, #tpu.memory_space<hbm>> -> memref<100000x32xf32, #tpu.memory_space<hbm>>
      tpu.enqueue_indirect_dma source(%dma_start3A_1074 : memref<100000x32xf32, #tpu.memory_space<hbm>>) target(%dma_start3A_1065 : memref<64x32xf32, #tpu.memory_space<vmem>>) offsets(%dma_start3A_1067 : memref<64xi32, #tpu.memory_space<vmem>>) semaphore(%arg9 : memref<!tpu.dma_semaphore, #tpu.memory_space<semaphore_mem>>)
      %mul3A_1075 = arith.constant 64 : i32
      %mul3A_1076 = arith.muli %add3A_894, %mul3A_1075 : i32
      %dma_start3A_1077 = arith.constant 10 : i32
      %dma_start3A_1078 = arith.constant 10 : i32
      %dma_start3A_1079 = arith.constant 10 : i32
      %dma_start3A_1080 = arith.constant 0 : i32
      %dma_start3A_1081 = arith.constant 0 : i32
      %dma_start3A_1082 = tpu.memref_slice %arg7[%dma_start3A_1079, %dma_start3A_1080, %dma_start3A_1081] : memref<26x64x32xf32, #tpu.memory_space<vmem>> -> memref<1x64x32xf32, #tpu.memory_space<vmem>>
      %dma_start3A_1083 = tpu.memref_squeeze %dma_start3A_1082 : memref<1x64x32xf32, #tpu.memory_space<vmem>> -> memref<64x32xf32, #tpu.memory_space<vmem>>
      %dma_start3A_1084 = tpu.memref_slice %arg5[%dma_start3A_1078, %mul3A_1076] : memref<26x512xi32, #tpu.memory_space<vmem>> -> memref<1x64xi32, #tpu.memory_space<vmem>>
      %dma_start3A_1085 = tpu.memref_squeeze %dma_start3A_1084 : memref<1x64xi32, #tpu.memory_space<vmem>> -> memref<64xi32, #tpu.memory_space<vmem>>
      %dma_start3A_1086 = arith.constant 0 : i32
      %dma_start3A_1087 = arith.constant 0 : i32
      %dma_start3A_1088 = tpu.memref_slice %arg3[%dma_start3A_1077, %dma_start3A_1086, %dma_start3A_1087] : memref<26x100000x32xf32, #tpu.memory_space<hbm>> -> memref<1x100000x32xf32, #tpu.memory_space<hbm>>
      %dma_start3A_1089 = tpu.memref_squeeze %dma_start3A_1088 : memref<1x100000x32xf32, #tpu.memory_space<hbm>> -> memref<100000x32xf32, #tpu.memory_space<hbm>>
      %dma_start3A_1090 = arith.constant 0 : i32
      %dma_start3A_1091 = arith.constant 0 : i32
      %dma_start3A_1092 = tpu.memref_slice %dma_start3A_1089[%dma_start3A_1090, %dma_start3A_1091] : memref<100000x32xf32, #tpu.memory_space<hbm>> -> memref<100000x32xf32, #tpu.memory_space<hbm>>
      tpu.enqueue_indirect_dma source(%dma_start3A_1092 : memref<100000x32xf32, #tpu.memory_space<hbm>>) target(%dma_start3A_1083 : memref<64x32xf32, #tpu.memory_space<vmem>>) offsets(%dma_start3A_1085 : memref<64xi32, #tpu.memory_space<vmem>>) semaphore(%arg9 : memref<!tpu.dma_semaphore, #tpu.memory_space<semaphore_mem>>)
      %mul3A_1093 = arith.constant 64 : i32
      %mul3A_1094 = arith.muli %add3A_894, %mul3A_1093 : i32
      %dma_start3A_1095 = arith.constant 11 : i32
      %dma_start3A_1096 = arith.constant 11 : i32
      %dma_start3A_1097 = arith.constant 11 : i32
      %dma_start3A_1098 = arith.constant 0 : i32
      %dma_start3A_1099 = arith.constant 0 : i32
      %dma_start3A_1100 = tpu.memref_slice %arg7[%dma_start3A_1097, %dma_start3A_1098, %dma_start3A_1099] : memref<26x64x32xf32, #tpu.memory_space<vmem>> -> memref<1x64x32xf32, #tpu.memory_space<vmem>>
      %dma_start3A_1101 = tpu.memref_squeeze %dma_start3A_1100 : memref<1x64x32xf32, #tpu.memory_space<vmem>> -> memref<64x32xf32, #tpu.memory_space<vmem>>
      %dma_start3A_1102 = tpu.memref_slice %arg5[%dma_start3A_1096, %mul3A_1094] : memref<26x512xi32, #tpu.memory_space<vmem>> -> memref<1x64xi32, #tpu.memory_space<vmem>>
      %dma_start3A_1103 = tpu.memref_squeeze %dma_start3A_1102 : memref<1x64xi32, #tpu.memory_space<vmem>> -> memref<64xi32, #tpu.memory_space<vmem>>
      %dma_start3A_1104 = arith.constant 0 : i32
      %dma_start3A_1105 = arith.constant 0 : i32
      %dma_start3A_1106 = tpu.memref_slice %arg3[%dma_start3A_1095, %dma_start3A_1104, %dma_start3A_1105] : memref<26x100000x32xf32, #tpu.memory_space<hbm>> -> memref<1x100000x32xf32, #tpu.memory_space<hbm>>
      %dma_start3A_1107 = tpu.memref_squeeze %dma_start3A_1106 : memref<1x100000x32xf32, #tpu.memory_space<hbm>> -> memref<100000x32xf32, #tpu.memory_space<hbm>>
      %dma_start3A_1108 = arith.constant 0 : i32
      %dma_start3A_1109 = arith.constant 0 : i32
      %dma_start3A_1110 = tpu.memref_slice %dma_start3A_1107[%dma_start3A_1108, %dma_start3A_1109] : memref<100000x32xf32, #tpu.memory_space<hbm>> -> memref<100000x32xf32, #tpu.memory_space<hbm>>
      tpu.enqueue_indirect_dma source(%dma_start3A_1110 : memref<100000x32xf32, #tpu.memory_space<hbm>>) target(%dma_start3A_1101 : memref<64x32xf32, #tpu.memory_space<vmem>>) offsets(%dma_start3A_1103 : memref<64xi32, #tpu.memory_space<vmem>>) semaphore(%arg9 : memref<!tpu.dma_semaphore, #tpu.memory_space<semaphore_mem>>)
      %mul3A_1111 = arith.constant 64 : i32
      %mul3A_1112 = arith.muli %add3A_894, %mul3A_1111 : i32
      %dma_start3A_1113 = arith.constant 12 : i32
      %dma_start3A_1114 = arith.constant 12 : i32
      %dma_start3A_1115 = arith.constant 12 : i32
      %dma_start3A_1116 = arith.constant 0 : i32
      %dma_start3A_1117 = arith.constant 0 : i32
      %dma_start3A_1118 = tpu.memref_slice %arg7[%dma_start3A_1115, %dma_start3A_1116, %dma_start3A_1117] : memref<26x64x32xf32, #tpu.memory_space<vmem>> -> memref<1x64x32xf32, #tpu.memory_space<vmem>>
      %dma_start3A_1119 = tpu.memref_squeeze %dma_start3A_1118 : memref<1x64x32xf32, #tpu.memory_space<vmem>> -> memref<64x32xf32, #tpu.memory_space<vmem>>
      %dma_start3A_1120 = tpu.memref_slice %arg5[%dma_start3A_1114, %mul3A_1112] : memref<26x512xi32, #tpu.memory_space<vmem>> -> memref<1x64xi32, #tpu.memory_space<vmem>>
      %dma_start3A_1121 = tpu.memref_squeeze %dma_start3A_1120 : memref<1x64xi32, #tpu.memory_space<vmem>> -> memref<64xi32, #tpu.memory_space<vmem>>
      %dma_start3A_1122 = arith.constant 0 : i32
      %dma_start3A_1123 = arith.constant 0 : i32
      %dma_start3A_1124 = tpu.memref_slice %arg3[%dma_start3A_1113, %dma_start3A_1122, %dma_start3A_1123] : memref<26x100000x32xf32, #tpu.memory_space<hbm>> -> memref<1x100000x32xf32, #tpu.memory_space<hbm>>
      %dma_start3A_1125 = tpu.memref_squeeze %dma_start3A_1124 : memref<1x100000x32xf32, #tpu.memory_space<hbm>> -> memref<100000x32xf32, #tpu.memory_space<hbm>>
      %dma_start3A_1126 = arith.constant 0 : i32
      %dma_start3A_1127 = arith.constant 0 : i32
      %dma_start3A_1128 = tpu.memref_slice %dma_start3A_1125[%dma_start3A_1126, %dma_start3A_1127] : memref<100000x32xf32, #tpu.memory_space<hbm>> -> memref<100000x32xf32, #tpu.memory_space<hbm>>
      tpu.enqueue_indirect_dma source(%dma_start3A_1128 : memref<100000x32xf32, #tpu.memory_space<hbm>>) target(%dma_start3A_1119 : memref<64x32xf32, #tpu.memory_space<vmem>>) offsets(%dma_start3A_1121 : memref<64xi32, #tpu.memory_space<vmem>>) semaphore(%arg9 : memref<!tpu.dma_semaphore, #tpu.memory_space<semaphore_mem>>)
      %mul3A_1129 = arith.constant 64 : i32
      %mul3A_1130 = arith.muli %add3A_894, %mul3A_1129 : i32
      %dma_start3A_1131 = arith.constant 13 : i32
      %dma_start3A_1132 = arith.constant 13 : i32
      %dma_start3A_1133 = arith.constant 13 : i32
      %dma_start3A_1134 = arith.constant 0 : i32
      %dma_start3A_1135 = arith.constant 0 : i32
      %dma_start3A_1136 = tpu.memref_slice %arg7[%dma_start3A_1133, %dma_start3A_1134, %dma_start3A_1135] : memref<26x64x32xf32, #tpu.memory_space<vmem>> -> memref<1x64x32xf32, #tpu.memory_space<vmem>>
      %dma_start3A_1137 = tpu.memref_squeeze %dma_start3A_1136 : memref<1x64x32xf32, #tpu.memory_space<vmem>> -> memref<64x32xf32, #tpu.memory_space<vmem>>
      %dma_start3A_1138 = tpu.memref_slice %arg5[%dma_start3A_1132, %mul3A_1130] : memref<26x512xi32, #tpu.memory_space<vmem>> -> memref<1x64xi32, #tpu.memory_space<vmem>>
      %dma_start3A_1139 = tpu.memref_squeeze %dma_start3A_1138 : memref<1x64xi32, #tpu.memory_space<vmem>> -> memref<64xi32, #tpu.memory_space<vmem>>
      %dma_start3A_1140 = arith.constant 0 : i32
      %dma_start3A_1141 = arith.constant 0 : i32
      %dma_start3A_1142 = tpu.memref_slice %arg3[%dma_start3A_1131, %dma_start3A_1140, %dma_start3A_1141] : memref<26x100000x32xf32, #tpu.memory_space<hbm>> -> memref<1x100000x32xf32, #tpu.memory_space<hbm>>
      %dma_start3A_1143 = tpu.memref_squeeze %dma_start3A_1142 : memref<1x100000x32xf32, #tpu.memory_space<hbm>> -> memref<100000x32xf32, #tpu.memory_space<hbm>>
      %dma_start3A_1144 = arith.constant 0 : i32
      %dma_start3A_1145 = arith.constant 0 : i32
      %dma_start3A_1146 = tpu.memref_slice %dma_start3A_1143[%dma_start3A_1144, %dma_start3A_1145] : memref<100000x32xf32, #tpu.memory_space<hbm>> -> memref<100000x32xf32, #tpu.memory_space<hbm>>
      tpu.enqueue_indirect_dma source(%dma_start3A_1146 : memref<100000x32xf32, #tpu.memory_space<hbm>>) target(%dma_start3A_1137 : memref<64x32xf32, #tpu.memory_space<vmem>>) offsets(%dma_start3A_1139 : memref<64xi32, #tpu.memory_space<vmem>>) semaphore(%arg9 : memref<!tpu.dma_semaphore, #tpu.memory_space<semaphore_mem>>)
      %mul3A_1147 = arith.constant 64 : i32
      %mul3A_1148 = arith.muli %add3A_894, %mul3A_1147 : i32
      %dma_start3A_1149 = arith.constant 14 : i32
      %dma_start3A_1150 = arith.constant 14 : i32
      %dma_start3A_1151 = arith.constant 14 : i32
      %dma_start3A_1152 = arith.constant 0 : i32
      %dma_start3A_1153 = arith.constant 0 : i32
      %dma_start3A_1154 = tpu.memref_slice %arg7[%dma_start3A_1151, %dma_start3A_1152, %dma_start3A_1153] : memref<26x64x32xf32, #tpu.memory_space<vmem>> -> memref<1x64x32xf32, #tpu.memory_space<vmem>>
      %dma_start3A_1155 = tpu.memref_squeeze %dma_start3A_1154 : memref<1x64x32xf32, #tpu.memory_space<vmem>> -> memref<64x32xf32, #tpu.memory_space<vmem>>
      %dma_start3A_1156 = tpu.memref_slice %arg5[%dma_start3A_1150, %mul3A_1148] : memref<26x512xi32, #tpu.memory_space<vmem>> -> memref<1x64xi32, #tpu.memory_space<vmem>>
      %dma_start3A_1157 = tpu.memref_squeeze %dma_start3A_1156 : memref<1x64xi32, #tpu.memory_space<vmem>> -> memref<64xi32, #tpu.memory_space<vmem>>
      %dma_start3A_1158 = arith.constant 0 : i32
      %dma_start3A_1159 = arith.constant 0 : i32
      %dma_start3A_1160 = tpu.memref_slice %arg3[%dma_start3A_1149, %dma_start3A_1158, %dma_start3A_1159] : memref<26x100000x32xf32, #tpu.memory_space<hbm>> -> memref<1x100000x32xf32, #tpu.memory_space<hbm>>
      %dma_start3A_1161 = tpu.memref_squeeze %dma_start3A_1160 : memref<1x100000x32xf32, #tpu.memory_space<hbm>> -> memref<100000x32xf32, #tpu.memory_space<hbm>>
      %dma_start3A_1162 = arith.constant 0 : i32
      %dma_start3A_1163 = arith.constant 0 : i32
      %dma_start3A_1164 = tpu.memref_slice %dma_start3A_1161[%dma_start3A_1162, %dma_start3A_1163] : memref<100000x32xf32, #tpu.memory_space<hbm>> -> memref<100000x32xf32, #tpu.memory_space<hbm>>
      tpu.enqueue_indirect_dma source(%dma_start3A_1164 : memref<100000x32xf32, #tpu.memory_space<hbm>>) target(%dma_start3A_1155 : memref<64x32xf32, #tpu.memory_space<vmem>>) offsets(%dma_start3A_1157 : memref<64xi32, #tpu.memory_space<vmem>>) semaphore(%arg9 : memref<!tpu.dma_semaphore, #tpu.memory_space<semaphore_mem>>)
      %mul3A_1165 = arith.constant 64 : i32
      %mul3A_1166 = arith.muli %add3A_894, %mul3A_1165 : i32
      %dma_start3A_1167 = arith.constant 15 : i32
      %dma_start3A_1168 = arith.constant 15 : i32
      %dma_start3A_1169 = arith.constant 15 : i32
      %dma_start3A_1170 = arith.constant 0 : i32
      %dma_start3A_1171 = arith.constant 0 : i32
      %dma_start3A_1172 = tpu.memref_slice %arg7[%dma_start3A_1169, %dma_start3A_1170, %dma_start3A_1171] : memref<26x64x32xf32, #tpu.memory_space<vmem>> -> memref<1x64x32xf32, #tpu.memory_space<vmem>>
      %dma_start3A_1173 = tpu.memref_squeeze %dma_start3A_1172 : memref<1x64x32xf32, #tpu.memory_space<vmem>> -> memref<64x32xf32, #tpu.memory_space<vmem>>
      %dma_start3A_1174 = tpu.memref_slice %arg5[%dma_start3A_1168, %mul3A_1166] : memref<26x512xi32, #tpu.memory_space<vmem>> -> memref<1x64xi32, #tpu.memory_space<vmem>>
      %dma_start3A_1175 = tpu.memref_squeeze %dma_start3A_1174 : memref<1x64xi32, #tpu.memory_space<vmem>> -> memref<64xi32, #tpu.memory_space<vmem>>
      %dma_start3A_1176 = arith.constant 0 : i32
      %dma_start3A_1177 = arith.constant 0 : i32
      %dma_start3A_1178 = tpu.memref_slice %arg3[%dma_start3A_1167, %dma_start3A_1176, %dma_start3A_1177] : memref<26x100000x32xf32, #tpu.memory_space<hbm>> -> memref<1x100000x32xf32, #tpu.memory_space<hbm>>
      %dma_start3A_1179 = tpu.memref_squeeze %dma_start3A_1178 : memref<1x100000x32xf32, #tpu.memory_space<hbm>> -> memref<100000x32xf32, #tpu.memory_space<hbm>>
      %dma_start3A_1180 = arith.constant 0 : i32
      %dma_start3A_1181 = arith.constant 0 : i32
      %dma_start3A_1182 = tpu.memref_slice %dma_start3A_1179[%dma_start3A_1180, %dma_start3A_1181] : memref<100000x32xf32, #tpu.memory_space<hbm>> -> memref<100000x32xf32, #tpu.memory_space<hbm>>
      tpu.enqueue_indirect_dma source(%dma_start3A_1182 : memref<100000x32xf32, #tpu.memory_space<hbm>>) target(%dma_start3A_1173 : memref<64x32xf32, #tpu.memory_space<vmem>>) offsets(%dma_start3A_1175 : memref<64xi32, #tpu.memory_space<vmem>>) semaphore(%arg9 : memref<!tpu.dma_semaphore, #tpu.memory_space<semaphore_mem>>)
      %mul3A_1183 = arith.constant 64 : i32
      %mul3A_1184 = arith.muli %add3A_894, %mul3A_1183 : i32
      %dma_start3A_1185 = arith.constant 16 : i32
      %dma_start3A_1186 = arith.constant 16 : i32
      %dma_start3A_1187 = arith.constant 16 : i32
      %dma_start3A_1188 = arith.constant 0 : i32
      %dma_start3A_1189 = arith.constant 0 : i32
      %dma_start3A_1190 = tpu.memref_slice %arg7[%dma_start3A_1187, %dma_start3A_1188, %dma_start3A_1189] : memref<26x64x32xf32, #tpu.memory_space<vmem>> -> memref<1x64x32xf32, #tpu.memory_space<vmem>>
      %dma_start3A_1191 = tpu.memref_squeeze %dma_start3A_1190 : memref<1x64x32xf32, #tpu.memory_space<vmem>> -> memref<64x32xf32, #tpu.memory_space<vmem>>
      %dma_start3A_1192 = tpu.memref_slice %arg5[%dma_start3A_1186, %mul3A_1184] : memref<26x512xi32, #tpu.memory_space<vmem>> -> memref<1x64xi32, #tpu.memory_space<vmem>>
      %dma_start3A_1193 = tpu.memref_squeeze %dma_start3A_1192 : memref<1x64xi32, #tpu.memory_space<vmem>> -> memref<64xi32, #tpu.memory_space<vmem>>
      %dma_start3A_1194 = arith.constant 0 : i32
      %dma_start3A_1195 = arith.constant 0 : i32
      %dma_start3A_1196 = tpu.memref_slice %arg3[%dma_start3A_1185, %dma_start3A_1194, %dma_start3A_1195] : memref<26x100000x32xf32, #tpu.memory_space<hbm>> -> memref<1x100000x32xf32, #tpu.memory_space<hbm>>
      %dma_start3A_1197 = tpu.memref_squeeze %dma_start3A_1196 : memref<1x100000x32xf32, #tpu.memory_space<hbm>> -> memref<100000x32xf32, #tpu.memory_space<hbm>>
      %dma_start3A_1198 = arith.constant 0 : i32
      %dma_start3A_1199 = arith.constant 0 : i32
      %dma_start3A_1200 = tpu.memref_slice %dma_start3A_1197[%dma_start3A_1198, %dma_start3A_1199] : memref<100000x32xf32, #tpu.memory_space<hbm>> -> memref<100000x32xf32, #tpu.memory_space<hbm>>
      tpu.enqueue_indirect_dma source(%dma_start3A_1200 : memref<100000x32xf32, #tpu.memory_space<hbm>>) target(%dma_start3A_1191 : memref<64x32xf32, #tpu.memory_space<vmem>>) offsets(%dma_start3A_1193 : memref<64xi32, #tpu.memory_space<vmem>>) semaphore(%arg9 : memref<!tpu.dma_semaphore, #tpu.memory_space<semaphore_mem>>)
      %mul3A_1201 = arith.constant 64 : i32
      %mul3A_1202 = arith.muli %add3A_894, %mul3A_1201 : i32
      %dma_start3A_1203 = arith.constant 17 : i32
      %dma_start3A_1204 = arith.constant 17 : i32
      %dma_start3A_1205 = arith.constant 17 : i32
      %dma_start3A_1206 = arith.constant 0 : i32
      %dma_start3A_1207 = arith.constant 0 : i32
      %dma_start3A_1208 = tpu.memref_slice %arg7[%dma_start3A_1205, %dma_start3A_1206, %dma_start3A_1207] : memref<26x64x32xf32, #tpu.memory_space<vmem>> -> memref<1x64x32xf32, #tpu.memory_space<vmem>>
      %dma_start3A_1209 = tpu.memref_squeeze %dma_start3A_1208 : memref<1x64x32xf32, #tpu.memory_space<vmem>> -> memref<64x32xf32, #tpu.memory_space<vmem>>
      %dma_start3A_1210 = tpu.memref_slice %arg5[%dma_start3A_1204, %mul3A_1202] : memref<26x512xi32, #tpu.memory_space<vmem>> -> memref<1x64xi32, #tpu.memory_space<vmem>>
      %dma_start3A_1211 = tpu.memref_squeeze %dma_start3A_1210 : memref<1x64xi32, #tpu.memory_space<vmem>> -> memref<64xi32, #tpu.memory_space<vmem>>
      %dma_start3A_1212 = arith.constant 0 : i32
      %dma_start3A_1213 = arith.constant 0 : i32
      %dma_start3A_1214 = tpu.memref_slice %arg3[%dma_start3A_1203, %dma_start3A_1212, %dma_start3A_1213] : memref<26x100000x32xf32, #tpu.memory_space<hbm>> -> memref<1x100000x32xf32, #tpu.memory_space<hbm>>
      %dma_start3A_1215 = tpu.memref_squeeze %dma_start3A_1214 : memref<1x100000x32xf32, #tpu.memory_space<hbm>> -> memref<100000x32xf32, #tpu.memory_space<hbm>>
      %dma_start3A_1216 = arith.constant 0 : i32
      %dma_start3A_1217 = arith.constant 0 : i32
      %dma_start3A_1218 = tpu.memref_slice %dma_start3A_1215[%dma_start3A_1216, %dma_start3A_1217] : memref<100000x32xf32, #tpu.memory_space<hbm>> -> memref<100000x32xf32, #tpu.memory_space<hbm>>
      tpu.enqueue_indirect_dma source(%dma_start3A_1218 : memref<100000x32xf32, #tpu.memory_space<hbm>>) target(%dma_start3A_1209 : memref<64x32xf32, #tpu.memory_space<vmem>>) offsets(%dma_start3A_1211 : memref<64xi32, #tpu.memory_space<vmem>>) semaphore(%arg9 : memref<!tpu.dma_semaphore, #tpu.memory_space<semaphore_mem>>)
      %mul3A_1219 = arith.constant 64 : i32
      %mul3A_1220 = arith.muli %add3A_894, %mul3A_1219 : i32
      %dma_start3A_1221 = arith.constant 18 : i32
      %dma_start3A_1222 = arith.constant 18 : i32
      %dma_start3A_1223 = arith.constant 18 : i32
      %dma_start3A_1224 = arith.constant 0 : i32
      %dma_start3A_1225 = arith.constant 0 : i32
      %dma_start3A_1226 = tpu.memref_slice %arg7[%dma_start3A_1223, %dma_start3A_1224, %dma_start3A_1225] : memref<26x64x32xf32, #tpu.memory_space<vmem>> -> memref<1x64x32xf32, #tpu.memory_space<vmem>>
      %dma_start3A_1227 = tpu.memref_squeeze %dma_start3A_1226 : memref<1x64x32xf32, #tpu.memory_space<vmem>> -> memref<64x32xf32, #tpu.memory_space<vmem>>
      %dma_start3A_1228 = tpu.memref_slice %arg5[%dma_start3A_1222, %mul3A_1220] : memref<26x512xi32, #tpu.memory_space<vmem>> -> memref<1x64xi32, #tpu.memory_space<vmem>>
      %dma_start3A_1229 = tpu.memref_squeeze %dma_start3A_1228 : memref<1x64xi32, #tpu.memory_space<vmem>> -> memref<64xi32, #tpu.memory_space<vmem>>
      %dma_start3A_1230 = arith.constant 0 : i32
      %dma_start3A_1231 = arith.constant 0 : i32
      %dma_start3A_1232 = tpu.memref_slice %arg3[%dma_start3A_1221, %dma_start3A_1230, %dma_start3A_1231] : memref<26x100000x32xf32, #tpu.memory_space<hbm>> -> memref<1x100000x32xf32, #tpu.memory_space<hbm>>
      %dma_start3A_1233 = tpu.memref_squeeze %dma_start3A_1232 : memref<1x100000x32xf32, #tpu.memory_space<hbm>> -> memref<100000x32xf32, #tpu.memory_space<hbm>>
      %dma_start3A_1234 = arith.constant 0 : i32
      %dma_start3A_1235 = arith.constant 0 : i32
      %dma_start3A_1236 = tpu.memref_slice %dma_start3A_1233[%dma_start3A_1234, %dma_start3A_1235] : memref<100000x32xf32, #tpu.memory_space<hbm>> -> memref<100000x32xf32, #tpu.memory_space<hbm>>
      tpu.enqueue_indirect_dma source(%dma_start3A_1236 : memref<100000x32xf32, #tpu.memory_space<hbm>>) target(%dma_start3A_1227 : memref<64x32xf32, #tpu.memory_space<vmem>>) offsets(%dma_start3A_1229 : memref<64xi32, #tpu.memory_space<vmem>>) semaphore(%arg9 : memref<!tpu.dma_semaphore, #tpu.memory_space<semaphore_mem>>)
      %mul3A_1237 = arith.constant 64 : i32
      %mul3A_1238 = arith.muli %add3A_894, %mul3A_1237 : i32
      %dma_start3A_1239 = arith.constant 19 : i32
      %dma_start3A_1240 = arith.constant 19 : i32
      %dma_start3A_1241 = arith.constant 19 : i32
      %dma_start3A_1242 = arith.constant 0 : i32
      %dma_start3A_1243 = arith.constant 0 : i32
      %dma_start3A_1244 = tpu.memref_slice %arg7[%dma_start3A_1241, %dma_start3A_1242, %dma_start3A_1243] : memref<26x64x32xf32, #tpu.memory_space<vmem>> -> memref<1x64x32xf32, #tpu.memory_space<vmem>>
      %dma_start3A_1245 = tpu.memref_squeeze %dma_start3A_1244 : memref<1x64x32xf32, #tpu.memory_space<vmem>> -> memref<64x32xf32, #tpu.memory_space<vmem>>
      %dma_start3A_1246 = tpu.memref_slice %arg5[%dma_start3A_1240, %mul3A_1238] : memref<26x512xi32, #tpu.memory_space<vmem>> -> memref<1x64xi32, #tpu.memory_space<vmem>>
      %dma_start3A_1247 = tpu.memref_squeeze %dma_start3A_1246 : memref<1x64xi32, #tpu.memory_space<vmem>> -> memref<64xi32, #tpu.memory_space<vmem>>
      %dma_start3A_1248 = arith.constant 0 : i32
      %dma_start3A_1249 = arith.constant 0 : i32
      %dma_start3A_1250 = tpu.memref_slice %arg3[%dma_start3A_1239, %dma_start3A_1248, %dma_start3A_1249] : memref<26x100000x32xf32, #tpu.memory_space<hbm>> -> memref<1x100000x32xf32, #tpu.memory_space<hbm>>
      %dma_start3A_1251 = tpu.memref_squeeze %dma_start3A_1250 : memref<1x100000x32xf32, #tpu.memory_space<hbm>> -> memref<100000x32xf32, #tpu.memory_space<hbm>>
      %dma_start3A_1252 = arith.constant 0 : i32
      %dma_start3A_1253 = arith.constant 0 : i32
      %dma_start3A_1254 = tpu.memref_slice %dma_start3A_1251[%dma_start3A_1252, %dma_start3A_1253] : memref<100000x32xf32, #tpu.memory_space<hbm>> -> memref<100000x32xf32, #tpu.memory_space<hbm>>
      tpu.enqueue_indirect_dma source(%dma_start3A_1254 : memref<100000x32xf32, #tpu.memory_space<hbm>>) target(%dma_start3A_1245 : memref<64x32xf32, #tpu.memory_space<vmem>>) offsets(%dma_start3A_1247 : memref<64xi32, #tpu.memory_space<vmem>>) semaphore(%arg9 : memref<!tpu.dma_semaphore, #tpu.memory_space<semaphore_mem>>)
      %mul3A_1255 = arith.constant 64 : i32
      %mul3A_1256 = arith.muli %add3A_894, %mul3A_1255 : i32
      %dma_start3A_1257 = arith.constant 20 : i32
      %dma_start3A_1258 = arith.constant 20 : i32
      %dma_start3A_1259 = arith.constant 20 : i32
      %dma_start3A_1260 = arith.constant 0 : i32
      %dma_start3A_1261 = arith.constant 0 : i32
      %dma_start3A_1262 = tpu.memref_slice %arg7[%dma_start3A_1259, %dma_start3A_1260, %dma_start3A_1261] : memref<26x64x32xf32, #tpu.memory_space<vmem>> -> memref<1x64x32xf32, #tpu.memory_space<vmem>>
      %dma_start3A_1263 = tpu.memref_squeeze %dma_start3A_1262 : memref<1x64x32xf32, #tpu.memory_space<vmem>> -> memref<64x32xf32, #tpu.memory_space<vmem>>
      %dma_start3A_1264 = tpu.memref_slice %arg5[%dma_start3A_1258, %mul3A_1256] : memref<26x512xi32, #tpu.memory_space<vmem>> -> memref<1x64xi32, #tpu.memory_space<vmem>>
      %dma_start3A_1265 = tpu.memref_squeeze %dma_start3A_1264 : memref<1x64xi32, #tpu.memory_space<vmem>> -> memref<64xi32, #tpu.memory_space<vmem>>
      %dma_start3A_1266 = arith.constant 0 : i32
      %dma_start3A_1267 = arith.constant 0 : i32
      %dma_start3A_1268 = tpu.memref_slice %arg3[%dma_start3A_1257, %dma_start3A_1266, %dma_start3A_1267] : memref<26x100000x32xf32, #tpu.memory_space<hbm>> -> memref<1x100000x32xf32, #tpu.memory_space<hbm>>
      %dma_start3A_1269 = tpu.memref_squeeze %dma_start3A_1268 : memref<1x100000x32xf32, #tpu.memory_space<hbm>> -> memref<100000x32xf32, #tpu.memory_space<hbm>>
      %dma_start3A_1270 = arith.constant 0 : i32
      %dma_start3A_1271 = arith.constant 0 : i32
      %dma_start3A_1272 = tpu.memref_slice %dma_start3A_1269[%dma_start3A_1270, %dma_start3A_1271] : memref<100000x32xf32, #tpu.memory_space<hbm>> -> memref<100000x32xf32, #tpu.memory_space<hbm>>
      tpu.enqueue_indirect_dma source(%dma_start3A_1272 : memref<100000x32xf32, #tpu.memory_space<hbm>>) target(%dma_start3A_1263 : memref<64x32xf32, #tpu.memory_space<vmem>>) offsets(%dma_start3A_1265 : memref<64xi32, #tpu.memory_space<vmem>>) semaphore(%arg9 : memref<!tpu.dma_semaphore, #tpu.memory_space<semaphore_mem>>)
      %mul3A_1273 = arith.constant 64 : i32
      %mul3A_1274 = arith.muli %add3A_894, %mul3A_1273 : i32
      %dma_start3A_1275 = arith.constant 21 : i32
      %dma_start3A_1276 = arith.constant 21 : i32
      %dma_start3A_1277 = arith.constant 21 : i32
      %dma_start3A_1278 = arith.constant 0 : i32
      %dma_start3A_1279 = arith.constant 0 : i32
      %dma_start3A_1280 = tpu.memref_slice %arg7[%dma_start3A_1277, %dma_start3A_1278, %dma_start3A_1279] : memref<26x64x32xf32, #tpu.memory_space<vmem>> -> memref<1x64x32xf32, #tpu.memory_space<vmem>>
      %dma_start3A_1281 = tpu.memref_squeeze %dma_start3A_1280 : memref<1x64x32xf32, #tpu.memory_space<vmem>> -> memref<64x32xf32, #tpu.memory_space<vmem>>
      %dma_start3A_1282 = tpu.memref_slice %arg5[%dma_start3A_1276, %mul3A_1274] : memref<26x512xi32, #tpu.memory_space<vmem>> -> memref<1x64xi32, #tpu.memory_space<vmem>>
      %dma_start3A_1283 = tpu.memref_squeeze %dma_start3A_1282 : memref<1x64xi32, #tpu.memory_space<vmem>> -> memref<64xi32, #tpu.memory_space<vmem>>
      %dma_start3A_1284 = arith.constant 0 : i32
      %dma_start3A_1285 = arith.constant 0 : i32
      %dma_start3A_1286 = tpu.memref_slice %arg3[%dma_start3A_1275, %dma_start3A_1284, %dma_start3A_1285] : memref<26x100000x32xf32, #tpu.memory_space<hbm>> -> memref<1x100000x32xf32, #tpu.memory_space<hbm>>
      %dma_start3A_1287 = tpu.memref_squeeze %dma_start3A_1286 : memref<1x100000x32xf32, #tpu.memory_space<hbm>> -> memref<100000x32xf32, #tpu.memory_space<hbm>>
      %dma_start3A_1288 = arith.constant 0 : i32
      %dma_start3A_1289 = arith.constant 0 : i32
      %dma_start3A_1290 = tpu.memref_slice %dma_start3A_1287[%dma_start3A_1288, %dma_start3A_1289] : memref<100000x32xf32, #tpu.memory_space<hbm>> -> memref<100000x32xf32, #tpu.memory_space<hbm>>
      tpu.enqueue_indirect_dma source(%dma_start3A_1290 : memref<100000x32xf32, #tpu.memory_space<hbm>>) target(%dma_start3A_1281 : memref<64x32xf32, #tpu.memory_space<vmem>>) offsets(%dma_start3A_1283 : memref<64xi32, #tpu.memory_space<vmem>>) semaphore(%arg9 : memref<!tpu.dma_semaphore, #tpu.memory_space<semaphore_mem>>)
      %mul3A_1291 = arith.constant 64 : i32
      %mul3A_1292 = arith.muli %add3A_894, %mul3A_1291 : i32
      %dma_start3A_1293 = arith.constant 22 : i32
      %dma_start3A_1294 = arith.constant 22 : i32
      %dma_start3A_1295 = arith.constant 22 : i32
      %dma_start3A_1296 = arith.constant 0 : i32
      %dma_start3A_1297 = arith.constant 0 : i32
      %dma_start3A_1298 = tpu.memref_slice %arg7[%dma_start3A_1295, %dma_start3A_1296, %dma_start3A_1297] : memref<26x64x32xf32, #tpu.memory_space<vmem>> -> memref<1x64x32xf32, #tpu.memory_space<vmem>>
      %dma_start3A_1299 = tpu.memref_squeeze %dma_start3A_1298 : memref<1x64x32xf32, #tpu.memory_space<vmem>> -> memref<64x32xf32, #tpu.memory_space<vmem>>
      %dma_start3A_1300 = tpu.memref_slice %arg5[%dma_start3A_1294, %mul3A_1292] : memref<26x512xi32, #tpu.memory_space<vmem>> -> memref<1x64xi32, #tpu.memory_space<vmem>>
      %dma_start3A_1301 = tpu.memref_squeeze %dma_start3A_1300 : memref<1x64xi32, #tpu.memory_space<vmem>> -> memref<64xi32, #tpu.memory_space<vmem>>
      %dma_start3A_1302 = arith.constant 0 : i32
      %dma_start3A_1303 = arith.constant 0 : i32
      %dma_start3A_1304 = tpu.memref_slice %arg3[%dma_start3A_1293, %dma_start3A_1302, %dma_start3A_1303] : memref<26x100000x32xf32, #tpu.memory_space<hbm>> -> memref<1x100000x32xf32, #tpu.memory_space<hbm>>
      %dma_start3A_1305 = tpu.memref_squeeze %dma_start3A_1304 : memref<1x100000x32xf32, #tpu.memory_space<hbm>> -> memref<100000x32xf32, #tpu.memory_space<hbm>>
      %dma_start3A_1306 = arith.constant 0 : i32
      %dma_start3A_1307 = arith.constant 0 : i32
      %dma_start3A_1308 = tpu.memref_slice %dma_start3A_1305[%dma_start3A_1306, %dma_start3A_1307] : memref<100000x32xf32, #tpu.memory_space<hbm>> -> memref<100000x32xf32, #tpu.memory_space<hbm>>
      tpu.enqueue_indirect_dma source(%dma_start3A_1308 : memref<100000x32xf32, #tpu.memory_space<hbm>>) target(%dma_start3A_1299 : memref<64x32xf32, #tpu.memory_space<vmem>>) offsets(%dma_start3A_1301 : memref<64xi32, #tpu.memory_space<vmem>>) semaphore(%arg9 : memref<!tpu.dma_semaphore, #tpu.memory_space<semaphore_mem>>)
      %mul3A_1309 = arith.constant 64 : i32
      %mul3A_1310 = arith.muli %add3A_894, %mul3A_1309 : i32
      %dma_start3A_1311 = arith.constant 23 : i32
      %dma_start3A_1312 = arith.constant 23 : i32
      %dma_start3A_1313 = arith.constant 23 : i32
      %dma_start3A_1314 = arith.constant 0 : i32
      %dma_start3A_1315 = arith.constant 0 : i32
      %dma_start3A_1316 = tpu.memref_slice %arg7[%dma_start3A_1313, %dma_start3A_1314, %dma_start3A_1315] : memref<26x64x32xf32, #tpu.memory_space<vmem>> -> memref<1x64x32xf32, #tpu.memory_space<vmem>>
      %dma_start3A_1317 = tpu.memref_squeeze %dma_start3A_1316 : memref<1x64x32xf32, #tpu.memory_space<vmem>> -> memref<64x32xf32, #tpu.memory_space<vmem>>
      %dma_start3A_1318 = tpu.memref_slice %arg5[%dma_start3A_1312, %mul3A_1310] : memref<26x512xi32, #tpu.memory_space<vmem>> -> memref<1x64xi32, #tpu.memory_space<vmem>>
      %dma_start3A_1319 = tpu.memref_squeeze %dma_start3A_1318 : memref<1x64xi32, #tpu.memory_space<vmem>> -> memref<64xi32, #tpu.memory_space<vmem>>
      %dma_start3A_1320 = arith.constant 0 : i32
      %dma_start3A_1321 = arith.constant 0 : i32
      %dma_start3A_1322 = tpu.memref_slice %arg3[%dma_start3A_1311, %dma_start3A_1320, %dma_start3A_1321] : memref<26x100000x32xf32, #tpu.memory_space<hbm>> -> memref<1x100000x32xf32, #tpu.memory_space<hbm>>
      %dma_start3A_1323 = tpu.memref_squeeze %dma_start3A_1322 : memref<1x100000x32xf32, #tpu.memory_space<hbm>> -> memref<100000x32xf32, #tpu.memory_space<hbm>>
      %dma_start3A_1324 = arith.constant 0 : i32
      %dma_start3A_1325 = arith.constant 0 : i32
      %dma_start3A_1326 = tpu.memref_slice %dma_start3A_1323[%dma_start3A_1324, %dma_start3A_1325] : memref<100000x32xf32, #tpu.memory_space<hbm>> -> memref<100000x32xf32, #tpu.memory_space<hbm>>
      tpu.enqueue_indirect_dma source(%dma_start3A_1326 : memref<100000x32xf32, #tpu.memory_space<hbm>>) target(%dma_start3A_1317 : memref<64x32xf32, #tpu.memory_space<vmem>>) offsets(%dma_start3A_1319 : memref<64xi32, #tpu.memory_space<vmem>>) semaphore(%arg9 : memref<!tpu.dma_semaphore, #tpu.memory_space<semaphore_mem>>)
      %mul3A_1327 = arith.constant 64 : i32
      %mul3A_1328 = arith.muli %add3A_894, %mul3A_1327 : i32
      %dma_start3A_1329 = arith.constant 24 : i32
      %dma_start3A_1330 = arith.constant 24 : i32
      %dma_start3A_1331 = arith.constant 24 : i32
      %dma_start3A_1332 = arith.constant 0 : i32
      %dma_start3A_1333 = arith.constant 0 : i32
      %dma_start3A_1334 = tpu.memref_slice %arg7[%dma_start3A_1331, %dma_start3A_1332, %dma_start3A_1333] : memref<26x64x32xf32, #tpu.memory_space<vmem>> -> memref<1x64x32xf32, #tpu.memory_space<vmem>>
      %dma_start3A_1335 = tpu.memref_squeeze %dma_start3A_1334 : memref<1x64x32xf32, #tpu.memory_space<vmem>> -> memref<64x32xf32, #tpu.memory_space<vmem>>
      %dma_start3A_1336 = tpu.memref_slice %arg5[%dma_start3A_1330, %mul3A_1328] : memref<26x512xi32, #tpu.memory_space<vmem>> -> memref<1x64xi32, #tpu.memory_space<vmem>>
      %dma_start3A_1337 = tpu.memref_squeeze %dma_start3A_1336 : memref<1x64xi32, #tpu.memory_space<vmem>> -> memref<64xi32, #tpu.memory_space<vmem>>
      %dma_start3A_1338 = arith.constant 0 : i32
      %dma_start3A_1339 = arith.constant 0 : i32
      %dma_start3A_1340 = tpu.memref_slice %arg3[%dma_start3A_1329, %dma_start3A_1338, %dma_start3A_1339] : memref<26x100000x32xf32, #tpu.memory_space<hbm>> -> memref<1x100000x32xf32, #tpu.memory_space<hbm>>
      %dma_start3A_1341 = tpu.memref_squeeze %dma_start3A_1340 : memref<1x100000x32xf32, #tpu.memory_space<hbm>> -> memref<100000x32xf32, #tpu.memory_space<hbm>>
      %dma_start3A_1342 = arith.constant 0 : i32
      %dma_start3A_1343 = arith.constant 0 : i32
      %dma_start3A_1344 = tpu.memref_slice %dma_start3A_1341[%dma_start3A_1342, %dma_start3A_1343] : memref<100000x32xf32, #tpu.memory_space<hbm>> -> memref<100000x32xf32, #tpu.memory_space<hbm>>
      tpu.enqueue_indirect_dma source(%dma_start3A_1344 : memref<100000x32xf32, #tpu.memory_space<hbm>>) target(%dma_start3A_1335 : memref<64x32xf32, #tpu.memory_space<vmem>>) offsets(%dma_start3A_1337 : memref<64xi32, #tpu.memory_space<vmem>>) semaphore(%arg9 : memref<!tpu.dma_semaphore, #tpu.memory_space<semaphore_mem>>)
      %mul3A_1345 = arith.constant 64 : i32
      %mul3A_1346 = arith.muli %add3A_894, %mul3A_1345 : i32
      %dma_start3A_1347 = arith.constant 25 : i32
      %dma_start3A_1348 = arith.constant 25 : i32
      %dma_start3A_1349 = arith.constant 25 : i32
      %dma_start3A_1350 = arith.constant 0 : i32
      %dma_start3A_1351 = arith.constant 0 : i32
      %dma_start3A_1352 = tpu.memref_slice %arg7[%dma_start3A_1349, %dma_start3A_1350, %dma_start3A_1351] : memref<26x64x32xf32, #tpu.memory_space<vmem>> -> memref<1x64x32xf32, #tpu.memory_space<vmem>>
      %dma_start3A_1353 = tpu.memref_squeeze %dma_start3A_1352 : memref<1x64x32xf32, #tpu.memory_space<vmem>> -> memref<64x32xf32, #tpu.memory_space<vmem>>
      %dma_start3A_1354 = tpu.memref_slice %arg5[%dma_start3A_1348, %mul3A_1346] : memref<26x512xi32, #tpu.memory_space<vmem>> -> memref<1x64xi32, #tpu.memory_space<vmem>>
      %dma_start3A_1355 = tpu.memref_squeeze %dma_start3A_1354 : memref<1x64xi32, #tpu.memory_space<vmem>> -> memref<64xi32, #tpu.memory_space<vmem>>
      %dma_start3A_1356 = arith.constant 0 : i32
      %dma_start3A_1357 = arith.constant 0 : i32
      %dma_start3A_1358 = tpu.memref_slice %arg3[%dma_start3A_1347, %dma_start3A_1356, %dma_start3A_1357] : memref<26x100000x32xf32, #tpu.memory_space<hbm>> -> memref<1x100000x32xf32, #tpu.memory_space<hbm>>
      %dma_start3A_1359 = tpu.memref_squeeze %dma_start3A_1358 : memref<1x100000x32xf32, #tpu.memory_space<hbm>> -> memref<100000x32xf32, #tpu.memory_space<hbm>>
      %dma_start3A_1360 = arith.constant 0 : i32
      %dma_start3A_1361 = arith.constant 0 : i32
      %dma_start3A_1362 = tpu.memref_slice %dma_start3A_1359[%dma_start3A_1360, %dma_start3A_1361] : memref<100000x32xf32, #tpu.memory_space<hbm>> -> memref<100000x32xf32, #tpu.memory_space<hbm>>
      tpu.enqueue_indirect_dma source(%dma_start3A_1362 : memref<100000x32xf32, #tpu.memory_space<hbm>>) target(%dma_start3A_1353 : memref<64x32xf32, #tpu.memory_space<vmem>>) offsets(%dma_start3A_1355 : memref<64xi32, #tpu.memory_space<vmem>>) semaphore(%arg9 : memref<!tpu.dma_semaphore, #tpu.memory_space<semaphore_mem>>)
      %dma_wait3A_1363 = arith.constant 0 : i32
      %dma_wait3A_1364 = arith.constant 0 : i32
      %dma_wait3A_1365 = arith.constant 0 : i32
      %dma_wait3A_1366 = tpu.memref_slice %arg3[%dma_wait3A_1363, %dma_wait3A_1364, %dma_wait3A_1365] : memref<26x100000x32xf32, #tpu.memory_space<hbm>> -> memref<26x64x32xf32, #tpu.memory_space<hbm>>
      %dma_wait3A_1367 = arith.constant 0 : i32
      %dma_wait3A_1368 = arith.constant 0 : i32
      %dma_wait3A_1369 = arith.constant 0 : i32
      %dma_wait3A_1370 = tpu.memref_slice %arg3[%dma_wait3A_1367, %dma_wait3A_1368, %dma_wait3A_1369] : memref<26x100000x32xf32, #tpu.memory_space<hbm>> -> memref<26x64x32xf32, #tpu.memory_space<hbm>>
      tpu.wait_dma2 semaphore(%arg9 : memref<!tpu.dma_semaphore, #tpu.memory_space<semaphore_mem>>) src(%dma_wait3A_1370 : memref<26x64x32xf32, #tpu.memory_space<hbm>>) dst(%arg7 : memref<26x64x32xf32, #tpu.memory_space<vmem>>)
      %add3A_1371 = arith.constant 1 : i32
      %add3A_1372 = arith.addi %mul3A_466, %add3A_1371 : i32
      %mul3A_1373 = arith.constant 64 : i32
      %mul3A_1374 = arith.muli %add3A_1372, %mul3A_1373 : i32
      %add3A_1375 = arith.addi %mul3A_2, %mul3A_1374 : i32
      %dma_start3A_1376 = arith.constant 0 : i32
      %dma_start3A_1377 = arith.constant 0 : i32
      %dma_start3A_1378 = arith.constant 0 : i32
      %dma_start3A_1379 = tpu.memref_slice %arg7[%dma_start3A_1376, %dma_start3A_1377, %dma_start3A_1378] : memref<26x64x32xf32, #tpu.memory_space<vmem>> -> memref<1x64x32xf32, #tpu.memory_space<vmem>>
      %dma_start3A_1380 = tpu.memref_squeeze %dma_start3A_1379 : memref<1x64x32xf32, #tpu.memory_space<vmem>> -> memref<64x32xf32, #tpu.memory_space<vmem>>
      %dma_start3A_1381 = arith.constant 0 : i32
      %dma_start3A_1382 = tpu.memref_slice %arg4[%add3A_1375, %dma_start3A_1381] : memref<16384x832xf32, #tpu.memory_space<hbm>> -> memref<64x32xf32, #tpu.memory_space<hbm>>
      %dma_start3A_1383 = arith.constant 0 : i32
      %dma_start3A_1384 = tpu.memref_slice %arg4[%add3A_1375, %dma_start3A_1383] : memref<16384x832xf32, #tpu.memory_space<hbm>> -> memref<64x32xf32, #tpu.memory_space<hbm>>
      %dma_start3A_1385 = arith.constant 0 : i32
      %dma_start3A_1386 = arith.constant 0 : i32
      %dma_start3A_1387 = tpu.memref_slice %arg7[%dma_start3A_1376, %dma_start3A_1385, %dma_start3A_1386] : memref<26x64x32xf32, #tpu.memory_space<vmem>> -> memref<1x64x32xf32, #tpu.memory_space<vmem>>
      %dma_start3A_1388 = tpu.memref_squeeze %dma_start3A_1387 : memref<1x64x32xf32, #tpu.memory_space<vmem>> -> memref<64x32xf32, #tpu.memory_space<vmem>>
      tpu.enqueue_dma source(%dma_start3A_1388 : memref<64x32xf32, #tpu.memory_space<vmem>>) target(%dma_start3A_1384 : memref<64x32xf32, #tpu.memory_space<hbm>>) target_semaphore(%arg11 : memref<!tpu.dma_semaphore, #tpu.memory_space<semaphore_mem>>)
      %mul3A_1389 = arith.constant 64 : i32
      %mul3A_1390 = arith.muli %add3A_1372, %mul3A_1389 : i32
      %add3A_1391 = arith.addi %mul3A_2, %mul3A_1390 : i32
      %dma_start3A_1392 = arith.constant 1 : i32
      %dma_start3A_1393 = arith.constant 0 : i32
      %dma_start3A_1394 = arith.constant 0 : i32
      %dma_start3A_1395 = tpu.memref_slice %arg7[%dma_start3A_1392, %dma_start3A_1393, %dma_start3A_1394] : memref<26x64x32xf32, #tpu.memory_space<vmem>> -> memref<1x64x32xf32, #tpu.memory_space<vmem>>
      %dma_start3A_1396 = tpu.memref_squeeze %dma_start3A_1395 : memref<1x64x32xf32, #tpu.memory_space<vmem>> -> memref<64x32xf32, #tpu.memory_space<vmem>>
      %dma_start3A_1397 = arith.constant 32 : i32
      %dma_start3A_1398 = tpu.memref_slice %arg4[%add3A_1391, %dma_start3A_1397] : memref<16384x832xf32, #tpu.memory_space<hbm>> -> memref<64x32xf32, #tpu.memory_space<hbm>>
      %dma_start3A_1399 = arith.constant 32 : i32
      %dma_start3A_1400 = tpu.memref_slice %arg4[%add3A_1391, %dma_start3A_1399] : memref<16384x832xf32, #tpu.memory_space<hbm>> -> memref<64x32xf32, #tpu.memory_space<hbm>>
      %dma_start3A_1401 = arith.constant 0 : i32
      %dma_start3A_1402 = arith.constant 0 : i32
      %dma_start3A_1403 = tpu.memref_slice %arg7[%dma_start3A_1392, %dma_start3A_1401, %dma_start3A_1402] : memref<26x64x32xf32, #tpu.memory_space<vmem>> -> memref<1x64x32xf32, #tpu.memory_space<vmem>>
      %dma_start3A_1404 = tpu.memref_squeeze %dma_start3A_1403 : memref<1x64x32xf32, #tpu.memory_space<vmem>> -> memref<64x32xf32, #tpu.memory_space<vmem>>
      tpu.enqueue_dma source(%dma_start3A_1404 : memref<64x32xf32, #tpu.memory_space<vmem>>) target(%dma_start3A_1400 : memref<64x32xf32, #tpu.memory_space<hbm>>) target_semaphore(%arg11 : memref<!tpu.dma_semaphore, #tpu.memory_space<semaphore_mem>>)
      %mul3A_1405 = arith.constant 64 : i32
      %mul3A_1406 = arith.muli %add3A_1372, %mul3A_1405 : i32
      %add3A_1407 = arith.addi %mul3A_2, %mul3A_1406 : i32
      %dma_start3A_1408 = arith.constant 2 : i32
      %dma_start3A_1409 = arith.constant 0 : i32
      %dma_start3A_1410 = arith.constant 0 : i32
      %dma_start3A_1411 = tpu.memref_slice %arg7[%dma_start3A_1408, %dma_start3A_1409, %dma_start3A_1410] : memref<26x64x32xf32, #tpu.memory_space<vmem>> -> memref<1x64x32xf32, #tpu.memory_space<vmem>>
      %dma_start3A_1412 = tpu.memref_squeeze %dma_start3A_1411 : memref<1x64x32xf32, #tpu.memory_space<vmem>> -> memref<64x32xf32, #tpu.memory_space<vmem>>
      %dma_start3A_1413 = arith.constant 64 : i32
      %dma_start3A_1414 = tpu.memref_slice %arg4[%add3A_1407, %dma_start3A_1413] : memref<16384x832xf32, #tpu.memory_space<hbm>> -> memref<64x32xf32, #tpu.memory_space<hbm>>
      %dma_start3A_1415 = arith.constant 64 : i32
      %dma_start3A_1416 = tpu.memref_slice %arg4[%add3A_1407, %dma_start3A_1415] : memref<16384x832xf32, #tpu.memory_space<hbm>> -> memref<64x32xf32, #tpu.memory_space<hbm>>
      %dma_start3A_1417 = arith.constant 0 : i32
      %dma_start3A_1418 = arith.constant 0 : i32
      %dma_start3A_1419 = tpu.memref_slice %arg7[%dma_start3A_1408, %dma_start3A_1417, %dma_start3A_1418] : memref<26x64x32xf32, #tpu.memory_space<vmem>> -> memref<1x64x32xf32, #tpu.memory_space<vmem>>
      %dma_start3A_1420 = tpu.memref_squeeze %dma_start3A_1419 : memref<1x64x32xf32, #tpu.memory_space<vmem>> -> memref<64x32xf32, #tpu.memory_space<vmem>>
      tpu.enqueue_dma source(%dma_start3A_1420 : memref<64x32xf32, #tpu.memory_space<vmem>>) target(%dma_start3A_1416 : memref<64x32xf32, #tpu.memory_space<hbm>>) target_semaphore(%arg11 : memref<!tpu.dma_semaphore, #tpu.memory_space<semaphore_mem>>)
      %mul3A_1421 = arith.constant 64 : i32
      %mul3A_1422 = arith.muli %add3A_1372, %mul3A_1421 : i32
      %add3A_1423 = arith.addi %mul3A_2, %mul3A_1422 : i32
      %dma_start3A_1424 = arith.constant 3 : i32
      %dma_start3A_1425 = arith.constant 0 : i32
      %dma_start3A_1426 = arith.constant 0 : i32
      %dma_start3A_1427 = tpu.memref_slice %arg7[%dma_start3A_1424, %dma_start3A_1425, %dma_start3A_1426] : memref<26x64x32xf32, #tpu.memory_space<vmem>> -> memref<1x64x32xf32, #tpu.memory_space<vmem>>
      %dma_start3A_1428 = tpu.memref_squeeze %dma_start3A_1427 : memref<1x64x32xf32, #tpu.memory_space<vmem>> -> memref<64x32xf32, #tpu.memory_space<vmem>>
      %dma_start3A_1429 = arith.constant 96 : i32
      %dma_start3A_1430 = tpu.memref_slice %arg4[%add3A_1423, %dma_start3A_1429] : memref<16384x832xf32, #tpu.memory_space<hbm>> -> memref<64x32xf32, #tpu.memory_space<hbm>>
      %dma_start3A_1431 = arith.constant 96 : i32
      %dma_start3A_1432 = tpu.memref_slice %arg4[%add3A_1423, %dma_start3A_1431] : memref<16384x832xf32, #tpu.memory_space<hbm>> -> memref<64x32xf32, #tpu.memory_space<hbm>>
      %dma_start3A_1433 = arith.constant 0 : i32
      %dma_start3A_1434 = arith.constant 0 : i32
      %dma_start3A_1435 = tpu.memref_slice %arg7[%dma_start3A_1424, %dma_start3A_1433, %dma_start3A_1434] : memref<26x64x32xf32, #tpu.memory_space<vmem>> -> memref<1x64x32xf32, #tpu.memory_space<vmem>>
      %dma_start3A_1436 = tpu.memref_squeeze %dma_start3A_1435 : memref<1x64x32xf32, #tpu.memory_space<vmem>> -> memref<64x32xf32, #tpu.memory_space<vmem>>
      tpu.enqueue_dma source(%dma_start3A_1436 : memref<64x32xf32, #tpu.memory_space<vmem>>) target(%dma_start3A_1432 : memref<64x32xf32, #tpu.memory_space<hbm>>) target_semaphore(%arg11 : memref<!tpu.dma_semaphore, #tpu.memory_space<semaphore_mem>>)
      %mul3A_1437 = arith.constant 64 : i32
      %mul3A_1438 = arith.muli %add3A_1372, %mul3A_1437 : i32
      %add3A_1439 = arith.addi %mul3A_2, %mul3A_1438 : i32
      %dma_start3A_1440 = arith.constant 4 : i32
      %dma_start3A_1441 = arith.constant 0 : i32
      %dma_start3A_1442 = arith.constant 0 : i32
      %dma_start3A_1443 = tpu.memref_slice %arg7[%dma_start3A_1440, %dma_start3A_1441, %dma_start3A_1442] : memref<26x64x32xf32, #tpu.memory_space<vmem>> -> memref<1x64x32xf32, #tpu.memory_space<vmem>>
      %dma_start3A_1444 = tpu.memref_squeeze %dma_start3A_1443 : memref<1x64x32xf32, #tpu.memory_space<vmem>> -> memref<64x32xf32, #tpu.memory_space<vmem>>
      %dma_start3A_1445 = arith.constant 128 : i32
      %dma_start3A_1446 = tpu.memref_slice %arg4[%add3A_1439, %dma_start3A_1445] : memref<16384x832xf32, #tpu.memory_space<hbm>> -> memref<64x32xf32, #tpu.memory_space<hbm>>
      %dma_start3A_1447 = arith.constant 128 : i32
      %dma_start3A_1448 = tpu.memref_slice %arg4[%add3A_1439, %dma_start3A_1447] : memref<16384x832xf32, #tpu.memory_space<hbm>> -> memref<64x32xf32, #tpu.memory_space<hbm>>
      %dma_start3A_1449 = arith.constant 0 : i32
      %dma_start3A_1450 = arith.constant 0 : i32
      %dma_start3A_1451 = tpu.memref_slice %arg7[%dma_start3A_1440, %dma_start3A_1449, %dma_start3A_1450] : memref<26x64x32xf32, #tpu.memory_space<vmem>> -> memref<1x64x32xf32, #tpu.memory_space<vmem>>
      %dma_start3A_1452 = tpu.memref_squeeze %dma_start3A_1451 : memref<1x64x32xf32, #tpu.memory_space<vmem>> -> memref<64x32xf32, #tpu.memory_space<vmem>>
      tpu.enqueue_dma source(%dma_start3A_1452 : memref<64x32xf32, #tpu.memory_space<vmem>>) target(%dma_start3A_1448 : memref<64x32xf32, #tpu.memory_space<hbm>>) target_semaphore(%arg11 : memref<!tpu.dma_semaphore, #tpu.memory_space<semaphore_mem>>)
      %mul3A_1453 = arith.constant 64 : i32
      %mul3A_1454 = arith.muli %add3A_1372, %mul3A_1453 : i32
      %add3A_1455 = arith.addi %mul3A_2, %mul3A_1454 : i32
      %dma_start3A_1456 = arith.constant 5 : i32
      %dma_start3A_1457 = arith.constant 0 : i32
      %dma_start3A_1458 = arith.constant 0 : i32
      %dma_start3A_1459 = tpu.memref_slice %arg7[%dma_start3A_1456, %dma_start3A_1457, %dma_start3A_1458] : memref<26x64x32xf32, #tpu.memory_space<vmem>> -> memref<1x64x32xf32, #tpu.memory_space<vmem>>
      %dma_start3A_1460 = tpu.memref_squeeze %dma_start3A_1459 : memref<1x64x32xf32, #tpu.memory_space<vmem>> -> memref<64x32xf32, #tpu.memory_space<vmem>>
      %dma_start3A_1461 = arith.constant 160 : i32
      %dma_start3A_1462 = tpu.memref_slice %arg4[%add3A_1455, %dma_start3A_1461] : memref<16384x832xf32, #tpu.memory_space<hbm>> -> memref<64x32xf32, #tpu.memory_space<hbm>>
      %dma_start3A_1463 = arith.constant 160 : i32
      %dma_start3A_1464 = tpu.memref_slice %arg4[%add3A_1455, %dma_start3A_1463] : memref<16384x832xf32, #tpu.memory_space<hbm>> -> memref<64x32xf32, #tpu.memory_space<hbm>>
      %dma_start3A_1465 = arith.constant 0 : i32
      %dma_start3A_1466 = arith.constant 0 : i32
      %dma_start3A_1467 = tpu.memref_slice %arg7[%dma_start3A_1456, %dma_start3A_1465, %dma_start3A_1466] : memref<26x64x32xf32, #tpu.memory_space<vmem>> -> memref<1x64x32xf32, #tpu.memory_space<vmem>>
      %dma_start3A_1468 = tpu.memref_squeeze %dma_start3A_1467 : memref<1x64x32xf32, #tpu.memory_space<vmem>> -> memref<64x32xf32, #tpu.memory_space<vmem>>
      tpu.enqueue_dma source(%dma_start3A_1468 : memref<64x32xf32, #tpu.memory_space<vmem>>) target(%dma_start3A_1464 : memref<64x32xf32, #tpu.memory_space<hbm>>) target_semaphore(%arg11 : memref<!tpu.dma_semaphore, #tpu.memory_space<semaphore_mem>>)
      %mul3A_1469 = arith.constant 64 : i32
      %mul3A_1470 = arith.muli %add3A_1372, %mul3A_1469 : i32
      %add3A_1471 = arith.addi %mul3A_2, %mul3A_1470 : i32
      %dma_start3A_1472 = arith.constant 6 : i32
      %dma_start3A_1473 = arith.constant 0 : i32
      %dma_start3A_1474 = arith.constant 0 : i32
      %dma_start3A_1475 = tpu.memref_slice %arg7[%dma_start3A_1472, %dma_start3A_1473, %dma_start3A_1474] : memref<26x64x32xf32, #tpu.memory_space<vmem>> -> memref<1x64x32xf32, #tpu.memory_space<vmem>>
      %dma_start3A_1476 = tpu.memref_squeeze %dma_start3A_1475 : memref<1x64x32xf32, #tpu.memory_space<vmem>> -> memref<64x32xf32, #tpu.memory_space<vmem>>
      %dma_start3A_1477 = arith.constant 192 : i32
      %dma_start3A_1478 = tpu.memref_slice %arg4[%add3A_1471, %dma_start3A_1477] : memref<16384x832xf32, #tpu.memory_space<hbm>> -> memref<64x32xf32, #tpu.memory_space<hbm>>
      %dma_start3A_1479 = arith.constant 192 : i32
      %dma_start3A_1480 = tpu.memref_slice %arg4[%add3A_1471, %dma_start3A_1479] : memref<16384x832xf32, #tpu.memory_space<hbm>> -> memref<64x32xf32, #tpu.memory_space<hbm>>
      %dma_start3A_1481 = arith.constant 0 : i32
      %dma_start3A_1482 = arith.constant 0 : i32
      %dma_start3A_1483 = tpu.memref_slice %arg7[%dma_start3A_1472, %dma_start3A_1481, %dma_start3A_1482] : memref<26x64x32xf32, #tpu.memory_space<vmem>> -> memref<1x64x32xf32, #tpu.memory_space<vmem>>
      %dma_start3A_1484 = tpu.memref_squeeze %dma_start3A_1483 : memref<1x64x32xf32, #tpu.memory_space<vmem>> -> memref<64x32xf32, #tpu.memory_space<vmem>>
      tpu.enqueue_dma source(%dma_start3A_1484 : memref<64x32xf32, #tpu.memory_space<vmem>>) target(%dma_start3A_1480 : memref<64x32xf32, #tpu.memory_space<hbm>>) target_semaphore(%arg11 : memref<!tpu.dma_semaphore, #tpu.memory_space<semaphore_mem>>)
      %mul3A_1485 = arith.constant 64 : i32
      %mul3A_1486 = arith.muli %add3A_1372, %mul3A_1485 : i32
      %add3A_1487 = arith.addi %mul3A_2, %mul3A_1486 : i32
      %dma_start3A_1488 = arith.constant 7 : i32
      %dma_start3A_1489 = arith.constant 0 : i32
      %dma_start3A_1490 = arith.constant 0 : i32
      %dma_start3A_1491 = tpu.memref_slice %arg7[%dma_start3A_1488, %dma_start3A_1489, %dma_start3A_1490] : memref<26x64x32xf32, #tpu.memory_space<vmem>> -> memref<1x64x32xf32, #tpu.memory_space<vmem>>
      %dma_start3A_1492 = tpu.memref_squeeze %dma_start3A_1491 : memref<1x64x32xf32, #tpu.memory_space<vmem>> -> memref<64x32xf32, #tpu.memory_space<vmem>>
      %dma_start3A_1493 = arith.constant 224 : i32
      %dma_start3A_1494 = tpu.memref_slice %arg4[%add3A_1487, %dma_start3A_1493] : memref<16384x832xf32, #tpu.memory_space<hbm>> -> memref<64x32xf32, #tpu.memory_space<hbm>>
      %dma_start3A_1495 = arith.constant 224 : i32
      %dma_start3A_1496 = tpu.memref_slice %arg4[%add3A_1487, %dma_start3A_1495] : memref<16384x832xf32, #tpu.memory_space<hbm>> -> memref<64x32xf32, #tpu.memory_space<hbm>>
      %dma_start3A_1497 = arith.constant 0 : i32
      %dma_start3A_1498 = arith.constant 0 : i32
      %dma_start3A_1499 = tpu.memref_slice %arg7[%dma_start3A_1488, %dma_start3A_1497, %dma_start3A_1498] : memref<26x64x32xf32, #tpu.memory_space<vmem>> -> memref<1x64x32xf32, #tpu.memory_space<vmem>>
      %dma_start3A_1500 = tpu.memref_squeeze %dma_start3A_1499 : memref<1x64x32xf32, #tpu.memory_space<vmem>> -> memref<64x32xf32, #tpu.memory_space<vmem>>
      tpu.enqueue_dma source(%dma_start3A_1500 : memref<64x32xf32, #tpu.memory_space<vmem>>) target(%dma_start3A_1496 : memref<64x32xf32, #tpu.memory_space<hbm>>) target_semaphore(%arg11 : memref<!tpu.dma_semaphore, #tpu.memory_space<semaphore_mem>>)
      %mul3A_1501 = arith.constant 64 : i32
      %mul3A_1502 = arith.muli %add3A_1372, %mul3A_1501 : i32
      %add3A_1503 = arith.addi %mul3A_2, %mul3A_1502 : i32
      %dma_start3A_1504 = arith.constant 8 : i32
      %dma_start3A_1505 = arith.constant 0 : i32
      %dma_start3A_1506 = arith.constant 0 : i32
      %dma_start3A_1507 = tpu.memref_slice %arg7[%dma_start3A_1504, %dma_start3A_1505, %dma_start3A_1506] : memref<26x64x32xf32, #tpu.memory_space<vmem>> -> memref<1x64x32xf32, #tpu.memory_space<vmem>>
      %dma_start3A_1508 = tpu.memref_squeeze %dma_start3A_1507 : memref<1x64x32xf32, #tpu.memory_space<vmem>> -> memref<64x32xf32, #tpu.memory_space<vmem>>
      %dma_start3A_1509 = arith.constant 256 : i32
      %dma_start3A_1510 = tpu.memref_slice %arg4[%add3A_1503, %dma_start3A_1509] : memref<16384x832xf32, #tpu.memory_space<hbm>> -> memref<64x32xf32, #tpu.memory_space<hbm>>
      %dma_start3A_1511 = arith.constant 256 : i32
      %dma_start3A_1512 = tpu.memref_slice %arg4[%add3A_1503, %dma_start3A_1511] : memref<16384x832xf32, #tpu.memory_space<hbm>> -> memref<64x32xf32, #tpu.memory_space<hbm>>
      %dma_start3A_1513 = arith.constant 0 : i32
      %dma_start3A_1514 = arith.constant 0 : i32
      %dma_start3A_1515 = tpu.memref_slice %arg7[%dma_start3A_1504, %dma_start3A_1513, %dma_start3A_1514] : memref<26x64x32xf32, #tpu.memory_space<vmem>> -> memref<1x64x32xf32, #tpu.memory_space<vmem>>
      %dma_start3A_1516 = tpu.memref_squeeze %dma_start3A_1515 : memref<1x64x32xf32, #tpu.memory_space<vmem>> -> memref<64x32xf32, #tpu.memory_space<vmem>>
      tpu.enqueue_dma source(%dma_start3A_1516 : memref<64x32xf32, #tpu.memory_space<vmem>>) target(%dma_start3A_1512 : memref<64x32xf32, #tpu.memory_space<hbm>>) target_semaphore(%arg11 : memref<!tpu.dma_semaphore, #tpu.memory_space<semaphore_mem>>)
      %mul3A_1517 = arith.constant 64 : i32
      %mul3A_1518 = arith.muli %add3A_1372, %mul3A_1517 : i32
      %add3A_1519 = arith.addi %mul3A_2, %mul3A_1518 : i32
      %dma_start3A_1520 = arith.constant 9 : i32
      %dma_start3A_1521 = arith.constant 0 : i32
      %dma_start3A_1522 = arith.constant 0 : i32
      %dma_start3A_1523 = tpu.memref_slice %arg7[%dma_start3A_1520, %dma_start3A_1521, %dma_start3A_1522] : memref<26x64x32xf32, #tpu.memory_space<vmem>> -> memref<1x64x32xf32, #tpu.memory_space<vmem>>
      %dma_start3A_1524 = tpu.memref_squeeze %dma_start3A_1523 : memref<1x64x32xf32, #tpu.memory_space<vmem>> -> memref<64x32xf32, #tpu.memory_space<vmem>>
      %dma_start3A_1525 = arith.constant 288 : i32
      %dma_start3A_1526 = tpu.memref_slice %arg4[%add3A_1519, %dma_start3A_1525] : memref<16384x832xf32, #tpu.memory_space<hbm>> -> memref<64x32xf32, #tpu.memory_space<hbm>>
      %dma_start3A_1527 = arith.constant 288 : i32
      %dma_start3A_1528 = tpu.memref_slice %arg4[%add3A_1519, %dma_start3A_1527] : memref<16384x832xf32, #tpu.memory_space<hbm>> -> memref<64x32xf32, #tpu.memory_space<hbm>>
      %dma_start3A_1529 = arith.constant 0 : i32
      %dma_start3A_1530 = arith.constant 0 : i32
      %dma_start3A_1531 = tpu.memref_slice %arg7[%dma_start3A_1520, %dma_start3A_1529, %dma_start3A_1530] : memref<26x64x32xf32, #tpu.memory_space<vmem>> -> memref<1x64x32xf32, #tpu.memory_space<vmem>>
      %dma_start3A_1532 = tpu.memref_squeeze %dma_start3A_1531 : memref<1x64x32xf32, #tpu.memory_space<vmem>> -> memref<64x32xf32, #tpu.memory_space<vmem>>
      tpu.enqueue_dma source(%dma_start3A_1532 : memref<64x32xf32, #tpu.memory_space<vmem>>) target(%dma_start3A_1528 : memref<64x32xf32, #tpu.memory_space<hbm>>) target_semaphore(%arg11 : memref<!tpu.dma_semaphore, #tpu.memory_space<semaphore_mem>>)
      %mul3A_1533 = arith.constant 64 : i32
      %mul3A_1534 = arith.muli %add3A_1372, %mul3A_1533 : i32
      %add3A_1535 = arith.addi %mul3A_2, %mul3A_1534 : i32
      %dma_start3A_1536 = arith.constant 10 : i32
      %dma_start3A_1537 = arith.constant 0 : i32
      %dma_start3A_1538 = arith.constant 0 : i32
      %dma_start3A_1539 = tpu.memref_slice %arg7[%dma_start3A_1536, %dma_start3A_1537, %dma_start3A_1538] : memref<26x64x32xf32, #tpu.memory_space<vmem>> -> memref<1x64x32xf32, #tpu.memory_space<vmem>>
      %dma_start3A_1540 = tpu.memref_squeeze %dma_start3A_1539 : memref<1x64x32xf32, #tpu.memory_space<vmem>> -> memref<64x32xf32, #tpu.memory_space<vmem>>
      %dma_start3A_1541 = arith.constant 320 : i32
      %dma_start3A_1542 = tpu.memref_slice %arg4[%add3A_1535, %dma_start3A_1541] : memref<16384x832xf32, #tpu.memory_space<hbm>> -> memref<64x32xf32, #tpu.memory_space<hbm>>
      %dma_start3A_1543 = arith.constant 320 : i32
      %dma_start3A_1544 = tpu.memref_slice %arg4[%add3A_1535, %dma_start3A_1543] : memref<16384x832xf32, #tpu.memory_space<hbm>> -> memref<64x32xf32, #tpu.memory_space<hbm>>
      %dma_start3A_1545 = arith.constant 0 : i32
      %dma_start3A_1546 = arith.constant 0 : i32
      %dma_start3A_1547 = tpu.memref_slice %arg7[%dma_start3A_1536, %dma_start3A_1545, %dma_start3A_1546] : memref<26x64x32xf32, #tpu.memory_space<vmem>> -> memref<1x64x32xf32, #tpu.memory_space<vmem>>
      %dma_start3A_1548 = tpu.memref_squeeze %dma_start3A_1547 : memref<1x64x32xf32, #tpu.memory_space<vmem>> -> memref<64x32xf32, #tpu.memory_space<vmem>>
      tpu.enqueue_dma source(%dma_start3A_1548 : memref<64x32xf32, #tpu.memory_space<vmem>>) target(%dma_start3A_1544 : memref<64x32xf32, #tpu.memory_space<hbm>>) target_semaphore(%arg11 : memref<!tpu.dma_semaphore, #tpu.memory_space<semaphore_mem>>)
      %mul3A_1549 = arith.constant 64 : i32
      %mul3A_1550 = arith.muli %add3A_1372, %mul3A_1549 : i32
      %add3A_1551 = arith.addi %mul3A_2, %mul3A_1550 : i32
      %dma_start3A_1552 = arith.constant 11 : i32
      %dma_start3A_1553 = arith.constant 0 : i32
      %dma_start3A_1554 = arith.constant 0 : i32
      %dma_start3A_1555 = tpu.memref_slice %arg7[%dma_start3A_1552, %dma_start3A_1553, %dma_start3A_1554] : memref<26x64x32xf32, #tpu.memory_space<vmem>> -> memref<1x64x32xf32, #tpu.memory_space<vmem>>
      %dma_start3A_1556 = tpu.memref_squeeze %dma_start3A_1555 : memref<1x64x32xf32, #tpu.memory_space<vmem>> -> memref<64x32xf32, #tpu.memory_space<vmem>>
      %dma_start3A_1557 = arith.constant 352 : i32
      %dma_start3A_1558 = tpu.memref_slice %arg4[%add3A_1551, %dma_start3A_1557] : memref<16384x832xf32, #tpu.memory_space<hbm>> -> memref<64x32xf32, #tpu.memory_space<hbm>>
      %dma_start3A_1559 = arith.constant 352 : i32
      %dma_start3A_1560 = tpu.memref_slice %arg4[%add3A_1551, %dma_start3A_1559] : memref<16384x832xf32, #tpu.memory_space<hbm>> -> memref<64x32xf32, #tpu.memory_space<hbm>>
      %dma_start3A_1561 = arith.constant 0 : i32
      %dma_start3A_1562 = arith.constant 0 : i32
      %dma_start3A_1563 = tpu.memref_slice %arg7[%dma_start3A_1552, %dma_start3A_1561, %dma_start3A_1562] : memref<26x64x32xf32, #tpu.memory_space<vmem>> -> memref<1x64x32xf32, #tpu.memory_space<vmem>>
      %dma_start3A_1564 = tpu.memref_squeeze %dma_start3A_1563 : memref<1x64x32xf32, #tpu.memory_space<vmem>> -> memref<64x32xf32, #tpu.memory_space<vmem>>
      tpu.enqueue_dma source(%dma_start3A_1564 : memref<64x32xf32, #tpu.memory_space<vmem>>) target(%dma_start3A_1560 : memref<64x32xf32, #tpu.memory_space<hbm>>) target_semaphore(%arg11 : memref<!tpu.dma_semaphore, #tpu.memory_space<semaphore_mem>>)
      %mul3A_1565 = arith.constant 64 : i32
      %mul3A_1566 = arith.muli %add3A_1372, %mul3A_1565 : i32
      %add3A_1567 = arith.addi %mul3A_2, %mul3A_1566 : i32
      %dma_start3A_1568 = arith.constant 12 : i32
      %dma_start3A_1569 = arith.constant 0 : i32
      %dma_start3A_1570 = arith.constant 0 : i32
      %dma_start3A_1571 = tpu.memref_slice %arg7[%dma_start3A_1568, %dma_start3A_1569, %dma_start3A_1570] : memref<26x64x32xf32, #tpu.memory_space<vmem>> -> memref<1x64x32xf32, #tpu.memory_space<vmem>>
      %dma_start3A_1572 = tpu.memref_squeeze %dma_start3A_1571 : memref<1x64x32xf32, #tpu.memory_space<vmem>> -> memref<64x32xf32, #tpu.memory_space<vmem>>
      %dma_start3A_1573 = arith.constant 384 : i32
      %dma_start3A_1574 = tpu.memref_slice %arg4[%add3A_1567, %dma_start3A_1573] : memref<16384x832xf32, #tpu.memory_space<hbm>> -> memref<64x32xf32, #tpu.memory_space<hbm>>
      %dma_start3A_1575 = arith.constant 384 : i32
      %dma_start3A_1576 = tpu.memref_slice %arg4[%add3A_1567, %dma_start3A_1575] : memref<16384x832xf32, #tpu.memory_space<hbm>> -> memref<64x32xf32, #tpu.memory_space<hbm>>
      %dma_start3A_1577 = arith.constant 0 : i32
      %dma_start3A_1578 = arith.constant 0 : i32
      %dma_start3A_1579 = tpu.memref_slice %arg7[%dma_start3A_1568, %dma_start3A_1577, %dma_start3A_1578] : memref<26x64x32xf32, #tpu.memory_space<vmem>> -> memref<1x64x32xf32, #tpu.memory_space<vmem>>
      %dma_start3A_1580 = tpu.memref_squeeze %dma_start3A_1579 : memref<1x64x32xf32, #tpu.memory_space<vmem>> -> memref<64x32xf32, #tpu.memory_space<vmem>>
      tpu.enqueue_dma source(%dma_start3A_1580 : memref<64x32xf32, #tpu.memory_space<vmem>>) target(%dma_start3A_1576 : memref<64x32xf32, #tpu.memory_space<hbm>>) target_semaphore(%arg11 : memref<!tpu.dma_semaphore, #tpu.memory_space<semaphore_mem>>)
      %mul3A_1581 = arith.constant 64 : i32
      %mul3A_1582 = arith.muli %add3A_1372, %mul3A_1581 : i32
      %add3A_1583 = arith.addi %mul3A_2, %mul3A_1582 : i32
      %dma_start3A_1584 = arith.constant 13 : i32
      %dma_start3A_1585 = arith.constant 0 : i32
      %dma_start3A_1586 = arith.constant 0 : i32
      %dma_start3A_1587 = tpu.memref_slice %arg7[%dma_start3A_1584, %dma_start3A_1585, %dma_start3A_1586] : memref<26x64x32xf32, #tpu.memory_space<vmem>> -> memref<1x64x32xf32, #tpu.memory_space<vmem>>
      %dma_start3A_1588 = tpu.memref_squeeze %dma_start3A_1587 : memref<1x64x32xf32, #tpu.memory_space<vmem>> -> memref<64x32xf32, #tpu.memory_space<vmem>>
      %dma_start3A_1589 = arith.constant 416 : i32
      %dma_start3A_1590 = tpu.memref_slice %arg4[%add3A_1583, %dma_start3A_1589] : memref<16384x832xf32, #tpu.memory_space<hbm>> -> memref<64x32xf32, #tpu.memory_space<hbm>>
      %dma_start3A_1591 = arith.constant 416 : i32
      %dma_start3A_1592 = tpu.memref_slice %arg4[%add3A_1583, %dma_start3A_1591] : memref<16384x832xf32, #tpu.memory_space<hbm>> -> memref<64x32xf32, #tpu.memory_space<hbm>>
      %dma_start3A_1593 = arith.constant 0 : i32
      %dma_start3A_1594 = arith.constant 0 : i32
      %dma_start3A_1595 = tpu.memref_slice %arg7[%dma_start3A_1584, %dma_start3A_1593, %dma_start3A_1594] : memref<26x64x32xf32, #tpu.memory_space<vmem>> -> memref<1x64x32xf32, #tpu.memory_space<vmem>>
      %dma_start3A_1596 = tpu.memref_squeeze %dma_start3A_1595 : memref<1x64x32xf32, #tpu.memory_space<vmem>> -> memref<64x32xf32, #tpu.memory_space<vmem>>
      tpu.enqueue_dma source(%dma_start3A_1596 : memref<64x32xf32, #tpu.memory_space<vmem>>) target(%dma_start3A_1592 : memref<64x32xf32, #tpu.memory_space<hbm>>) target_semaphore(%arg11 : memref<!tpu.dma_semaphore, #tpu.memory_space<semaphore_mem>>)
      %mul3A_1597 = arith.constant 64 : i32
      %mul3A_1598 = arith.muli %add3A_1372, %mul3A_1597 : i32
      %add3A_1599 = arith.addi %mul3A_2, %mul3A_1598 : i32
      %dma_start3A_1600 = arith.constant 14 : i32
      %dma_start3A_1601 = arith.constant 0 : i32
      %dma_start3A_1602 = arith.constant 0 : i32
      %dma_start3A_1603 = tpu.memref_slice %arg7[%dma_start3A_1600, %dma_start3A_1601, %dma_start3A_1602] : memref<26x64x32xf32, #tpu.memory_space<vmem>> -> memref<1x64x32xf32, #tpu.memory_space<vmem>>
      %dma_start3A_1604 = tpu.memref_squeeze %dma_start3A_1603 : memref<1x64x32xf32, #tpu.memory_space<vmem>> -> memref<64x32xf32, #tpu.memory_space<vmem>>
      %dma_start3A_1605 = arith.constant 448 : i32
      %dma_start3A_1606 = tpu.memref_slice %arg4[%add3A_1599, %dma_start3A_1605] : memref<16384x832xf32, #tpu.memory_space<hbm>> -> memref<64x32xf32, #tpu.memory_space<hbm>>
      %dma_start3A_1607 = arith.constant 448 : i32
      %dma_start3A_1608 = tpu.memref_slice %arg4[%add3A_1599, %dma_start3A_1607] : memref<16384x832xf32, #tpu.memory_space<hbm>> -> memref<64x32xf32, #tpu.memory_space<hbm>>
      %dma_start3A_1609 = arith.constant 0 : i32
      %dma_start3A_1610 = arith.constant 0 : i32
      %dma_start3A_1611 = tpu.memref_slice %arg7[%dma_start3A_1600, %dma_start3A_1609, %dma_start3A_1610] : memref<26x64x32xf32, #tpu.memory_space<vmem>> -> memref<1x64x32xf32, #tpu.memory_space<vmem>>
      %dma_start3A_1612 = tpu.memref_squeeze %dma_start3A_1611 : memref<1x64x32xf32, #tpu.memory_space<vmem>> -> memref<64x32xf32, #tpu.memory_space<vmem>>
      tpu.enqueue_dma source(%dma_start3A_1612 : memref<64x32xf32, #tpu.memory_space<vmem>>) target(%dma_start3A_1608 : memref<64x32xf32, #tpu.memory_space<hbm>>) target_semaphore(%arg11 : memref<!tpu.dma_semaphore, #tpu.memory_space<semaphore_mem>>)
      %mul3A_1613 = arith.constant 64 : i32
      %mul3A_1614 = arith.muli %add3A_1372, %mul3A_1613 : i32
      %add3A_1615 = arith.addi %mul3A_2, %mul3A_1614 : i32
      %dma_start3A_1616 = arith.constant 15 : i32
      %dma_start3A_1617 = arith.constant 0 : i32
      %dma_start3A_1618 = arith.constant 0 : i32
      %dma_start3A_1619 = tpu.memref_slice %arg7[%dma_start3A_1616, %dma_start3A_1617, %dma_start3A_1618] : memref<26x64x32xf32, #tpu.memory_space<vmem>> -> memref<1x64x32xf32, #tpu.memory_space<vmem>>
      %dma_start3A_1620 = tpu.memref_squeeze %dma_start3A_1619 : memref<1x64x32xf32, #tpu.memory_space<vmem>> -> memref<64x32xf32, #tpu.memory_space<vmem>>
      %dma_start3A_1621 = arith.constant 480 : i32
      %dma_start3A_1622 = tpu.memref_slice %arg4[%add3A_1615, %dma_start3A_1621] : memref<16384x832xf32, #tpu.memory_space<hbm>> -> memref<64x32xf32, #tpu.memory_space<hbm>>
      %dma_start3A_1623 = arith.constant 480 : i32
      %dma_start3A_1624 = tpu.memref_slice %arg4[%add3A_1615, %dma_start3A_1623] : memref<16384x832xf32, #tpu.memory_space<hbm>> -> memref<64x32xf32, #tpu.memory_space<hbm>>
      %dma_start3A_1625 = arith.constant 0 : i32
      %dma_start3A_1626 = arith.constant 0 : i32
      %dma_start3A_1627 = tpu.memref_slice %arg7[%dma_start3A_1616, %dma_start3A_1625, %dma_start3A_1626] : memref<26x64x32xf32, #tpu.memory_space<vmem>> -> memref<1x64x32xf32, #tpu.memory_space<vmem>>
      %dma_start3A_1628 = tpu.memref_squeeze %dma_start3A_1627 : memref<1x64x32xf32, #tpu.memory_space<vmem>> -> memref<64x32xf32, #tpu.memory_space<vmem>>
      tpu.enqueue_dma source(%dma_start3A_1628 : memref<64x32xf32, #tpu.memory_space<vmem>>) target(%dma_start3A_1624 : memref<64x32xf32, #tpu.memory_space<hbm>>) target_semaphore(%arg11 : memref<!tpu.dma_semaphore, #tpu.memory_space<semaphore_mem>>)
      %mul3A_1629 = arith.constant 64 : i32
      %mul3A_1630 = arith.muli %add3A_1372, %mul3A_1629 : i32
      %add3A_1631 = arith.addi %mul3A_2, %mul3A_1630 : i32
      %dma_start3A_1632 = arith.constant 16 : i32
      %dma_start3A_1633 = arith.constant 0 : i32
      %dma_start3A_1634 = arith.constant 0 : i32
      %dma_start3A_1635 = tpu.memref_slice %arg7[%dma_start3A_1632, %dma_start3A_1633, %dma_start3A_1634] : memref<26x64x32xf32, #tpu.memory_space<vmem>> -> memref<1x64x32xf32, #tpu.memory_space<vmem>>
      %dma_start3A_1636 = tpu.memref_squeeze %dma_start3A_1635 : memref<1x64x32xf32, #tpu.memory_space<vmem>> -> memref<64x32xf32, #tpu.memory_space<vmem>>
      %dma_start3A_1637 = arith.constant 512 : i32
      %dma_start3A_1638 = tpu.memref_slice %arg4[%add3A_1631, %dma_start3A_1637] : memref<16384x832xf32, #tpu.memory_space<hbm>> -> memref<64x32xf32, #tpu.memory_space<hbm>>
      %dma_start3A_1639 = arith.constant 512 : i32
      %dma_start3A_1640 = tpu.memref_slice %arg4[%add3A_1631, %dma_start3A_1639] : memref<16384x832xf32, #tpu.memory_space<hbm>> -> memref<64x32xf32, #tpu.memory_space<hbm>>
      %dma_start3A_1641 = arith.constant 0 : i32
      %dma_start3A_1642 = arith.constant 0 : i32
      %dma_start3A_1643 = tpu.memref_slice %arg7[%dma_start3A_1632, %dma_start3A_1641, %dma_start3A_1642] : memref<26x64x32xf32, #tpu.memory_space<vmem>> -> memref<1x64x32xf32, #tpu.memory_space<vmem>>
      %dma_start3A_1644 = tpu.memref_squeeze %dma_start3A_1643 : memref<1x64x32xf32, #tpu.memory_space<vmem>> -> memref<64x32xf32, #tpu.memory_space<vmem>>
      tpu.enqueue_dma source(%dma_start3A_1644 : memref<64x32xf32, #tpu.memory_space<vmem>>) target(%dma_start3A_1640 : memref<64x32xf32, #tpu.memory_space<hbm>>) target_semaphore(%arg11 : memref<!tpu.dma_semaphore, #tpu.memory_space<semaphore_mem>>)
      %mul3A_1645 = arith.constant 64 : i32
      %mul3A_1646 = arith.muli %add3A_1372, %mul3A_1645 : i32
      %add3A_1647 = arith.addi %mul3A_2, %mul3A_1646 : i32
      %dma_start3A_1648 = arith.constant 17 : i32
      %dma_start3A_1649 = arith.constant 0 : i32
      %dma_start3A_1650 = arith.constant 0 : i32
      %dma_start3A_1651 = tpu.memref_slice %arg7[%dma_start3A_1648, %dma_start3A_1649, %dma_start3A_1650] : memref<26x64x32xf32, #tpu.memory_space<vmem>> -> memref<1x64x32xf32, #tpu.memory_space<vmem>>
      %dma_start3A_1652 = tpu.memref_squeeze %dma_start3A_1651 : memref<1x64x32xf32, #tpu.memory_space<vmem>> -> memref<64x32xf32, #tpu.memory_space<vmem>>
      %dma_start3A_1653 = arith.constant 544 : i32
      %dma_start3A_1654 = tpu.memref_slice %arg4[%add3A_1647, %dma_start3A_1653] : memref<16384x832xf32, #tpu.memory_space<hbm>> -> memref<64x32xf32, #tpu.memory_space<hbm>>
      %dma_start3A_1655 = arith.constant 544 : i32
      %dma_start3A_1656 = tpu.memref_slice %arg4[%add3A_1647, %dma_start3A_1655] : memref<16384x832xf32, #tpu.memory_space<hbm>> -> memref<64x32xf32, #tpu.memory_space<hbm>>
      %dma_start3A_1657 = arith.constant 0 : i32
      %dma_start3A_1658 = arith.constant 0 : i32
      %dma_start3A_1659 = tpu.memref_slice %arg7[%dma_start3A_1648, %dma_start3A_1657, %dma_start3A_1658] : memref<26x64x32xf32, #tpu.memory_space<vmem>> -> memref<1x64x32xf32, #tpu.memory_space<vmem>>
      %dma_start3A_1660 = tpu.memref_squeeze %dma_start3A_1659 : memref<1x64x32xf32, #tpu.memory_space<vmem>> -> memref<64x32xf32, #tpu.memory_space<vmem>>
      tpu.enqueue_dma source(%dma_start3A_1660 : memref<64x32xf32, #tpu.memory_space<vmem>>) target(%dma_start3A_1656 : memref<64x32xf32, #tpu.memory_space<hbm>>) target_semaphore(%arg11 : memref<!tpu.dma_semaphore, #tpu.memory_space<semaphore_mem>>)
      %mul3A_1661 = arith.constant 64 : i32
      %mul3A_1662 = arith.muli %add3A_1372, %mul3A_1661 : i32
      %add3A_1663 = arith.addi %mul3A_2, %mul3A_1662 : i32
      %dma_start3A_1664 = arith.constant 18 : i32
      %dma_start3A_1665 = arith.constant 0 : i32
      %dma_start3A_1666 = arith.constant 0 : i32
      %dma_start3A_1667 = tpu.memref_slice %arg7[%dma_start3A_1664, %dma_start3A_1665, %dma_start3A_1666] : memref<26x64x32xf32, #tpu.memory_space<vmem>> -> memref<1x64x32xf32, #tpu.memory_space<vmem>>
      %dma_start3A_1668 = tpu.memref_squeeze %dma_start3A_1667 : memref<1x64x32xf32, #tpu.memory_space<vmem>> -> memref<64x32xf32, #tpu.memory_space<vmem>>
      %dma_start3A_1669 = arith.constant 576 : i32
      %dma_start3A_1670 = tpu.memref_slice %arg4[%add3A_1663, %dma_start3A_1669] : memref<16384x832xf32, #tpu.memory_space<hbm>> -> memref<64x32xf32, #tpu.memory_space<hbm>>
      %dma_start3A_1671 = arith.constant 576 : i32
      %dma_start3A_1672 = tpu.memref_slice %arg4[%add3A_1663, %dma_start3A_1671] : memref<16384x832xf32, #tpu.memory_space<hbm>> -> memref<64x32xf32, #tpu.memory_space<hbm>>
      %dma_start3A_1673 = arith.constant 0 : i32
      %dma_start3A_1674 = arith.constant 0 : i32
      %dma_start3A_1675 = tpu.memref_slice %arg7[%dma_start3A_1664, %dma_start3A_1673, %dma_start3A_1674] : memref<26x64x32xf32, #tpu.memory_space<vmem>> -> memref<1x64x32xf32, #tpu.memory_space<vmem>>
      %dma_start3A_1676 = tpu.memref_squeeze %dma_start3A_1675 : memref<1x64x32xf32, #tpu.memory_space<vmem>> -> memref<64x32xf32, #tpu.memory_space<vmem>>
      tpu.enqueue_dma source(%dma_start3A_1676 : memref<64x32xf32, #tpu.memory_space<vmem>>) target(%dma_start3A_1672 : memref<64x32xf32, #tpu.memory_space<hbm>>) target_semaphore(%arg11 : memref<!tpu.dma_semaphore, #tpu.memory_space<semaphore_mem>>)
      %mul3A_1677 = arith.constant 64 : i32
      %mul3A_1678 = arith.muli %add3A_1372, %mul3A_1677 : i32
      %add3A_1679 = arith.addi %mul3A_2, %mul3A_1678 : i32
      %dma_start3A_1680 = arith.constant 19 : i32
      %dma_start3A_1681 = arith.constant 0 : i32
      %dma_start3A_1682 = arith.constant 0 : i32
      %dma_start3A_1683 = tpu.memref_slice %arg7[%dma_start3A_1680, %dma_start3A_1681, %dma_start3A_1682] : memref<26x64x32xf32, #tpu.memory_space<vmem>> -> memref<1x64x32xf32, #tpu.memory_space<vmem>>
      %dma_start3A_1684 = tpu.memref_squeeze %dma_start3A_1683 : memref<1x64x32xf32, #tpu.memory_space<vmem>> -> memref<64x32xf32, #tpu.memory_space<vmem>>
      %dma_start3A_1685 = arith.constant 608 : i32
      %dma_start3A_1686 = tpu.memref_slice %arg4[%add3A_1679, %dma_start3A_1685] : memref<16384x832xf32, #tpu.memory_space<hbm>> -> memref<64x32xf32, #tpu.memory_space<hbm>>
      %dma_start3A_1687 = arith.constant 608 : i32
      %dma_start3A_1688 = tpu.memref_slice %arg4[%add3A_1679, %dma_start3A_1687] : memref<16384x832xf32, #tpu.memory_space<hbm>> -> memref<64x32xf32, #tpu.memory_space<hbm>>
      %dma_start3A_1689 = arith.constant 0 : i32
      %dma_start3A_1690 = arith.constant 0 : i32
      %dma_start3A_1691 = tpu.memref_slice %arg7[%dma_start3A_1680, %dma_start3A_1689, %dma_start3A_1690] : memref<26x64x32xf32, #tpu.memory_space<vmem>> -> memref<1x64x32xf32, #tpu.memory_space<vmem>>
      %dma_start3A_1692 = tpu.memref_squeeze %dma_start3A_1691 : memref<1x64x32xf32, #tpu.memory_space<vmem>> -> memref<64x32xf32, #tpu.memory_space<vmem>>
      tpu.enqueue_dma source(%dma_start3A_1692 : memref<64x32xf32, #tpu.memory_space<vmem>>) target(%dma_start3A_1688 : memref<64x32xf32, #tpu.memory_space<hbm>>) target_semaphore(%arg11 : memref<!tpu.dma_semaphore, #tpu.memory_space<semaphore_mem>>)
      %mul3A_1693 = arith.constant 64 : i32
      %mul3A_1694 = arith.muli %add3A_1372, %mul3A_1693 : i32
      %add3A_1695 = arith.addi %mul3A_2, %mul3A_1694 : i32
      %dma_start3A_1696 = arith.constant 20 : i32
      %dma_start3A_1697 = arith.constant 0 : i32
      %dma_start3A_1698 = arith.constant 0 : i32
      %dma_start3A_1699 = tpu.memref_slice %arg7[%dma_start3A_1696, %dma_start3A_1697, %dma_start3A_1698] : memref<26x64x32xf32, #tpu.memory_space<vmem>> -> memref<1x64x32xf32, #tpu.memory_space<vmem>>
      %dma_start3A_1700 = tpu.memref_squeeze %dma_start3A_1699 : memref<1x64x32xf32, #tpu.memory_space<vmem>> -> memref<64x32xf32, #tpu.memory_space<vmem>>
      %dma_start3A_1701 = arith.constant 640 : i32
      %dma_start3A_1702 = tpu.memref_slice %arg4[%add3A_1695, %dma_start3A_1701] : memref<16384x832xf32, #tpu.memory_space<hbm>> -> memref<64x32xf32, #tpu.memory_space<hbm>>
      %dma_start3A_1703 = arith.constant 640 : i32
      %dma_start3A_1704 = tpu.memref_slice %arg4[%add3A_1695, %dma_start3A_1703] : memref<16384x832xf32, #tpu.memory_space<hbm>> -> memref<64x32xf32, #tpu.memory_space<hbm>>
      %dma_start3A_1705 = arith.constant 0 : i32
      %dma_start3A_1706 = arith.constant 0 : i32
      %dma_start3A_1707 = tpu.memref_slice %arg7[%dma_start3A_1696, %dma_start3A_1705, %dma_start3A_1706] : memref<26x64x32xf32, #tpu.memory_space<vmem>> -> memref<1x64x32xf32, #tpu.memory_space<vmem>>
      %dma_start3A_1708 = tpu.memref_squeeze %dma_start3A_1707 : memref<1x64x32xf32, #tpu.memory_space<vmem>> -> memref<64x32xf32, #tpu.memory_space<vmem>>
      tpu.enqueue_dma source(%dma_start3A_1708 : memref<64x32xf32, #tpu.memory_space<vmem>>) target(%dma_start3A_1704 : memref<64x32xf32, #tpu.memory_space<hbm>>) target_semaphore(%arg11 : memref<!tpu.dma_semaphore, #tpu.memory_space<semaphore_mem>>)
      %mul3A_1709 = arith.constant 64 : i32
      %mul3A_1710 = arith.muli %add3A_1372, %mul3A_1709 : i32
      %add3A_1711 = arith.addi %mul3A_2, %mul3A_1710 : i32
      %dma_start3A_1712 = arith.constant 21 : i32
      %dma_start3A_1713 = arith.constant 0 : i32
      %dma_start3A_1714 = arith.constant 0 : i32
      %dma_start3A_1715 = tpu.memref_slice %arg7[%dma_start3A_1712, %dma_start3A_1713, %dma_start3A_1714] : memref<26x64x32xf32, #tpu.memory_space<vmem>> -> memref<1x64x32xf32, #tpu.memory_space<vmem>>
      %dma_start3A_1716 = tpu.memref_squeeze %dma_start3A_1715 : memref<1x64x32xf32, #tpu.memory_space<vmem>> -> memref<64x32xf32, #tpu.memory_space<vmem>>
      %dma_start3A_1717 = arith.constant 672 : i32
      %dma_start3A_1718 = tpu.memref_slice %arg4[%add3A_1711, %dma_start3A_1717] : memref<16384x832xf32, #tpu.memory_space<hbm>> -> memref<64x32xf32, #tpu.memory_space<hbm>>
      %dma_start3A_1719 = arith.constant 672 : i32
      %dma_start3A_1720 = tpu.memref_slice %arg4[%add3A_1711, %dma_start3A_1719] : memref<16384x832xf32, #tpu.memory_space<hbm>> -> memref<64x32xf32, #tpu.memory_space<hbm>>
      %dma_start3A_1721 = arith.constant 0 : i32
      %dma_start3A_1722 = arith.constant 0 : i32
      %dma_start3A_1723 = tpu.memref_slice %arg7[%dma_start3A_1712, %dma_start3A_1721, %dma_start3A_1722] : memref<26x64x32xf32, #tpu.memory_space<vmem>> -> memref<1x64x32xf32, #tpu.memory_space<vmem>>
      %dma_start3A_1724 = tpu.memref_squeeze %dma_start3A_1723 : memref<1x64x32xf32, #tpu.memory_space<vmem>> -> memref<64x32xf32, #tpu.memory_space<vmem>>
      tpu.enqueue_dma source(%dma_start3A_1724 : memref<64x32xf32, #tpu.memory_space<vmem>>) target(%dma_start3A_1720 : memref<64x32xf32, #tpu.memory_space<hbm>>) target_semaphore(%arg11 : memref<!tpu.dma_semaphore, #tpu.memory_space<semaphore_mem>>)
      %mul3A_1725 = arith.constant 64 : i32
      %mul3A_1726 = arith.muli %add3A_1372, %mul3A_1725 : i32
      %add3A_1727 = arith.addi %mul3A_2, %mul3A_1726 : i32
      %dma_start3A_1728 = arith.constant 22 : i32
      %dma_start3A_1729 = arith.constant 0 : i32
      %dma_start3A_1730 = arith.constant 0 : i32
      %dma_start3A_1731 = tpu.memref_slice %arg7[%dma_start3A_1728, %dma_start3A_1729, %dma_start3A_1730] : memref<26x64x32xf32, #tpu.memory_space<vmem>> -> memref<1x64x32xf32, #tpu.memory_space<vmem>>
      %dma_start3A_1732 = tpu.memref_squeeze %dma_start3A_1731 : memref<1x64x32xf32, #tpu.memory_space<vmem>> -> memref<64x32xf32, #tpu.memory_space<vmem>>
      %dma_start3A_1733 = arith.constant 704 : i32
      %dma_start3A_1734 = tpu.memref_slice %arg4[%add3A_1727, %dma_start3A_1733] : memref<16384x832xf32, #tpu.memory_space<hbm>> -> memref<64x32xf32, #tpu.memory_space<hbm>>
      %dma_start3A_1735 = arith.constant 704 : i32
      %dma_start3A_1736 = tpu.memref_slice %arg4[%add3A_1727, %dma_start3A_1735] : memref<16384x832xf32, #tpu.memory_space<hbm>> -> memref<64x32xf32, #tpu.memory_space<hbm>>
      %dma_start3A_1737 = arith.constant 0 : i32
      %dma_start3A_1738 = arith.constant 0 : i32
      %dma_start3A_1739 = tpu.memref_slice %arg7[%dma_start3A_1728, %dma_start3A_1737, %dma_start3A_1738] : memref<26x64x32xf32, #tpu.memory_space<vmem>> -> memref<1x64x32xf32, #tpu.memory_space<vmem>>
      %dma_start3A_1740 = tpu.memref_squeeze %dma_start3A_1739 : memref<1x64x32xf32, #tpu.memory_space<vmem>> -> memref<64x32xf32, #tpu.memory_space<vmem>>
      tpu.enqueue_dma source(%dma_start3A_1740 : memref<64x32xf32, #tpu.memory_space<vmem>>) target(%dma_start3A_1736 : memref<64x32xf32, #tpu.memory_space<hbm>>) target_semaphore(%arg11 : memref<!tpu.dma_semaphore, #tpu.memory_space<semaphore_mem>>)
      %mul3A_1741 = arith.constant 64 : i32
      %mul3A_1742 = arith.muli %add3A_1372, %mul3A_1741 : i32
      %add3A_1743 = arith.addi %mul3A_2, %mul3A_1742 : i32
      %dma_start3A_1744 = arith.constant 23 : i32
      %dma_start3A_1745 = arith.constant 0 : i32
      %dma_start3A_1746 = arith.constant 0 : i32
      %dma_start3A_1747 = tpu.memref_slice %arg7[%dma_start3A_1744, %dma_start3A_1745, %dma_start3A_1746] : memref<26x64x32xf32, #tpu.memory_space<vmem>> -> memref<1x64x32xf32, #tpu.memory_space<vmem>>
      %dma_start3A_1748 = tpu.memref_squeeze %dma_start3A_1747 : memref<1x64x32xf32, #tpu.memory_space<vmem>> -> memref<64x32xf32, #tpu.memory_space<vmem>>
      %dma_start3A_1749 = arith.constant 736 : i32
      %dma_start3A_1750 = tpu.memref_slice %arg4[%add3A_1743, %dma_start3A_1749] : memref<16384x832xf32, #tpu.memory_space<hbm>> -> memref<64x32xf32, #tpu.memory_space<hbm>>
      %dma_start3A_1751 = arith.constant 736 : i32
      %dma_start3A_1752 = tpu.memref_slice %arg4[%add3A_1743, %dma_start3A_1751] : memref<16384x832xf32, #tpu.memory_space<hbm>> -> memref<64x32xf32, #tpu.memory_space<hbm>>
      %dma_start3A_1753 = arith.constant 0 : i32
      %dma_start3A_1754 = arith.constant 0 : i32
      %dma_start3A_1755 = tpu.memref_slice %arg7[%dma_start3A_1744, %dma_start3A_1753, %dma_start3A_1754] : memref<26x64x32xf32, #tpu.memory_space<vmem>> -> memref<1x64x32xf32, #tpu.memory_space<vmem>>
      %dma_start3A_1756 = tpu.memref_squeeze %dma_start3A_1755 : memref<1x64x32xf32, #tpu.memory_space<vmem>> -> memref<64x32xf32, #tpu.memory_space<vmem>>
      tpu.enqueue_dma source(%dma_start3A_1756 : memref<64x32xf32, #tpu.memory_space<vmem>>) target(%dma_start3A_1752 : memref<64x32xf32, #tpu.memory_space<hbm>>) target_semaphore(%arg11 : memref<!tpu.dma_semaphore, #tpu.memory_space<semaphore_mem>>)
      %mul3A_1757 = arith.constant 64 : i32
      %mul3A_1758 = arith.muli %add3A_1372, %mul3A_1757 : i32
      %add3A_1759 = arith.addi %mul3A_2, %mul3A_1758 : i32
      %dma_start3A_1760 = arith.constant 24 : i32
      %dma_start3A_1761 = arith.constant 0 : i32
      %dma_start3A_1762 = arith.constant 0 : i32
      %dma_start3A_1763 = tpu.memref_slice %arg7[%dma_start3A_1760, %dma_start3A_1761, %dma_start3A_1762] : memref<26x64x32xf32, #tpu.memory_space<vmem>> -> memref<1x64x32xf32, #tpu.memory_space<vmem>>
      %dma_start3A_1764 = tpu.memref_squeeze %dma_start3A_1763 : memref<1x64x32xf32, #tpu.memory_space<vmem>> -> memref<64x32xf32, #tpu.memory_space<vmem>>
      %dma_start3A_1765 = arith.constant 768 : i32
      %dma_start3A_1766 = tpu.memref_slice %arg4[%add3A_1759, %dma_start3A_1765] : memref<16384x832xf32, #tpu.memory_space<hbm>> -> memref<64x32xf32, #tpu.memory_space<hbm>>
      %dma_start3A_1767 = arith.constant 768 : i32
      %dma_start3A_1768 = tpu.memref_slice %arg4[%add3A_1759, %dma_start3A_1767] : memref<16384x832xf32, #tpu.memory_space<hbm>> -> memref<64x32xf32, #tpu.memory_space<hbm>>
      %dma_start3A_1769 = arith.constant 0 : i32
      %dma_start3A_1770 = arith.constant 0 : i32
      %dma_start3A_1771 = tpu.memref_slice %arg7[%dma_start3A_1760, %dma_start3A_1769, %dma_start3A_1770] : memref<26x64x32xf32, #tpu.memory_space<vmem>> -> memref<1x64x32xf32, #tpu.memory_space<vmem>>
      %dma_start3A_1772 = tpu.memref_squeeze %dma_start3A_1771 : memref<1x64x32xf32, #tpu.memory_space<vmem>> -> memref<64x32xf32, #tpu.memory_space<vmem>>
      tpu.enqueue_dma source(%dma_start3A_1772 : memref<64x32xf32, #tpu.memory_space<vmem>>) target(%dma_start3A_1768 : memref<64x32xf32, #tpu.memory_space<hbm>>) target_semaphore(%arg11 : memref<!tpu.dma_semaphore, #tpu.memory_space<semaphore_mem>>)
      %mul3A_1773 = arith.constant 64 : i32
      %mul3A_1774 = arith.muli %add3A_1372, %mul3A_1773 : i32
      %add3A_1775 = arith.addi %mul3A_2, %mul3A_1774 : i32
      %dma_start3A_1776 = arith.constant 25 : i32
      %dma_start3A_1777 = arith.constant 0 : i32
      %dma_start3A_1778 = arith.constant 0 : i32
      %dma_start3A_1779 = tpu.memref_slice %arg7[%dma_start3A_1776, %dma_start3A_1777, %dma_start3A_1778] : memref<26x64x32xf32, #tpu.memory_space<vmem>> -> memref<1x64x32xf32, #tpu.memory_space<vmem>>
      %dma_start3A_1780 = tpu.memref_squeeze %dma_start3A_1779 : memref<1x64x32xf32, #tpu.memory_space<vmem>> -> memref<64x32xf32, #tpu.memory_space<vmem>>
      %dma_start3A_1781 = arith.constant 800 : i32
      %dma_start3A_1782 = tpu.memref_slice %arg4[%add3A_1775, %dma_start3A_1781] : memref<16384x832xf32, #tpu.memory_space<hbm>> -> memref<64x32xf32, #tpu.memory_space<hbm>>
      %dma_start3A_1783 = arith.constant 800 : i32
      %dma_start3A_1784 = tpu.memref_slice %arg4[%add3A_1775, %dma_start3A_1783] : memref<16384x832xf32, #tpu.memory_space<hbm>> -> memref<64x32xf32, #tpu.memory_space<hbm>>
      %dma_start3A_1785 = arith.constant 0 : i32
      %dma_start3A_1786 = arith.constant 0 : i32
      %dma_start3A_1787 = tpu.memref_slice %arg7[%dma_start3A_1776, %dma_start3A_1785, %dma_start3A_1786] : memref<26x64x32xf32, #tpu.memory_space<vmem>> -> memref<1x64x32xf32, #tpu.memory_space<vmem>>
      %dma_start3A_1788 = tpu.memref_squeeze %dma_start3A_1787 : memref<1x64x32xf32, #tpu.memory_space<vmem>> -> memref<64x32xf32, #tpu.memory_space<vmem>>
      tpu.enqueue_dma source(%dma_start3A_1788 : memref<64x32xf32, #tpu.memory_space<vmem>>) target(%dma_start3A_1784 : memref<64x32xf32, #tpu.memory_space<hbm>>) target_semaphore(%arg11 : memref<!tpu.dma_semaphore, #tpu.memory_space<semaphore_mem>>)
      %lt3A = arith.constant 3 : i32
      %lt3A_1789 = arith.cmpi slt, %scan3A_464, %lt3A : i32
      %convert_element_type3A_1790 = arith.extui %lt3A_1789 : i1 to i32
      %cond3A_1791 = arith.constant 0 : i32
      %cond3A_1792 = arith.cmpi ne, %convert_element_type3A_1790, %cond3A_1791 : i32
      scf.if %cond3A_1792 {
        %dma_wait3A_1793 = arith.constant 0 : i32
        %dma_wait3A_1794 = arith.constant 0 : i32
        %dma_wait3A_1795 = arith.constant 0 : i32
        %dma_wait3A_1796 = tpu.memref_slice %arg3[%dma_wait3A_1793, %dma_wait3A_1794, %dma_wait3A_1795] : memref<26x100000x32xf32, #tpu.memory_space<hbm>> -> memref<26x64x32xf32, #tpu.memory_space<hbm>>
        %dma_wait3A_1797 = arith.constant 0 : i32
        %dma_wait3A_1798 = arith.constant 0 : i32
        %dma_wait3A_1799 = arith.constant 0 : i32
        %dma_wait3A_1800 = tpu.memref_slice %arg3[%dma_wait3A_1797, %dma_wait3A_1798, %dma_wait3A_1799] : memref<26x100000x32xf32, #tpu.memory_space<hbm>> -> memref<26x64x32xf32, #tpu.memory_space<hbm>>
        tpu.wait_dma2 semaphore(%arg10 : memref<!tpu.dma_semaphore, #tpu.memory_space<semaphore_mem>>) src(%dma_wait3A_1800 : memref<26x64x32xf32, #tpu.memory_space<hbm>>) dst(%arg6 : memref<26x64x32xf32, #tpu.memory_space<vmem>>)
        %add3A_1801 = arith.constant 2 : i32
        %add3A_1802 = arith.addi %mul3A_466, %add3A_1801 : i32
        %mul3A_1803 = arith.constant 64 : i32
        %mul3A_1804 = arith.muli %add3A_1802, %mul3A_1803 : i32
        %dma_start3A_1805 = arith.constant 0 : i32
        %dma_start3A_1806 = arith.constant 0 : i32
        %dma_start3A_1807 = arith.constant 0 : i32
        %dma_start3A_1808 = arith.constant 0 : i32
        %dma_start3A_1809 = arith.constant 0 : i32
        %dma_start3A_1810 = tpu.memref_slice %arg6[%dma_start3A_1807, %dma_start3A_1808, %dma_start3A_1809] : memref<26x64x32xf32, #tpu.memory_space<vmem>> -> memref<1x64x32xf32, #tpu.memory_space<vmem>>
        %dma_start3A_1811 = tpu.memref_squeeze %dma_start3A_1810 : memref<1x64x32xf32, #tpu.memory_space<vmem>> -> memref<64x32xf32, #tpu.memory_space<vmem>>
        %dma_start3A_1812 = tpu.memref_slice %arg5[%dma_start3A_1806, %mul3A_1804] : memref<26x512xi32, #tpu.memory_space<vmem>> -> memref<1x64xi32, #tpu.memory_space<vmem>>
        %dma_start3A_1813 = tpu.memref_squeeze %dma_start3A_1812 : memref<1x64xi32, #tpu.memory_space<vmem>> -> memref<64xi32, #tpu.memory_space<vmem>>
        %dma_start3A_1814 = arith.constant 0 : i32
        %dma_start3A_1815 = arith.constant 0 : i32
        %dma_start3A_1816 = tpu.memref_slice %arg3[%dma_start3A_1805, %dma_start3A_1814, %dma_start3A_1815] : memref<26x100000x32xf32, #tpu.memory_space<hbm>> -> memref<1x100000x32xf32, #tpu.memory_space<hbm>>
        %dma_start3A_1817 = tpu.memref_squeeze %dma_start3A_1816 : memref<1x100000x32xf32, #tpu.memory_space<hbm>> -> memref<100000x32xf32, #tpu.memory_space<hbm>>
        %dma_start3A_1818 = arith.constant 0 : i32
        %dma_start3A_1819 = arith.constant 0 : i32
        %dma_start3A_1820 = tpu.memref_slice %dma_start3A_1817[%dma_start3A_1818, %dma_start3A_1819] : memref<100000x32xf32, #tpu.memory_space<hbm>> -> memref<100000x32xf32, #tpu.memory_space<hbm>>
        tpu.enqueue_indirect_dma source(%dma_start3A_1820 : memref<100000x32xf32, #tpu.memory_space<hbm>>) target(%dma_start3A_1811 : memref<64x32xf32, #tpu.memory_space<vmem>>) offsets(%dma_start3A_1813 : memref<64xi32, #tpu.memory_space<vmem>>) semaphore(%arg8 : memref<!tpu.dma_semaphore, #tpu.memory_space<semaphore_mem>>)
        %mul3A_1821 = arith.constant 64 : i32
        %mul3A_1822 = arith.muli %add3A_1802, %mul3A_1821 : i32
        %dma_start3A_1823 = arith.constant 1 : i32
        %dma_start3A_1824 = arith.constant 1 : i32
        %dma_start3A_1825 = arith.constant 1 : i32
        %dma_start3A_1826 = arith.constant 0 : i32
        %dma_start3A_1827 = arith.constant 0 : i32
        %dma_start3A_1828 = tpu.memref_slice %arg6[%dma_start3A_1825, %dma_start3A_1826, %dma_start3A_1827] : memref<26x64x32xf32, #tpu.memory_space<vmem>> -> memref<1x64x32xf32, #tpu.memory_space<vmem>>
        %dma_start3A_1829 = tpu.memref_squeeze %dma_start3A_1828 : memref<1x64x32xf32, #tpu.memory_space<vmem>> -> memref<64x32xf32, #tpu.memory_space<vmem>>
        %dma_start3A_1830 = tpu.memref_slice %arg5[%dma_start3A_1824, %mul3A_1822] : memref<26x512xi32, #tpu.memory_space<vmem>> -> memref<1x64xi32, #tpu.memory_space<vmem>>
        %dma_start3A_1831 = tpu.memref_squeeze %dma_start3A_1830 : memref<1x64xi32, #tpu.memory_space<vmem>> -> memref<64xi32, #tpu.memory_space<vmem>>
        %dma_start3A_1832 = arith.constant 0 : i32
        %dma_start3A_1833 = arith.constant 0 : i32
        %dma_start3A_1834 = tpu.memref_slice %arg3[%dma_start3A_1823, %dma_start3A_1832, %dma_start3A_1833] : memref<26x100000x32xf32, #tpu.memory_space<hbm>> -> memref<1x100000x32xf32, #tpu.memory_space<hbm>>
        %dma_start3A_1835 = tpu.memref_squeeze %dma_start3A_1834 : memref<1x100000x32xf32, #tpu.memory_space<hbm>> -> memref<100000x32xf32, #tpu.memory_space<hbm>>
        %dma_start3A_1836 = arith.constant 0 : i32
        %dma_start3A_1837 = arith.constant 0 : i32
        %dma_start3A_1838 = tpu.memref_slice %dma_start3A_1835[%dma_start3A_1836, %dma_start3A_1837] : memref<100000x32xf32, #tpu.memory_space<hbm>> -> memref<100000x32xf32, #tpu.memory_space<hbm>>
        tpu.enqueue_indirect_dma source(%dma_start3A_1838 : memref<100000x32xf32, #tpu.memory_space<hbm>>) target(%dma_start3A_1829 : memref<64x32xf32, #tpu.memory_space<vmem>>) offsets(%dma_start3A_1831 : memref<64xi32, #tpu.memory_space<vmem>>) semaphore(%arg8 : memref<!tpu.dma_semaphore, #tpu.memory_space<semaphore_mem>>)
        %mul3A_1839 = arith.constant 64 : i32
        %mul3A_1840 = arith.muli %add3A_1802, %mul3A_1839 : i32
        %dma_start3A_1841 = arith.constant 2 : i32
        %dma_start3A_1842 = arith.constant 2 : i32
        %dma_start3A_1843 = arith.constant 2 : i32
        %dma_start3A_1844 = arith.constant 0 : i32
        %dma_start3A_1845 = arith.constant 0 : i32
        %dma_start3A_1846 = tpu.memref_slice %arg6[%dma_start3A_1843, %dma_start3A_1844, %dma_start3A_1845] : memref<26x64x32xf32, #tpu.memory_space<vmem>> -> memref<1x64x32xf32, #tpu.memory_space<vmem>>
        %dma_start3A_1847 = tpu.memref_squeeze %dma_start3A_1846 : memref<1x64x32xf32, #tpu.memory_space<vmem>> -> memref<64x32xf32, #tpu.memory_space<vmem>>
        %dma_start3A_1848 = tpu.memref_slice %arg5[%dma_start3A_1842, %mul3A_1840] : memref<26x512xi32, #tpu.memory_space<vmem>> -> memref<1x64xi32, #tpu.memory_space<vmem>>
        %dma_start3A_1849 = tpu.memref_squeeze %dma_start3A_1848 : memref<1x64xi32, #tpu.memory_space<vmem>> -> memref<64xi32, #tpu.memory_space<vmem>>
        %dma_start3A_1850 = arith.constant 0 : i32
        %dma_start3A_1851 = arith.constant 0 : i32
        %dma_start3A_1852 = tpu.memref_slice %arg3[%dma_start3A_1841, %dma_start3A_1850, %dma_start3A_1851] : memref<26x100000x32xf32, #tpu.memory_space<hbm>> -> memref<1x100000x32xf32, #tpu.memory_space<hbm>>
        %dma_start3A_1853 = tpu.memref_squeeze %dma_start3A_1852 : memref<1x100000x32xf32, #tpu.memory_space<hbm>> -> memref<100000x32xf32, #tpu.memory_space<hbm>>
        %dma_start3A_1854 = arith.constant 0 : i32
        %dma_start3A_1855 = arith.constant 0 : i32
        %dma_start3A_1856 = tpu.memref_slice %dma_start3A_1853[%dma_start3A_1854, %dma_start3A_1855] : memref<100000x32xf32, #tpu.memory_space<hbm>> -> memref<100000x32xf32, #tpu.memory_space<hbm>>
        tpu.enqueue_indirect_dma source(%dma_start3A_1856 : memref<100000x32xf32, #tpu.memory_space<hbm>>) target(%dma_start3A_1847 : memref<64x32xf32, #tpu.memory_space<vmem>>) offsets(%dma_start3A_1849 : memref<64xi32, #tpu.memory_space<vmem>>) semaphore(%arg8 : memref<!tpu.dma_semaphore, #tpu.memory_space<semaphore_mem>>)
        %mul3A_1857 = arith.constant 64 : i32
        %mul3A_1858 = arith.muli %add3A_1802, %mul3A_1857 : i32
        %dma_start3A_1859 = arith.constant 3 : i32
        %dma_start3A_1860 = arith.constant 3 : i32
        %dma_start3A_1861 = arith.constant 3 : i32
        %dma_start3A_1862 = arith.constant 0 : i32
        %dma_start3A_1863 = arith.constant 0 : i32
        %dma_start3A_1864 = tpu.memref_slice %arg6[%dma_start3A_1861, %dma_start3A_1862, %dma_start3A_1863] : memref<26x64x32xf32, #tpu.memory_space<vmem>> -> memref<1x64x32xf32, #tpu.memory_space<vmem>>
        %dma_start3A_1865 = tpu.memref_squeeze %dma_start3A_1864 : memref<1x64x32xf32, #tpu.memory_space<vmem>> -> memref<64x32xf32, #tpu.memory_space<vmem>>
        %dma_start3A_1866 = tpu.memref_slice %arg5[%dma_start3A_1860, %mul3A_1858] : memref<26x512xi32, #tpu.memory_space<vmem>> -> memref<1x64xi32, #tpu.memory_space<vmem>>
        %dma_start3A_1867 = tpu.memref_squeeze %dma_start3A_1866 : memref<1x64xi32, #tpu.memory_space<vmem>> -> memref<64xi32, #tpu.memory_space<vmem>>
        %dma_start3A_1868 = arith.constant 0 : i32
        %dma_start3A_1869 = arith.constant 0 : i32
        %dma_start3A_1870 = tpu.memref_slice %arg3[%dma_start3A_1859, %dma_start3A_1868, %dma_start3A_1869] : memref<26x100000x32xf32, #tpu.memory_space<hbm>> -> memref<1x100000x32xf32, #tpu.memory_space<hbm>>
        %dma_start3A_1871 = tpu.memref_squeeze %dma_start3A_1870 : memref<1x100000x32xf32, #tpu.memory_space<hbm>> -> memref<100000x32xf32, #tpu.memory_space<hbm>>
        %dma_start3A_1872 = arith.constant 0 : i32
        %dma_start3A_1873 = arith.constant 0 : i32
        %dma_start3A_1874 = tpu.memref_slice %dma_start3A_1871[%dma_start3A_1872, %dma_start3A_1873] : memref<100000x32xf32, #tpu.memory_space<hbm>> -> memref<100000x32xf32, #tpu.memory_space<hbm>>
        tpu.enqueue_indirect_dma source(%dma_start3A_1874 : memref<100000x32xf32, #tpu.memory_space<hbm>>) target(%dma_start3A_1865 : memref<64x32xf32, #tpu.memory_space<vmem>>) offsets(%dma_start3A_1867 : memref<64xi32, #tpu.memory_space<vmem>>) semaphore(%arg8 : memref<!tpu.dma_semaphore, #tpu.memory_space<semaphore_mem>>)
        %mul3A_1875 = arith.constant 64 : i32
        %mul3A_1876 = arith.muli %add3A_1802, %mul3A_1875 : i32
        %dma_start3A_1877 = arith.constant 4 : i32
        %dma_start3A_1878 = arith.constant 4 : i32
        %dma_start3A_1879 = arith.constant 4 : i32
        %dma_start3A_1880 = arith.constant 0 : i32
        %dma_start3A_1881 = arith.constant 0 : i32
        %dma_start3A_1882 = tpu.memref_slice %arg6[%dma_start3A_1879, %dma_start3A_1880, %dma_start3A_1881] : memref<26x64x32xf32, #tpu.memory_space<vmem>> -> memref<1x64x32xf32, #tpu.memory_space<vmem>>
        %dma_start3A_1883 = tpu.memref_squeeze %dma_start3A_1882 : memref<1x64x32xf32, #tpu.memory_space<vmem>> -> memref<64x32xf32, #tpu.memory_space<vmem>>
        %dma_start3A_1884 = tpu.memref_slice %arg5[%dma_start3A_1878, %mul3A_1876] : memref<26x512xi32, #tpu.memory_space<vmem>> -> memref<1x64xi32, #tpu.memory_space<vmem>>
        %dma_start3A_1885 = tpu.memref_squeeze %dma_start3A_1884 : memref<1x64xi32, #tpu.memory_space<vmem>> -> memref<64xi32, #tpu.memory_space<vmem>>
        %dma_start3A_1886 = arith.constant 0 : i32
        %dma_start3A_1887 = arith.constant 0 : i32
        %dma_start3A_1888 = tpu.memref_slice %arg3[%dma_start3A_1877, %dma_start3A_1886, %dma_start3A_1887] : memref<26x100000x32xf32, #tpu.memory_space<hbm>> -> memref<1x100000x32xf32, #tpu.memory_space<hbm>>
        %dma_start3A_1889 = tpu.memref_squeeze %dma_start3A_1888 : memref<1x100000x32xf32, #tpu.memory_space<hbm>> -> memref<100000x32xf32, #tpu.memory_space<hbm>>
        %dma_start3A_1890 = arith.constant 0 : i32
        %dma_start3A_1891 = arith.constant 0 : i32
        %dma_start3A_1892 = tpu.memref_slice %dma_start3A_1889[%dma_start3A_1890, %dma_start3A_1891] : memref<100000x32xf32, #tpu.memory_space<hbm>> -> memref<100000x32xf32, #tpu.memory_space<hbm>>
        tpu.enqueue_indirect_dma source(%dma_start3A_1892 : memref<100000x32xf32, #tpu.memory_space<hbm>>) target(%dma_start3A_1883 : memref<64x32xf32, #tpu.memory_space<vmem>>) offsets(%dma_start3A_1885 : memref<64xi32, #tpu.memory_space<vmem>>) semaphore(%arg8 : memref<!tpu.dma_semaphore, #tpu.memory_space<semaphore_mem>>)
        %mul3A_1893 = arith.constant 64 : i32
        %mul3A_1894 = arith.muli %add3A_1802, %mul3A_1893 : i32
        %dma_start3A_1895 = arith.constant 5 : i32
        %dma_start3A_1896 = arith.constant 5 : i32
        %dma_start3A_1897 = arith.constant 5 : i32
        %dma_start3A_1898 = arith.constant 0 : i32
        %dma_start3A_1899 = arith.constant 0 : i32
        %dma_start3A_1900 = tpu.memref_slice %arg6[%dma_start3A_1897, %dma_start3A_1898, %dma_start3A_1899] : memref<26x64x32xf32, #tpu.memory_space<vmem>> -> memref<1x64x32xf32, #tpu.memory_space<vmem>>
        %dma_start3A_1901 = tpu.memref_squeeze %dma_start3A_1900 : memref<1x64x32xf32, #tpu.memory_space<vmem>> -> memref<64x32xf32, #tpu.memory_space<vmem>>
        %dma_start3A_1902 = tpu.memref_slice %arg5[%dma_start3A_1896, %mul3A_1894] : memref<26x512xi32, #tpu.memory_space<vmem>> -> memref<1x64xi32, #tpu.memory_space<vmem>>
        %dma_start3A_1903 = tpu.memref_squeeze %dma_start3A_1902 : memref<1x64xi32, #tpu.memory_space<vmem>> -> memref<64xi32, #tpu.memory_space<vmem>>
        %dma_start3A_1904 = arith.constant 0 : i32
        %dma_start3A_1905 = arith.constant 0 : i32
        %dma_start3A_1906 = tpu.memref_slice %arg3[%dma_start3A_1895, %dma_start3A_1904, %dma_start3A_1905] : memref<26x100000x32xf32, #tpu.memory_space<hbm>> -> memref<1x100000x32xf32, #tpu.memory_space<hbm>>
        %dma_start3A_1907 = tpu.memref_squeeze %dma_start3A_1906 : memref<1x100000x32xf32, #tpu.memory_space<hbm>> -> memref<100000x32xf32, #tpu.memory_space<hbm>>
        %dma_start3A_1908 = arith.constant 0 : i32
        %dma_start3A_1909 = arith.constant 0 : i32
        %dma_start3A_1910 = tpu.memref_slice %dma_start3A_1907[%dma_start3A_1908, %dma_start3A_1909] : memref<100000x32xf32, #tpu.memory_space<hbm>> -> memref<100000x32xf32, #tpu.memory_space<hbm>>
        tpu.enqueue_indirect_dma source(%dma_start3A_1910 : memref<100000x32xf32, #tpu.memory_space<hbm>>) target(%dma_start3A_1901 : memref<64x32xf32, #tpu.memory_space<vmem>>) offsets(%dma_start3A_1903 : memref<64xi32, #tpu.memory_space<vmem>>) semaphore(%arg8 : memref<!tpu.dma_semaphore, #tpu.memory_space<semaphore_mem>>)
        %mul3A_1911 = arith.constant 64 : i32
        %mul3A_1912 = arith.muli %add3A_1802, %mul3A_1911 : i32
        %dma_start3A_1913 = arith.constant 6 : i32
        %dma_start3A_1914 = arith.constant 6 : i32
        %dma_start3A_1915 = arith.constant 6 : i32
        %dma_start3A_1916 = arith.constant 0 : i32
        %dma_start3A_1917 = arith.constant 0 : i32
        %dma_start3A_1918 = tpu.memref_slice %arg6[%dma_start3A_1915, %dma_start3A_1916, %dma_start3A_1917] : memref<26x64x32xf32, #tpu.memory_space<vmem>> -> memref<1x64x32xf32, #tpu.memory_space<vmem>>
        %dma_start3A_1919 = tpu.memref_squeeze %dma_start3A_1918 : memref<1x64x32xf32, #tpu.memory_space<vmem>> -> memref<64x32xf32, #tpu.memory_space<vmem>>
        %dma_start3A_1920 = tpu.memref_slice %arg5[%dma_start3A_1914, %mul3A_1912] : memref<26x512xi32, #tpu.memory_space<vmem>> -> memref<1x64xi32, #tpu.memory_space<vmem>>
        %dma_start3A_1921 = tpu.memref_squeeze %dma_start3A_1920 : memref<1x64xi32, #tpu.memory_space<vmem>> -> memref<64xi32, #tpu.memory_space<vmem>>
        %dma_start3A_1922 = arith.constant 0 : i32
        %dma_start3A_1923 = arith.constant 0 : i32
        %dma_start3A_1924 = tpu.memref_slice %arg3[%dma_start3A_1913, %dma_start3A_1922, %dma_start3A_1923] : memref<26x100000x32xf32, #tpu.memory_space<hbm>> -> memref<1x100000x32xf32, #tpu.memory_space<hbm>>
        %dma_start3A_1925 = tpu.memref_squeeze %dma_start3A_1924 : memref<1x100000x32xf32, #tpu.memory_space<hbm>> -> memref<100000x32xf32, #tpu.memory_space<hbm>>
        %dma_start3A_1926 = arith.constant 0 : i32
        %dma_start3A_1927 = arith.constant 0 : i32
        %dma_start3A_1928 = tpu.memref_slice %dma_start3A_1925[%dma_start3A_1926, %dma_start3A_1927] : memref<100000x32xf32, #tpu.memory_space<hbm>> -> memref<100000x32xf32, #tpu.memory_space<hbm>>
        tpu.enqueue_indirect_dma source(%dma_start3A_1928 : memref<100000x32xf32, #tpu.memory_space<hbm>>) target(%dma_start3A_1919 : memref<64x32xf32, #tpu.memory_space<vmem>>) offsets(%dma_start3A_1921 : memref<64xi32, #tpu.memory_space<vmem>>) semaphore(%arg8 : memref<!tpu.dma_semaphore, #tpu.memory_space<semaphore_mem>>)
        %mul3A_1929 = arith.constant 64 : i32
        %mul3A_1930 = arith.muli %add3A_1802, %mul3A_1929 : i32
        %dma_start3A_1931 = arith.constant 7 : i32
        %dma_start3A_1932 = arith.constant 7 : i32
        %dma_start3A_1933 = arith.constant 7 : i32
        %dma_start3A_1934 = arith.constant 0 : i32
        %dma_start3A_1935 = arith.constant 0 : i32
        %dma_start3A_1936 = tpu.memref_slice %arg6[%dma_start3A_1933, %dma_start3A_1934, %dma_start3A_1935] : memref<26x64x32xf32, #tpu.memory_space<vmem>> -> memref<1x64x32xf32, #tpu.memory_space<vmem>>
        %dma_start3A_1937 = tpu.memref_squeeze %dma_start3A_1936 : memref<1x64x32xf32, #tpu.memory_space<vmem>> -> memref<64x32xf32, #tpu.memory_space<vmem>>
        %dma_start3A_1938 = tpu.memref_slice %arg5[%dma_start3A_1932, %mul3A_1930] : memref<26x512xi32, #tpu.memory_space<vmem>> -> memref<1x64xi32, #tpu.memory_space<vmem>>
        %dma_start3A_1939 = tpu.memref_squeeze %dma_start3A_1938 : memref<1x64xi32, #tpu.memory_space<vmem>> -> memref<64xi32, #tpu.memory_space<vmem>>
        %dma_start3A_1940 = arith.constant 0 : i32
        %dma_start3A_1941 = arith.constant 0 : i32
        %dma_start3A_1942 = tpu.memref_slice %arg3[%dma_start3A_1931, %dma_start3A_1940, %dma_start3A_1941] : memref<26x100000x32xf32, #tpu.memory_space<hbm>> -> memref<1x100000x32xf32, #tpu.memory_space<hbm>>
        %dma_start3A_1943 = tpu.memref_squeeze %dma_start3A_1942 : memref<1x100000x32xf32, #tpu.memory_space<hbm>> -> memref<100000x32xf32, #tpu.memory_space<hbm>>
        %dma_start3A_1944 = arith.constant 0 : i32
        %dma_start3A_1945 = arith.constant 0 : i32
        %dma_start3A_1946 = tpu.memref_slice %dma_start3A_1943[%dma_start3A_1944, %dma_start3A_1945] : memref<100000x32xf32, #tpu.memory_space<hbm>> -> memref<100000x32xf32, #tpu.memory_space<hbm>>
        tpu.enqueue_indirect_dma source(%dma_start3A_1946 : memref<100000x32xf32, #tpu.memory_space<hbm>>) target(%dma_start3A_1937 : memref<64x32xf32, #tpu.memory_space<vmem>>) offsets(%dma_start3A_1939 : memref<64xi32, #tpu.memory_space<vmem>>) semaphore(%arg8 : memref<!tpu.dma_semaphore, #tpu.memory_space<semaphore_mem>>)
        %mul3A_1947 = arith.constant 64 : i32
        %mul3A_1948 = arith.muli %add3A_1802, %mul3A_1947 : i32
        %dma_start3A_1949 = arith.constant 8 : i32
        %dma_start3A_1950 = arith.constant 8 : i32
        %dma_start3A_1951 = arith.constant 8 : i32
        %dma_start3A_1952 = arith.constant 0 : i32
        %dma_start3A_1953 = arith.constant 0 : i32
        %dma_start3A_1954 = tpu.memref_slice %arg6[%dma_start3A_1951, %dma_start3A_1952, %dma_start3A_1953] : memref<26x64x32xf32, #tpu.memory_space<vmem>> -> memref<1x64x32xf32, #tpu.memory_space<vmem>>
        %dma_start3A_1955 = tpu.memref_squeeze %dma_start3A_1954 : memref<1x64x32xf32, #tpu.memory_space<vmem>> -> memref<64x32xf32, #tpu.memory_space<vmem>>
        %dma_start3A_1956 = tpu.memref_slice %arg5[%dma_start3A_1950, %mul3A_1948] : memref<26x512xi32, #tpu.memory_space<vmem>> -> memref<1x64xi32, #tpu.memory_space<vmem>>
        %dma_start3A_1957 = tpu.memref_squeeze %dma_start3A_1956 : memref<1x64xi32, #tpu.memory_space<vmem>> -> memref<64xi32, #tpu.memory_space<vmem>>
        %dma_start3A_1958 = arith.constant 0 : i32
        %dma_start3A_1959 = arith.constant 0 : i32
        %dma_start3A_1960 = tpu.memref_slice %arg3[%dma_start3A_1949, %dma_start3A_1958, %dma_start3A_1959] : memref<26x100000x32xf32, #tpu.memory_space<hbm>> -> memref<1x100000x32xf32, #tpu.memory_space<hbm>>
        %dma_start3A_1961 = tpu.memref_squeeze %dma_start3A_1960 : memref<1x100000x32xf32, #tpu.memory_space<hbm>> -> memref<100000x32xf32, #tpu.memory_space<hbm>>
        %dma_start3A_1962 = arith.constant 0 : i32
        %dma_start3A_1963 = arith.constant 0 : i32
        %dma_start3A_1964 = tpu.memref_slice %dma_start3A_1961[%dma_start3A_1962, %dma_start3A_1963] : memref<100000x32xf32, #tpu.memory_space<hbm>> -> memref<100000x32xf32, #tpu.memory_space<hbm>>
        tpu.enqueue_indirect_dma source(%dma_start3A_1964 : memref<100000x32xf32, #tpu.memory_space<hbm>>) target(%dma_start3A_1955 : memref<64x32xf32, #tpu.memory_space<vmem>>) offsets(%dma_start3A_1957 : memref<64xi32, #tpu.memory_space<vmem>>) semaphore(%arg8 : memref<!tpu.dma_semaphore, #tpu.memory_space<semaphore_mem>>)
        %mul3A_1965 = arith.constant 64 : i32
        %mul3A_1966 = arith.muli %add3A_1802, %mul3A_1965 : i32
        %dma_start3A_1967 = arith.constant 9 : i32
        %dma_start3A_1968 = arith.constant 9 : i32
        %dma_start3A_1969 = arith.constant 9 : i32
        %dma_start3A_1970 = arith.constant 0 : i32
        %dma_start3A_1971 = arith.constant 0 : i32
        %dma_start3A_1972 = tpu.memref_slice %arg6[%dma_start3A_1969, %dma_start3A_1970, %dma_start3A_1971] : memref<26x64x32xf32, #tpu.memory_space<vmem>> -> memref<1x64x32xf32, #tpu.memory_space<vmem>>
        %dma_start3A_1973 = tpu.memref_squeeze %dma_start3A_1972 : memref<1x64x32xf32, #tpu.memory_space<vmem>> -> memref<64x32xf32, #tpu.memory_space<vmem>>
        %dma_start3A_1974 = tpu.memref_slice %arg5[%dma_start3A_1968, %mul3A_1966] : memref<26x512xi32, #tpu.memory_space<vmem>> -> memref<1x64xi32, #tpu.memory_space<vmem>>
        %dma_start3A_1975 = tpu.memref_squeeze %dma_start3A_1974 : memref<1x64xi32, #tpu.memory_space<vmem>> -> memref<64xi32, #tpu.memory_space<vmem>>
        %dma_start3A_1976 = arith.constant 0 : i32
        %dma_start3A_1977 = arith.constant 0 : i32
        %dma_start3A_1978 = tpu.memref_slice %arg3[%dma_start3A_1967, %dma_start3A_1976, %dma_start3A_1977] : memref<26x100000x32xf32, #tpu.memory_space<hbm>> -> memref<1x100000x32xf32, #tpu.memory_space<hbm>>
        %dma_start3A_1979 = tpu.memref_squeeze %dma_start3A_1978 : memref<1x100000x32xf32, #tpu.memory_space<hbm>> -> memref<100000x32xf32, #tpu.memory_space<hbm>>
        %dma_start3A_1980 = arith.constant 0 : i32
        %dma_start3A_1981 = arith.constant 0 : i32
        %dma_start3A_1982 = tpu.memref_slice %dma_start3A_1979[%dma_start3A_1980, %dma_start3A_1981] : memref<100000x32xf32, #tpu.memory_space<hbm>> -> memref<100000x32xf32, #tpu.memory_space<hbm>>
        tpu.enqueue_indirect_dma source(%dma_start3A_1982 : memref<100000x32xf32, #tpu.memory_space<hbm>>) target(%dma_start3A_1973 : memref<64x32xf32, #tpu.memory_space<vmem>>) offsets(%dma_start3A_1975 : memref<64xi32, #tpu.memory_space<vmem>>) semaphore(%arg8 : memref<!tpu.dma_semaphore, #tpu.memory_space<semaphore_mem>>)
        %mul3A_1983 = arith.constant 64 : i32
        %mul3A_1984 = arith.muli %add3A_1802, %mul3A_1983 : i32
        %dma_start3A_1985 = arith.constant 10 : i32
        %dma_start3A_1986 = arith.constant 10 : i32
        %dma_start3A_1987 = arith.constant 10 : i32
        %dma_start3A_1988 = arith.constant 0 : i32
        %dma_start3A_1989 = arith.constant 0 : i32
        %dma_start3A_1990 = tpu.memref_slice %arg6[%dma_start3A_1987, %dma_start3A_1988, %dma_start3A_1989] : memref<26x64x32xf32, #tpu.memory_space<vmem>> -> memref<1x64x32xf32, #tpu.memory_space<vmem>>
        %dma_start3A_1991 = tpu.memref_squeeze %dma_start3A_1990 : memref<1x64x32xf32, #tpu.memory_space<vmem>> -> memref<64x32xf32, #tpu.memory_space<vmem>>
        %dma_start3A_1992 = tpu.memref_slice %arg5[%dma_start3A_1986, %mul3A_1984] : memref<26x512xi32, #tpu.memory_space<vmem>> -> memref<1x64xi32, #tpu.memory_space<vmem>>
        %dma_start3A_1993 = tpu.memref_squeeze %dma_start3A_1992 : memref<1x64xi32, #tpu.memory_space<vmem>> -> memref<64xi32, #tpu.memory_space<vmem>>
        %dma_start3A_1994 = arith.constant 0 : i32
        %dma_start3A_1995 = arith.constant 0 : i32
        %dma_start3A_1996 = tpu.memref_slice %arg3[%dma_start3A_1985, %dma_start3A_1994, %dma_start3A_1995] : memref<26x100000x32xf32, #tpu.memory_space<hbm>> -> memref<1x100000x32xf32, #tpu.memory_space<hbm>>
        %dma_start3A_1997 = tpu.memref_squeeze %dma_start3A_1996 : memref<1x100000x32xf32, #tpu.memory_space<hbm>> -> memref<100000x32xf32, #tpu.memory_space<hbm>>
        %dma_start3A_1998 = arith.constant 0 : i32
        %dma_start3A_1999 = arith.constant 0 : i32
        %dma_start3A_2000 = tpu.memref_slice %dma_start3A_1997[%dma_start3A_1998, %dma_start3A_1999] : memref<100000x32xf32, #tpu.memory_space<hbm>> -> memref<100000x32xf32, #tpu.memory_space<hbm>>
        tpu.enqueue_indirect_dma source(%dma_start3A_2000 : memref<100000x32xf32, #tpu.memory_space<hbm>>) target(%dma_start3A_1991 : memref<64x32xf32, #tpu.memory_space<vmem>>) offsets(%dma_start3A_1993 : memref<64xi32, #tpu.memory_space<vmem>>) semaphore(%arg8 : memref<!tpu.dma_semaphore, #tpu.memory_space<semaphore_mem>>)
        %mul3A_2001 = arith.constant 64 : i32
        %mul3A_2002 = arith.muli %add3A_1802, %mul3A_2001 : i32
        %dma_start3A_2003 = arith.constant 11 : i32
        %dma_start3A_2004 = arith.constant 11 : i32
        %dma_start3A_2005 = arith.constant 11 : i32
        %dma_start3A_2006 = arith.constant 0 : i32
        %dma_start3A_2007 = arith.constant 0 : i32
        %dma_start3A_2008 = tpu.memref_slice %arg6[%dma_start3A_2005, %dma_start3A_2006, %dma_start3A_2007] : memref<26x64x32xf32, #tpu.memory_space<vmem>> -> memref<1x64x32xf32, #tpu.memory_space<vmem>>
        %dma_start3A_2009 = tpu.memref_squeeze %dma_start3A_2008 : memref<1x64x32xf32, #tpu.memory_space<vmem>> -> memref<64x32xf32, #tpu.memory_space<vmem>>
        %dma_start3A_2010 = tpu.memref_slice %arg5[%dma_start3A_2004, %mul3A_2002] : memref<26x512xi32, #tpu.memory_space<vmem>> -> memref<1x64xi32, #tpu.memory_space<vmem>>
        %dma_start3A_2011 = tpu.memref_squeeze %dma_start3A_2010 : memref<1x64xi32, #tpu.memory_space<vmem>> -> memref<64xi32, #tpu.memory_space<vmem>>
        %dma_start3A_2012 = arith.constant 0 : i32
        %dma_start3A_2013 = arith.constant 0 : i32
        %dma_start3A_2014 = tpu.memref_slice %arg3[%dma_start3A_2003, %dma_start3A_2012, %dma_start3A_2013] : memref<26x100000x32xf32, #tpu.memory_space<hbm>> -> memref<1x100000x32xf32, #tpu.memory_space<hbm>>
        %dma_start3A_2015 = tpu.memref_squeeze %dma_start3A_2014 : memref<1x100000x32xf32, #tpu.memory_space<hbm>> -> memref<100000x32xf32, #tpu.memory_space<hbm>>
        %dma_start3A_2016 = arith.constant 0 : i32
        %dma_start3A_2017 = arith.constant 0 : i32
        %dma_start3A_2018 = tpu.memref_slice %dma_start3A_2015[%dma_start3A_2016, %dma_start3A_2017] : memref<100000x32xf32, #tpu.memory_space<hbm>> -> memref<100000x32xf32, #tpu.memory_space<hbm>>
        tpu.enqueue_indirect_dma source(%dma_start3A_2018 : memref<100000x32xf32, #tpu.memory_space<hbm>>) target(%dma_start3A_2009 : memref<64x32xf32, #tpu.memory_space<vmem>>) offsets(%dma_start3A_2011 : memref<64xi32, #tpu.memory_space<vmem>>) semaphore(%arg8 : memref<!tpu.dma_semaphore, #tpu.memory_space<semaphore_mem>>)
        %mul3A_2019 = arith.constant 64 : i32
        %mul3A_2020 = arith.muli %add3A_1802, %mul3A_2019 : i32
        %dma_start3A_2021 = arith.constant 12 : i32
        %dma_start3A_2022 = arith.constant 12 : i32
        %dma_start3A_2023 = arith.constant 12 : i32
        %dma_start3A_2024 = arith.constant 0 : i32
        %dma_start3A_2025 = arith.constant 0 : i32
        %dma_start3A_2026 = tpu.memref_slice %arg6[%dma_start3A_2023, %dma_start3A_2024, %dma_start3A_2025] : memref<26x64x32xf32, #tpu.memory_space<vmem>> -> memref<1x64x32xf32, #tpu.memory_space<vmem>>
        %dma_start3A_2027 = tpu.memref_squeeze %dma_start3A_2026 : memref<1x64x32xf32, #tpu.memory_space<vmem>> -> memref<64x32xf32, #tpu.memory_space<vmem>>
        %dma_start3A_2028 = tpu.memref_slice %arg5[%dma_start3A_2022, %mul3A_2020] : memref<26x512xi32, #tpu.memory_space<vmem>> -> memref<1x64xi32, #tpu.memory_space<vmem>>
        %dma_start3A_2029 = tpu.memref_squeeze %dma_start3A_2028 : memref<1x64xi32, #tpu.memory_space<vmem>> -> memref<64xi32, #tpu.memory_space<vmem>>
        %dma_start3A_2030 = arith.constant 0 : i32
        %dma_start3A_2031 = arith.constant 0 : i32
        %dma_start3A_2032 = tpu.memref_slice %arg3[%dma_start3A_2021, %dma_start3A_2030, %dma_start3A_2031] : memref<26x100000x32xf32, #tpu.memory_space<hbm>> -> memref<1x100000x32xf32, #tpu.memory_space<hbm>>
        %dma_start3A_2033 = tpu.memref_squeeze %dma_start3A_2032 : memref<1x100000x32xf32, #tpu.memory_space<hbm>> -> memref<100000x32xf32, #tpu.memory_space<hbm>>
        %dma_start3A_2034 = arith.constant 0 : i32
        %dma_start3A_2035 = arith.constant 0 : i32
        %dma_start3A_2036 = tpu.memref_slice %dma_start3A_2033[%dma_start3A_2034, %dma_start3A_2035] : memref<100000x32xf32, #tpu.memory_space<hbm>> -> memref<100000x32xf32, #tpu.memory_space<hbm>>
        tpu.enqueue_indirect_dma source(%dma_start3A_2036 : memref<100000x32xf32, #tpu.memory_space<hbm>>) target(%dma_start3A_2027 : memref<64x32xf32, #tpu.memory_space<vmem>>) offsets(%dma_start3A_2029 : memref<64xi32, #tpu.memory_space<vmem>>) semaphore(%arg8 : memref<!tpu.dma_semaphore, #tpu.memory_space<semaphore_mem>>)
        %mul3A_2037 = arith.constant 64 : i32
        %mul3A_2038 = arith.muli %add3A_1802, %mul3A_2037 : i32
        %dma_start3A_2039 = arith.constant 13 : i32
        %dma_start3A_2040 = arith.constant 13 : i32
        %dma_start3A_2041 = arith.constant 13 : i32
        %dma_start3A_2042 = arith.constant 0 : i32
        %dma_start3A_2043 = arith.constant 0 : i32
        %dma_start3A_2044 = tpu.memref_slice %arg6[%dma_start3A_2041, %dma_start3A_2042, %dma_start3A_2043] : memref<26x64x32xf32, #tpu.memory_space<vmem>> -> memref<1x64x32xf32, #tpu.memory_space<vmem>>
        %dma_start3A_2045 = tpu.memref_squeeze %dma_start3A_2044 : memref<1x64x32xf32, #tpu.memory_space<vmem>> -> memref<64x32xf32, #tpu.memory_space<vmem>>
        %dma_start3A_2046 = tpu.memref_slice %arg5[%dma_start3A_2040, %mul3A_2038] : memref<26x512xi32, #tpu.memory_space<vmem>> -> memref<1x64xi32, #tpu.memory_space<vmem>>
        %dma_start3A_2047 = tpu.memref_squeeze %dma_start3A_2046 : memref<1x64xi32, #tpu.memory_space<vmem>> -> memref<64xi32, #tpu.memory_space<vmem>>
        %dma_start3A_2048 = arith.constant 0 : i32
        %dma_start3A_2049 = arith.constant 0 : i32
        %dma_start3A_2050 = tpu.memref_slice %arg3[%dma_start3A_2039, %dma_start3A_2048, %dma_start3A_2049] : memref<26x100000x32xf32, #tpu.memory_space<hbm>> -> memref<1x100000x32xf32, #tpu.memory_space<hbm>>
        %dma_start3A_2051 = tpu.memref_squeeze %dma_start3A_2050 : memref<1x100000x32xf32, #tpu.memory_space<hbm>> -> memref<100000x32xf32, #tpu.memory_space<hbm>>
        %dma_start3A_2052 = arith.constant 0 : i32
        %dma_start3A_2053 = arith.constant 0 : i32
        %dma_start3A_2054 = tpu.memref_slice %dma_start3A_2051[%dma_start3A_2052, %dma_start3A_2053] : memref<100000x32xf32, #tpu.memory_space<hbm>> -> memref<100000x32xf32, #tpu.memory_space<hbm>>
        tpu.enqueue_indirect_dma source(%dma_start3A_2054 : memref<100000x32xf32, #tpu.memory_space<hbm>>) target(%dma_start3A_2045 : memref<64x32xf32, #tpu.memory_space<vmem>>) offsets(%dma_start3A_2047 : memref<64xi32, #tpu.memory_space<vmem>>) semaphore(%arg8 : memref<!tpu.dma_semaphore, #tpu.memory_space<semaphore_mem>>)
        %mul3A_2055 = arith.constant 64 : i32
        %mul3A_2056 = arith.muli %add3A_1802, %mul3A_2055 : i32
        %dma_start3A_2057 = arith.constant 14 : i32
        %dma_start3A_2058 = arith.constant 14 : i32
        %dma_start3A_2059 = arith.constant 14 : i32
        %dma_start3A_2060 = arith.constant 0 : i32
        %dma_start3A_2061 = arith.constant 0 : i32
        %dma_start3A_2062 = tpu.memref_slice %arg6[%dma_start3A_2059, %dma_start3A_2060, %dma_start3A_2061] : memref<26x64x32xf32, #tpu.memory_space<vmem>> -> memref<1x64x32xf32, #tpu.memory_space<vmem>>
        %dma_start3A_2063 = tpu.memref_squeeze %dma_start3A_2062 : memref<1x64x32xf32, #tpu.memory_space<vmem>> -> memref<64x32xf32, #tpu.memory_space<vmem>>
        %dma_start3A_2064 = tpu.memref_slice %arg5[%dma_start3A_2058, %mul3A_2056] : memref<26x512xi32, #tpu.memory_space<vmem>> -> memref<1x64xi32, #tpu.memory_space<vmem>>
        %dma_start3A_2065 = tpu.memref_squeeze %dma_start3A_2064 : memref<1x64xi32, #tpu.memory_space<vmem>> -> memref<64xi32, #tpu.memory_space<vmem>>
        %dma_start3A_2066 = arith.constant 0 : i32
        %dma_start3A_2067 = arith.constant 0 : i32
        %dma_start3A_2068 = tpu.memref_slice %arg3[%dma_start3A_2057, %dma_start3A_2066, %dma_start3A_2067] : memref<26x100000x32xf32, #tpu.memory_space<hbm>> -> memref<1x100000x32xf32, #tpu.memory_space<hbm>>
        %dma_start3A_2069 = tpu.memref_squeeze %dma_start3A_2068 : memref<1x100000x32xf32, #tpu.memory_space<hbm>> -> memref<100000x32xf32, #tpu.memory_space<hbm>>
        %dma_start3A_2070 = arith.constant 0 : i32
        %dma_start3A_2071 = arith.constant 0 : i32
        %dma_start3A_2072 = tpu.memref_slice %dma_start3A_2069[%dma_start3A_2070, %dma_start3A_2071] : memref<100000x32xf32, #tpu.memory_space<hbm>> -> memref<100000x32xf32, #tpu.memory_space<hbm>>
        tpu.enqueue_indirect_dma source(%dma_start3A_2072 : memref<100000x32xf32, #tpu.memory_space<hbm>>) target(%dma_start3A_2063 : memref<64x32xf32, #tpu.memory_space<vmem>>) offsets(%dma_start3A_2065 : memref<64xi32, #tpu.memory_space<vmem>>) semaphore(%arg8 : memref<!tpu.dma_semaphore, #tpu.memory_space<semaphore_mem>>)
        %mul3A_2073 = arith.constant 64 : i32
        %mul3A_2074 = arith.muli %add3A_1802, %mul3A_2073 : i32
        %dma_start3A_2075 = arith.constant 15 : i32
        %dma_start3A_2076 = arith.constant 15 : i32
        %dma_start3A_2077 = arith.constant 15 : i32
        %dma_start3A_2078 = arith.constant 0 : i32
        %dma_start3A_2079 = arith.constant 0 : i32
        %dma_start3A_2080 = tpu.memref_slice %arg6[%dma_start3A_2077, %dma_start3A_2078, %dma_start3A_2079] : memref<26x64x32xf32, #tpu.memory_space<vmem>> -> memref<1x64x32xf32, #tpu.memory_space<vmem>>
        %dma_start3A_2081 = tpu.memref_squeeze %dma_start3A_2080 : memref<1x64x32xf32, #tpu.memory_space<vmem>> -> memref<64x32xf32, #tpu.memory_space<vmem>>
        %dma_start3A_2082 = tpu.memref_slice %arg5[%dma_start3A_2076, %mul3A_2074] : memref<26x512xi32, #tpu.memory_space<vmem>> -> memref<1x64xi32, #tpu.memory_space<vmem>>
        %dma_start3A_2083 = tpu.memref_squeeze %dma_start3A_2082 : memref<1x64xi32, #tpu.memory_space<vmem>> -> memref<64xi32, #tpu.memory_space<vmem>>
        %dma_start3A_2084 = arith.constant 0 : i32
        %dma_start3A_2085 = arith.constant 0 : i32
        %dma_start3A_2086 = tpu.memref_slice %arg3[%dma_start3A_2075, %dma_start3A_2084, %dma_start3A_2085] : memref<26x100000x32xf32, #tpu.memory_space<hbm>> -> memref<1x100000x32xf32, #tpu.memory_space<hbm>>
        %dma_start3A_2087 = tpu.memref_squeeze %dma_start3A_2086 : memref<1x100000x32xf32, #tpu.memory_space<hbm>> -> memref<100000x32xf32, #tpu.memory_space<hbm>>
        %dma_start3A_2088 = arith.constant 0 : i32
        %dma_start3A_2089 = arith.constant 0 : i32
        %dma_start3A_2090 = tpu.memref_slice %dma_start3A_2087[%dma_start3A_2088, %dma_start3A_2089] : memref<100000x32xf32, #tpu.memory_space<hbm>> -> memref<100000x32xf32, #tpu.memory_space<hbm>>
        tpu.enqueue_indirect_dma source(%dma_start3A_2090 : memref<100000x32xf32, #tpu.memory_space<hbm>>) target(%dma_start3A_2081 : memref<64x32xf32, #tpu.memory_space<vmem>>) offsets(%dma_start3A_2083 : memref<64xi32, #tpu.memory_space<vmem>>) semaphore(%arg8 : memref<!tpu.dma_semaphore, #tpu.memory_space<semaphore_mem>>)
        %mul3A_2091 = arith.constant 64 : i32
        %mul3A_2092 = arith.muli %add3A_1802, %mul3A_2091 : i32
        %dma_start3A_2093 = arith.constant 16 : i32
        %dma_start3A_2094 = arith.constant 16 : i32
        %dma_start3A_2095 = arith.constant 16 : i32
        %dma_start3A_2096 = arith.constant 0 : i32
        %dma_start3A_2097 = arith.constant 0 : i32
        %dma_start3A_2098 = tpu.memref_slice %arg6[%dma_start3A_2095, %dma_start3A_2096, %dma_start3A_2097] : memref<26x64x32xf32, #tpu.memory_space<vmem>> -> memref<1x64x32xf32, #tpu.memory_space<vmem>>
        %dma_start3A_2099 = tpu.memref_squeeze %dma_start3A_2098 : memref<1x64x32xf32, #tpu.memory_space<vmem>> -> memref<64x32xf32, #tpu.memory_space<vmem>>
        %dma_start3A_2100 = tpu.memref_slice %arg5[%dma_start3A_2094, %mul3A_2092] : memref<26x512xi32, #tpu.memory_space<vmem>> -> memref<1x64xi32, #tpu.memory_space<vmem>>
        %dma_start3A_2101 = tpu.memref_squeeze %dma_start3A_2100 : memref<1x64xi32, #tpu.memory_space<vmem>> -> memref<64xi32, #tpu.memory_space<vmem>>
        %dma_start3A_2102 = arith.constant 0 : i32
        %dma_start3A_2103 = arith.constant 0 : i32
        %dma_start3A_2104 = tpu.memref_slice %arg3[%dma_start3A_2093, %dma_start3A_2102, %dma_start3A_2103] : memref<26x100000x32xf32, #tpu.memory_space<hbm>> -> memref<1x100000x32xf32, #tpu.memory_space<hbm>>
        %dma_start3A_2105 = tpu.memref_squeeze %dma_start3A_2104 : memref<1x100000x32xf32, #tpu.memory_space<hbm>> -> memref<100000x32xf32, #tpu.memory_space<hbm>>
        %dma_start3A_2106 = arith.constant 0 : i32
        %dma_start3A_2107 = arith.constant 0 : i32
        %dma_start3A_2108 = tpu.memref_slice %dma_start3A_2105[%dma_start3A_2106, %dma_start3A_2107] : memref<100000x32xf32, #tpu.memory_space<hbm>> -> memref<100000x32xf32, #tpu.memory_space<hbm>>
        tpu.enqueue_indirect_dma source(%dma_start3A_2108 : memref<100000x32xf32, #tpu.memory_space<hbm>>) target(%dma_start3A_2099 : memref<64x32xf32, #tpu.memory_space<vmem>>) offsets(%dma_start3A_2101 : memref<64xi32, #tpu.memory_space<vmem>>) semaphore(%arg8 : memref<!tpu.dma_semaphore, #tpu.memory_space<semaphore_mem>>)
        %mul3A_2109 = arith.constant 64 : i32
        %mul3A_2110 = arith.muli %add3A_1802, %mul3A_2109 : i32
        %dma_start3A_2111 = arith.constant 17 : i32
        %dma_start3A_2112 = arith.constant 17 : i32
        %dma_start3A_2113 = arith.constant 17 : i32
        %dma_start3A_2114 = arith.constant 0 : i32
        %dma_start3A_2115 = arith.constant 0 : i32
        %dma_start3A_2116 = tpu.memref_slice %arg6[%dma_start3A_2113, %dma_start3A_2114, %dma_start3A_2115] : memref<26x64x32xf32, #tpu.memory_space<vmem>> -> memref<1x64x32xf32, #tpu.memory_space<vmem>>
        %dma_start3A_2117 = tpu.memref_squeeze %dma_start3A_2116 : memref<1x64x32xf32, #tpu.memory_space<vmem>> -> memref<64x32xf32, #tpu.memory_space<vmem>>
        %dma_start3A_2118 = tpu.memref_slice %arg5[%dma_start3A_2112, %mul3A_2110] : memref<26x512xi32, #tpu.memory_space<vmem>> -> memref<1x64xi32, #tpu.memory_space<vmem>>
        %dma_start3A_2119 = tpu.memref_squeeze %dma_start3A_2118 : memref<1x64xi32, #tpu.memory_space<vmem>> -> memref<64xi32, #tpu.memory_space<vmem>>
        %dma_start3A_2120 = arith.constant 0 : i32
        %dma_start3A_2121 = arith.constant 0 : i32
        %dma_start3A_2122 = tpu.memref_slice %arg3[%dma_start3A_2111, %dma_start3A_2120, %dma_start3A_2121] : memref<26x100000x32xf32, #tpu.memory_space<hbm>> -> memref<1x100000x32xf32, #tpu.memory_space<hbm>>
        %dma_start3A_2123 = tpu.memref_squeeze %dma_start3A_2122 : memref<1x100000x32xf32, #tpu.memory_space<hbm>> -> memref<100000x32xf32, #tpu.memory_space<hbm>>
        %dma_start3A_2124 = arith.constant 0 : i32
        %dma_start3A_2125 = arith.constant 0 : i32
        %dma_start3A_2126 = tpu.memref_slice %dma_start3A_2123[%dma_start3A_2124, %dma_start3A_2125] : memref<100000x32xf32, #tpu.memory_space<hbm>> -> memref<100000x32xf32, #tpu.memory_space<hbm>>
        tpu.enqueue_indirect_dma source(%dma_start3A_2126 : memref<100000x32xf32, #tpu.memory_space<hbm>>) target(%dma_start3A_2117 : memref<64x32xf32, #tpu.memory_space<vmem>>) offsets(%dma_start3A_2119 : memref<64xi32, #tpu.memory_space<vmem>>) semaphore(%arg8 : memref<!tpu.dma_semaphore, #tpu.memory_space<semaphore_mem>>)
        %mul3A_2127 = arith.constant 64 : i32
        %mul3A_2128 = arith.muli %add3A_1802, %mul3A_2127 : i32
        %dma_start3A_2129 = arith.constant 18 : i32
        %dma_start3A_2130 = arith.constant 18 : i32
        %dma_start3A_2131 = arith.constant 18 : i32
        %dma_start3A_2132 = arith.constant 0 : i32
        %dma_start3A_2133 = arith.constant 0 : i32
        %dma_start3A_2134 = tpu.memref_slice %arg6[%dma_start3A_2131, %dma_start3A_2132, %dma_start3A_2133] : memref<26x64x32xf32, #tpu.memory_space<vmem>> -> memref<1x64x32xf32, #tpu.memory_space<vmem>>
        %dma_start3A_2135 = tpu.memref_squeeze %dma_start3A_2134 : memref<1x64x32xf32, #tpu.memory_space<vmem>> -> memref<64x32xf32, #tpu.memory_space<vmem>>
        %dma_start3A_2136 = tpu.memref_slice %arg5[%dma_start3A_2130, %mul3A_2128] : memref<26x512xi32, #tpu.memory_space<vmem>> -> memref<1x64xi32, #tpu.memory_space<vmem>>
        %dma_start3A_2137 = tpu.memref_squeeze %dma_start3A_2136 : memref<1x64xi32, #tpu.memory_space<vmem>> -> memref<64xi32, #tpu.memory_space<vmem>>
        %dma_start3A_2138 = arith.constant 0 : i32
        %dma_start3A_2139 = arith.constant 0 : i32
        %dma_start3A_2140 = tpu.memref_slice %arg3[%dma_start3A_2129, %dma_start3A_2138, %dma_start3A_2139] : memref<26x100000x32xf32, #tpu.memory_space<hbm>> -> memref<1x100000x32xf32, #tpu.memory_space<hbm>>
        %dma_start3A_2141 = tpu.memref_squeeze %dma_start3A_2140 : memref<1x100000x32xf32, #tpu.memory_space<hbm>> -> memref<100000x32xf32, #tpu.memory_space<hbm>>
        %dma_start3A_2142 = arith.constant 0 : i32
        %dma_start3A_2143 = arith.constant 0 : i32
        %dma_start3A_2144 = tpu.memref_slice %dma_start3A_2141[%dma_start3A_2142, %dma_start3A_2143] : memref<100000x32xf32, #tpu.memory_space<hbm>> -> memref<100000x32xf32, #tpu.memory_space<hbm>>
        tpu.enqueue_indirect_dma source(%dma_start3A_2144 : memref<100000x32xf32, #tpu.memory_space<hbm>>) target(%dma_start3A_2135 : memref<64x32xf32, #tpu.memory_space<vmem>>) offsets(%dma_start3A_2137 : memref<64xi32, #tpu.memory_space<vmem>>) semaphore(%arg8 : memref<!tpu.dma_semaphore, #tpu.memory_space<semaphore_mem>>)
        %mul3A_2145 = arith.constant 64 : i32
        %mul3A_2146 = arith.muli %add3A_1802, %mul3A_2145 : i32
        %dma_start3A_2147 = arith.constant 19 : i32
        %dma_start3A_2148 = arith.constant 19 : i32
        %dma_start3A_2149 = arith.constant 19 : i32
        %dma_start3A_2150 = arith.constant 0 : i32
        %dma_start3A_2151 = arith.constant 0 : i32
        %dma_start3A_2152 = tpu.memref_slice %arg6[%dma_start3A_2149, %dma_start3A_2150, %dma_start3A_2151] : memref<26x64x32xf32, #tpu.memory_space<vmem>> -> memref<1x64x32xf32, #tpu.memory_space<vmem>>
        %dma_start3A_2153 = tpu.memref_squeeze %dma_start3A_2152 : memref<1x64x32xf32, #tpu.memory_space<vmem>> -> memref<64x32xf32, #tpu.memory_space<vmem>>
        %dma_start3A_2154 = tpu.memref_slice %arg5[%dma_start3A_2148, %mul3A_2146] : memref<26x512xi32, #tpu.memory_space<vmem>> -> memref<1x64xi32, #tpu.memory_space<vmem>>
        %dma_start3A_2155 = tpu.memref_squeeze %dma_start3A_2154 : memref<1x64xi32, #tpu.memory_space<vmem>> -> memref<64xi32, #tpu.memory_space<vmem>>
        %dma_start3A_2156 = arith.constant 0 : i32
        %dma_start3A_2157 = arith.constant 0 : i32
        %dma_start3A_2158 = tpu.memref_slice %arg3[%dma_start3A_2147, %dma_start3A_2156, %dma_start3A_2157] : memref<26x100000x32xf32, #tpu.memory_space<hbm>> -> memref<1x100000x32xf32, #tpu.memory_space<hbm>>
        %dma_start3A_2159 = tpu.memref_squeeze %dma_start3A_2158 : memref<1x100000x32xf32, #tpu.memory_space<hbm>> -> memref<100000x32xf32, #tpu.memory_space<hbm>>
        %dma_start3A_2160 = arith.constant 0 : i32
        %dma_start3A_2161 = arith.constant 0 : i32
        %dma_start3A_2162 = tpu.memref_slice %dma_start3A_2159[%dma_start3A_2160, %dma_start3A_2161] : memref<100000x32xf32, #tpu.memory_space<hbm>> -> memref<100000x32xf32, #tpu.memory_space<hbm>>
        tpu.enqueue_indirect_dma source(%dma_start3A_2162 : memref<100000x32xf32, #tpu.memory_space<hbm>>) target(%dma_start3A_2153 : memref<64x32xf32, #tpu.memory_space<vmem>>) offsets(%dma_start3A_2155 : memref<64xi32, #tpu.memory_space<vmem>>) semaphore(%arg8 : memref<!tpu.dma_semaphore, #tpu.memory_space<semaphore_mem>>)
        %mul3A_2163 = arith.constant 64 : i32
        %mul3A_2164 = arith.muli %add3A_1802, %mul3A_2163 : i32
        %dma_start3A_2165 = arith.constant 20 : i32
        %dma_start3A_2166 = arith.constant 20 : i32
        %dma_start3A_2167 = arith.constant 20 : i32
        %dma_start3A_2168 = arith.constant 0 : i32
        %dma_start3A_2169 = arith.constant 0 : i32
        %dma_start3A_2170 = tpu.memref_slice %arg6[%dma_start3A_2167, %dma_start3A_2168, %dma_start3A_2169] : memref<26x64x32xf32, #tpu.memory_space<vmem>> -> memref<1x64x32xf32, #tpu.memory_space<vmem>>
        %dma_start3A_2171 = tpu.memref_squeeze %dma_start3A_2170 : memref<1x64x32xf32, #tpu.memory_space<vmem>> -> memref<64x32xf32, #tpu.memory_space<vmem>>
        %dma_start3A_2172 = tpu.memref_slice %arg5[%dma_start3A_2166, %mul3A_2164] : memref<26x512xi32, #tpu.memory_space<vmem>> -> memref<1x64xi32, #tpu.memory_space<vmem>>
        %dma_start3A_2173 = tpu.memref_squeeze %dma_start3A_2172 : memref<1x64xi32, #tpu.memory_space<vmem>> -> memref<64xi32, #tpu.memory_space<vmem>>
        %dma_start3A_2174 = arith.constant 0 : i32
        %dma_start3A_2175 = arith.constant 0 : i32
        %dma_start3A_2176 = tpu.memref_slice %arg3[%dma_start3A_2165, %dma_start3A_2174, %dma_start3A_2175] : memref<26x100000x32xf32, #tpu.memory_space<hbm>> -> memref<1x100000x32xf32, #tpu.memory_space<hbm>>
        %dma_start3A_2177 = tpu.memref_squeeze %dma_start3A_2176 : memref<1x100000x32xf32, #tpu.memory_space<hbm>> -> memref<100000x32xf32, #tpu.memory_space<hbm>>
        %dma_start3A_2178 = arith.constant 0 : i32
        %dma_start3A_2179 = arith.constant 0 : i32
        %dma_start3A_2180 = tpu.memref_slice %dma_start3A_2177[%dma_start3A_2178, %dma_start3A_2179] : memref<100000x32xf32, #tpu.memory_space<hbm>> -> memref<100000x32xf32, #tpu.memory_space<hbm>>
        tpu.enqueue_indirect_dma source(%dma_start3A_2180 : memref<100000x32xf32, #tpu.memory_space<hbm>>) target(%dma_start3A_2171 : memref<64x32xf32, #tpu.memory_space<vmem>>) offsets(%dma_start3A_2173 : memref<64xi32, #tpu.memory_space<vmem>>) semaphore(%arg8 : memref<!tpu.dma_semaphore, #tpu.memory_space<semaphore_mem>>)
        %mul3A_2181 = arith.constant 64 : i32
        %mul3A_2182 = arith.muli %add3A_1802, %mul3A_2181 : i32
        %dma_start3A_2183 = arith.constant 21 : i32
        %dma_start3A_2184 = arith.constant 21 : i32
        %dma_start3A_2185 = arith.constant 21 : i32
        %dma_start3A_2186 = arith.constant 0 : i32
        %dma_start3A_2187 = arith.constant 0 : i32
        %dma_start3A_2188 = tpu.memref_slice %arg6[%dma_start3A_2185, %dma_start3A_2186, %dma_start3A_2187] : memref<26x64x32xf32, #tpu.memory_space<vmem>> -> memref<1x64x32xf32, #tpu.memory_space<vmem>>
        %dma_start3A_2189 = tpu.memref_squeeze %dma_start3A_2188 : memref<1x64x32xf32, #tpu.memory_space<vmem>> -> memref<64x32xf32, #tpu.memory_space<vmem>>
        %dma_start3A_2190 = tpu.memref_slice %arg5[%dma_start3A_2184, %mul3A_2182] : memref<26x512xi32, #tpu.memory_space<vmem>> -> memref<1x64xi32, #tpu.memory_space<vmem>>
        %dma_start3A_2191 = tpu.memref_squeeze %dma_start3A_2190 : memref<1x64xi32, #tpu.memory_space<vmem>> -> memref<64xi32, #tpu.memory_space<vmem>>
        %dma_start3A_2192 = arith.constant 0 : i32
        %dma_start3A_2193 = arith.constant 0 : i32
        %dma_start3A_2194 = tpu.memref_slice %arg3[%dma_start3A_2183, %dma_start3A_2192, %dma_start3A_2193] : memref<26x100000x32xf32, #tpu.memory_space<hbm>> -> memref<1x100000x32xf32, #tpu.memory_space<hbm>>
        %dma_start3A_2195 = tpu.memref_squeeze %dma_start3A_2194 : memref<1x100000x32xf32, #tpu.memory_space<hbm>> -> memref<100000x32xf32, #tpu.memory_space<hbm>>
        %dma_start3A_2196 = arith.constant 0 : i32
        %dma_start3A_2197 = arith.constant 0 : i32
        %dma_start3A_2198 = tpu.memref_slice %dma_start3A_2195[%dma_start3A_2196, %dma_start3A_2197] : memref<100000x32xf32, #tpu.memory_space<hbm>> -> memref<100000x32xf32, #tpu.memory_space<hbm>>
        tpu.enqueue_indirect_dma source(%dma_start3A_2198 : memref<100000x32xf32, #tpu.memory_space<hbm>>) target(%dma_start3A_2189 : memref<64x32xf32, #tpu.memory_space<vmem>>) offsets(%dma_start3A_2191 : memref<64xi32, #tpu.memory_space<vmem>>) semaphore(%arg8 : memref<!tpu.dma_semaphore, #tpu.memory_space<semaphore_mem>>)
        %mul3A_2199 = arith.constant 64 : i32
        %mul3A_2200 = arith.muli %add3A_1802, %mul3A_2199 : i32
        %dma_start3A_2201 = arith.constant 22 : i32
        %dma_start3A_2202 = arith.constant 22 : i32
        %dma_start3A_2203 = arith.constant 22 : i32
        %dma_start3A_2204 = arith.constant 0 : i32
        %dma_start3A_2205 = arith.constant 0 : i32
        %dma_start3A_2206 = tpu.memref_slice %arg6[%dma_start3A_2203, %dma_start3A_2204, %dma_start3A_2205] : memref<26x64x32xf32, #tpu.memory_space<vmem>> -> memref<1x64x32xf32, #tpu.memory_space<vmem>>
        %dma_start3A_2207 = tpu.memref_squeeze %dma_start3A_2206 : memref<1x64x32xf32, #tpu.memory_space<vmem>> -> memref<64x32xf32, #tpu.memory_space<vmem>>
        %dma_start3A_2208 = tpu.memref_slice %arg5[%dma_start3A_2202, %mul3A_2200] : memref<26x512xi32, #tpu.memory_space<vmem>> -> memref<1x64xi32, #tpu.memory_space<vmem>>
        %dma_start3A_2209 = tpu.memref_squeeze %dma_start3A_2208 : memref<1x64xi32, #tpu.memory_space<vmem>> -> memref<64xi32, #tpu.memory_space<vmem>>
        %dma_start3A_2210 = arith.constant 0 : i32
        %dma_start3A_2211 = arith.constant 0 : i32
        %dma_start3A_2212 = tpu.memref_slice %arg3[%dma_start3A_2201, %dma_start3A_2210, %dma_start3A_2211] : memref<26x100000x32xf32, #tpu.memory_space<hbm>> -> memref<1x100000x32xf32, #tpu.memory_space<hbm>>
        %dma_start3A_2213 = tpu.memref_squeeze %dma_start3A_2212 : memref<1x100000x32xf32, #tpu.memory_space<hbm>> -> memref<100000x32xf32, #tpu.memory_space<hbm>>
        %dma_start3A_2214 = arith.constant 0 : i32
        %dma_start3A_2215 = arith.constant 0 : i32
        %dma_start3A_2216 = tpu.memref_slice %dma_start3A_2213[%dma_start3A_2214, %dma_start3A_2215] : memref<100000x32xf32, #tpu.memory_space<hbm>> -> memref<100000x32xf32, #tpu.memory_space<hbm>>
        tpu.enqueue_indirect_dma source(%dma_start3A_2216 : memref<100000x32xf32, #tpu.memory_space<hbm>>) target(%dma_start3A_2207 : memref<64x32xf32, #tpu.memory_space<vmem>>) offsets(%dma_start3A_2209 : memref<64xi32, #tpu.memory_space<vmem>>) semaphore(%arg8 : memref<!tpu.dma_semaphore, #tpu.memory_space<semaphore_mem>>)
        %mul3A_2217 = arith.constant 64 : i32
        %mul3A_2218 = arith.muli %add3A_1802, %mul3A_2217 : i32
        %dma_start3A_2219 = arith.constant 23 : i32
        %dma_start3A_2220 = arith.constant 23 : i32
        %dma_start3A_2221 = arith.constant 23 : i32
        %dma_start3A_2222 = arith.constant 0 : i32
        %dma_start3A_2223 = arith.constant 0 : i32
        %dma_start3A_2224 = tpu.memref_slice %arg6[%dma_start3A_2221, %dma_start3A_2222, %dma_start3A_2223] : memref<26x64x32xf32, #tpu.memory_space<vmem>> -> memref<1x64x32xf32, #tpu.memory_space<vmem>>
        %dma_start3A_2225 = tpu.memref_squeeze %dma_start3A_2224 : memref<1x64x32xf32, #tpu.memory_space<vmem>> -> memref<64x32xf32, #tpu.memory_space<vmem>>
        %dma_start3A_2226 = tpu.memref_slice %arg5[%dma_start3A_2220, %mul3A_2218] : memref<26x512xi32, #tpu.memory_space<vmem>> -> memref<1x64xi32, #tpu.memory_space<vmem>>
        %dma_start3A_2227 = tpu.memref_squeeze %dma_start3A_2226 : memref<1x64xi32, #tpu.memory_space<vmem>> -> memref<64xi32, #tpu.memory_space<vmem>>
        %dma_start3A_2228 = arith.constant 0 : i32
        %dma_start3A_2229 = arith.constant 0 : i32
        %dma_start3A_2230 = tpu.memref_slice %arg3[%dma_start3A_2219, %dma_start3A_2228, %dma_start3A_2229] : memref<26x100000x32xf32, #tpu.memory_space<hbm>> -> memref<1x100000x32xf32, #tpu.memory_space<hbm>>
        %dma_start3A_2231 = tpu.memref_squeeze %dma_start3A_2230 : memref<1x100000x32xf32, #tpu.memory_space<hbm>> -> memref<100000x32xf32, #tpu.memory_space<hbm>>
        %dma_start3A_2232 = arith.constant 0 : i32
        %dma_start3A_2233 = arith.constant 0 : i32
        %dma_start3A_2234 = tpu.memref_slice %dma_start3A_2231[%dma_start3A_2232, %dma_start3A_2233] : memref<100000x32xf32, #tpu.memory_space<hbm>> -> memref<100000x32xf32, #tpu.memory_space<hbm>>
        tpu.enqueue_indirect_dma source(%dma_start3A_2234 : memref<100000x32xf32, #tpu.memory_space<hbm>>) target(%dma_start3A_2225 : memref<64x32xf32, #tpu.memory_space<vmem>>) offsets(%dma_start3A_2227 : memref<64xi32, #tpu.memory_space<vmem>>) semaphore(%arg8 : memref<!tpu.dma_semaphore, #tpu.memory_space<semaphore_mem>>)
        %mul3A_2235 = arith.constant 64 : i32
        %mul3A_2236 = arith.muli %add3A_1802, %mul3A_2235 : i32
        %dma_start3A_2237 = arith.constant 24 : i32
        %dma_start3A_2238 = arith.constant 24 : i32
        %dma_start3A_2239 = arith.constant 24 : i32
        %dma_start3A_2240 = arith.constant 0 : i32
        %dma_start3A_2241 = arith.constant 0 : i32
        %dma_start3A_2242 = tpu.memref_slice %arg6[%dma_start3A_2239, %dma_start3A_2240, %dma_start3A_2241] : memref<26x64x32xf32, #tpu.memory_space<vmem>> -> memref<1x64x32xf32, #tpu.memory_space<vmem>>
        %dma_start3A_2243 = tpu.memref_squeeze %dma_start3A_2242 : memref<1x64x32xf32, #tpu.memory_space<vmem>> -> memref<64x32xf32, #tpu.memory_space<vmem>>
        %dma_start3A_2244 = tpu.memref_slice %arg5[%dma_start3A_2238, %mul3A_2236] : memref<26x512xi32, #tpu.memory_space<vmem>> -> memref<1x64xi32, #tpu.memory_space<vmem>>
        %dma_start3A_2245 = tpu.memref_squeeze %dma_start3A_2244 : memref<1x64xi32, #tpu.memory_space<vmem>> -> memref<64xi32, #tpu.memory_space<vmem>>
        %dma_start3A_2246 = arith.constant 0 : i32
        %dma_start3A_2247 = arith.constant 0 : i32
        %dma_start3A_2248 = tpu.memref_slice %arg3[%dma_start3A_2237, %dma_start3A_2246, %dma_start3A_2247] : memref<26x100000x32xf32, #tpu.memory_space<hbm>> -> memref<1x100000x32xf32, #tpu.memory_space<hbm>>
        %dma_start3A_2249 = tpu.memref_squeeze %dma_start3A_2248 : memref<1x100000x32xf32, #tpu.memory_space<hbm>> -> memref<100000x32xf32, #tpu.memory_space<hbm>>
        %dma_start3A_2250 = arith.constant 0 : i32
        %dma_start3A_2251 = arith.constant 0 : i32
        %dma_start3A_2252 = tpu.memref_slice %dma_start3A_2249[%dma_start3A_2250, %dma_start3A_2251] : memref<100000x32xf32, #tpu.memory_space<hbm>> -> memref<100000x32xf32, #tpu.memory_space<hbm>>
        tpu.enqueue_indirect_dma source(%dma_start3A_2252 : memref<100000x32xf32, #tpu.memory_space<hbm>>) target(%dma_start3A_2243 : memref<64x32xf32, #tpu.memory_space<vmem>>) offsets(%dma_start3A_2245 : memref<64xi32, #tpu.memory_space<vmem>>) semaphore(%arg8 : memref<!tpu.dma_semaphore, #tpu.memory_space<semaphore_mem>>)
        %mul3A_2253 = arith.constant 64 : i32
        %mul3A_2254 = arith.muli %add3A_1802, %mul3A_2253 : i32
        %dma_start3A_2255 = arith.constant 25 : i32
        %dma_start3A_2256 = arith.constant 25 : i32
        %dma_start3A_2257 = arith.constant 25 : i32
        %dma_start3A_2258 = arith.constant 0 : i32
        %dma_start3A_2259 = arith.constant 0 : i32
        %dma_start3A_2260 = tpu.memref_slice %arg6[%dma_start3A_2257, %dma_start3A_2258, %dma_start3A_2259] : memref<26x64x32xf32, #tpu.memory_space<vmem>> -> memref<1x64x32xf32, #tpu.memory_space<vmem>>
        %dma_start3A_2261 = tpu.memref_squeeze %dma_start3A_2260 : memref<1x64x32xf32, #tpu.memory_space<vmem>> -> memref<64x32xf32, #tpu.memory_space<vmem>>
        %dma_start3A_2262 = tpu.memref_slice %arg5[%dma_start3A_2256, %mul3A_2254] : memref<26x512xi32, #tpu.memory_space<vmem>> -> memref<1x64xi32, #tpu.memory_space<vmem>>
        %dma_start3A_2263 = tpu.memref_squeeze %dma_start3A_2262 : memref<1x64xi32, #tpu.memory_space<vmem>> -> memref<64xi32, #tpu.memory_space<vmem>>
        %dma_start3A_2264 = arith.constant 0 : i32
        %dma_start3A_2265 = arith.constant 0 : i32
        %dma_start3A_2266 = tpu.memref_slice %arg3[%dma_start3A_2255, %dma_start3A_2264, %dma_start3A_2265] : memref<26x100000x32xf32, #tpu.memory_space<hbm>> -> memref<1x100000x32xf32, #tpu.memory_space<hbm>>
        %dma_start3A_2267 = tpu.memref_squeeze %dma_start3A_2266 : memref<1x100000x32xf32, #tpu.memory_space<hbm>> -> memref<100000x32xf32, #tpu.memory_space<hbm>>
        %dma_start3A_2268 = arith.constant 0 : i32
        %dma_start3A_2269 = arith.constant 0 : i32
        %dma_start3A_2270 = tpu.memref_slice %dma_start3A_2267[%dma_start3A_2268, %dma_start3A_2269] : memref<100000x32xf32, #tpu.memory_space<hbm>> -> memref<100000x32xf32, #tpu.memory_space<hbm>>
        tpu.enqueue_indirect_dma source(%dma_start3A_2270 : memref<100000x32xf32, #tpu.memory_space<hbm>>) target(%dma_start3A_2261 : memref<64x32xf32, #tpu.memory_space<vmem>>) offsets(%dma_start3A_2263 : memref<64xi32, #tpu.memory_space<vmem>>) semaphore(%arg8 : memref<!tpu.dma_semaphore, #tpu.memory_space<semaphore_mem>>)
      } else {
      }
    }
    %scan3A_448 = arith.constant 4 : i32
    %dma_wait3A = arith.constant 0 : i32
    %dma_wait3A_449 = arith.constant 0 : i32
    %dma_wait3A_450 = arith.constant 0 : i32
    %dma_wait3A_451 = tpu.memref_slice %arg3[%dma_wait3A, %dma_wait3A_449, %dma_wait3A_450] : memref<26x100000x32xf32, #tpu.memory_space<hbm>> -> memref<26x64x32xf32, #tpu.memory_space<hbm>>
    %dma_wait3A_452 = arith.constant 0 : i32
    %dma_wait3A_453 = arith.constant 0 : i32
    %dma_wait3A_454 = arith.constant 0 : i32
    %dma_wait3A_455 = tpu.memref_slice %arg3[%dma_wait3A_452, %dma_wait3A_453, %dma_wait3A_454] : memref<26x100000x32xf32, #tpu.memory_space<hbm>> -> memref<26x64x32xf32, #tpu.memory_space<hbm>>
    tpu.wait_dma2 semaphore(%arg10 : memref<!tpu.dma_semaphore, #tpu.memory_space<semaphore_mem>>) src(%dma_wait3A_455 : memref<26x64x32xf32, #tpu.memory_space<hbm>>) dst(%arg6 : memref<26x64x32xf32, #tpu.memory_space<vmem>>)
    %dma_wait3A_456 = arith.constant 0 : i32
    %dma_wait3A_457 = arith.constant 0 : i32
    %dma_wait3A_458 = arith.constant 0 : i32
    %dma_wait3A_459 = tpu.memref_slice %arg3[%dma_wait3A_456, %dma_wait3A_457, %dma_wait3A_458] : memref<26x100000x32xf32, #tpu.memory_space<hbm>> -> memref<26x64x32xf32, #tpu.memory_space<hbm>>
    %dma_wait3A_460 = arith.constant 0 : i32
    %dma_wait3A_461 = arith.constant 0 : i32
    %dma_wait3A_462 = arith.constant 0 : i32
    %dma_wait3A_463 = tpu.memref_slice %arg3[%dma_wait3A_460, %dma_wait3A_461, %dma_wait3A_462] : memref<26x100000x32xf32, #tpu.memory_space<hbm>> -> memref<26x64x32xf32, #tpu.memory_space<hbm>>
    tpu.wait_dma2 semaphore(%arg11 : memref<!tpu.dma_semaphore, #tpu.memory_space<semaphore_mem>>) src(%dma_wait3A_463 : memref<26x64x32xf32, #tpu.memory_space<hbm>>) dst(%arg7 : memref<26x64x32xf32, #tpu.memory_space<vmem>>)
    return
  }
}

</mosaic_0001>

<sc_bundles>
// kernel: kernel.3.cloned.1.call-start
scs
__scs_entry_jumppad:
0x0: {  	(pc) =	sbr.rel $0x88, $3  }
0x1: {  	(tag) =	ssettag $0x0;
	lr =	simm.s32 $0x1  }
0x2: {  	[smem:$0x3F9F] =	sst lr;
	_ =	strace $0xD0000000  }
0x3: {  	_ = 	snop  }
0x4: {  	_ = 	snop  }
0x5: {  	_ = 	snop  }
0x6: {  	_ = 	snop  }
0x7: {  	_ = 	snop  }
__scs_overlays_trampoline_lowered:
0x8: {  	[smem:$0x3FAE] =	sst s0  }
0x9: {  	[smem:$0x3FAF] =	sst s1  }
0xa: {  	[smem:$0x3FB0] =	sst s2  }
0xb: {  	[smem:$0x3FB1] =	sst s3  }
0xc: {  	[smem:$0x3FB2] =	sst s4  }
0xd: {  	[smem:$0x3FB3] =	sst s5  }
0xe: {  	[smem:$0x3FB4] =	sst s6  }
0xf: {  	[smem:$0x3FB5] =	sst s7  }
0x10: {  	[smem:$0x3FB6] =	sst s8  }
0x11: {  	[smem:$0x3FB7] =	sst s9;
	s0 =	simm.s32 @!p0 $0x0  }
0x12: {  	s1 =	sld [smem:$0x3F9D];
	s0 =	simm.s32 @p0 $0x1  }
0x13: {  	[smem:$0x3FB8] =	sst s0;
	s0 =	simm.s32 @!p1 $0x0  }
0x14: {  	s2 =	sld [smem:$0x3F9C];
	s0 =	simm.s32 @p1 $0x1  }
0x15: {  	[smem:$0x3FB9] =	sst s0;
	s0 =	simm.s32 @!p2 $0x0  }
0x16: {  	s3 =	sld [smem:$0x3FDB];
	s0 =	simm.s32 @p2 $0x1  }
0x17: {  	s4 =	simm.s32 $0x1BF5;
	[smem:$0x3FBB] =	sst s0  }
0x18: {  	s0 =	sld [smem:$0x3F9E];
	_ =	swait.ge [sflag:s4], $0x0  }
0x19: {  	s7 =	sld [smem:$0x3F9F]  }
0x1a: {  	s8 =	sadd.s32 $0xFFFFE003, lr  }
0x1b: {  	s9 =	sadd.s32 $0xFFFFFEF7, lr;
	s5 =	simm.s32 $0xFFFFFFFF;
	p2 =	slt.u32 s8, $0xFFFFF086  }
0x1c: {  	p1 =	slt.u32 s9, $0xF7A;
	s5 =	simm.s32 @!p2 $0x0  }
0x1d: {  	s5 =	simm.s32 @p1 $0x1;
	p0 =	seq.s32 s7, s2  }
0x1e: {  	s7 =	smul.u32 @!p0 $0xF7A, s2;
	p2 =	seq.s32 @!p0 s5, $0x0  }
0x1f: {  	s9 =	smul.u32 $0xF7A, s1;
	s8 =	simm.s32 @!p0 $0x1BF5;
	p2 =	por !p2, p0  }
0x20: {  	[sflag:s8] =	ssyncset.s32 @!p0 $0xFFFFF086;
	s6 =	sadd.s32 @!p0 s3, s7;
	s7 =	simm.s32 @!p0 $0x108  }
0x21: {  	s3 =	sadd.s32 s3, s9;
	s6 =	sadd.s32 @!p0 $0x88, s6;
	s7 =	simm.s32 @p2 $0x1082  }
0x22: {  	[simem:s7], [sflag:s8] =	dma.local @!p0 [hbm:s6], $0xF7A  }
0x23: {  	s9 =	sor.u32 $0xD0000000, s2;
	s6 =	simm.s32 $0x108;
	_ =	swait.ge @!p0 [sflag:s8], $0x0  }
0x24: {  	s3 =	sadd.s32 $0x88, s3;
	s6 =	simm.s32 @!p1 $0x1082;
	[sflag:s4] =	ssyncset.s32 $0xFFFFF086  }
0x25: {  	[simem:s6], [sflag:s4] =	dma.local [hbm:s3], $0xF7A  }
0x26: {  	[smem:$0x3F9F] =	sst s1;
	(tag) =	ssettag s2;
	_ =	strace s9  }
0x27: {  	s1 =	sld [smem:$0x3FAF]  }
0x28: {  	s2 =	sld [smem:$0x3FB0]  }
0x29: {  	s4 =	sld [smem:$0x3FB2]  }
0x2a: {  	p0 =	seq.s32 s5, $0x0;
	s5 =	sld [smem:$0x3FB3]  }
0x2b: {  	s6 =	sld [smem:$0x3FB4]  }
0x2c: {  	s7 =	sld [smem:$0x3FB5]  }
0x2d: {  	s3 =	simm.s32 $0x108;
	s8 =	sld [smem:$0x3FB6]  }
0x2e: {  	s3 =	simm.s32 @!p0 $0x1082;
	s9 =	sld [smem:$0x3FB7]  }
0x2f: {  	lr =	sadd.s32 s0, s3;
	s0 =	sld [smem:$0x3FAE]  }
0x30: {  	s3 =	sld [smem:$0x3FB1]  }
0x31: {  	[smem:$0x3FBA] =	sst s10  }
0x32: {  	s10 =	sld [smem:$0x3FB8];
	_ =	sdelay $0x3  }
0x33: {  	p0 =	seq.s32 s10, $0x1;
	s10 =	sld [smem:$0x3FBA];
	_ =	sdelay $0x3  }
0x34: {  	[smem:$0x3FBA] =	sst s10  }
0x35: {  	s10 =	sld [smem:$0x3FB9];
	_ =	sdelay $0x3  }
0x36: {  	p1 =	seq.s32 s10, $0x1;
	s10 =	sld [smem:$0x3FBA];
	_ =	sdelay $0x3  }
0x37: {  	[smem:$0x3FBA] =	sst s10  }
0x38: {  	s10 =	sld [smem:$0x3FBB]  }
0x39: {  	_ = 	snop;
	(pc) =	sbr.ind lr, $3  }
0x3a: {  	_ = 	snop  }
0x3b: {  	_ = 	snop  }
0x3c: {  	p2 =	seq.s32 s10, $0x1;
	s10 =	sld [smem:$0x3FBA]  }
0x3d: {  	_ =	shalt  }
0x3e: {  	_ =	shalt  }
0x3f: {  	_ =	shalt  }
0x40: {  	_ =	shalt  }
0x41: {  	_ =	shalt  }
0x42: {  	_ =	shalt  }
0x43: {  	_ =	shalt  }
0x44: {  	_ =	shalt  }
0x45: {  	_ =	shalt  }
0x46: {  	_ =	shalt  }
0x47: {  	_ =	shalt  }
0x48: {  	_ =	shalt  }
0x49: {  	_ =	shalt  }
0x4a: {  	_ =	shalt  }
0x4b: {  	_ =	shalt  }
0x4c: {  	_ =	shalt  }
0x4d: {  	_ =	shalt  }
0x4e: {  	_ =	shalt  }
0x4f: {  	_ =	shalt  }
0x50: {  	_ =	shalt  }
0x51: {  	_ =	shalt  }
0x52: {  	_ =	shalt  }
0x53: {  	_ =	shalt  }
0x54: {  	_ =	shalt  }
0x55: {  	_ =	shalt  }
0x56: {  	_ =	shalt  }
0x57: {  	_ =	shalt  }
0x58: {  	_ =	shalt  }
0x59: {  	_ =	shalt  }
0x5a: {  	_ =	shalt  }
0x5b: {  	_ =	shalt  }
0x5c: {  	_ =	shalt  }
0x5d: {  	_ =	shalt  }
0x5e: {  	_ =	shalt  }
0x5f: {  	_ =	shalt  }
0x60: {  	_ =	shalt  }
0x61: {  	_ =	shalt  }
0x62: {  	_ =	shalt  }
0x63: {  	_ =	shalt  }
0x64: {  	_ =	shalt  }
0x65: {  	_ =	shalt  }
0x66: {  	_ =	shalt  }
0x67: {  	_ =	shalt  }
0x68: {  	_ =	shalt  }
0x69: {  	_ =	shalt  }
0x6a: {  	_ =	shalt  }
0x6b: {  	_ =	shalt  }
0x6c: {  	_ =	shalt  }
0x6d: {  	_ =	shalt  }
0x6e: {  	_ =	shalt  }
0x6f: {  	_ =	shalt  }
0x70: {  	_ =	shalt  }
0x71: {  	_ =	shalt  }
0x72: {  	_ =	shalt  }
0x73: {  	_ =	shalt  }
0x74: {  	_ =	shalt  }
0x75: {  	_ =	shalt  }
0x76: {  	_ =	shalt  }
0x77: {  	_ =	shalt  }
0x78: {  	_ =	shalt  }
0x79: {  	_ =	shalt  }
0x7a: {  	_ =	shalt  }
0x7b: {  	_ =	shalt  }
0x7c: {  	_ =	shalt  }
0x7d: {  	_ =	shalt  }
0x7e: {  	_ =	shalt  }
0x7f: {  	_ =	shalt  }
0x80: {  	_ =	shalt  }
0x81: {  	_ =	shalt  }
0x82: {  	_ =	shalt  }
0x83: {  	_ =	shalt  }
0x84: {  	_ =	shalt  }
0x85: {  	_ =	shalt  }
0x86: {  	_ =	shalt  }
0x87: {  	_ =	shalt  }
.Lfunc_end0:
.L_simem_size_0:
called_computation.1_lowered:
.L_overlay_start_0:
0x88: {  	s2 =	sld [smem:$0x3FD9]  }
0x89: {  	s3 =	sld [smem:$0x3FFE];
	_ =	sdelay $0x1  }
0x8a: {  	s1 =	srdreg.scid  }
0x8b: {  	s0 =	sand.u32 $0x1, s1  }
0x8c: {  	s17 =	sshll.u32 s0, $0xA;
	s2 =	sadd.s32 s3, s2  }
0x8d: {  	s2 =	sadd.s32 s2, s17  }
0x8e: {  	[smem:$0x3FC6] =	sst s2  }
0x8f: {  	_ = 	snop  }
0x90: {  	s2 =	sld [smem:$0x3FD0];
	(tm) =	ssettm $0x1  }
0x91: {  	s18 =	sld [smem:$0x3FFB];
	_ =	sdelay $0x3  }
0x92: {  	_ =	strace s18  }
0x93: {  	s3 =	sld [smem:$0x3FFC];
	_ =	sdelay $0x3  }
0x94: {  	_ =	strace s3  }
0x95: {  	s3 =	sld [smem:$0x3FFD];
	_ =	sdelay $0x3  }
0x96: {  	_ =	strace s3  }
0x97: {  	_ =	strace $0x8FFFFFFF  }
0x98: {  	s19 =	sld [smem:$0x3FDB];
	_ =	sdelay $0x1  }
0x99: {  	s4 =	simm.s32 $_scs_section_size  }
0x9a: {  	s5 =	simm.s32 $_size__tile_overlayer_lowered;
	s6 =	simm.s32 $_tile_overlayer_lowered  }
0x9b: {  	s22 =	simm.s32 $0x1BFF;
	s21 =	sshll.u32 s6, $0x1;
	s3 =	sadd.s32 s4, s19  }
0x9c: {  	s7 =	simm.s32 $0x0;
	s20 =	sshll.u32 s5, $0x1;
	s5 =	sadd.s32 s21, s3  }
0x9d: {  	[timem:s7], [sflag:s22] =	dma.local [hbm:s5], s20  }
0x9e: {  	_ =	swait.ge [sflag:s22], s20  }
0x9f: {  	s4 =	ssub.s32 $0x0, s20;
	[sflag:s22] =	ssyncset.done $0x0  }
0xa0: {  	[sflag:s22] =	ssyncadd.s32 s4;
	_ =	sdelay $0x1  }
0xa1: {  	s23 =	simm.s32 $0x1B8B  }
0xa2: {  	_ =	swait.ge [sflag:s23], $0x1  }
0xa3: {  	[sflag:s23] =	ssyncset.done $0x0  }
0xa4: {  	s25 =	simm.s32 $0x1B8E;
	s24 =	sld [smem:$0x3FFE];
	[sflag:s23] =	ssyncadd.s32 $0xFFFFFFFF  }
0xa5: {  	s26 =	simm.s32 $execute0_lowered;
	[smem:$0x3FD2] =	sst s25  }
0xa6: {  	s5 =	sshll.u32 s26, $0x1;
	_ =	strace $0x80000046;
	[dreg:$0x1] =	wrdreg $0xFFFFFFFF  }
0xa7: {  	s28 =	simm.s32 $_size_execute0_lowered;
	s3 =	sadd.s32 s3, s5;
	[dreg:$0x0] =	wrdreg $0x0  }
0xa8: {  	s5 =	sshll.u32 s28, $0x1;
	[dreg:$0x2] =	wrdreg s3  }
0xa9: {  	[dreg:$0x3] =	wrdreg s5  }
0xaa: {  	[dreg:$0x4] =	wrdreg $0xC0  }
0xab: {  	_ =	task [dreg:s7], $0x5FFFF  }
0xac: {  	[dreg:$0x1] =	wrdreg $0xFFFFFFFF  }
0xad: {  	[dreg:$0x0] =	wrdreg $0x60  }
0xae: {  	[dreg:$0x2] =	wrdreg s24  }
0xaf: {  	[dreg:$0x3] =	wrdreg s2  }
0xb0: {  	[dreg:$0x4] =	wrdreg $0x9  }
0xb1: {  	_ =	task.clear_ibuf [dreg:s7], $0x5FFFF;
	_ =	strace $0x90000046  }
0xb2: {  	s29 =	simm.s32 $0x9;
	_ =	strace $0x80000048  }
0xb3: {  	_ =	swait.ge [sflag:s29], $0x1  }
0xb4: {  	[sflag:s29] =	ssyncadd.s32 $0xFFFFFFFF  }
0xb5: {  	_ =	strace $0x90000048  }
0xb6: {  	_ =	sfence  }
0xb7: {  	s30 =	sld [smem:$0x0];
	_ =	sdelay $0x2  }
0xb8: {  	s31 =	sshll.u32 s1, $0xD;
	s1 =	sshrl.u32 s1, $0x2  }
0xb9: {  	s3 =	sand.u32 $0x4000, s31;
	s1 =	sadd.s32 s1, s30  }
0xba: {  	s0 =	sor.u32 s3, s0;
	s1 =	sshll.u32 s1, $0x11  }
0xbb: {  	s0 =	sor.u32 s1, s0  }
0xbc: {  	s0 =	sadd.s32 $0x8F2B, s0  }
0xbd: {  	[sflag:s0] =	ssyncadd.remote.s32 $0x1  }
0xbe: {  	_ =	sfence.sel $0xFFFF  }
0xbf: {  	[dreg:$0x0] =	wrdreg $0xFFFFFFFF;
	(pc) =	sbr.abs _section_cstart, $3  }
0xc0: {  	[dreg:$0x1] =	wrdreg $0xFFFFFFFF  }
0xc1: {  	_ =	task.clear_ibuf [dreg:s7], $0x2FFFF;
	_ =	strace $0x9FFFFFFF  }
0xc2: {  	(tm) =	ssettm $0x7FFFFFFF  }
0xc3: {  	_ =	shalt  }
tec
execute0_lowered:
.L_overlay_start_1:
0x0: {  	(tag) =	ssettag $0x1  }
0x1: {  	s0 =	rddreg [dreg:$0x0]  }
0x2: {  	s1 =	rddreg [dreg:$0x1];
	s3 =	simm.s32 $0x0  }
0x3: {  	[smem:$0x7FF] =	sst s3;
	s5 =	sadd.s32 $0x2CA2680, s0  }
0x4: {  	s20 =	sadd.s32 $0x2D04100, s0;
	_ =	strace $0x80000047;
	[dreg:$0x3] =	wrdreg s5  }
0x5: {  	s25 =	sadd.s32 $0x2DC7600, s0;
	[dreg:$0x4] =	wrdreg s20  }
0x6: {  	s7 =	sadd.s32 $0x27ACE00, s0;
	[dreg:$0x5] =	wrdreg s25  }
0x7: {  	s8 =	sadd.s32 $0x280E880, s0;
	[dreg:$0xa] =	wrdreg s7  }
0x8: {  	s9 =	sadd.s32 $0x2870300, s0;
	[dreg:$0xb] =	wrdreg s8  }
0x9: {  	s10 =	sadd.s32 $0x28D1D80, s0;
	[dreg:$0xc] =	wrdreg s9  }
0xa: {  	s11 =	sadd.s32 $0x2933800, s0;
	[dreg:$0xd] =	wrdreg s10  }
0xb: {  	s12 =	sadd.s32 $0x2995280, s0;
	[dreg:$0xe] =	wrdreg s11  }
0xc: {  	s13 =	sadd.s32 $0x29F6D00, s0;
	[dreg:$0xf] =	wrdreg s12  }
0xd: {  	s2 =	srdreg.scid;
	s14 =	sadd.s32 $0x2A58780, s0;
	[dreg:$0x10] =	wrdreg s13  }
0xe: {  	s6 =	stileid.u32;
	s15 =	sadd.s32 $0x2ABA200, s0;
	[dreg:$0x11] =	wrdreg s14  }
0xf: {  	s2 =	sand.u32 $0x1, s2;
	s16 =	sadd.s32 $0x2B1BC80, s0;
	[dreg:$0x12] =	wrdreg s15  }
0x10: {  	s21 =	sshll.u32 s6, $0xA;
	s17 =	sadd.s32 $0x2B7D700, s0;
	[dreg:$0x13] =	wrdreg s16  }
0x11: {  	s18 =	sadd.s32 $0x2BDF180, s0;
	s19 =	sadd.s32 $0x2C40C00, s0;
	[dreg:$0x14] =	wrdreg s17  }
0x12: {  	s24 =	smul.u32 $0x1A000, s6;
	s28 =	sadd.s32 $0x2FAFA80, s0;
	[dreg:$0x15] =	wrdreg s18  }
0x13: {  	s31 =	sadd.s32 $0x2D65B80, s0;
	s30 =	sadd.s32 $0x3011500, s0;
	[dreg:$0x1a] =	wrdreg s28  }
0x14: {  	s29 =	sadd.s32 $0x3072F80, s0;
	s4 =	sshll.u32 s2, $0x9;
	[dreg:$0x1c] =	wrdreg s30  }
0x15: {  	s22 =	ssub.s32 $0x2, s2;
	s6 =	smov.u32 s19;
	[dreg:$0x1d] =	wrdreg s29  }
0x16: {  	s19 =	sadd.s32 $0x2E29080, s0;
	s2 =	smul.u32 $0xD000, s2;
	[smem:$0x7FD] =	sst s31  }
0x17: {  	s25 =	sadd.s32 $0x2F4E000, s0;
	s5 =	sadd.s32 $0x3136480, s0;
	[dreg:$0x16] =	wrdreg s6  }
0x18: {  	s3 =	sor.u32 s4, s21;
	s23 =	sshrl.u32 s22, $0x1;
	[dreg:$0x17] =	wrdreg s19  }
0x19: {  	s1 =	sadd.s32 s24, s1;
	s24 =	sadd.s32 $0x2EEC580, s0;
	[dreg:$0x1b] =	wrdreg s25  }
0x1a: {  	s21 =	simm.s32 $0x3C00;
	[dreg:$0x1f] =	wrdreg s5;
	s3 =	sshrl.u32 s3, $0x3  }
0x1b: {  	s4 =	ssub.s32 s22, s23;
	s1 =	sadd.s32 s2, s1;
	[dreg:$0x18] =	wrdreg s24  }
.Ltmp0:
0x1c: {  	s22 =	sadd.s32 $0x2E8AB00, s0;
	[dreg:$0x7] =	wrdreg s1;
	(pc) =	sbr.rel .LBB2_1-.Ltmp0, $4  }
0x1d: {  	s2 =	sadd.s32 $0x30D4A00, s0;
	s23 =	simm.s32 $0x40;
	[dreg:$0x19] =	wrdreg s22  }
0x1e: {  	s3 =	sadd.s32 s3, s0;
	s26 =	smax.u32 s4, $0x1;
	[dreg:$0x1e] =	wrdreg s2  }
0x1f: {  	s1 =	simm.s32 $0x340;
	s3 =	sadd.s32 $0xA00, s3;
	[dreg:$0x8] =	wrdreg s26  }
0x20: {  	s4 =	simm.s32 $0x0;
	s26 =	simm.s32 $0x20;
	[dreg:$0x6] =	wrdreg s3  }
.LBB2_4:
0x21: {  	s0 =	simm.s32 $0x4  }
0x22: {  	_ =	swait.ge [sflag:s0], $0xD000  }
0x23: {  	s4 =	rddreg [dreg:$0x9]  }
0x24: {  	s3 =	rddreg [dreg:$0x8]  }
0x25: {  	s7 =	rddreg [dreg:$0xa]  }
0x26: {  	s8 =	rddreg [dreg:$0xb]  }
0x27: {  	s9 =	rddreg [dreg:$0xc]  }
0x28: {  	s10 =	rddreg [dreg:$0xd]  }
0x29: {  	s11 =	rddreg [dreg:$0xe]  }
0x2a: {  	s12 =	rddreg [dreg:$0xf]  }
0x2b: {  	s13 =	rddreg [dreg:$0x10]  }
0x2c: {  	s14 =	rddreg [dreg:$0x11]  }
0x2d: {  	s15 =	rddreg [dreg:$0x12]  }
0x2e: {  	s16 =	rddreg [dreg:$0x13]  }
0x2f: {  	s17 =	rddreg [dreg:$0x14]  }
0x30: {  	s18 =	rddreg [dreg:$0x15]  }
0x31: {  	s6 =	rddreg [dreg:$0x16]  }
0x32: {  	s31 =	sld [smem:$0x7FD]  }
0x33: {  	s19 =	rddreg [dreg:$0x17]  }
0x34: {  	s24 =	rddreg [dreg:$0x18]  }
0x35: {  	s22 =	rddreg [dreg:$0x19];
	s4 =	sadd.s32 $0x1, s4  }
0x36: {  	s28 =	rddreg [dreg:$0x1a];
	p0 =	sne.s32 s4, s3  }
.Ltmp1:
0x37: {  	s25 =	rddreg [dreg:$0x1b];
	(pc) =	sbr.rel @!p0 .LBB2_5-.Ltmp1, $4  }
0x38: {  	s30 =	rddreg [dreg:$0x1c]  }
0x39: {  	s29 =	rddreg [dreg:$0x1d]  }
0x3a: {  	[sflag:s0] =	ssyncset.done $0x0;
	s2 =	rddreg [dreg:$0x1e]  }
0x3b: {  	s21 =	simm.s32 $0x3C00;
	s5 =	rddreg [dreg:$0x1f];
	[sflag:s0] =	ssyncadd.s32 $0xFFFF3000  }
.LBB2_1:
0x3c: {  	[dreg:$0x9] =	wrdreg s4;
	s3 =	simm.s32 $0x0  }
0x3d: {  	s0 =	rddreg [dreg:$0x6];
	s4 =	simm.s32 $0x200;
	s20 =	simm.s32 $0x4000  }
0x3e: {  	[tilespmem:s3], [sflag:$0x5] =	stream.strided.gather [hbm4b:s0+s4], $0x3400, s20, s4, $0x38;
	[tilespmem:$0x1D400] =	vst v63  }
0x3f: {  	s20 =	simm.s32 $0x5  }
0x40: {  	_ =	swait.ge [sflag:s20], $0x3400  }
0x41: {  	[sflag:s20] =	ssyncset.done $0x0  }
0x42: {  	[sflag:s20] =	ssyncadd.s32 $0xFFFFCC00;
	s20 =	simm.s32 $0x3400  }
0x43: {  	[tilespmem:s20], [sflag:$0x1] =	stream.indirect.gather [hbm4b:s7+s23], $0x20, s3, s23, $0xb8;
	[tilespmem:$0x1D400] =	vst v63  }
0x44: {  	_ = 	snop  }
0x45: {  	[tilespmem:s21], [sflag:$0x1] =	stream.indirect.gather [hbm4b:s8+s23], $0x20, s4, s23, $0xb8;
	[tilespmem:$0x1D400] =	vst v63  }
0x46: {  	s3 =	simm.s32 $0x400;
	s20 =	simm.s32 $0x4400  }
0x47: {  	[tilespmem:s20], [sflag:$0x1] =	stream.indirect.gather [hbm4b:s9+s23], $0x20, s3, s23, $0xb8;
	[tilespmem:$0x1D400] =	vst v63  }
0x48: {  	s4 =	simm.s32 $0x600;
	s21 =	simm.s32 $0x4C00;
	s3 =	simm.s32 $0x800  }
0x49: {  	[tilespmem:s21], [sflag:$0x1] =	stream.indirect.gather [hbm4b:s10+s23], $0x20, s4, s23, $0xb8;
	[tilespmem:$0x1D400] =	vst v63  }
0x4a: {  	s4 =	smov.u32 s6;
	s6 =	smov.u32 s31;
	s31 =	simm.s32 $0x5400  }
0x4b: {  	[tilespmem:s31], [sflag:$0x1] =	stream.indirect.gather [hbm4b:s11+s23], $0x20, s3, s23, $0xb8;
	[tilespmem:$0x1D400] =	vst v63  }
0x4c: {  	s0 =	simm.s32 $0xA00;
	s3 =	simm.s32 $0x5C00  }
0x4d: {  	[tilespmem:s3], [sflag:$0x1] =	stream.indirect.gather [hbm4b:s12+s23], $0x20, s0, s23, $0xb8;
	[tilespmem:$0x1D400] =	vst v63  }
0x4e: {  	s0 =	simm.s32 $0xC00;
	s3 =	simm.s32 $0x6400  }
0x4f: {  	[tilespmem:s3], [sflag:$0x1] =	stream.indirect.gather [hbm4b:s13+s23], $0x20, s0, s23, $0xb8;
	[tilespmem:$0x1D400] =	vst v63  }
0x50: {  	s0 =	simm.s32 $0xE00;
	s3 =	simm.s32 $0x6C00  }
0x51: {  	[tilespmem:s3], [sflag:$0x1] =	stream.indirect.gather [hbm4b:s14+s23], $0x20, s0, s23, $0xb8;
	[tilespmem:$0x1D400] =	vst v63  }
0x52: {  	s0 =	simm.s32 $0x1000;
	s3 =	simm.s32 $0x7400  }
0x53: {  	[tilespmem:s3], [sflag:$0x1] =	stream.indirect.gather [hbm4b:s15+s23], $0x20, s0, s23, $0xb8;
	[tilespmem:$0x1D400] =	vst v63  }
0x54: {  	s0 =	simm.s32 $0x1200;
	s3 =	simm.s32 $0x7C00  }
0x55: {  	[tilespmem:s3], [sflag:$0x1] =	stream.indirect.gather [hbm4b:s16+s23], $0x20, s0, s23, $0xb8;
	[tilespmem:$0x1D400] =	vst v63  }
0x56: {  	s0 =	simm.s32 $0x1400;
	s3 =	simm.s32 $0x8400  }
0x57: {  	[tilespmem:s3], [sflag:$0x1] =	stream.indirect.gather [hbm4b:s17+s23], $0x20, s0, s23, $0xb8;
	[tilespmem:$0x1D400] =	vst v63  }
0x58: {  	s0 =	simm.s32 $0x1600;
	s3 =	simm.s32 $0x8C00  }
0x59: {  	[tilespmem:s3], [sflag:$0x1] =	stream.indirect.gather [hbm4b:s18+s23], $0x20, s0, s23, $0xb8;
	[tilespmem:$0x1D400] =	vst v63  }
0x5a: {  	s0 =	simm.s32 $0x1800;
	s3 =	simm.s32 $0x9400  }
0x5b: {  	[tilespmem:s3], [sflag:$0x1] =	stream.indirect.gather [hbm4b:s4+s23], $0x20, s0, s23, $0xb8;
	[tilespmem:$0x1D400] =	vst v63  }
0x5c: {  	s3 =	rddreg [dreg:$0x3];
	s0 =	simm.s32 $0x1A00;
	s4 =	simm.s32 $0x9C00  }
0x5d: {  	[tilespmem:s4], [sflag:$0x1] =	stream.indirect.gather [hbm4b:s3+s23], $0x20, s0, s23, $0xb8;
	[tilespmem:$0x1D400] =	vst v63  }
0x5e: {  	s3 =	rddreg [dreg:$0x4];
	s0 =	simm.s32 $0x1C00;
	s4 =	simm.s32 $0xA400  }
0x5f: {  	[tilespmem:s4], [sflag:$0x1] =	stream.indirect.gather [hbm4b:s3+s23], $0x20, s0, s23, $0xb8;
	[tilespmem:$0x1D400] =	vst v63  }
0x60: {  	s3 =	simm.s32 $0x1E00;
	s4 =	simm.s32 $0xAC00  }
0x61: {  	[tilespmem:s4], [sflag:$0x1] =	stream.indirect.gather [hbm4b:s6+s23], $0x20, s3, s23, $0xb8;
	[tilespmem:$0x1D400] =	vst v63  }
0x62: {  	s0 =	rddreg [dreg:$0x5];
	s4 =	simm.s32 $0x2000;
	s6 =	simm.s32 $0xB400  }
0x63: {  	[tilespmem:s6], [sflag:$0x1] =	stream.indirect.gather [hbm4b:s0+s23], $0x20, s4, s23, $0xb8;
	[tilespmem:$0x1D400] =	vst v63  }
0x64: {  	s4 =	simm.s32 $0x2200;
	s6 =	simm.s32 $0xBC00  }
0x65: {  	[tilespmem:s6], [sflag:$0x1] =	stream.indirect.gather [hbm4b:s19+s23], $0x20, s4, s23, $0xb8;
	[tilespmem:$0x1D400] =	vst v63  }
0x66: {  	s4 =	simm.s32 $0x2400;
	s19 =	simm.s32 $0xC400  }
0x67: {  	[tilespmem:s19], [sflag:$0x1] =	stream.indirect.gather [hbm4b:s22+s23], $0x20, s4, s23, $0xb8;
	[tilespmem:$0x1D400] =	vst v63  }
0x68: {  	s6 =	simm.s32 $0x2600;
	s22 =	simm.s32 $0xCC00  }
0x69: {  	[tilespmem:s22], [sflag:$0x1] =	stream.indirect.gather [hbm4b:s24+s23], $0x20, s6, s23, $0xb8;
	[tilespmem:$0x1D400] =	vst v63  }
0x6a: {  	s3 =	simm.s32 $0x2800;
	s24 =	simm.s32 $0xD400  }
0x6b: {  	[tilespmem:s24], [sflag:$0x1] =	stream.indirect.gather [hbm4b:s25+s23], $0x20, s3, s23, $0xb8;
	[tilespmem:$0x1D400] =	vst v63  }
0x6c: {  	s4 =	simm.s32 $0x2A00;
	s25 =	simm.s32 $0xDC00  }
0x6d: {  	[tilespmem:s25], [sflag:$0x1] =	stream.indirect.gather [hbm4b:s28+s23], $0x20, s4, s23, $0xb8;
	[tilespmem:$0x1D400] =	vst v63  }
0x6e: {  	s6 =	simm.s32 $0x2C00;
	s28 =	simm.s32 $0xE400  }
0x6f: {  	[tilespmem:s28], [sflag:$0x1] =	stream.indirect.gather [hbm4b:s30+s23], $0x20, s6, s23, $0xb8;
	[tilespmem:$0x1D400] =	vst v63  }
0x70: {  	s3 =	simm.s32 $0x2E00;
	s30 =	simm.s32 $0xEC00  }
0x71: {  	[tilespmem:s30], [sflag:$0x1] =	stream.indirect.gather [hbm4b:s29+s23], $0x20, s3, s23, $0xb8;
	[tilespmem:$0x1D400] =	vst v63  }
0x72: {  	s4 =	simm.s32 $0x3000;
	s29 =	simm.s32 $0xF400  }
0x73: {  	[tilespmem:s29], [sflag:$0x1] =	stream.indirect.gather [hbm4b:s2+s23], $0x20, s4, s23, $0xb8;
	[tilespmem:$0x1D400] =	vst v63  }
0x74: {  	s6 =	simm.s32 $0x3200;
	s2 =	simm.s32 $0xFC00  }
0x75: {  	[tilespmem:s2], [sflag:$0x1] =	stream.indirect.gather [hbm4b:s5+s23], $0x20, s6, s23, $0xb8;
	[tilespmem:$0x1D400] =	vst v63  }
0x76: {  	s3 =	simm.s32 $0x3280;
	s4 =	simm.s32 $0x0;
	s6 =	simm.s32 $0x3400  }
.LBB2_2:
0x77: {  	s5 =	simm.s32 $0x1  }
0x78: {  	_ =	swait.ge [sflag:s5], $0xD000  }
0x79: {  	[sflag:s5] =	ssyncset.done $0x0;
	s0 =	rddreg [dreg:$0x7]  }
0x7a: {  	[sflag:s5] =	ssyncadd.s32 $0xFFFF3000;
	s5 =	sadd.s32 s4, s0  }
0x7b: {  	[hbm4b:s5+s26] =	stream.strided.scatter [tilespmem:s6], [sflag:$0x3], $0x800, s1, s26, $0x38;
	[tilespmem:$0x1D400] =	vst v63  }
0x7c: {  	s0 =	simm.s32 $0x3C00;
	s6 =	sadd.s32 $0x4, s5  }
0x7d: {  	[hbm4b:s6+s26] =	stream.strided.scatter [tilespmem:s0], [sflag:$0x3], $0x800, s1, s26, $0x38;
	[tilespmem:$0x1D400] =	vst v63  }
0x7e: {  	s0 =	sadd.s32 $0x8, s5  }
0x7f: {  	[hbm4b:s0+s26] =	stream.strided.scatter [tilespmem:s20], [sflag:$0x3], $0x800, s1, s26, $0x38;
	[tilespmem:$0x1D400] =	vst v63  }
0x80: {  	s0 =	sadd.s32 $0xC, s5  }
0x81: {  	[hbm4b:s0+s26] =	stream.strided.scatter [tilespmem:s21], [sflag:$0x3], $0x800, s1, s26, $0x38;
	[tilespmem:$0x1D400] =	vst v63  }
0x82: {  	s20 =	sadd.s32 $0x10, s5  }
0x83: {  	[hbm4b:s20+s26] =	stream.strided.scatter [tilespmem:s31], [sflag:$0x3], $0x800, s1, s26, $0x38;
	[tilespmem:$0x1D400] =	vst v63  }
0x84: {  	s21 =	sadd.s32 $0x14, s5;
	s31 =	simm.s32 $0x5C00  }
0x85: {  	[hbm4b:s21+s26] =	stream.strided.scatter [tilespmem:s31], [sflag:$0x3], $0x800, s1, s26, $0x38;
	[tilespmem:$0x1D400] =	vst v63  }
0x86: {  	s0 =	sadd.s32 $0x18, s5;
	s20 =	simm.s32 $0x6400  }
0x87: {  	[hbm4b:s0+s26] =	stream.strided.scatter [tilespmem:s20], [sflag:$0x3], $0x800, s1, s26, $0x38;
	[tilespmem:$0x1D400] =	vst v63  }
0x88: {  	s21 =	sadd.s32 $0x1C, s5;
	s31 =	simm.s32 $0x6C00  }
0x89: {  	[hbm4b:s21+s26] =	stream.strided.scatter [tilespmem:s31], [sflag:$0x3], $0x800, s1, s26, $0x38;
	[tilespmem:$0x1D400] =	vst v63  }
0x8a: {  	s0 =	sadd.s32 $0x20, s5;
	s20 =	simm.s32 $0x7400  }
0x8b: {  	[hbm4b:s0+s26] =	stream.strided.scatter [tilespmem:s20], [sflag:$0x3], $0x800, s1, s26, $0x38;
	[tilespmem:$0x1D400] =	vst v63  }
0x8c: {  	s21 =	sadd.s32 $0x24, s5;
	s31 =	simm.s32 $0x7C00  }
0x8d: {  	[hbm4b:s21+s26] =	stream.strided.scatter [tilespmem:s31], [sflag:$0x3], $0x800, s1, s26, $0x38;
	[tilespmem:$0x1D400] =	vst v63  }
0x8e: {  	s0 =	sadd.s32 $0x28, s5;
	s20 =	simm.s32 $0x8400  }
0x8f: {  	[hbm4b:s0+s26] =	stream.strided.scatter [tilespmem:s20], [sflag:$0x3], $0x800, s1, s26, $0x38;
	[tilespmem:$0x1D400] =	vst v63  }
0x90: {  	s21 =	sadd.s32 $0x2C, s5;
	s31 =	simm.s32 $0x8C00  }
0x91: {  	[hbm4b:s21+s26] =	stream.strided.scatter [tilespmem:s31], [sflag:$0x3], $0x800, s1, s26, $0x38;
	[tilespmem:$0x1D400] =	vst v63  }
0x92: {  	s0 =	sadd.s32 $0x30, s5;
	s20 =	simm.s32 $0x9400  }
0x93: {  	[hbm4b:s0+s26] =	stream.strided.scatter [tilespmem:s20], [sflag:$0x3], $0x800, s1, s26, $0x38;
	[tilespmem:$0x1D400] =	vst v63  }
0x94: {  	s21 =	sadd.s32 $0x34, s5;
	s31 =	simm.s32 $0x9C00  }
0x95: {  	[hbm4b:s21+s26] =	stream.strided.scatter [tilespmem:s31], [sflag:$0x3], $0x800, s1, s26, $0x38;
	[tilespmem:$0x1D400] =	vst v63  }
0x96: {  	s0 =	sadd.s32 $0x38, s5;
	s20 =	simm.s32 $0xA400  }
0x97: {  	[hbm4b:s0+s26] =	stream.strided.scatter [tilespmem:s20], [sflag:$0x3], $0x800, s1, s26, $0x38;
	[tilespmem:$0x1D400] =	vst v63  }
0x98: {  	s21 =	sadd.s32 $0x3C, s5;
	s31 =	simm.s32 $0xAC00  }
0x99: {  	[hbm4b:s21+s26] =	stream.strided.scatter [tilespmem:s31], [sflag:$0x3], $0x800, s1, s26, $0x38;
	[tilespmem:$0x1D400] =	vst v63  }
0x9a: {  	s0 =	sadd.s32 $0x40, s5;
	s20 =	simm.s32 $0xB400  }
0x9b: {  	[hbm4b:s0+s26] =	stream.strided.scatter [tilespmem:s20], [sflag:$0x3], $0x800, s1, s26, $0x38;
	[tilespmem:$0x1D400] =	vst v63  }
0x9c: {  	s21 =	sadd.s32 $0x44, s5;
	s31 =	simm.s32 $0xBC00  }
0x9d: {  	[hbm4b:s21+s26] =	stream.strided.scatter [tilespmem:s31], [sflag:$0x3], $0x800, s1, s26, $0x38;
	[tilespmem:$0x1D400] =	vst v63  }
0x9e: {  	s20 =	sadd.s32 $0x48, s5  }
0x9f: {  	[hbm4b:s20+s26] =	stream.strided.scatter [tilespmem:s19], [sflag:$0x3], $0x800, s1, s26, $0x38;
	[tilespmem:$0x1D400] =	vst v63  }
0xa0: {  	s21 =	sadd.s32 $0x4C, s5  }
0xa1: {  	[hbm4b:s21+s26] =	stream.strided.scatter [tilespmem:s22], [sflag:$0x3], $0x800, s1, s26, $0x38;
	[tilespmem:$0x1D400] =	vst v63  }
0xa2: {  	s22 =	sadd.s32 $0x50, s5  }
0xa3: {  	[hbm4b:s22+s26] =	stream.strided.scatter [tilespmem:s24], [sflag:$0x3], $0x800, s1, s26, $0x38;
	[tilespmem:$0x1D400] =	vst v63  }
0xa4: {  	s24 =	sadd.s32 $0x54, s5  }
0xa5: {  	[hbm4b:s24+s26] =	stream.strided.scatter [tilespmem:s25], [sflag:$0x3], $0x800, s1, s26, $0x38;
	[tilespmem:$0x1D400] =	vst v63  }
0xa6: {  	s31 =	sadd.s32 $0x58, s5  }
0xa7: {  	[hbm4b:s31+s26] =	stream.strided.scatter [tilespmem:s28], [sflag:$0x3], $0x800, s1, s26, $0x38;
	[tilespmem:$0x1D400] =	vst v63  }
0xa8: {  	s0 =	sadd.s32 $0x5C, s5  }
0xa9: {  	[hbm4b:s0+s26] =	stream.strided.scatter [tilespmem:s30], [sflag:$0x3], $0x800, s1, s26, $0x38;
	[tilespmem:$0x1D400] =	vst v63  }
0xaa: {  	p0 =	seq.s32 s4, $0x0;
	s19 =	sadd.s32 $0x60, s5  }
0xab: {  	[hbm4b:s19+s26] =	stream.strided.scatter [tilespmem:s29], [sflag:$0x3], $0x800, s1, s26, $0x38;
	[tilespmem:$0x1D400] =	vst v63  }
0xac: {  	s6 =	simm.s32 @!p0 $0x4;
	s20 =	sadd.s32 $0x64, s5  }
0xad: {  	[hbm4b:s20+s26] =	stream.strided.scatter [tilespmem:s2], [sflag:$0x3], $0x800, s1, s26, $0x38;
	[tilespmem:$0x1D400] =	vst v63  }
0xae: {  	_ =	swait.ge @!p0 [sflag:s6], $0xD000  }
0xaf: {  	[sflag:s6] =	ssyncset.done @!p0 $0x0  }
0xb0: {  	s21 =	sadd.s32 $0xFFFFCDC0, s3;
	s22 =	simm.s32 $0x10400;
	[sflag:s6] =	ssyncadd.s32 @!p0 $0xFFFF3000  }
0xb1: {  	[tilespmem:s22], [sflag:$0x2] =	stream.indirect.gather [hbm4b:s7+s23], $0x20, s21, s23, $0xb8;
	[tilespmem:$0x1D400] =	vst v63  }
0xb2: {  	s24 =	sadd.s32 $0xFFFFCFC0, s3;
	s25 =	simm.s32 $0x10C00  }
0xb3: {  	[tilespmem:s25], [sflag:$0x2] =	stream.indirect.gather [hbm4b:s8+s23], $0x20, s24, s23, $0xb8;
	[tilespmem:$0x1D400] =	vst v63  }
0xb4: {  	s28 =	sadd.s32 $0xFFFFD1C0, s3;
	s19 =	simm.s32 $0x11400  }
0xb5: {  	[tilespmem:s19], [sflag:$0x2] =	stream.indirect.gather [hbm4b:s9+s23], $0x20, s28, s23, $0xb8;
	[tilespmem:$0x1D400] =	vst v63  }
0xb6: {  	s29 =	sadd.s32 $0xFFFFD3C0, s3;
	s20 =	simm.s32 $0x11C00  }
0xb7: {  	[tilespmem:s20], [sflag:$0x2] =	stream.indirect.gather [hbm4b:s10+s23], $0x20, s29, s23, $0xb8;
	[tilespmem:$0x1D400] =	vst v63  }
0xb8: {  	s30 =	sadd.s32 $0xFFFFD5C0, s3;
	s22 =	simm.s32 $0x12400  }
0xb9: {  	[tilespmem:s22], [sflag:$0x2] =	stream.indirect.gather [hbm4b:s11+s23], $0x20, s30, s23, $0xb8;
	[tilespmem:$0x1D400] =	vst v63  }
0xba: {  	s31 =	sadd.s32 $0xFFFFD7C0, s3;
	s24 =	simm.s32 $0x12C00  }
0xbb: {  	[tilespmem:s24], [sflag:$0x2] =	stream.indirect.gather [hbm4b:s12+s23], $0x20, s31, s23, $0xb8;
	[tilespmem:$0x1D400] =	vst v63  }
0xbc: {  	s0 =	sadd.s32 $0xFFFFD9C0, s3;
	s25 =	simm.s32 $0x13400  }
0xbd: {  	[tilespmem:s25], [sflag:$0x2] =	stream.indirect.gather [hbm4b:s13+s23], $0x20, s0, s23, $0xb8;
	[tilespmem:$0x1D400] =	vst v63  }
0xbe: {  	s2 =	sadd.s32 $0xFFFFDBC0, s3;
	s28 =	simm.s32 $0x13C00  }
0xbf: {  	[tilespmem:s28], [sflag:$0x2] =	stream.indirect.gather [hbm4b:s14+s23], $0x20, s2, s23, $0xb8;
	[tilespmem:$0x1D400] =	vst v63  }
0xc0: {  	s7 =	sadd.s32 $0xFFFFDDC0, s3;
	s29 =	simm.s32 $0x14400  }
0xc1: {  	[tilespmem:s29], [sflag:$0x2] =	stream.indirect.gather [hbm4b:s15+s23], $0x20, s7, s23, $0xb8;
	[tilespmem:$0x1D400] =	vst v63  }
0xc2: {  	s8 =	sadd.s32 $0xFFFFDFC0, s3;
	s30 =	simm.s32 $0x14C00  }
0xc3: {  	[tilespmem:s30], [sflag:$0x2] =	stream.indirect.gather [hbm4b:s16+s23], $0x20, s8, s23, $0xb8;
	[tilespmem:$0x1D400] =	vst v63  }
0xc4: {  	s9 =	sadd.s32 $0xFFFFE1C0, s3;
	s31 =	simm.s32 $0x15400  }
0xc5: {  	[tilespmem:s31], [sflag:$0x2] =	stream.indirect.gather [hbm4b:s17+s23], $0x20, s9, s23, $0xb8;
	[tilespmem:$0x1D400] =	vst v63  }
0xc6: {  	s21 =	simm.s32 $0x15C00;
	s10 =	sadd.s32 $0xFFFFE3C0, s3;
	s12 =	rddreg [dreg:$0x16]  }
0xc7: {  	[tilespmem:s21], [sflag:$0x2] =	stream.indirect.gather [hbm4b:s18+s23], $0x20, s10, s23, $0xb8;
	[tilespmem:$0x1D400] =	vst v63  }
0xc8: {  	s11 =	sadd.s32 $0xFFFFE5C0, s3;
	s14 =	rddreg [dreg:$0x3];
	s7 =	simm.s32 $0x16400  }
0xc9: {  	[tilespmem:s7], [sflag:$0x2] =	stream.indirect.gather [hbm4b:s12+s23], $0x20, s11, s23, $0xb8;
	[tilespmem:$0x1D400] =	vst v63  }
0xca: {  	s13 =	sadd.s32 $0xFFFFE7C0, s3;
	s8 =	simm.s32 $0x16C00;
	s16 =	rddreg [dreg:$0x4]  }
0xcb: {  	[tilespmem:s8], [sflag:$0x2] =	stream.indirect.gather [hbm4b:s14+s23], $0x20, s13, s23, $0xb8;
	[tilespmem:$0x1D400] =	vst v63  }
0xcc: {  	s15 =	sadd.s32 $0xFFFFE9C0, s3;
	s9 =	simm.s32 $0x17400;
	s18 =	sld [smem:$0x7FD]  }
0xcd: {  	[tilespmem:s9], [sflag:$0x2] =	stream.indirect.gather [hbm4b:s16+s23], $0x20, s15, s23, $0xb8;
	[tilespmem:$0x1D400] =	vst v63  }
0xce: {  	s17 =	sadd.s32 $0xFFFFEBC0, s3;
	s10 =	simm.s32 $0x17C00  }
0xcf: {  	[tilespmem:s10], [sflag:$0x2] =	stream.indirect.gather [hbm4b:s18+s23], $0x20, s17, s23, $0xb8;
	[tilespmem:$0x1D400] =	vst v63  }
0xd0: {  	s2 =	sadd.s32 $0xFFFFEDC0, s3;
	s11 =	simm.s32 $0x18400;
	s12 =	rddreg [dreg:$0x5]  }
0xd1: {  	[tilespmem:s11], [sflag:$0x2] =	stream.indirect.gather [hbm4b:s12+s23], $0x20, s2, s23, $0xb8;
	[tilespmem:$0x1D400] =	vst v63  }
0xd2: {  	s13 =	sadd.s32 $0xFFFFEFC0, s3;
	s14 =	rddreg [dreg:$0x17];
	s12 =	simm.s32 $0x18C00  }
0xd3: {  	[tilespmem:s12], [sflag:$0x2] =	stream.indirect.gather [hbm4b:s14+s23], $0x20, s13, s23, $0xb8;
	[tilespmem:$0x1D400] =	vst v63  }
0xd4: {  	s15 =	sadd.s32 $0xFFFFF1C0, s3;
	s16 =	rddreg [dreg:$0x19];
	s13 =	simm.s32 $0x19400  }
0xd5: {  	[tilespmem:s13], [sflag:$0x2] =	stream.indirect.gather [hbm4b:s16+s23], $0x20, s15, s23, $0xb8;
	[tilespmem:$0x1D400] =	vst v63  }
0xd6: {  	s17 =	sadd.s32 $0xFFFFF3C0, s3;
	s18 =	rddreg [dreg:$0x18];
	s14 =	simm.s32 $0x19C00  }
0xd7: {  	[tilespmem:s14], [sflag:$0x2] =	stream.indirect.gather [hbm4b:s18+s23], $0x20, s17, s23, $0xb8;
	[tilespmem:$0x1D400] =	vst v63  }
0xd8: {  	s0 =	sadd.s32 $0xFFFFF5C0, s3;
	s2 =	rddreg [dreg:$0x1b];
	s15 =	simm.s32 $0x1A400  }
0xd9: {  	[tilespmem:s15], [sflag:$0x2] =	stream.indirect.gather [hbm4b:s2+s23], $0x20, s0, s23, $0xb8;
	[tilespmem:$0x1D400] =	vst v63  }
0xda: {  	s16 =	simm.s32 $0x1AC00;
	s17 =	sadd.s32 $0xFFFFF7C0, s3;
	s18 =	rddreg [dreg:$0x1a]  }
0xdb: {  	[tilespmem:s16], [sflag:$0x2] =	stream.indirect.gather [hbm4b:s18+s23], $0x20, s17, s23, $0xb8;
	[tilespmem:$0x1D400] =	vst v63  }
0xdc: {  	s0 =	sadd.s32 $0xFFFFF9C0, s3;
	s2 =	rddreg [dreg:$0x1c];
	s17 =	simm.s32 $0x1B400  }
0xdd: {  	[tilespmem:s17], [sflag:$0x2] =	stream.indirect.gather [hbm4b:s2+s23], $0x20, s0, s23, $0xb8;
	[tilespmem:$0x1D400] =	vst v63  }
0xde: {  	s18 =	simm.s32 $0x1BC00;
	s0 =	sadd.s32 $0xFFFFFBC0, s3;
	s2 =	rddreg [dreg:$0x1d]  }
0xdf: {  	[tilespmem:s18], [sflag:$0x2] =	stream.indirect.gather [hbm4b:s2+s23], $0x20, s0, s23, $0xb8;
	[tilespmem:$0x1D400] =	vst v63  }
0xe0: {  	s6 =	sadd.s32 $0xFFFFFDC0, s3;
	s2 =	simm.s32 $0x1C400;
	s0 =	rddreg [dreg:$0x1e]  }
0xe1: {  	[tilespmem:s2], [sflag:$0x2] =	stream.indirect.gather [hbm4b:s0+s23], $0x20, s6, s23, $0xb8;
	[tilespmem:$0x1D400] =	vst v63  }
0xe2: {  	s6 =	sadd.s32 $0xFFFFFFC0, s3;
	s2 =	simm.s32 $0x1CC00;
	s0 =	rddreg [dreg:$0x1f]  }
0xe3: {  	[tilespmem:s2], [sflag:$0x2] =	stream.indirect.gather [hbm4b:s0+s23], $0x20, s6, s23, $0xb8;
	[tilespmem:$0x1D400] =	vst v63  }
0xe4: {  	s0 =	simm.s32 $0x2  }
0xe5: {  	_ =	swait.ge [sflag:s0], $0xD000  }
0xe6: {  	[sflag:s0] =	ssyncset.done $0x0  }
0xe7: {  	s6 =	sadd.s32 $0x1A00, s5;
	[sflag:s0] =	ssyncadd.s32 $0xFFFF3000;
	s0 =	simm.s32 $0x10400  }
0xe8: {  	[hbm4b:s6+s26] =	stream.strided.scatter [tilespmem:s0], [sflag:$0x4], $0x800, s1, s26, $0x38;
	[tilespmem:$0x1D400] =	vst v63  }
0xe9: {  	s6 =	sadd.s32 $0x1A04, s5;
	s0 =	simm.s32 $0x10C00  }
0xea: {  	[hbm4b:s6+s26] =	stream.strided.scatter [tilespmem:s0], [sflag:$0x4], $0x800, s1, s26, $0x38;
	[tilespmem:$0x1D400] =	vst v63  }
0xeb: {  	s0 =	sadd.s32 $0x1A08, s5  }
0xec: {  	[hbm4b:s0+s26] =	stream.strided.scatter [tilespmem:s19], [sflag:$0x4], $0x800, s1, s26, $0x38;
	[tilespmem:$0x1D400] =	vst v63  }
0xed: {  	s19 =	sadd.s32 $0x1A0C, s5  }
0xee: {  	[hbm4b:s19+s26] =	stream.strided.scatter [tilespmem:s20], [sflag:$0x4], $0x800, s1, s26, $0x38;
	[tilespmem:$0x1D400] =	vst v63  }
0xef: {  	s20 =	sadd.s32 $0x1A10, s5  }
0xf0: {  	[hbm4b:s20+s26] =	stream.strided.scatter [tilespmem:s22], [sflag:$0x4], $0x800, s1, s26, $0x38;
	[tilespmem:$0x1D400] =	vst v63  }
0xf1: {  	s22 =	sadd.s32 $0x1A14, s5  }
0xf2: {  	[hbm4b:s22+s26] =	stream.strided.scatter [tilespmem:s24], [sflag:$0x4], $0x800, s1, s26, $0x38;
	[tilespmem:$0x1D400] =	vst v63  }
0xf3: {  	s24 =	sadd.s32 $0x1A18, s5  }
0xf4: {  	[hbm4b:s24+s26] =	stream.strided.scatter [tilespmem:s25], [sflag:$0x4], $0x800, s1, s26, $0x38;
	[tilespmem:$0x1D400] =	vst v63  }
0xf5: {  	s25 =	sadd.s32 $0x1A1C, s5  }
0xf6: {  	[hbm4b:s25+s26] =	stream.strided.scatter [tilespmem:s28], [sflag:$0x4], $0x800, s1, s26, $0x38;
	[tilespmem:$0x1D400] =	vst v63  }
0xf7: {  	s28 =	sadd.s32 $0x1A20, s5  }
0xf8: {  	[hbm4b:s28+s26] =	stream.strided.scatter [tilespmem:s29], [sflag:$0x4], $0x800, s1, s26, $0x38;
	[tilespmem:$0x1D400] =	vst v63  }
0xf9: {  	s29 =	sadd.s32 $0x1A24, s5  }
0xfa: {  	[hbm4b:s29+s26] =	stream.strided.scatter [tilespmem:s30], [sflag:$0x4], $0x800, s1, s26, $0x38;
	[tilespmem:$0x1D400] =	vst v63  }
0xfb: {  	s30 =	sadd.s32 $0x1A28, s5  }
0xfc: {  	[hbm4b:s30+s26] =	stream.strided.scatter [tilespmem:s31], [sflag:$0x4], $0x800, s1, s26, $0x38;
	[tilespmem:$0x1D400] =	vst v63  }
0xfd: {  	s31 =	sadd.s32 $0x1A2C, s5  }
0xfe: {  	[hbm4b:s31+s26] =	stream.strided.scatter [tilespmem:s21], [sflag:$0x4], $0x800, s1, s26, $0x38;
	[tilespmem:$0x1D400] =	vst v63  }
0xff: {  	s0 =	sadd.s32 $0x1A30, s5  }
0x100: {  	[hbm4b:s0+s26] =	stream.strided.scatter [tilespmem:s7], [sflag:$0x4], $0x800, s1, s26, $0x38;
	[tilespmem:$0x1D400] =	vst v63  }
0x101: {  	s7 =	sadd.s32 $0x1A34, s5  }
0x102: {  	[hbm4b:s7+s26] =	stream.strided.scatter [tilespmem:s8], [sflag:$0x4], $0x800, s1, s26, $0x38;
	[tilespmem:$0x1D400] =	vst v63  }
0x103: {  	s8 =	sadd.s32 $0x1A38, s5  }
0x104: {  	[hbm4b:s8+s26] =	stream.strided.scatter [tilespmem:s9], [sflag:$0x4], $0x800, s1, s26, $0x38;
	[tilespmem:$0x1D400] =	vst v63  }
0x105: {  	s9 =	sadd.s32 $0x1A3C, s5  }
0x106: {  	[hbm4b:s9+s26] =	stream.strided.scatter [tilespmem:s10], [sflag:$0x4], $0x800, s1, s26, $0x38;
	[tilespmem:$0x1D400] =	vst v63  }
0x107: {  	s10 =	sadd.s32 $0x1A40, s5  }
0x108: {  	[hbm4b:s10+s26] =	stream.strided.scatter [tilespmem:s11], [sflag:$0x4], $0x800, s1, s26, $0x38;
	[tilespmem:$0x1D400] =	vst v63  }
0x109: {  	s19 =	sadd.s32 $0x1A44, s5  }
0x10a: {  	[hbm4b:s19+s26] =	stream.strided.scatter [tilespmem:s12], [sflag:$0x4], $0x800, s1, s26, $0x38;
	[tilespmem:$0x1D400] =	vst v63  }
0x10b: {  	s20 =	sadd.s32 $0x1A48, s5  }
0x10c: {  	[hbm4b:s20+s26] =	stream.strided.scatter [tilespmem:s13], [sflag:$0x4], $0x800, s1, s26, $0x38;
	[tilespmem:$0x1D400] =	vst v63  }
0x10d: {  	s21 =	sadd.s32 $0x1A4C, s5  }
0x10e: {  	[hbm4b:s21+s26] =	stream.strided.scatter [tilespmem:s14], [sflag:$0x4], $0x800, s1, s26, $0x38;
	[tilespmem:$0x1D400] =	vst v63  }
0x10f: {  	s22 =	sadd.s32 $0x1A50, s5  }
0x110: {  	[hbm4b:s22+s26] =	stream.strided.scatter [tilespmem:s15], [sflag:$0x4], $0x800, s1, s26, $0x38;
	[tilespmem:$0x1D400] =	vst v63  }
0x111: {  	s24 =	sadd.s32 $0x1A54, s5  }
0x112: {  	[hbm4b:s24+s26] =	stream.strided.scatter [tilespmem:s16], [sflag:$0x4], $0x800, s1, s26, $0x38;
	[tilespmem:$0x1D400] =	vst v63  }
0x113: {  	s25 =	sadd.s32 $0x1A58, s5  }
0x114: {  	[hbm4b:s25+s26] =	stream.strided.scatter [tilespmem:s17], [sflag:$0x4], $0x800, s1, s26, $0x38;
	[tilespmem:$0x1D400] =	vst v63  }
0x115: {  	p0 =	seq.s32 s4, $0x9C00;
	s28 =	sadd.s32 $0x1A5C, s5  }
0x116: {  	[hbm4b:s28+s26] =	stream.strided.scatter [tilespmem:s18], [sflag:$0x4], $0x800, s1, s26, $0x38;
	[tilespmem:$0x1D400] =	vst v63  }
0x117: {  	s2 =	simm.s32 $0x1CC00;
	s29 =	sadd.s32 $0x1A60, s5;
	s30 =	simm.s32 $0x1C400  }
0x118: {  	[hbm4b:s29+s26] =	stream.strided.scatter [tilespmem:s30], [sflag:$0x4], $0x800, s1, s26, $0x38;
	[tilespmem:$0x1D400] =	vst v63  }
.Ltmp2:
0x119: {  	s31 =	simm.s32 $0x3;
	s5 =	sadd.s32 $0x1A64, s5;
	(pc) =	sbr.rel @p0 .LBB2_4-.Ltmp2, $4  }
0x11a: {  	[hbm4b:s5+s26] =	stream.strided.scatter [tilespmem:s2], [sflag:$0x4], $0x800, s1, s26, $0x38;
	[tilespmem:$0x1D400] =	vst v63  }
0x11b: {  	_ =	swait.ge [sflag:s31], $0xD000  }
0x11c: {  	[sflag:s31] =	ssyncset.done $0x0  }
0x11d: {  	[sflag:s31] =	ssyncadd.s32 $0xFFFF3000  }
0x11e: {  	s7 =	rddreg [dreg:$0xa]  }
0x11f: {  	s5 =	sadd.s32 $0xFFFFCE00, s3;
	s0 =	simm.s32 $0x3400;
	s8 =	rddreg [dreg:$0xb]  }
0x120: {  	[tilespmem:s0], [sflag:$0x1] =	stream.indirect.gather [hbm4b:s7+s23], $0x20, s5, s23, $0xb8;
	[tilespmem:$0x1D400] =	vst v63  }
0x121: {  	s10 =	sadd.s32 $0xFFFFD000, s3;
	s11 =	simm.s32 $0x3C00;
	s9 =	rddreg [dreg:$0xc]  }
0x122: {  	[tilespmem:s11], [sflag:$0x1] =	stream.indirect.gather [hbm4b:s8+s23], $0x20, s10, s23, $0xb8;
	[tilespmem:$0x1D400] =	vst v63  }
0x123: {  	s12 =	sadd.s32 $0xFFFFD200, s3;
	s20 =	simm.s32 $0x4400;
	s10 =	rddreg [dreg:$0xd]  }
0x124: {  	[tilespmem:s20], [sflag:$0x1] =	stream.indirect.gather [hbm4b:s9+s23], $0x20, s12, s23, $0xb8;
	[tilespmem:$0x1D400] =	vst v63  }
0x125: {  	s13 =	sadd.s32 $0xFFFFD400, s3;
	s21 =	simm.s32 $0x4C00;
	s11 =	rddreg [dreg:$0xe]  }
0x126: {  	[tilespmem:s21], [sflag:$0x1] =	stream.indirect.gather [hbm4b:s10+s23], $0x20, s13, s23, $0xb8;
	[tilespmem:$0x1D400] =	vst v63  }
0x127: {  	s14 =	sadd.s32 $0xFFFFD600, s3;
	s31 =	simm.s32 $0x5400;
	s12 =	rddreg [dreg:$0xf]  }
0x128: {  	[tilespmem:s31], [sflag:$0x1] =	stream.indirect.gather [hbm4b:s11+s23], $0x20, s14, s23, $0xb8;
	[tilespmem:$0x1D400] =	vst v63  }
0x129: {  	s15 =	sadd.s32 $0xFFFFD800, s3;
	s16 =	simm.s32 $0x5C00;
	s13 =	rddreg [dreg:$0x10]  }
0x12a: {  	[tilespmem:s16], [sflag:$0x1] =	stream.indirect.gather [hbm4b:s12+s23], $0x20, s15, s23, $0xb8;
	[tilespmem:$0x1D400] =	vst v63  }
0x12b: {  	s17 =	sadd.s32 $0xFFFFDA00, s3;
	s18 =	simm.s32 $0x6400;
	s14 =	rddreg [dreg:$0x11]  }
0x12c: {  	[tilespmem:s18], [sflag:$0x1] =	stream.indirect.gather [hbm4b:s13+s23], $0x20, s17, s23, $0xb8;
	[tilespmem:$0x1D400] =	vst v63  }
0x12d: {  	s19 =	sadd.s32 $0xFFFFDC00, s3;
	s22 =	simm.s32 $0x6C00;
	s15 =	rddreg [dreg:$0x12]  }
0x12e: {  	[tilespmem:s22], [sflag:$0x1] =	stream.indirect.gather [hbm4b:s14+s23], $0x20, s19, s23, $0xb8;
	[tilespmem:$0x1D400] =	vst v63  }
0x12f: {  	s24 =	sadd.s32 $0xFFFFDE00, s3;
	s25 =	simm.s32 $0x7400;
	s16 =	rddreg [dreg:$0x13]  }
0x130: {  	[tilespmem:s25], [sflag:$0x1] =	stream.indirect.gather [hbm4b:s15+s23], $0x20, s24, s23, $0xb8;
	[tilespmem:$0x1D400] =	vst v63  }
0x131: {  	s2 =	simm.s32 $0x7C00;
	s0 =	sadd.s32 $0xFFFFE000, s3;
	s17 =	rddreg [dreg:$0x14]  }
0x132: {  	[tilespmem:s2], [sflag:$0x1] =	stream.indirect.gather [hbm4b:s16+s23], $0x20, s0, s23, $0xb8;
	[tilespmem:$0x1D400] =	vst v63  }
0x133: {  	s6 =	sadd.s32 $0xFFFFE200, s3;
	s18 =	simm.s32 $0x8400;
	s2 =	rddreg [dreg:$0x16]  }
0x134: {  	[tilespmem:s18], [sflag:$0x1] =	stream.indirect.gather [hbm4b:s17+s23], $0x20, s6, s23, $0xb8;
	[tilespmem:$0x1D400] =	vst v63  }
0x135: {  	s19 =	sadd.s32 $0xFFFFE400, s3;
	s22 =	simm.s32 $0x8C00;
	s18 =	rddreg [dreg:$0x15]  }
0x136: {  	[tilespmem:s22], [sflag:$0x1] =	stream.indirect.gather [hbm4b:s18+s23], $0x20, s19, s23, $0xb8;
	[tilespmem:$0x1D400] =	vst v63  }
0x137: {  	s24 =	sadd.s32 $0xFFFFE600, s3;
	s25 =	simm.s32 $0x9400;
	s6 =	rddreg [dreg:$0x3]  }
0x138: {  	[tilespmem:s25], [sflag:$0x1] =	stream.indirect.gather [hbm4b:s2+s23], $0x20, s24, s23, $0xb8;
	[tilespmem:$0x1D400] =	vst v63  }
0x139: {  	s19 =	simm.s32 $0x9C00;
	s2 =	sadd.s32 $0xFFFFE800, s3;
	s24 =	rddreg [dreg:$0x4]  }
0x13a: {  	[tilespmem:s19], [sflag:$0x1] =	stream.indirect.gather [hbm4b:s6+s23], $0x20, s2, s23, $0xb8;
	[tilespmem:$0x1D400] =	vst v63  }
0x13b: {  	s22 =	sadd.s32 $0xFFFFEA00, s3;
	s25 =	simm.s32 $0xA400;
	s19 =	sld [smem:$0x7FD]  }
0x13c: {  	[tilespmem:s25], [sflag:$0x1] =	stream.indirect.gather [hbm4b:s24+s23], $0x20, s22, s23, $0xb8;
	[tilespmem:$0x1D400] =	vst v63  }
0x13d: {  	s28 =	simm.s32 $0xE400;
	s2 =	sadd.s32 $0xFFFFEC00, s3;
	s6 =	simm.s32 $0xAC00  }
0x13e: {  	[tilespmem:s6], [sflag:$0x1] =	stream.indirect.gather [hbm4b:s19+s23], $0x20, s2, s23, $0xb8;
	[tilespmem:$0x1D400] =	vst v63  }
0x13f: {  	s22 =	sadd.s32 $0xFFFFEE00, s3;
	s24 =	rddreg [dreg:$0x5];
	s25 =	simm.s32 $0xB400  }
0x140: {  	[tilespmem:s25], [sflag:$0x1] =	stream.indirect.gather [hbm4b:s24+s23], $0x20, s22, s23, $0xb8;
	[tilespmem:$0x1D400] =	vst v63  }
0x141: {  	s6 =	sadd.s32 $0xFFFFF000, s3;
	s19 =	rddreg [dreg:$0x17];
	s22 =	simm.s32 $0xBC00  }
0x142: {  	[tilespmem:s22], [sflag:$0x1] =	stream.indirect.gather [hbm4b:s19+s23], $0x20, s6, s23, $0xb8;
	[tilespmem:$0x1D400] =	vst v63  }
0x143: {  	s24 =	sadd.s32 $0xFFFFF200, s3;
	s25 =	rddreg [dreg:$0x19];
	s19 =	simm.s32 $0xC400  }
0x144: {  	[tilespmem:s19], [sflag:$0x1] =	stream.indirect.gather [hbm4b:s25+s23], $0x20, s24, s23, $0xb8;
	[tilespmem:$0x1D400] =	vst v63  }
0x145: {  	s0 =	sadd.s32 $0xFFFFF400, s3;
	s2 =	rddreg [dreg:$0x18];
	s22 =	simm.s32 $0xCC00  }
0x146: {  	[tilespmem:s22], [sflag:$0x1] =	stream.indirect.gather [hbm4b:s2+s23], $0x20, s0, s23, $0xb8;
	[tilespmem:$0x1D400] =	vst v63  }
0x147: {  	s6 =	sadd.s32 $0xFFFFF600, s3;
	s25 =	rddreg [dreg:$0x1b];
	s24 =	simm.s32 $0xD400  }
0x148: {  	[tilespmem:s24], [sflag:$0x1] =	stream.indirect.gather [hbm4b:s25+s23], $0x20, s6, s23, $0xb8;
	[tilespmem:$0x1D400] =	vst v63  }
0x149: {  	s2 =	sadd.s32 $0xFFFFF800, s3;
	s6 =	rddreg [dreg:$0x1a];
	s25 =	simm.s32 $0xDC00  }
0x14a: {  	[tilespmem:s25], [sflag:$0x1] =	stream.indirect.gather [hbm4b:s6+s23], $0x20, s2, s23, $0xb8;
	[tilespmem:$0x1D400] =	vst v63  }
0x14b: {  	s30 =	simm.s32 $0xEC00;
	s2 =	sadd.s32 $0xFFFFFA00, s3;
	s6 =	rddreg [dreg:$0x1c]  }
0x14c: {  	[tilespmem:s28], [sflag:$0x1] =	stream.indirect.gather [hbm4b:s6+s23], $0x20, s2, s23, $0xb8;
	[tilespmem:$0x1D400] =	vst v63  }
0x14d: {  	s29 =	simm.s32 $0xF400;
	s2 =	sadd.s32 $0xFFFFFC00, s3;
	s6 =	rddreg [dreg:$0x1d]  }
0x14e: {  	[tilespmem:s30], [sflag:$0x1] =	stream.indirect.gather [hbm4b:s6+s23], $0x20, s2, s23, $0xb8;
	[tilespmem:$0x1D400] =	vst v63  }
.Ltmp3:
0x14f: {  	s0 =	sadd.s32 $0xFFFFFE00, s3;
	s2 =	rddreg [dreg:$0x1e];
	(pc) =	sbr.rel .LBB2_2-.Ltmp3, $4  }
0x150: {  	[tilespmem:s29], [sflag:$0x1] =	stream.indirect.gather [hbm4b:s2+s23], $0x20, s0, s23, $0xb8;
	[tilespmem:$0x1D400] =	vst v63  }
0x151: {  	s6 =	rddreg [dreg:$0x1f];
	s2 =	simm.s32 $0xFC00  }
0x152: {  	[tilespmem:s2], [sflag:$0x1] =	stream.indirect.gather [hbm4b:s6+s23], $0x20, s3, s23, $0xb8;
	[tilespmem:$0x1D400] =	vst v63  }
0x153: {  	s4 =	sadd.s32 $0x3400, s4;
	s3 =	sadd.s32 $0x80, s3;
	s6 =	simm.s32 $0x3400  }
.LBB2_5:
0x154: {  	_ =	sfence.sel $0x180000  }
0x155: {  	[bflag:$0x0] =	sbarrier.arrive $0xFFFF  }
0x156: {  	_ =	strace $0x90000047  }
0x157: {  	s0 =	stileid.u32;
	[bflag:$0x2] =	sbarrier.arrive $0xFFFF  }
0x158: {  	p0 =	sne.s32 s0, $0x0;
	s0 =	rddreg [dreg:$0x2]  }
0x159: {  	s0 =	sadd.s32 @!p0 $0x100000, s0  }
0x15a: {  	[sflag:s0] =	ssyncadd.tile.s32 @!p0 $0x1;
	_ =	shalt  }
.Lfunc_end2:
_tile_overlayer_lowered:
.L_overlay_start_2:
0x15b: {  	(tag) =	ssettag $0x2  }
0x15c: {  	s0 =	rddreg [dreg:$0x0];
	s2 =	stileid.u32  }
0x15d: {  	s1 =	rddreg [dreg:$0x1];
	p0 =	sne.s32 s2, $0x0  }
0x15e: {  	s3 =	rddreg [dreg:$0x2];
	[bflag:$0x3] =	sbarrier.arrive $0xFFFF;
	s2 =	simm.s32 @!p0 $0x1C05  }
0x15f: {  	[timem:s3], [sflag:s2] =	dma.local @!p0 [hbm:s0], s1  }
0x160: {  	s0 =	simm.s32 @!p0 $0x5  }
0x161: {  	_ =	swait.ge @!p0 [sflag:s0], s1  }
0x162: {  	s1 =	ssub.s32 @!p0 $0x0, s1;
	[sflag:s0] =	ssyncset.done @!p0 $0x0  }
0x163: {  	[sflag:s0] =	ssyncadd.s32 @!p0 s1  }
0x164: {  	[bflag:$0x3] =	sbarrier.arrive $0xFFFF  }
0x165: {  	_ =	shalt  }

// kernel: sparse-core-data-format-call.cloned.1.call-start
scs
called_computation_lowered:
.L_overlay_start_0:
0x0: {  	s2 =	sld [smem:$0x3FD9]  }
0x1: {  	s3 =	sld [smem:$0x3FFE];
	_ =	sdelay $0x1  }
0x2: {  	s1 =	srdreg.scid  }
0x3: {  	s0 =	sand.u32 $0x1, s1  }
0x4: {  	s18 =	sshll.u32 s0, $0xA;
	s2 =	sadd.s32 s3, s2  }
0x5: {  	s2 =	sadd.s32 s2, s18  }
0x6: {  	[smem:$0x3FC6] =	sst s2  }
0x7: {  	_ = 	snop  }
0x8: {  	s2 =	sld [smem:$0x3FD0];
	(tm) =	ssettm $0x1  }
0x9: {  	s19 =	sld [smem:$0x3FFB];
	_ =	sdelay $0x3  }
0xa: {  	_ =	strace s19  }
0xb: {  	s3 =	sld [smem:$0x3FFC];
	_ =	sdelay $0x3  }
0xc: {  	_ =	strace s3  }
0xd: {  	s3 =	sld [smem:$0x3FFD];
	_ =	sdelay $0x3  }
0xe: {  	_ =	strace s3  }
0xf: {  	_ =	strace $0x8FFFFFFF  }
0x10: {  	s20 =	sld [smem:$0x3FDB];
	_ =	sdelay $0x1  }
0x11: {  	s4 =	simm.s32 $_scs_section_size  }
0x12: {  	s5 =	simm.s32 $_size__tile_overlayer_lowered;
	s6 =	simm.s32 $_tile_overlayer_lowered  }
0x13: {  	s23 =	simm.s32 $0x1BFF;
	s22 =	sshll.u32 s6, $0x1;
	s3 =	sadd.s32 s4, s20  }
0x14: {  	s7 =	simm.s32 $0x0;
	s21 =	sshll.u32 s5, $0x1;
	s5 =	sadd.s32 s22, s3  }
0x15: {  	[timem:s7], [sflag:s23] =	dma.local [hbm:s5], s21  }
0x16: {  	_ =	swait.ge [sflag:s23], s21  }
0x17: {  	s4 =	ssub.s32 $0x0, s21;
	[sflag:s23] =	ssyncset.done $0x0  }
0x18: {  	[sflag:s23] =	ssyncadd.s32 s4;
	_ =	sdelay $0x1  }
0x19: {  	s24 =	simm.s32 $0x1B8B  }
0x1a: {  	_ =	swait.ge [sflag:s24], $0x1  }
0x1b: {  	[sflag:s24] =	ssyncset.done $0x0  }
0x1c: {  	s26 =	simm.s32 $0x1B8E;
	s25 =	sld [smem:$0x3FFE];
	[sflag:s24] =	ssyncadd.s32 $0xFFFFFFFF  }
0x1d: {  	s27 =	simm.s32 $execute0_lowered;
	[smem:$0x3FD2] =	sst s26  }
0x1e: {  	s5 =	sshll.u32 s27, $0x1;
	_ =	strace $0x80000049;
	[dreg:$0x1] =	wrdreg $0xFFFFFFFF  }
0x1f: {  	s28 =	simm.s32 $_size_execute0_lowered;
	s3 =	sadd.s32 s3, s5;
	[dreg:$0x0] =	wrdreg $0x0  }
0x20: {  	s5 =	sshll.u32 s28, $0x1;
	[dreg:$0x2] =	wrdreg s3  }
0x21: {  	[dreg:$0x3] =	wrdreg s5  }
0x22: {  	[dreg:$0x4] =	wrdreg $0xC0  }
0x23: {  	_ =	task [dreg:s7], $0x5FFFF  }
0x24: {  	[dreg:$0x1] =	wrdreg $0xFFFFFFFF  }
0x25: {  	[dreg:$0x0] =	wrdreg $0x60  }
0x26: {  	[dreg:$0x2] =	wrdreg s25  }
0x27: {  	[dreg:$0x3] =	wrdreg s2  }
0x28: {  	[dreg:$0x4] =	wrdreg $0x9  }
0x29: {  	_ =	task.clear_ibuf [dreg:s7], $0x5FFFF;
	_ =	strace $0x90000049  }
0x2a: {  	s29 =	simm.s32 $0x9;
	_ =	strace $0x8000004B  }
0x2b: {  	_ =	swait.ge [sflag:s29], $0x1  }
0x2c: {  	[sflag:s29] =	ssyncadd.s32 $0xFFFFFFFF  }
0x2d: {  	_ =	strace $0x9000004B  }
0x2e: {  	_ =	sfence  }
0x2f: {  	s30 =	sld [smem:$0x0];
	_ =	sdelay $0x2  }
0x30: {  	s31 =	sshll.u32 s1, $0xD;
	s1 =	sshrl.u32 s1, $0x2  }
0x31: {  	s3 =	sand.u32 $0x4000, s31;
	s1 =	sadd.s32 s1, s30  }
0x32: {  	s0 =	sor.u32 s3, s0;
	s1 =	sshll.u32 s1, $0x11  }
0x33: {  	s0 =	sor.u32 s1, s0  }
0x34: {  	s0 =	sadd.s32 $0x8F2B, s0  }
0x35: {  	[sflag:s0] =	ssyncadd.remote.s32 $0x1  }
0x36: {  	_ =	sfence.sel $0xFFFF  }
0x37: {  	[dreg:$0x0] =	wrdreg $0xFFFFFFFF;
	(pc) =	sbr.abs _section_cstart, $3  }
0x38: {  	[dreg:$0x1] =	wrdreg $0xFFFFFFFF  }
0x39: {  	_ =	task.clear_ibuf [dreg:s7], $0x2FFFF;
	_ =	strace $0x9FFFFFFF  }
0x3a: {  	(tm) =	ssettm $0x7FFFFFFF  }
0x3b: {  	_ =	shalt  }
tec
execute0_lowered:
.L_overlay_start_1:
0x0: {  	(tag) =	ssettag $0x1  }
0x1: {  	s0 =	srdreg.scid  }
0x2: {  	s1 =	sshll.u32 s0, $0x4  }
0x3: {  	s6 =	rddreg [dreg:$0x0];
	s0 =	stileid.u32;
	s1 =	sand.u32 $0x10, s1  }
0x4: {  	s3 =	rddreg [dreg:$0x1];
	s1 =	sor.u32 s0, s1  }
0x5: {  	s5 =	simm.s32 $0x1;
	s31 =	simm.s32 $0x2;
	s2 =	sshll.u32 s1, $0x7  }
0x6: {  	s15 =	simm.s32 $0x0;
	s8 =	simm.s32 $0x20000;
	s4 =	ssub.s32 $0x4000, s2  }
0x7: {  	s14 =	simm.s32 $0x0;
	s9 =	simm.s32 $0x0;
	s30 =	sand.u32 $0xF80, s4  }
0x8: {  	s10 =	simm.s32 $0x0;
	s11 =	simm.s32 $0x0;
	p0 =	sne.s32 s30, $0x0  }
.Ltmp0:
0x9: {  	s7 =	sshrl.u32 s4, $0xC;
	s5 =	simm.s32 @!p0 $0x0;
	(pc) =	sbr.rel .LBB1_1-.Ltmp0, $4  }
0xa: {  	s13 =	simm.s32 $0x0;
	s1 =	rddreg [dreg:$0x2];
	s5 =	sadd.s32 s5, s7  }
0xb: {  	_ =	strace $0x8000004A;
	s4 =	simm.s32 $0x1;
	s5 =	smul.u32 $0x7, s5  }
0xc: {  	s6 =	sadd.s32 $0xA00, s6;
	s12 =	smov.u32 s2;
	[sflag:s4] =	ssyncpa.u1 $0x0  }
0xd: {  	[sflag:s31] =	ssyncpa.u1 $0x0;
	p0 =	por $0x0, $0x0;
	s7 =	sadd.s32 $0x1, s5  }
.LBB1_4:
0xe: {  	s20 =	sshra.s32 s20, $0x2  }
0xf: {  	s28 =	sand.u32 $0x78, s10;
	s21 =	sshll.u32 s9, $0xE;
	s22 =	sshll.u32 s10, $0x3  }
0x10: {  	s24 =	sshll.u32 s9, $0x7;
	p1 =	sgt.s32 s9, $0x2C0;
	s30 =	sshra.s32 s9, $0x1F  }
0x11: {  	s26 =	sshra.s32 s10, $0x1F;
	s19 =	sadd.s32 s20, s19;
	s21 =	sand.u32 $0xFFFE0000, s21  }
0x12: {  	v5 =	vld [tilespmem:s17+$0xFFFFFFD0];
	[tilespmem:s18+$0x2040 ss:$0x81] =	vst.msk $0xffff, v4;
	s23 =	sand.u32 $0xFFFFFC00, s22;
	s29 =	sand.u32 $0x380, s24;
	s22 =	sand.u32 $0x3C00, s22  }
0x13: {  	v58 =	vld [tilespmem:s17+$0xFFFFFFE0];
	[tilespmem:s18+$0x2850 ss:$0x81] =	vst.msk $0xffff, v3;
	s21 =	sadd.s32 s23, s21;
	s20 =	sor.u32 s28, s22;
	s22 =	smov.u32 s9  }
0x14: {  	v59 =	vld [tilespmem:s17+$0xFFFFFFF0];
	[tilespmem:s18+$0x3060 ss:$0x81] =	vst.msk $0xffff, v2;
	s24 =	sand.u32 s30, s9;
	s21 =	sshrl.u32 s21, $0xE;
	s22 =	simm.s32 @!p1 $0x2C0  }
0x15: {  	v60 =	vld [tilespmem:s17+$0x0];
	[tilespmem:s18+$0x0 ss:$0x81] =	vst.msk $0xffff, v1;
	p1 =	sgt.s32 s10, $0x3F80;
	s31 =	ssub.s32 s22, s24;
	s22 =	smov.u32 s10  }
0x16: {  	v61 =	vld [tilespmem:s17+$0x10];
	[tilespmem:s19+$0x3870 ss:$0x81] =	vst.msk $0xffff, v0;
	s25 =	smulhi.u32 $0x4EC4ED, s21;
	s24 =	sand.u32 s26, s10;
	s22 =	simm.s32 @!p1 $0x3F80  }
0x17: {  	v62 =	vld [tilespmem:s17+$0x20];
	s20 =	sor.u32 s29, s20;
	[tilespmem:s19+$0x810 ss:$0x81] =	vst.msk $0xffff, v5;
	s27 =	sadd.s32 $0xFFFFFD40, s31;
	s22 =	ssub.s32 s22, s24  }
0x18: {  	v63 =	vld [tilespmem:s17+$0xFFFFFFC0];
	[tilespmem:s19+$0x1020 ss:$0x81] =	vst.msk $0xffff, v58;
	s18 =	ssub.s32 $0x340, s31;
	s28 =	smul.u32 $0x340, s25;
	s29 =	sadd.s32 $0xFFFFC080, s22  }
0x19: {  	[tilespmem:s19+$0x1830 ss:$0x81] =	vst.msk $0xffff, v59;
	p1 =	sgt.s32 s27, $0x7F;
	s22 =	ssub.s32 $0x4000, s22;
	p2 =	sgt.s32 s29, $0x7F  }
0x1a: {  	s30 =	sand.u32 $0x7, s10;
	[tilespmem:s19+$0x2040 ss:$0x81] =	vst.msk $0xffff, v60;
	s18 =	simm.s32 @p1 $0x0;
	s22 =	simm.s32 @p2 $0x0  }
0x1b: {  	s20 =	sshrl.u32 s20, $0x3;
	[tilespmem:s19+$0x2850 ss:$0x81] =	vst.msk $0xffff, v61;
	s17 =	ssub.s32 s21, s28;
	s18 =	smul.u32 s22, s18  }
0x1c: {  	[tilespmem:s19+$0x3060 ss:$0x81] =	vst.msk $0xffff, v62;
	s20 =	sadd.s32 s3, s20;
	s21 =	sshll.u32 s30, $0x12;
	s17 =	sshll.u32 s17, $0xB  }
0x1d: {  	[tilespmem:s19+$0x0 ss:$0x81] =	vst.msk $0xffff, v63;
	s31 =	sor.u32 $0x400, s21;
	s17 =	sadd.s32 s17, s20;
	s18 =	sand.u32 $0x3FFFFFFF, s18  }
0x1e: {  	[hbm4b:s17+s31] =	stream.strided.scatter [tilespmem:s16], [sflag:$0x2], s18, s8, s31, $0x20;
	[tilespmem:$0x10100] =	vst v63  }
.LBB1_5:
0x1f: {  	p1 =	slt.u32 s13, $0x2  }
0x20: {  	s17 =	smov.u32 s15;
	p2 =	sgt.s32 @!p1 s15, $0x2C0;
	s16 =	sshra.s32 @!p1 s15, $0x1F  }
0x21: {  	p3 =	sgt.s32 @!p1 s14, $0x3F80;
	s18 =	sshra.s32 @!p1 s14, $0x1F;
	p2 =	por !p2, p1  }
0x22: {  	s15 =	sand.u32 @!p1 s16, s15;
	p3 =	por !p3, p1;
	s16 =	smov.u32 s14  }
0x23: {  	s14 =	sand.u32 @!p1 s18, s14;
	s17 =	simm.s32 @p2 $0x2C0;
	s16 =	simm.s32 @p3 $0x3F80  }
0x24: {  	s15 =	ssub.s32 @!p1 s17, s15;
	s14 =	ssub.s32 @!p1 s16, s14  }
0x25: {  	s18 =	smov.u32 s12;
	s16 =	sadd.s32 @!p1 $0xFFFFFD40, s15;
	s17 =	sadd.s32 @!p1 $0xFFFFC080, s14  }
0x26: {  	s15 =	ssub.s32 @!p1 $0x340, s15;
	p2 =	sgt.s32 @!p1 s16, $0x7F;
	p3 =	sgt.s32 @!p1 s17, $0x7F  }
0x27: {  	s14 =	ssub.s32 @!p1 $0x4000, s14;
	p2 =	por !p2, p1;
	p3 =	por !p3, p1  }
0x28: {  	s16 =	sadd.s32 $0x80, s11;
	s15 =	simm.s32 @!p2 $0x0;
	s14 =	simm.s32 @!p3 $0x0  }
0x29: {  	p2 =	sgt.s32 s16, $0x33F;
	s14 =	smul.u32 @!p1 s14, s15;
	s15 =	sadd.s32 $0x1000, s12  }
0x2a: {  	s18 =	smov.u32 @p2 s15  }
0x2b: {  	s16 =	simm.s32 @p2 $0x0;
	p2 =	sgt.s32 s18, $0x3FFF  }
0x2c: {  	s18 =	smov.u32 @p2 s2;
	p2 =	sne.s32 s13, s7  }
.Ltmp1:
0x2d: {  	p0 =	por !p0, !p0;
	s17 =	simm.s32 @!p1 $0x2;
	(pc) =	sbr.rel @!p2 .LBB1_6-.Ltmp1, $4  }
0x2e: {  	s15 =	smov.u32 s9;
	s9 =	smov.u32 s11;
	s14 =	sand.u32 @!p1 $0x3FFFFFFF, s14  }
0x2f: {  	s11 =	smov.u32 s16;
	_ =	swait.ge @!p1 [sflag:s17], s14;
	s19 =	ssub.s32 @!p1 $0x0, s14  }
0x30: {  	s14 =	smov.u32 s10;
	s13 =	sadd.s32 $0x1, s13;
	[sflag:s17] =	ssyncset.done @!p1 $0x0  }
0x31: {  	s10 =	smov.u32 s12;
	s12 =	smov.u32 s18;
	[sflag:s17] =	ssyncadd.s32 @!p1 s19  }
.LBB1_1:
0x32: {  	p1 =	sge.u32 s13, s5  }
0x33: {  	s16 =	sshrl.u32 @!p1 s12, $0x3  }
0x34: {  	s17 =	sshll.u32 @!p1 s11, $0x3;
	s16 =	smul.u32 @!p1 $0x1C00, s16  }
0x35: {  	s18 =	sshll.u32 @!p1 s12, $0x7;
	s17 =	sand.u32 @!p1 $0xFFFFFC00, s17  }
0x36: {  	s16 =	sadd.s32 @!p1 s16, s17;
	s17 =	sand.u32 @!p1 $0x380, s18  }
0x37: {  	s16 =	sor.u32 @!p1 s17, s16  }
0x38: {  	s17 =	sshrl.u32 @!p1 s16, $0x7  }
0x39: {  	s17 =	smulhi.u32 @!p1 $0x24924925, s17;
	_ =	sdelay $0x1  }
0x3a: {  	s18 =	sand.u32 @!p1 $0x7F, s11;
	s19 =	smul.u32 @!p1 $0x380, s17  }
0x3b: {  	s31 =	sadd.s32 $0xFFFFFFFF, s13;
	s16 =	sor.u32 @!p1 s18, s16;
	s18 =	sxor.u32 @!p1 $0xFFFFFFFF, s13  }
0x3c: {  	s18 =	sshll.u32 @!p1 s18, $0xE;
	s17 =	sand.u32 @!p1 $0x3FFF, s17;
	s16 =	ssub.s32 @!p1 s16, s19  }
0x3d: {  	s17 =	smul.u32 @!p1 $0x70, s17;
	s19 =	sshrl.u32 @!p1 s16, $0x3;
	s16 =	sand.u32 @!p1 $0x7, s16  }
0x3e: {  	s18 =	sand.u32 @!p1 $0x4000, s18;
	s19 =	sadd.s32 @!p1 s6, s19;
	s16 =	sshll.u32 @!p1 s16, $0x12  }
0x3f: {  	s17 =	sadd.s32 @!p1 s17, s19;
	s16 =	sor.u32 @!p1 $0x400, s16;
	s19 =	simm.s32 @!p1 $0x1C00  }
0x40: {  	[tilespmem:s18], [sflag:$0x1] =	stream.strided.gather @!p1 [hbm4b:s17+s16], $0x4000, s19, s16, $0x38;
	[tilespmem:$0x10100] =	vst v63  }
0x41: {  	p1 =	sge.u32 s31, s5  }
.Ltmp2:
0x42: {  	_ = 	snop;
	(pc) =	sbr.rel @p1 .LBB1_5-.Ltmp2, $1  }
0x43: {  	_ =	sdelay $0x3  }
0x44: {  	s16 =	simm.s32 $0x1  }
0x45: {  	_ =	swait.ge [sflag:s4], $0x4000;
	s16 =	simm.s32 @!p0 $0x0  }
0x46: {  	[sflag:s4] =	ssyncset.done $0x0;
	s17 =	sshll.u32 s16, $0xE  }
0x47: {  	[sflag:s4] =	ssyncadd.s32 $0xFFFFC000;
	s17 =	sor.u32 $0x40, s17  }
0x48: {  	s16 =	smul.u32 $0x10200, s16;
	v0 =	vld [tilespmem:s17+$0x30]  }
0x49: {  	v1 =	vld [tilespmem:s17+$0xFFFFFFD0]  }
0x4a: {  	s16 =	sshrl.u32 s16, $0x2;
	v5 =	vld [tilespmem:s17+$0xFFFFFFE0]  }
0x4b: {  	v6 =	vld [tilespmem:s17+$0xFFFFFFF0];
	s19 =	sor.u32 $0x8000, s16  }
0x4c: {  	s31 =	sand.u32 $0x1, s13;
	v4 =	vld [tilespmem:s17+$0x0];
	s18 =	sadd.s32 $0x0, s19  }
0x4d: {  	v3 =	vld [tilespmem:s17+$0x10];
	s16 =	smul.u32 $0x10200, s31;
	[tilespmem:s18+$0x3870 ss:$0x81] =	vst.msk $0xffff, v0  }
0x4e: {  	v2 =	vld [tilespmem:s17+$0x20];
	[tilespmem:s18+$0x810 ss:$0x81] =	vst.msk $0xffff, v1  }
0x4f: {  	s16 =	sshrl.u32 s16, $0x2;
	v1 =	vld [tilespmem:s17+$0xFFFFFFC0];
	[tilespmem:s18+$0x1020 ss:$0x81] =	vst.msk $0xffff, v5;
	s17 =	sadd.s32 $0x80, s17  }
0x50: {  	s20 =	simm.s32 $0x4;
	s21 =	simm.s32 $0x8;
	s16 =	sor.u32 $0x8000, s16;
	[tilespmem:s18+$0x1830 ss:$0x81] =	vst.msk $0xffff, v6;
	v0 =	vld [tilespmem:s17+$0x30]  }
.LBB1_3:
0x51: {  	p1 =	sne.s32 s21, $0x1FC;
	v5 =	vld [tilespmem:s17+$0xFFFFFFD0];
	[tilespmem:s18+$0x2040 ss:$0x81] =	vst.msk $0xffff, v4  }
0x52: {  	v6 =	vld [tilespmem:s17+$0xFFFFFFE0];
	[tilespmem:s18+$0x2850 ss:$0x81] =	vst.msk $0xffff, v3  }
0x53: {  	s22 =	sshra.s32 s20, $0x2;
	s20 =	smov.u32 s21;
	v7 =	vld [tilespmem:s17+$0xFFFFFFF0];
	[tilespmem:s18+$0x3060 ss:$0x81] =	vst.msk $0xffff, v2  }
.Ltmp3:
0x54: {  	v4 =	vld [tilespmem:s17+$0x0];
	[tilespmem:s18+$0x0 ss:$0x81] =	vst.msk $0xffff, v1;
	s18 =	sadd.s32 s22, s19;
	(pc) =	sbr.rel @p1 .LBB1_3-.Ltmp3, $4  }
0x55: {  	v3 =	vld [tilespmem:s17+$0x10];
	[tilespmem:s18+$0x3870 ss:$0x81] =	vst.msk $0xffff, v0  }
0x56: {  	[tilespmem:s18+$0x810 ss:$0x81] =	vst.msk $0xffff, v5;
	v2 =	vld [tilespmem:s17+$0x20]  }
0x57: {  	v1 =	vld [tilespmem:s17+$0xFFFFFFC0];
	[tilespmem:s18+$0x1020 ss:$0x81] =	vst.msk $0xffff, v6;
	s17 =	sadd.s32 $0x80, s17  }
0x58: {  	s21 =	sadd.s32 $0x4, s21;
	v0 =	vld [tilespmem:s17+$0x30];
	[tilespmem:s18+$0x1830 ss:$0x81] =	vst.msk $0xffff, v7  }
.Ltmp4:
0x59: {  	_ = 	snop;
	(pc) =	sbr.rel .LBB1_4-.Ltmp4, $1  }
0x5a: {  	_ =	sdelay $0x3  }
.LBB1_6:
0x5b: {  	_ =	sfence.sel $0x180000  }
0x5c: {  	s2 =	simm.s32 $0x1;
	[bflag:$0x0] =	sbarrier.arrive $0xFFFF  }
0x5d: {  	s31 =	simm.s32 $0x2;
	[sflag:s2] =	ssyncpa.u1 $0x1  }
0x5e: {  	[sflag:s31] =	ssyncpa.u1 $0x1  }
0x5f: {  	p0 =	sne.s32 s0, $0x0;
	_ =	strace $0x9000004A  }
0x60: {  	s0 =	sadd.s32 @!p0 $0x100000, s1;
	[bflag:$0x2] =	sbarrier.arrive $0xFFFF  }
0x61: {  	[sflag:s0] =	ssyncadd.tile.s32 @!p0 $0x1;
	_ =	shalt  }
.Lfunc_end1:
_tile_overlayer_lowered:
.L_overlay_start_2:
0x62: {  	(tag) =	ssettag $0x2  }
0x63: {  	s0 =	rddreg [dreg:$0x0];
	s2 =	stileid.u32  }
0x64: {  	s1 =	rddreg [dreg:$0x1];
	p0 =	sne.s32 s2, $0x0  }
0x65: {  	s3 =	rddreg [dreg:$0x2];
	[bflag:$0x3] =	sbarrier.arrive $0xFFFF;
	s2 =	simm.s32 @!p0 $0x1C01  }
0x66: {  	[timem:s3], [sflag:s2] =	dma.local @!p0 [hbm:s0], s1  }
0x67: {  	s0 =	simm.s32 @!p0 $0x1  }
0x68: {  	_ =	swait.ge @!p0 [sflag:s0], s1  }
0x69: {  	s1 =	ssub.s32 @!p0 $0x0, s1;
	[sflag:s0] =	ssyncset.done @!p0 $0x0  }
0x6a: {  	[sflag:s0] =	ssyncadd.s32 @!p0 s1  }
0x6b: {  	[bflag:$0x3] =	sbarrier.arrive $0xFFFF  }
0x6c: {  	_ =	shalt  }

</sc_bundles>
